<compile_context>
chip_gen: v7x
topology: tpu7x:2x2x1
jax: 0.10.2.dev20260603
libtpu: 0.0.44.dev20260713+nightly
codegen_flags: <defaults>
</compile_context>

<pallas_src>
import functools

import jax
import jax.numpy as jnp
from jax import lax
from jax.experimental import pallas as pl
from jax.experimental.pallas import tpu as pltpu
from jax.experimental.pallas import tpu_sc as plsc

L = 16
NSUB = 16
NCORE = 2
NW = NCORE * NSUB
CH = 128


def _round_up(a, b):
  return (a + b - 1) // b * b


def _fill_flat(buf, nwords, value):
  v = jnp.full((L,), value, jnp.float32)

  def body(i, _):
    buf[pl.ds(pl.multiple_of(i * L, L), L)] = v
    return 0

  lax.fori_loop(0, nwords // L, body, 0)


def _zero_rows(buf, rows, cols):
  z = jnp.zeros((L,), jnp.float32)
  per_row = cols // L

  def body(i, _):
    r = i // per_row
    c = i % per_row
    buf[r, pl.ds(pl.multiple_of(c * L, L), L)] = z
    return 0

  lax.fori_loop(0, rows * per_row, body, 0)


def _deg_call(dstp, M, CPW):
  TS = M // NSUB
  mesh = plsc.VectorSubcoreMesh(core_axis_name="c", subcore_axis_name="s")

  @functools.partial(
      pl.kernel,
      out_type=jax.ShapeDtypeStruct((NCORE, M), jnp.float32),
      mesh=mesh,
      scratch_types=[
          pltpu.VMEM_SHARED((M,), jnp.float32),
          pltpu.VMEM((CPW, CH), jnp.int32),
          pltpu.VMEM((CH,), jnp.float32),
          pltpu.VMEM((TS,), jnp.float32),
          [pltpu.SemaphoreType.DMA for _ in range(4)],
      ],
  )
  def k(dstp_hbm, deg_hbm, acc, dstv, vones, zbuf, ss):
    c = lax.axis_index("c")
    s = lax.axis_index("s")
    base = pl.multiple_of(s * TS, 64)
    _fill_flat(zbuf, TS, 0.0)
    pltpu.sync_copy(zbuf, acc.at[pl.ds(base, TS)])
    _fill_flat(vones, CH, 1.0)
    plsc.subcore_barrier()

    w = c * NSUB + s
    pltpu.sync_copy(dstp_hbm.at[w], dstv)

    def wait_s(b):
      pltpu.make_async_copy(vones, acc.at[dstv.at[0]], ss[b]).wait()

    def ring(t, _):
      for b in range(4):
        @pl.when(t > 0)
        def _():
          wait_s(b)

        pltpu.async_copy(vones, acc.at[dstv.at[4 * t + b]], ss[b], add=True)
      return 0

    lax.fori_loop(0, CPW // 4, ring, 0)
    for b in range(4):
      wait_s(b)
    plsc.subcore_barrier()
    pltpu.sync_copy(acc.at[pl.ds(base, TS)], zbuf)
    pltpu.sync_copy(zbuf, deg_hbm.at[c, pl.ds(base, TS)])

  return k(dstp)


def _scale_call(degp, x, M):
  N, D = x.shape

  def body(d0_ref, d1_ref, x_ref, xs_ref, dinv_ref):
    deg = d0_ref[...] + d1_ref[...]
    dinv = lax.rsqrt(jnp.maximum(deg, 1.0))
    dinv_ref[...] = dinv
    xs_ref[...] = x_ref[...] * dinv[:N]

  return pl.pallas_call(
      body,
      out_shape=[
          jax.ShapeDtypeStruct((N, D), jnp.float32),
          jax.ShapeDtypeStruct((M, 1), jnp.float32),
      ],
  )(degp[0].reshape(M, 1), degp[1].reshape(M, 1), x)


def _prop_call(xs, srcp, dstp, M, CPW):
  N, D = xs.shape
  TS = M // NSUB
  NB = 4
  CH3 = CH // 2
  CPW3 = 2 * CPW
  HCP = CPW3 // 4
  NT = HCP // NB
  mesh = plsc.VectorSubcoreMesh(core_axis_name="c", subcore_axis_name="s")

  srcp3 = srcp.reshape(NW, CPW3, CH3)
  dstp3 = dstp.reshape(NW, CPW3, CH3)

  @functools.partial(
      pl.kernel,
      out_type=jax.ShapeDtypeStruct((NCORE, M, D), jnp.float32),
      mesh=mesh,
      scratch_types=[
          pltpu.VMEM_SHARED((M, D), jnp.float32),
          pltpu.VMEM((HCP, CH3), jnp.int32),
          pltpu.VMEM((HCP, CH3), jnp.int32),
          [pltpu.VMEM((CH3, D), jnp.float32) for _ in range(NB)],
          [pltpu.SemaphoreType.DMA for _ in range(NB)],
          [pltpu.SemaphoreType.DMA for _ in range(NB)],
      ],
  )
  def k(xs_hbm, srcp_hbm, dstp_hbm, pp_hbm,
        acc, srcv, dstv, rv, gs, ss):
    c = lax.axis_index("c")
    s = lax.axis_index("s")
    base = pl.multiple_of(s * TS, 64)
    _zero_rows(rv[0], CH3, D)

    def zc(kk, _):
      pltpu.sync_copy(rv[0], acc.at[pl.ds(base + kk * CH3, CH3)])
      return 0

    lax.fori_loop(0, TS // CH3, zc, 0)
    plsc.subcore_barrier()

    w = c * NSUB + s

    def gather(b, j):
      pltpu.async_copy(xs_hbm.at[srcv.at[j]], rv[b], gs[b])

    def scat(b, j):
      pltpu.async_copy(rv[b], acc.at[dstv.at[j]], ss[b], add=True)

    def wait_g(b):
      pltpu.make_async_copy(xs_hbm.at[srcv.at[0]], rv[b], gs[b]).wait()

    def wait_s(b):
      pltpu.make_async_copy(rv[b], acc.at[dstv.at[0]], ss[b]).wait()

    def ring(t, _):
      j = NB * t

      @pl.when(t > 0)
      def _():
        wait_s(2)
        gather(2, j + 2)
        wait_s(3)
        gather(3, j + 3)

      @pl.when(t == 0)
      def _():
        gather(2, 2)
        gather(3, 3)

      wait_g(0)
      scat(0, j)
      wait_g(1)
      scat(1, j + 1)

      @pl.when(t + 1 < NT)
      def _():
        wait_s(0)
        gather(0, j + 4)
        wait_s(1)
        gather(1, j + 5)

      @pl.when(t + 1 == NT)
      def _():
        wait_s(0)
        wait_s(1)

      wait_g(2)
      scat(2, j + 2)
      wait_g(3)
      scat(3, j + 3)

      @pl.when(t + 1 == NT)
      def _():
        wait_s(2)
        wait_s(3)

      return 0

    for h in range(4):
      pltpu.sync_copy(srcp_hbm.at[w, pl.ds(h * HCP, HCP)], srcv)
      pltpu.sync_copy(dstp_hbm.at[w, pl.ds(h * HCP, HCP)], dstv)
      gather(0, 0)
      gather(1, 1)
      lax.fori_loop(0, NT, ring, 0)

    plsc.subcore_barrier()

    NO = TS // CH3

    def oc(kk, _):
      rbase = pl.multiple_of(base + 2 * kk * CH3, 64)

      @pl.when(kk > 0)
      def _():
        pltpu.make_async_copy(acc.at[pl.ds(base, CH3)],
                              pp_hbm.at[c, pl.ds(base, CH3)], gs[0]).wait()
        pltpu.make_async_copy(acc.at[pl.ds(base, CH3)],
                              pp_hbm.at[c, pl.ds(base, CH3)], gs[1]).wait()

      pltpu.async_copy(acc.at[pl.ds(rbase, CH3)],
                       pp_hbm.at[c, pl.ds(rbase, CH3)], gs[0])
      pltpu.async_copy(acc.at[pl.ds(rbase + CH3, CH3)],
                       pp_hbm.at[c, pl.ds(rbase + CH3, CH3)], gs[1])
      return 0

    lax.fori_loop(0, NO // 2, oc, 0)
    pltpu.make_async_copy(acc.at[pl.ds(base, CH3)],
                          pp_hbm.at[c, pl.ds(base, CH3)], gs[0]).wait()
    pltpu.make_async_copy(acc.at[pl.ds(base, CH3)],
                          pp_hbm.at[c, pl.ds(base, CH3)], gs[1]).wait()

  return k(xs, srcp3, dstp3)


def _dense_call(pp, dinv, eW1, eb1, eW2, eb2, gW1, gb1, gW2, gb2, N, M):
  D = pp.shape[2]
  H = eW1.shape[1]
  BR = 2000 if N % 2000 == 0 else N
  grid = (N // BR,)

  def body(p0_ref, p1_ref, dinv_ref, eW1_ref, eb1_ref, eW2_ref, eb2_ref,
           gW1_ref, gb1_ref, gW2_ref, gb2_ref, we_ref, wg_ref):
    dv = dinv_ref[...]
    p = (p0_ref[...] + p1_ref[...]) * dv

    he = jnp.maximum(
        jnp.dot(p, eW1_ref[...], preferred_element_type=jnp.float32)
        + eb1_ref[...], 0.0)
    we_ref[...] = (
        jnp.dot(he, eW2_ref[...], preferred_element_type=jnp.float32)
        + eb2_ref[...]) * dv

    hg = jnp.maximum(
        jnp.dot(p, gW1_ref[...], preferred_element_type=jnp.float32)
        + gb1_ref[...], 0.0)
    wg_ref[...] = (
        jnp.dot(hg, gW2_ref[...], preferred_element_type=jnp.float32)
        + gb2_ref[...]) * dv

  row_spec = pl.BlockSpec((BR, D), lambda i: (i, 0))
  col_spec = pl.BlockSpec((BR, 1), lambda i: (i, 0))
  w1_spec = pl.BlockSpec((D, H), lambda i: (0, 0))
  b1_spec = pl.BlockSpec((1, H), lambda i: (0, 0))
  w2_spec = pl.BlockSpec((H, 1), lambda i: (0, 0))
  b2_spec = pl.BlockSpec((1, 1), lambda i: (0, 0))

  return pl.pallas_call(
      body,
      grid=grid,
      in_specs=[row_spec, row_spec, col_spec,
                w1_spec, b1_spec, w2_spec, b2_spec,
                w1_spec, b1_spec, w2_spec, b2_spec],
      out_specs=[col_spec, col_spec],
      out_shape=[
          jax.ShapeDtypeStruct((M, 1), jnp.float32),
          jax.ShapeDtypeStruct((M, 1), jnp.float32),
      ],
  )(pp[0], pp[1], dinv,
    eW1, eb1.reshape(1, H), eW2, eb2.reshape(1, 1),
    gW1, gb1.reshape(1, H), gW2, gb2.reshape(1, 1))


def _final_call(we, wg, srcp, dstp, dinv, M, CPW):
  TS = M // NSUB
  WPT = NW // NSUB
  NB = 8
  NH = NB // 2
  NTOT = WPT * CPW
  NT = NTOT // NB
  mesh = plsc.VectorSubcoreMesh(core_axis_name="c", subcore_axis_name="s")

  @functools.partial(
      pl.kernel,
      out_type=[
          jax.ShapeDtypeStruct((M,), jnp.float32),
          jax.ShapeDtypeStruct((M,), jnp.float32),
      ],
      mesh=mesh,
      scratch_types=[
          pltpu.VMEM_SHARED((M,), jnp.float32),
          pltpu.VMEM_SHARED((M,), jnp.float32),
          pltpu.VMEM((WPT * CPW, CH), jnp.int32),
          pltpu.VMEM((WPT * CPW, CH), jnp.int32),
          [pltpu.VMEM((CH,), jnp.float32) for _ in range(NB)],
          pltpu.VMEM((TS,), jnp.float32),
          pltpu.VMEM((TS,), jnp.float32),
          [pltpu.SemaphoreType.DMA for _ in range(NB)],
          [pltpu.SemaphoreType.DMA for _ in range(NB)],
      ],
  )
  def k(we_hbm, wg_hbm, srcp_hbm, dstp_hbm, dinv_hbm, s_hbm, y_hbm,
        acc, wsh, srcv, dstv, vb, tb, db, gs, ss):
    c = lax.axis_index("c")
    s = lax.axis_index("s")
    base = pl.multiple_of(s * TS, 64)

    def run(w_hbm, out_hbm):
      _fill_flat(tb, TS, 0.0)
      pltpu.sync_copy(tb, acc.at[pl.ds(base, TS)])
      pltpu.sync_copy(w_hbm.at[pl.ds(base, TS)], db)
      pltpu.sync_copy(db, wsh.at[pl.ds(base, TS)])
      plsc.subcore_barrier()

      for r in range(WPT):
        pltpu.sync_copy(srcp_hbm.at[s * WPT + r],
                        srcv.at[pl.ds(r * CPW, CPW)])
        pltpu.sync_copy(dstp_hbm.at[s * WPT + r],
                        dstv.at[pl.ds(r * CPW, CPW)])

      def gather(b, j):
        pltpu.async_copy(wsh.at[srcv.at[j]], vb[b], gs[b])

      def scat(b, j):
        pltpu.async_copy(vb[b], acc.at[dstv.at[j]], ss[b], add=True)

      def wait_g(b):
        pltpu.make_async_copy(wsh.at[srcv.at[0]], vb[b], gs[b]).wait()

      def wait_s(b):
        pltpu.make_async_copy(vb[b], acc.at[dstv.at[0]], ss[b]).wait()

      def ring(t, _):
        j = NB * t

        @pl.when(t > 0)
        def _():
          for b in range(NH, NB):
            wait_s(b)
            gather(b, j + b)

        @pl.when(t == 0)
        def _():
          for b in range(NH, NB):
            gather(b, b)

        for b in range(NH):
          wait_g(b)
          scat(b, j + b)

        @pl.when(t + 1 < NT)
        def _():
          for b in range(NH):
            wait_s(b)
            gather(b, j + NB + b)

        @pl.when(t + 1 == NT)
        def _():
          for b in range(NH):
            wait_s(b)

        for b in range(NH, NB):
          wait_g(b)
          scat(b, j + b)

        @pl.when(t + 1 == NT)
        def _():
          for b in range(NH, NB):
            wait_s(b)

        return 0

      for b in range(NH):
        gather(b, b)
      lax.fori_loop(0, NT, ring, 0)

      plsc.subcore_barrier()
      pltpu.sync_copy(dinv_hbm.at[pl.ds(base, TS)], db)
      pltpu.sync_copy(acc.at[pl.ds(base, TS)], tb)

      def mul(i, _):
        o = pl.multiple_of(i * L, L)
        tb[pl.ds(o, L)] = tb[pl.ds(o, L)] * db[pl.ds(o, L)]
        return 0

      lax.fori_loop(0, TS // L, mul, 0)
      pltpu.sync_copy(tb, out_hbm.at[pl.ds(base, TS)])

    @pl.when(c == 0)
    def _():
      run(we_hbm, s_hbm)

    @pl.when(c == 1)
    def _():
      run(wg_hbm, y_hbm)

  return k(we, wg, srcp, dstp, dinv)


def kernel(adj, x, est_W1, est_b1, est_W2, est_b2,
           gnn_W1, gnn_b1, gnn_W2, gnn_b2):
  N, D = x.shape
  E = adj.shape[1]

  src = adj[0].astype(jnp.int32)
  dst = adj[1].astype(jnp.int32)

  EPW = -(-E // NW)
  CPW = _round_up(-(-EPW // CH), 8)
  EP = CPW * CH
  M = _round_up(N + 8, NSUB * 64)

  def padw(a, fill):
    a = jnp.pad(a, (0, NW * EPW - E), constant_values=fill).reshape(NW, EPW)
    a = jnp.pad(a, ((0, 0), (0, EP - EPW)), constant_values=fill)
    return a.reshape(NW, CPW, CH)

  srcp = padw(src, 0)
  dstp = padw(dst, N)

  degp = _deg_call(dstp, M, CPW)
  xs, dinv = _scale_call(degp, x, M)
  pp = _prop_call(xs, srcp, dstp, M, CPW)
  we, wg = _dense_call(pp, dinv, est_W1, est_b1, est_W2, est_b2,
                       gnn_W1, gnn_b1, gnn_W2, gnn_b2, N, M)
  sflat, yflat = _final_call(we.reshape(M), wg.reshape(M),
                             srcp, dstp, dinv.reshape(M), M, CPW)

  s = sflat[:N].reshape(N, 1)
  y = yflat[:N].reshape(N, 1)
  return (y, s)

# --- scband reference (transcript-rebuilt; emitter-appended) ---
"""Pipeline reference for scband-fair-gnn-27066883899397 (READ-ONLY COPY).

The authoritative reference and input builder live on the scoring server;
editing this copy changes nothing except your own understanding.
"""

import jax, jax.numpy as jnp
import numpy as np

N = 10000
E = 320000
D = 128
H = 128


def _glorot(key, shape):
    lim = float(np.sqrt(6.0 / (shape[0] + shape[1])))
    return jax.random.uniform(key, shape, jnp.float32, -lim, lim)


def setup_inputs(seed: int = 0) -> dict:
    key = jax.random.key(seed)
    ks = jax.random.split(key, 12)
    adj = jax.random.randint(ks[0], (2, E), 0, N)
    x = jax.random.normal(ks[1], (N, D), dtype=jnp.float32)
    return {
        "adj": adj,
        "x": x,
        "est_W1": _glorot(ks[2], (D, H)),
        "est_b1": jnp.zeros((H,), jnp.float32),
        "est_W2": _glorot(ks[3], (H, 1)),
        "est_b2": jnp.zeros((1,), jnp.float32),
        "gnn_W1": _glorot(ks[4], (D, H)),
        "gnn_b1": jnp.zeros((H,), jnp.float32),
        "gnn_W2": _glorot(ks[5], (H, 1)),
        "gnn_b2": jnp.zeros((1,), jnp.float32),
    }


def reference(adj, x, est_W1, est_b1, est_W2, est_b2, gnn_W1, gnn_b1, gnn_W2, gnn_b2):
    src = adj[0]
    dst = adj[1]

    def prop(h):
        # GCN symmetric-normalized sparse propagation: gather -> scale -> scatter-add
        ones = jnp.ones(src.shape[0], dtype=h.dtype)
        deg = jax.ops.segment_sum(ones, dst, num_segments=N)
        deg = jnp.maximum(deg, 1.0)
        dinv = jax.lax.rsqrt(deg)
        norm = dinv[src] * dinv[dst]
        msg = h[src] * norm[:, None]
        return jax.ops.segment_sum(msg, dst, num_segments=N)

    # estimator GCN (num_features -> num_hidden -> 1); dropout is identity in eval
    h1 = jax.nn.relu(prop(x @ est_W1 + est_b1))
    s = prop(h1 @ est_W2 + est_b2)

    # wrapped GNN (GCN kind, hidden_dim=128); returns (_, y), y are logits [N, 1]
    g1 = jax.nn.relu(prop(x @ gnn_W1 + gnn_b1))
    y = prop(g1 @ gnn_W2 + gnn_b2)

    return (y, s)

if __name__ == "__main__":
    import jax
    _d = setup_inputs()
    print(jax.jit(kernel)(*tuple(_d.values())))

</pallas_src>

<mosaic_0001>
#map = affine_map<(d0, d1) -> (0, 0, 0)>
#map1 = affine_map<(d0, d1) -> (0, 0)>
module attributes {stable_mosaic.version = 14 : i64} {
  func.func @k(%arg0: i32, %arg1: i32, %arg2: memref<32x80x128xi32, #tpu.memory_space<hbm>>, %arg3: memref<2x10240xf32, #tpu.memory_space<hbm>>, %arg4: memref<10240xf32, #tpu.memory_space<vmem_shared>>, %arg5: memref<80x128xi32, #tpu.memory_space<vmem>>, %arg6: memref<128xf32, #tpu.memory_space<vmem>>, %arg7: memref<640xf32, #tpu.memory_space<vmem>>, %arg8: memref<!tpu.dma_semaphore, #tpu.memory_space<semaphore_mem>>, %arg9: memref<!tpu.dma_semaphore, #tpu.memory_space<semaphore_mem>>, %arg10: memref<!tpu.dma_semaphore, #tpu.memory_space<semaphore_mem>>, %arg11: memref<!tpu.dma_semaphore, #tpu.memory_space<semaphore_mem>>) attributes {dimension_semantics = [#tpu.dimension_semantics<core_parallel>, #tpu.dimension_semantics<subcore_parallel>], iteration_bounds = array<i64: 2, 16>, scalar_prefetch = 0 : i64, scratch_operands = 8 : i64, tpu.core_type = #tpu.core_type<sc_vector_subcore>, window_params = [{transform_indices = #map}, {transform_indices = #map1}]} {
    %mul3A = arith.constant 640 : i32
    %mul3A_0 = arith.muli %arg1, %mul3A : i32
    %multiple_of3A = tpu.assume_multiple %mul3A_0, 64 : i32
    %broadcast_in_dim3A = arith.constant 0.000000e+00 : f32
    %broadcast_in_dim3A_1 = vector.broadcast %broadcast_in_dim3A : f32 to vector<16xf32>
    %scan3A = arith.constant 0 : i32
    %scan3A_2 = arith.constant 0 : i32
    %scan3A_3 = arith.constant 40 : i32
    %scan3A_4 = arith.addi %scan3A_2, %scan3A_3 : i32
    %scan3A_5 = arith.constant 1 : i32
    %scan3A_6 = scf.for %scan3A_50 = %scan3A_2 to %scan3A_4 step %scan3A_5 iter_args(%scan3A_51 = %scan3A) -> (i32)  : i32 {
      %mul3A_52 = arith.constant 16 : i32
      %mul3A_53 = arith.muli %scan3A_50, %mul3A_52 : i32
      %multiple_of3A_54 = tpu.assume_multiple %mul3A_53, 16 : i32
      %swap3A = arith.index_cast %multiple_of3A_54 : i32 to index
      %swap3A_55 = tpu.vector_load %arg7[%swap3A] {strides = array<i32>} : memref<640xf32, #tpu.memory_space<vmem>>, vector<16xf32>,
      %swap3A_56 = vector.shape_cast %swap3A_55 : vector<16xf32> to vector<16xf32>
      %swap3A_57 = vector.shape_cast %broadcast_in_dim3A_1 : vector<16xf32> to vector<16xf32>
      tpu.vector_store %arg7[%swap3A], %swap3A_57 {strides = array<i32>} : memref<640xf32, #tpu.memory_space<vmem>>, vector<16xf32>,
      %scan3A_58 = arith.constant 0 : i32
      scf.yield %scan3A_58 : i32
    }
    %scan3A_7 = arith.constant 40 : i32
    "tpu.region"() ({
      %run_scoped3A = tpu.sem_alloc : memref<!tpu.dma_semaphore, #tpu.memory_space<semaphore_mem>>
      %dma_start3A = tpu.memref_slice %arg4[%multiple_of3A] : memref<10240xf32, #tpu.memory_space<vmem_shared>> -> memref<640xf32, #tpu.memory_space<vmem_shared>>
      %dma_start3A_50 = tpu.memref_slice %arg4[%multiple_of3A] : memref<10240xf32, #tpu.memory_space<vmem_shared>> -> memref<640xf32, #tpu.memory_space<vmem_shared>>
      tpu.enqueue_dma source(%arg7 : memref<640xf32, #tpu.memory_space<vmem>>) target(%dma_start3A_50 : memref<640xf32, #tpu.memory_space<vmem_shared>>) target_semaphore(%run_scoped3A : memref<!tpu.dma_semaphore, #tpu.memory_space<semaphore_mem>>)
      %dma_wait3A_51 = tpu.memref_slice %arg4[%multiple_of3A] : memref<10240xf32, #tpu.memory_space<vmem_shared>> -> memref<640xf32, #tpu.memory_space<vmem_shared>>
      %dma_wait3A_52 = tpu.memref_slice %arg4[%multiple_of3A] : memref<10240xf32, #tpu.memory_space<vmem_shared>> -> memref<640xf32, #tpu.memory_space<vmem_shared>>
      tpu.wait_dma2 semaphore(%run_scoped3A : memref<!tpu.dma_semaphore, #tpu.memory_space<semaphore_mem>>) src(%arg7 : memref<640xf32, #tpu.memory_space<vmem>>) dst(%dma_wait3A_52 : memref<640xf32, #tpu.memory_space<vmem_shared>>)
      tpu.yield
    }) : () -> ()
    %broadcast_in_dim3A_8 = arith.constant 1.000000e+00 : f32
    %broadcast_in_dim3A_9 = vector.broadcast %broadcast_in_dim3A_8 : f32 to vector<16xf32>
    %scan3A_10 = arith.constant 0 : i32
    %scan3A_11 = arith.constant 0 : i32
    %scan3A_12 = arith.constant 8 : i32
    %scan3A_13 = arith.addi %scan3A_11, %scan3A_12 : i32
    %scan3A_14 = arith.constant 1 : i32
    %scan3A_15 = scf.for %scan3A_50 = %scan3A_11 to %scan3A_13 step %scan3A_14 iter_args(%scan3A_51 = %scan3A_10) -> (i32)  : i32 {
      %mul3A_52 = arith.constant 16 : i32
      %mul3A_53 = arith.muli %scan3A_50, %mul3A_52 : i32
      %multiple_of3A_54 = tpu.assume_multiple %mul3A_53, 16 : i32
      %swap3A = arith.index_cast %multiple_of3A_54 : i32 to index
      %swap3A_55 = tpu.vector_load %arg6[%swap3A] {strides = array<i32>} : memref<128xf32, #tpu.memory_space<vmem>>, vector<16xf32>,
      %swap3A_56 = vector.shape_cast %swap3A_55 : vector<16xf32> to vector<16xf32>
      %swap3A_57 = vector.shape_cast %broadcast_in_dim3A_9 : vector<16xf32> to vector<16xf32>
      tpu.vector_store %arg6[%swap3A], %swap3A_57 {strides = array<i32>} : memref<128xf32, #tpu.memory_space<vmem>>, vector<16xf32>,
      %scan3A_58 = arith.constant 0 : i32
      scf.yield %scan3A_58 : i32
    }
    %scan3A_16 = arith.constant 8 : i32
    %barrier3A = arith.constant 0 : index
    tpu.barrier barrier_id(%barrier3A)
    %mul3A_17 = arith.constant 16 : i32
    %mul3A_18 = arith.muli %arg0, %mul3A_17 : i32
    %add3A = arith.addi %mul3A_18, %arg1 : i32
    "tpu.region"() ({
      %run_scoped3A = tpu.sem_alloc : memref<!tpu.dma_semaphore, #tpu.memory_space<semaphore_mem>>
      %dma_start3A = arith.constant 0 : i32
      %dma_start3A_50 = arith.constant 0 : i32
      %dma_start3A_51 = tpu.memref_slice %arg2[%add3A, %dma_start3A, %dma_start3A_50] : memref<32x80x128xi32, #tpu.memory_space<hbm>> -> memref<1x80x128xi32, #tpu.memory_space<hbm>>
      %dma_start3A_52 = tpu.memref_squeeze %dma_start3A_51 : memref<1x80x128xi32, #tpu.memory_space<hbm>> -> memref<80x128xi32, #tpu.memory_space<hbm>>
      %dma_start3A_53 = arith.constant 0 : i32
      %dma_start3A_54 = arith.constant 0 : i32
      %dma_start3A_55 = tpu.memref_slice %arg2[%add3A, %dma_start3A_53, %dma_start3A_54] : memref<32x80x128xi32, #tpu.memory_space<hbm>> -> memref<1x80x128xi32, #tpu.memory_space<hbm>>
      %dma_start3A_56 = tpu.memref_squeeze %dma_start3A_55 : memref<1x80x128xi32, #tpu.memory_space<hbm>> -> memref<80x128xi32, #tpu.memory_space<hbm>>
      tpu.enqueue_dma source(%dma_start3A_56 : memref<80x128xi32, #tpu.memory_space<hbm>>) target(%arg5 : memref<80x128xi32, #tpu.memory_space<vmem>>) target_semaphore(%run_scoped3A : memref<!tpu.dma_semaphore, #tpu.memory_space<semaphore_mem>>)
      %dma_wait3A_57 = arith.constant 0 : i32
      %dma_wait3A_58 = arith.constant 0 : i32
      %dma_wait3A_59 = tpu.memref_slice %arg2[%add3A, %dma_wait3A_57, %dma_wait3A_58] : memref<32x80x128xi32, #tpu.memory_space<hbm>> -> memref<1x80x128xi32, #tpu.memory_space<hbm>>
      %dma_wait3A_60 = tpu.memref_squeeze %dma_wait3A_59 : memref<1x80x128xi32, #tpu.memory_space<hbm>> -> memref<80x128xi32, #tpu.memory_space<hbm>>
      %dma_wait3A_61 = arith.constant 0 : i32
      %dma_wait3A_62 = arith.constant 0 : i32
      %dma_wait3A_63 = tpu.memref_slice %arg2[%add3A, %dma_wait3A_61, %dma_wait3A_62] : memref<32x80x128xi32, #tpu.memory_space<hbm>> -> memref<1x80x128xi32, #tpu.memory_space<hbm>>
      %dma_wait3A_64 = tpu.memref_squeeze %dma_wait3A_63 : memref<1x80x128xi32, #tpu.memory_space<hbm>> -> memref<80x128xi32, #tpu.memory_space<hbm>>
      tpu.wait_dma2 semaphore(%run_scoped3A : memref<!tpu.dma_semaphore, #tpu.memory_space<semaphore_mem>>) src(%dma_wait3A_64 : memref<80x128xi32, #tpu.memory_space<hbm>>) dst(%arg5 : memref<80x128xi32, #tpu.memory_space<vmem>>)
      tpu.yield
    }) : () -> ()
    %scan3A_19 = arith.constant 0 : i32
    %scan3A_20 = arith.constant 0 : i32
    %scan3A_21 = arith.constant 20 : i32
    %scan3A_22 = arith.addi %scan3A_20, %scan3A_21 : i32
    %scan3A_23 = arith.constant 1 : i32
    %scan3A_24 = scf.for %scan3A_50 = %scan3A_20 to %scan3A_22 step %scan3A_23 iter_args(%scan3A_51 = %scan3A_19) -> (i32)  : i32 {
      %gt3A = arith.constant 0 : i32
      %gt3A_52 = arith.cmpi sgt, %scan3A_50, %gt3A : i32
      %convert_element_type3A = arith.extui %gt3A_52 : i1 to i32
      %cond3A = arith.constant 0 : i32
      %cond3A_53 = arith.cmpi ne, %convert_element_type3A, %cond3A : i32
      scf.if %cond3A_53 {
        %dma_wait3A_105 = arith.constant 0 : i32
        %dma_wait3A_106 = arith.constant 0 : i32
        %dma_wait3A_107 = tpu.memref_slice %arg5[%dma_wait3A_105, %dma_wait3A_106] : memref<80x128xi32, #tpu.memory_space<vmem>> -> memref<1x128xi32, #tpu.memory_space<vmem>>
        %dma_wait3A_108 = tpu.memref_squeeze %dma_wait3A_107 : memref<1x128xi32, #tpu.memory_space<vmem>> -> memref<128xi32, #tpu.memory_space<vmem>>
        %dma_wait3A_109 = arith.constant 0 : i32
        %dma_wait3A_110 = tpu.memref_slice %arg4[%dma_wait3A_109] : memref<10240xf32, #tpu.memory_space<vmem_shared>> -> memref<10240xf32, #tpu.memory_space<vmem_shared>>
        tpu.wait_indirect_dma semaphore(%arg8 : memref<!tpu.dma_semaphore, #tpu.memory_space<semaphore_mem>>) src(%arg6 : memref<128xf32, #tpu.memory_space<vmem>>) dst(%dma_wait3A_110 : memref<10240xf32, #tpu.memory_space<vmem_shared>>)
      } else {
      }
      %mul3A_54 = arith.constant 4 : i32
      %mul3A_55 = arith.muli %mul3A_54, %scan3A_50 : i32
      %add3A_56 = arith.constant 0 : i32
      %add3A_57 = arith.addi %mul3A_55, %add3A_56 : i32
      %dma_start3A = arith.constant 0 : i32
      %dma_start3A_58 = tpu.memref_slice %arg5[%add3A_57, %dma_start3A] : memref<80x128xi32, #tpu.memory_space<vmem>> -> memref<1x128xi32, #tpu.memory_space<vmem>>
      %dma_start3A_59 = tpu.memref_squeeze %dma_start3A_58 : memref<1x128xi32, #tpu.memory_space<vmem>> -> memref<128xi32, #tpu.memory_space<vmem>>
      %dma_start3A_60 = arith.constant 0 : i32
      %dma_start3A_61 = tpu.memref_slice %arg4[%dma_start3A_60] : memref<10240xf32, #tpu.memory_space<vmem_shared>> -> memref<10240xf32, #tpu.memory_space<vmem_shared>>
      tpu.enqueue_indirect_dma source(%arg6 : memref<128xf32, #tpu.memory_space<vmem>>) target(%dma_start3A_61 : memref<10240xf32, #tpu.memory_space<vmem_shared>>) offsets(%dma_start3A_59 : memref<128xi32, #tpu.memory_space<vmem>>) semaphore(%arg8 : memref<!tpu.dma_semaphore, #tpu.memory_space<semaphore_mem>>) {add = true}
      %gt3A_62 = arith.constant 0 : i32
      %gt3A_63 = arith.cmpi sgt, %scan3A_50, %gt3A_62 : i32
      %convert_element_type3A_64 = arith.extui %gt3A_63 : i1 to i32
      %cond3A_65 = arith.constant 0 : i32
      %cond3A_66 = arith.cmpi ne, %convert_element_type3A_64, %cond3A_65 : i32
      scf.if %cond3A_66 {
        %dma_wait3A_105 = arith.constant 0 : i32
        %dma_wait3A_106 = arith.constant 0 : i32
        %dma_wait3A_107 = tpu.memref_slice %arg5[%dma_wait3A_105, %dma_wait3A_106] : memref<80x128xi32, #tpu.memory_space<vmem>> -> memref<1x128xi32, #tpu.memory_space<vmem>>
        %dma_wait3A_108 = tpu.memref_squeeze %dma_wait3A_107 : memref<1x128xi32, #tpu.memory_space<vmem>> -> memref<128xi32, #tpu.memory_space<vmem>>
        %dma_wait3A_109 = arith.constant 0 : i32
        %dma_wait3A_110 = tpu.memref_slice %arg4[%dma_wait3A_109] : memref<10240xf32, #tpu.memory_space<vmem_shared>> -> memref<10240xf32, #tpu.memory_space<vmem_shared>>
        tpu.wait_indirect_dma semaphore(%arg9 : memref<!tpu.dma_semaphore, #tpu.memory_space<semaphore_mem>>) src(%arg6 : memref<128xf32, #tpu.memory_space<vmem>>) dst(%dma_wait3A_110 : memref<10240xf32, #tpu.memory_space<vmem_shared>>)
      } else {
      }
      %mul3A_67 = arith.constant 4 : i32
      %mul3A_68 = arith.muli %mul3A_67, %scan3A_50 : i32
      %add3A_69 = arith.constant 1 : i32
      %add3A_70 = arith.addi %mul3A_68, %add3A_69 : i32
      %dma_start3A_71 = arith.constant 0 : i32
      %dma_start3A_72 = tpu.memref_slice %arg5[%add3A_70, %dma_start3A_71] : memref<80x128xi32, #tpu.memory_space<vmem>> -> memref<1x128xi32, #tpu.memory_space<vmem>>
      %dma_start3A_73 = tpu.memref_squeeze %dma_start3A_72 : memref<1x128xi32, #tpu.memory_space<vmem>> -> memref<128xi32, #tpu.memory_space<vmem>>
      %dma_start3A_74 = arith.constant 0 : i32
      %dma_start3A_75 = tpu.memref_slice %arg4[%dma_start3A_74] : memref<10240xf32, #tpu.memory_space<vmem_shared>> -> memref<10240xf32, #tpu.memory_space<vmem_shared>>
      tpu.enqueue_indirect_dma source(%arg6 : memref<128xf32, #tpu.memory_space<vmem>>) target(%dma_start3A_75 : memref<10240xf32, #tpu.memory_space<vmem_shared>>) offsets(%dma_start3A_73 : memref<128xi32, #tpu.memory_space<vmem>>) semaphore(%arg9 : memref<!tpu.dma_semaphore, #tpu.memory_space<semaphore_mem>>) {add = true}
      %gt3A_76 = arith.constant 0 : i32
      %gt3A_77 = arith.cmpi sgt, %scan3A_50, %gt3A_76 : i32
      %convert_element_type3A_78 = arith.extui %gt3A_77 : i1 to i32
      %cond3A_79 = arith.constant 0 : i32
      %cond3A_80 = arith.cmpi ne, %convert_element_type3A_78, %cond3A_79 : i32
      scf.if %cond3A_80 {
        %dma_wait3A_105 = arith.constant 0 : i32
        %dma_wait3A_106 = arith.constant 0 : i32
        %dma_wait3A_107 = tpu.memref_slice %arg5[%dma_wait3A_105, %dma_wait3A_106] : memref<80x128xi32, #tpu.memory_space<vmem>> -> memref<1x128xi32, #tpu.memory_space<vmem>>
        %dma_wait3A_108 = tpu.memref_squeeze %dma_wait3A_107 : memref<1x128xi32, #tpu.memory_space<vmem>> -> memref<128xi32, #tpu.memory_space<vmem>>
        %dma_wait3A_109 = arith.constant 0 : i32
        %dma_wait3A_110 = tpu.memref_slice %arg4[%dma_wait3A_109] : memref<10240xf32, #tpu.memory_space<vmem_shared>> -> memref<10240xf32, #tpu.memory_space<vmem_shared>>
        tpu.wait_indirect_dma semaphore(%arg10 : memref<!tpu.dma_semaphore, #tpu.memory_space<semaphore_mem>>) src(%arg6 : memref<128xf32, #tpu.memory_space<vmem>>) dst(%dma_wait3A_110 : memref<10240xf32, #tpu.memory_space<vmem_shared>>)
      } else {
      }
      %mul3A_81 = arith.constant 4 : i32
      %mul3A_82 = arith.muli %mul3A_81, %scan3A_50 : i32
      %add3A_83 = arith.constant 2 : i32
      %add3A_84 = arith.addi %mul3A_82, %add3A_83 : i32
      %dma_start3A_85 = arith.constant 0 : i32
      %dma_start3A_86 = tpu.memref_slice %arg5[%add3A_84, %dma_start3A_85] : memref<80x128xi32, #tpu.memory_space<vmem>> -> memref<1x128xi32, #tpu.memory_space<vmem>>
      %dma_start3A_87 = tpu.memref_squeeze %dma_start3A_86 : memref<1x128xi32, #tpu.memory_space<vmem>> -> memref<128xi32, #tpu.memory_space<vmem>>
      %dma_start3A_88 = arith.constant 0 : i32
      %dma_start3A_89 = tpu.memref_slice %arg4[%dma_start3A_88] : memref<10240xf32, #tpu.memory_space<vmem_shared>> -> memref<10240xf32, #tpu.memory_space<vmem_shared>>
      tpu.enqueue_indirect_dma source(%arg6 : memref<128xf32, #tpu.memory_space<vmem>>) target(%dma_start3A_89 : memref<10240xf32, #tpu.memory_space<vmem_shared>>) offsets(%dma_start3A_87 : memref<128xi32, #tpu.memory_space<vmem>>) semaphore(%arg10 : memref<!tpu.dma_semaphore, #tpu.memory_space<semaphore_mem>>) {add = true}
      %gt3A_90 = arith.constant 0 : i32
      %gt3A_91 = arith.cmpi sgt, %scan3A_50, %gt3A_90 : i32
      %convert_element_type3A_92 = arith.extui %gt3A_91 : i1 to i32
      %cond3A_93 = arith.constant 0 : i32
      %cond3A_94 = arith.cmpi ne, %convert_element_type3A_92, %cond3A_93 : i32
      scf.if %cond3A_94 {
        %dma_wait3A_105 = arith.constant 0 : i32
        %dma_wait3A_106 = arith.constant 0 : i32
        %dma_wait3A_107 = tpu.memref_slice %arg5[%dma_wait3A_105, %dma_wait3A_106] : memref<80x128xi32, #tpu.memory_space<vmem>> -> memref<1x128xi32, #tpu.memory_space<vmem>>
        %dma_wait3A_108 = tpu.memref_squeeze %dma_wait3A_107 : memref<1x128xi32, #tpu.memory_space<vmem>> -> memref<128xi32, #tpu.memory_space<vmem>>
        %dma_wait3A_109 = arith.constant 0 : i32
        %dma_wait3A_110 = tpu.memref_slice %arg4[%dma_wait3A_109] : memref<10240xf32, #tpu.memory_space<vmem_shared>> -> memref<10240xf32, #tpu.memory_space<vmem_shared>>
        tpu.wait_indirect_dma semaphore(%arg11 : memref<!tpu.dma_semaphore, #tpu.memory_space<semaphore_mem>>) src(%arg6 : memref<128xf32, #tpu.memory_space<vmem>>) dst(%dma_wait3A_110 : memref<10240xf32, #tpu.memory_space<vmem_shared>>)
      } else {
      }
      %mul3A_95 = arith.constant 4 : i32
      %mul3A_96 = arith.muli %mul3A_95, %scan3A_50 : i32
      %add3A_97 = arith.constant 3 : i32
      %add3A_98 = arith.addi %mul3A_96, %add3A_97 : i32
      %dma_start3A_99 = arith.constant 0 : i32
      %dma_start3A_100 = tpu.memref_slice %arg5[%add3A_98, %dma_start3A_99] : memref<80x128xi32, #tpu.memory_space<vmem>> -> memref<1x128xi32, #tpu.memory_space<vmem>>
      %dma_start3A_101 = tpu.memref_squeeze %dma_start3A_100 : memref<1x128xi32, #tpu.memory_space<vmem>> -> memref<128xi32, #tpu.memory_space<vmem>>
      %dma_start3A_102 = arith.constant 0 : i32
      %dma_start3A_103 = tpu.memref_slice %arg4[%dma_start3A_102] : memref<10240xf32, #tpu.memory_space<vmem_shared>> -> memref<10240xf32, #tpu.memory_space<vmem_shared>>
      tpu.enqueue_indirect_dma source(%arg6 : memref<128xf32, #tpu.memory_space<vmem>>) target(%dma_start3A_103 : memref<10240xf32, #tpu.memory_space<vmem_shared>>) offsets(%dma_start3A_101 : memref<128xi32, #tpu.memory_space<vmem>>) semaphore(%arg11 : memref<!tpu.dma_semaphore, #tpu.memory_space<semaphore_mem>>) {add = true}
      %scan3A_104 = arith.constant 0 : i32
      scf.yield %scan3A_104 : i32
    }
    %scan3A_25 = arith.constant 20 : i32
    %dma_wait3A = arith.constant 0 : i32
    %dma_wait3A_26 = arith.constant 0 : i32
    %dma_wait3A_27 = tpu.memref_slice %arg5[%dma_wait3A, %dma_wait3A_26] : memref<80x128xi32, #tpu.memory_space<vmem>> -> memref<1x128xi32, #tpu.memory_space<vmem>>
    %dma_wait3A_28 = tpu.memref_squeeze %dma_wait3A_27 : memref<1x128xi32, #tpu.memory_space<vmem>> -> memref<128xi32, #tpu.memory_space<vmem>>
    %dma_wait3A_29 = arith.constant 0 : i32
    %dma_wait3A_30 = tpu.memref_slice %arg4[%dma_wait3A_29] : memref<10240xf32, #tpu.memory_space<vmem_shared>> -> memref<10240xf32, #tpu.memory_space<vmem_shared>>
    tpu.wait_indirect_dma semaphore(%arg8 : memref<!tpu.dma_semaphore, #tpu.memory_space<semaphore_mem>>) src(%arg6 : memref<128xf32, #tpu.memory_space<vmem>>) dst(%dma_wait3A_30 : memref<10240xf32, #tpu.memory_space<vmem_shared>>)
    %dma_wait3A_31 = arith.constant 0 : i32
    %dma_wait3A_32 = arith.constant 0 : i32
    %dma_wait3A_33 = tpu.memref_slice %arg5[%dma_wait3A_31, %dma_wait3A_32] : memref<80x128xi32, #tpu.memory_space<vmem>> -> memref<1x128xi32, #tpu.memory_space<vmem>>
    %dma_wait3A_34 = tpu.memref_squeeze %dma_wait3A_33 : memref<1x128xi32, #tpu.memory_space<vmem>> -> memref<128xi32, #tpu.memory_space<vmem>>
    %dma_wait3A_35 = arith.constant 0 : i32
    %dma_wait3A_36 = tpu.memref_slice %arg4[%dma_wait3A_35] : memref<10240xf32, #tpu.memory_space<vmem_shared>> -> memref<10240xf32, #tpu.memory_space<vmem_shared>>
    tpu.wait_indirect_dma semaphore(%arg9 : memref<!tpu.dma_semaphore, #tpu.memory_space<semaphore_mem>>) src(%arg6 : memref<128xf32, #tpu.memory_space<vmem>>) dst(%dma_wait3A_36 : memref<10240xf32, #tpu.memory_space<vmem_shared>>)
    %dma_wait3A_37 = arith.constant 0 : i32
    %dma_wait3A_38 = arith.constant 0 : i32
    %dma_wait3A_39 = tpu.memref_slice %arg5[%dma_wait3A_37, %dma_wait3A_38] : memref<80x128xi32, #tpu.memory_space<vmem>> -> memref<1x128xi32, #tpu.memory_space<vmem>>
    %dma_wait3A_40 = tpu.memref_squeeze %dma_wait3A_39 : memref<1x128xi32, #tpu.memory_space<vmem>> -> memref<128xi32, #tpu.memory_space<vmem>>
    %dma_wait3A_41 = arith.constant 0 : i32
    %dma_wait3A_42 = tpu.memref_slice %arg4[%dma_wait3A_41] : memref<10240xf32, #tpu.memory_space<vmem_shared>> -> memref<10240xf32, #tpu.memory_space<vmem_shared>>
    tpu.wait_indirect_dma semaphore(%arg10 : memref<!tpu.dma_semaphore, #tpu.memory_space<semaphore_mem>>) src(%arg6 : memref<128xf32, #tpu.memory_space<vmem>>) dst(%dma_wait3A_42 : memref<10240xf32, #tpu.memory_space<vmem_shared>>)
    %dma_wait3A_43 = arith.constant 0 : i32
    %dma_wait3A_44 = arith.constant 0 : i32
    %dma_wait3A_45 = tpu.memref_slice %arg5[%dma_wait3A_43, %dma_wait3A_44] : memref<80x128xi32, #tpu.memory_space<vmem>> -> memref<1x128xi32, #tpu.memory_space<vmem>>
    %dma_wait3A_46 = tpu.memref_squeeze %dma_wait3A_45 : memref<1x128xi32, #tpu.memory_space<vmem>> -> memref<128xi32, #tpu.memory_space<vmem>>
    %dma_wait3A_47 = arith.constant 0 : i32
    %dma_wait3A_48 = tpu.memref_slice %arg4[%dma_wait3A_47] : memref<10240xf32, #tpu.memory_space<vmem_shared>> -> memref<10240xf32, #tpu.memory_space<vmem_shared>>
    tpu.wait_indirect_dma semaphore(%arg11 : memref<!tpu.dma_semaphore, #tpu.memory_space<semaphore_mem>>) src(%arg6 : memref<128xf32, #tpu.memory_space<vmem>>) dst(%dma_wait3A_48 : memref<10240xf32, #tpu.memory_space<vmem_shared>>)
    %barrier3A_49 = arith.constant 0 : index
    tpu.barrier barrier_id(%barrier3A_49)
    "tpu.region"() ({
      %run_scoped3A = tpu.sem_alloc : memref<!tpu.dma_semaphore, #tpu.memory_space<semaphore_mem>>
      %dma_start3A = tpu.memref_slice %arg4[%multiple_of3A] : memref<10240xf32, #tpu.memory_space<vmem_shared>> -> memref<640xf32, #tpu.memory_space<vmem_shared>>
      %dma_start3A_50 = tpu.memref_slice %arg4[%multiple_of3A] : memref<10240xf32, #tpu.memory_space<vmem_shared>> -> memref<640xf32, #tpu.memory_space<vmem_shared>>
      tpu.enqueue_dma source(%dma_start3A_50 : memref<640xf32, #tpu.memory_space<vmem_shared>>) target(%arg7 : memref<640xf32, #tpu.memory_space<vmem>>) target_semaphore(%run_scoped3A : memref<!tpu.dma_semaphore, #tpu.memory_space<semaphore_mem>>)
      %dma_wait3A_51 = tpu.memref_slice %arg4[%multiple_of3A] : memref<10240xf32, #tpu.memory_space<vmem_shared>> -> memref<640xf32, #tpu.memory_space<vmem_shared>>
      %dma_wait3A_52 = tpu.memref_slice %arg4[%multiple_of3A] : memref<10240xf32, #tpu.memory_space<vmem_shared>> -> memref<640xf32, #tpu.memory_space<vmem_shared>>
      tpu.wait_dma2 semaphore(%run_scoped3A : memref<!tpu.dma_semaphore, #tpu.memory_space<semaphore_mem>>) src(%dma_wait3A_52 : memref<640xf32, #tpu.memory_space<vmem_shared>>) dst(%arg7 : memref<640xf32, #tpu.memory_space<vmem>>)
      tpu.yield
    }) : () -> ()
    "tpu.region"() ({
      %run_scoped3A = tpu.sem_alloc : memref<!tpu.dma_semaphore, #tpu.memory_space<semaphore_mem>>
      %dma_start3A = tpu.memref_slice %arg3[%arg0, %multiple_of3A] : memref<2x10240xf32, #tpu.memory_space<hbm>> -> memref<1x640xf32, #tpu.memory_space<hbm>>
      %dma_start3A_50 = tpu.memref_squeeze %dma_start3A : memref<1x640xf32, #tpu.memory_space<hbm>> -> memref<640xf32, #tpu.memory_space<hbm>>
      %dma_start3A_51 = tpu.memref_slice %arg3[%arg0, %multiple_of3A] : memref<2x10240xf32, #tpu.memory_space<hbm>> -> memref<1x640xf32, #tpu.memory_space<hbm>>
      %dma_start3A_52 = tpu.memref_squeeze %dma_start3A_51 : memref<1x640xf32, #tpu.memory_space<hbm>> -> memref<640xf32, #tpu.memory_space<hbm>>
      tpu.enqueue_dma source(%arg7 : memref<640xf32, #tpu.memory_space<vmem>>) target(%dma_start3A_52 : memref<640xf32, #tpu.memory_space<hbm>>) target_semaphore(%run_scoped3A : memref<!tpu.dma_semaphore, #tpu.memory_space<semaphore_mem>>)
      %dma_wait3A_53 = tpu.memref_slice %arg3[%arg0, %multiple_of3A] : memref<2x10240xf32, #tpu.memory_space<hbm>> -> memref<1x640xf32, #tpu.memory_space<hbm>>
      %dma_wait3A_54 = tpu.memref_squeeze %dma_wait3A_53 : memref<1x640xf32, #tpu.memory_space<hbm>> -> memref<640xf32, #tpu.memory_space<hbm>>
      %dma_wait3A_55 = tpu.memref_slice %arg3[%arg0, %multiple_of3A] : memref<2x10240xf32, #tpu.memory_space<hbm>> -> memref<1x640xf32, #tpu.memory_space<hbm>>
      %dma_wait3A_56 = tpu.memref_squeeze %dma_wait3A_55 : memref<1x640xf32, #tpu.memory_space<hbm>> -> memref<640xf32, #tpu.memory_space<hbm>>
      tpu.wait_dma2 semaphore(%run_scoped3A : memref<!tpu.dma_semaphore, #tpu.memory_space<semaphore_mem>>) src(%arg7 : memref<640xf32, #tpu.memory_space<vmem>>) dst(%dma_wait3A_56 : memref<640xf32, #tpu.memory_space<hbm>>)
      tpu.yield
    }) : () -> ()
    return
  }
}

#map = affine_map<(d0, d1) -> (0, 0)>
#map1 = affine_map<(d0, d1) -> (0, 0, 0)>
module attributes {stable_mosaic.version = 14 : i64} {
  func.func @k(%arg0: i32, %arg1: i32, %arg2: memref<10000x128xf32, #tpu.memory_space<hbm>>, %arg3: memref<32x160x64xi32, #tpu.memory_space<hbm>>, %arg4: memref<32x160x64xi32, #tpu.memory_space<hbm>>, %arg5: memref<2x10240x128xf32, #tpu.memory_space<hbm>>, %arg6: memref<10240x128xf32, #tpu.memory_space<vmem_shared>>, %arg7: memref<40x64xi32, #tpu.memory_space<vmem>>, %arg8: memref<40x64xi32, #tpu.memory_space<vmem>>, %arg9: memref<64x128xf32, #tpu.memory_space<vmem>>, %arg10: memref<64x128xf32, #tpu.memory_space<vmem>>, %arg11: memref<64x128xf32, #tpu.memory_space<vmem>>, %arg12: memref<64x128xf32, #tpu.memory_space<vmem>>, %arg13: memref<!tpu.dma_semaphore, #tpu.memory_space<semaphore_mem>>, %arg14: memref<!tpu.dma_semaphore, #tpu.memory_space<semaphore_mem>>, %arg15: memref<!tpu.dma_semaphore, #tpu.memory_space<semaphore_mem>>, %arg16: memref<!tpu.dma_semaphore, #tpu.memory_space<semaphore_mem>>, %arg17: memref<!tpu.dma_semaphore, #tpu.memory_space<semaphore_mem>>, %arg18: memref<!tpu.dma_semaphore, #tpu.memory_space<semaphore_mem>>, %arg19: memref<!tpu.dma_semaphore, #tpu.memory_space<semaphore_mem>>, %arg20: memref<!tpu.dma_semaphore, #tpu.memory_space<semaphore_mem>>) attributes {dimension_semantics = [#tpu.dimension_semantics<core_parallel>, #tpu.dimension_semantics<subcore_parallel>], iteration_bounds = array<i64: 2, 16>, scalar_prefetch = 0 : i64, scratch_operands = 15 : i64, tpu.core_type = #tpu.core_type<sc_vector_subcore>, window_params = [{transform_indices = #map}, {transform_indices = #map1}, {transform_indices = #map1}, {transform_indices = #map1}]} {
    %mul3A = arith.constant 640 : i32
    %mul3A_0 = arith.muli %arg1, %mul3A : i32
    %multiple_of3A = tpu.assume_multiple %mul3A_0, 64 : i32
    %broadcast_in_dim3A = arith.constant 0.000000e+00 : f32
    %broadcast_in_dim3A_1 = vector.broadcast %broadcast_in_dim3A : f32 to vector<16xf32>
    %scan3A = arith.constant 0 : i32
    %scan3A_2 = arith.constant 0 : i32
    %scan3A_3 = arith.constant 512 : i32
    %scan3A_4 = arith.addi %scan3A_2, %scan3A_3 : i32
    %scan3A_5 = arith.constant 1 : i32
    %scan3A_6 = scf.for %scan3A_117 = %scan3A_2 to %scan3A_4 step %scan3A_5 iter_args(%scan3A_118 = %scan3A) -> (i32)  : i32 {
      %jit3A = arith.constant 8 : i32
      %div3A = arith.divsi %scan3A_117, %jit3A : i32
      %sign3A = arith.constant 0 : i32
      %sign3A_119 = arith.cmpi sgt, %scan3A_117, %sign3A : i32
      %sign3A_120 = arith.extui %sign3A_119 : i1 to i32
      %sign3A_121 = arith.constant 0 : i32
      %sign3A_122 = arith.cmpi slt, %scan3A_117, %sign3A_121 : i32
      %sign3A_123 = arith.extui %sign3A_122 : i1 to i32
      %sign3A_124 = arith.subi %sign3A_120, %sign3A_123 : i32
      %sign3A_125 = arith.constant 0 : i32
      %sign3A_126 = arith.cmpi sgt, %jit3A, %sign3A_125 : i32
      %sign3A_127 = arith.extui %sign3A_126 : i1 to i32
      %sign3A_128 = arith.constant 0 : i32
      %sign3A_129 = arith.cmpi slt, %jit3A, %sign3A_128 : i32
      %sign3A_130 = arith.extui %sign3A_129 : i1 to i32
      %sign3A_131 = arith.subi %sign3A_127, %sign3A_130 : i32
      %ne3A = arith.cmpi ne, %sign3A_124, %sign3A_131 : i32
      %rem3A = arith.remsi %scan3A_117, %jit3A : i32
      %ne3A_132 = arith.constant 0 : i32
      %ne3A_133 = arith.cmpi ne, %rem3A, %ne3A_132 : i32
      %and3A = arith.andi %ne3A, %ne3A_133 : i1
      %sub3A = arith.constant 1 : i32
      %sub3A_134 = arith.subi %div3A, %sub3A : i32
      %select_n3A = arith.select %and3A, %sub3A_134, %div3A : i32
      %jit3A_135 = arith.constant 8 : i32
      %eq3A = arith.constant 0 : i32
      %eq3A_136 = arith.cmpi eq, %jit3A_135, %eq3A : i32
      %jit3A_137 = arith.constant 1 : i32
      %select_n3A_138 = arith.select %eq3A_136, %jit3A_137, %jit3A_135 : i32
      %rem3A_139 = arith.remsi %scan3A_117, %select_n3A_138 : i32
      %ne3A_140 = arith.constant 0 : i32
      %ne3A_141 = arith.cmpi ne, %rem3A_139, %ne3A_140 : i32
      %lt3A = arith.constant 0 : i32
      %lt3A_142 = arith.cmpi slt, %rem3A_139, %lt3A : i32
      %lt3A_143 = arith.constant 0 : i32
      %lt3A_144 = arith.cmpi slt, %select_n3A_138, %lt3A_143 : i32
      %ne3A_145 = arith.xori %lt3A_142, %lt3A_144 : i1
      %and3A_146 = arith.andi %ne3A_145, %ne3A_141 : i1
      %add3A_147 = arith.addi %rem3A_139, %select_n3A_138 : i32
      %select_n3A_148 = arith.select %and3A_146, %add3A_147, %rem3A_139 : i32
      %mul3A_149 = arith.constant 16 : i32
      %mul3A_150 = arith.muli %select_n3A_148, %mul3A_149 : i32
      %multiple_of3A_151 = tpu.assume_multiple %mul3A_150, 16 : i32
      %swap3A = arith.index_cast %select_n3A : i32 to index
      %swap3A_152 = arith.index_cast %multiple_of3A_151 : i32 to index
      %swap3A_153 = tpu.vector_load %arg9[%swap3A, %swap3A_152] {strides = array<i32>} : memref<64x128xf32, #tpu.memory_space<vmem>>, vector<1x16xf32>,
      %swap3A_154 = vector.shape_cast %swap3A_153 : vector<1x16xf32> to vector<16xf32>
      %swap3A_155 = vector.shape_cast %broadcast_in_dim3A_1 : vector<16xf32> to vector<1x16xf32>
      tpu.vector_store %arg9[%swap3A, %swap3A_152], %swap3A_155 {strides = array<i32>} : memref<64x128xf32, #tpu.memory_space<vmem>>, vector<1x16xf32>,
      %scan3A_156 = arith.constant 0 : i32
      scf.yield %scan3A_156 : i32
    }
    %scan3A_7 = arith.constant 512 : i32
    %scan3A_8 = arith.constant 0 : i32
    %scan3A_9 = arith.constant 0 : i32
    %scan3A_10 = arith.constant 10 : i32
    %scan3A_11 = arith.addi %scan3A_9, %scan3A_10 : i32
    %scan3A_12 = arith.constant 1 : i32
    %scan3A_13 = scf.for %scan3A_117 = %scan3A_9 to %scan3A_11 step %scan3A_12 iter_args(%scan3A_118 = %scan3A_8) -> (i32)  : i32 {
      %mul3A_119 = arith.constant 64 : i32
      %mul3A_120 = arith.muli %scan3A_117, %mul3A_119 : i32
      %add3A_121 = arith.addi %multiple_of3A, %mul3A_120 : i32
      "tpu.region"() ({
        %run_scoped3A = tpu.sem_alloc : memref<!tpu.dma_semaphore, #tpu.memory_space<semaphore_mem>>
        %dma_start3A_123 = arith.constant 0 : i32
        %dma_start3A_124 = tpu.memref_slice %arg6[%add3A_121, %dma_start3A_123] : memref<10240x128xf32, #tpu.memory_space<vmem_shared>> -> memref<64x128xf32, #tpu.memory_space<vmem_shared>>
        %dma_start3A_125 = arith.constant 0 : i32
        %dma_start3A_126 = tpu.memref_slice %arg6[%add3A_121, %dma_start3A_125] : memref<10240x128xf32, #tpu.memory_space<vmem_shared>> -> memref<64x128xf32, #tpu.memory_space<vmem_shared>>
        tpu.enqueue_dma source(%arg9 : memref<64x128xf32, #tpu.memory_space<vmem>>) target(%dma_start3A_126 : memref<64x128xf32, #tpu.memory_space<vmem_shared>>) target_semaphore(%run_scoped3A : memref<!tpu.dma_semaphore, #tpu.memory_space<semaphore_mem>>)
        %dma_wait3A_127 = arith.constant 0 : i32
        %dma_wait3A_128 = tpu.memref_slice %arg6[%add3A_121, %dma_wait3A_127] : memref<10240x128xf32, #tpu.memory_space<vmem_shared>> -> memref<64x128xf32, #tpu.memory_space<vmem_shared>>
        %dma_wait3A_129 = arith.constant 0 : i32
        %dma_wait3A_130 = tpu.memref_slice %arg6[%add3A_121, %dma_wait3A_129] : memref<10240x128xf32, #tpu.memory_space<vmem_shared>> -> memref<64x128xf32, #tpu.memory_space<vmem_shared>>
        tpu.wait_dma2 semaphore(%run_scoped3A : memref<!tpu.dma_semaphore, #tpu.memory_space<semaphore_mem>>) src(%arg9 : memref<64x128xf32, #tpu.memory_space<vmem>>) dst(%dma_wait3A_130 : memref<64x128xf32, #tpu.memory_space<vmem_shared>>)
        tpu.yield
      }) : () -> ()
      %scan3A_122 = arith.constant 0 : i32
      scf.yield %scan3A_122 : i32
    }
    %scan3A_14 = arith.constant 10 : i32
    %barrier3A = arith.constant 0 : index
    tpu.barrier barrier_id(%barrier3A)
    %mul3A_15 = arith.constant 16 : i32
    %mul3A_16 = arith.muli %arg0, %mul3A_15 : i32
    %add3A = arith.addi %mul3A_16, %arg1 : i32
    "tpu.region"() ({
      %run_scoped3A = tpu.sem_alloc : memref<!tpu.dma_semaphore, #tpu.memory_space<semaphore_mem>>
      %dma_start3A_117 = arith.constant 0 : i32
      %dma_start3A_118 = arith.constant 0 : i32
      %dma_start3A_119 = tpu.memref_slice %arg3[%add3A, %dma_start3A_117, %dma_start3A_118] : memref<32x160x64xi32, #tpu.memory_space<hbm>> -> memref<1x40x64xi32, #tpu.memory_space<hbm>>
      %dma_start3A_120 = tpu.memref_squeeze %dma_start3A_119 : memref<1x40x64xi32, #tpu.memory_space<hbm>> -> memref<40x64xi32, #tpu.memory_space<hbm>>
      %dma_start3A_121 = arith.constant 0 : i32
      %dma_start3A_122 = arith.constant 0 : i32
      %dma_start3A_123 = tpu.memref_slice %arg3[%add3A, %dma_start3A_121, %dma_start3A_122] : memref<32x160x64xi32, #tpu.memory_space<hbm>> -> memref<1x40x64xi32, #tpu.memory_space<hbm>>
      %dma_start3A_124 = tpu.memref_squeeze %dma_start3A_123 : memref<1x40x64xi32, #tpu.memory_space<hbm>> -> memref<40x64xi32, #tpu.memory_space<hbm>>
      tpu.enqueue_dma source(%dma_start3A_124 : memref<40x64xi32, #tpu.memory_space<hbm>>) target(%arg7 : memref<40x64xi32, #tpu.memory_space<vmem>>) target_semaphore(%run_scoped3A : memref<!tpu.dma_semaphore, #tpu.memory_space<semaphore_mem>>)
      %dma_wait3A_125 = arith.constant 0 : i32
      %dma_wait3A_126 = arith.constant 0 : i32
      %dma_wait3A_127 = tpu.memref_slice %arg3[%add3A, %dma_wait3A_125, %dma_wait3A_126] : memref<32x160x64xi32, #tpu.memory_space<hbm>> -> memref<1x40x64xi32, #tpu.memory_space<hbm>>
      %dma_wait3A_128 = tpu.memref_squeeze %dma_wait3A_127 : memref<1x40x64xi32, #tpu.memory_space<hbm>> -> memref<40x64xi32, #tpu.memory_space<hbm>>
      %dma_wait3A_129 = arith.constant 0 : i32
      %dma_wait3A_130 = arith.constant 0 : i32
      %dma_wait3A_131 = tpu.memref_slice %arg3[%add3A, %dma_wait3A_129, %dma_wait3A_130] : memref<32x160x64xi32, #tpu.memory_space<hbm>> -> memref<1x40x64xi32, #tpu.memory_space<hbm>>
      %dma_wait3A_132 = tpu.memref_squeeze %dma_wait3A_131 : memref<1x40x64xi32, #tpu.memory_space<hbm>> -> memref<40x64xi32, #tpu.memory_space<hbm>>
      tpu.wait_dma2 semaphore(%run_scoped3A : memref<!tpu.dma_semaphore, #tpu.memory_space<semaphore_mem>>) src(%dma_wait3A_132 : memref<40x64xi32, #tpu.memory_space<hbm>>) dst(%arg7 : memref<40x64xi32, #tpu.memory_space<vmem>>)
      tpu.yield
    }) : () -> ()
    "tpu.region"() ({
      %run_scoped3A = tpu.sem_alloc : memref<!tpu.dma_semaphore, #tpu.memory_space<semaphore_mem>>
      %dma_start3A_117 = arith.constant 0 : i32
      %dma_start3A_118 = arith.constant 0 : i32
      %dma_start3A_119 = tpu.memref_slice %arg4[%add3A, %dma_start3A_117, %dma_start3A_118] : memref<32x160x64xi32, #tpu.memory_space<hbm>> -> memref<1x40x64xi32, #tpu.memory_space<hbm>>
      %dma_start3A_120 = tpu.memref_squeeze %dma_start3A_119 : memref<1x40x64xi32, #tpu.memory_space<hbm>> -> memref<40x64xi32, #tpu.memory_space<hbm>>
      %dma_start3A_121 = arith.constant 0 : i32
      %dma_start3A_122 = arith.constant 0 : i32
      %dma_start3A_123 = tpu.memref_slice %arg4[%add3A, %dma_start3A_121, %dma_start3A_122] : memref<32x160x64xi32, #tpu.memory_space<hbm>> -> memref<1x40x64xi32, #tpu.memory_space<hbm>>
      %dma_start3A_124 = tpu.memref_squeeze %dma_start3A_123 : memref<1x40x64xi32, #tpu.memory_space<hbm>> -> memref<40x64xi32, #tpu.memory_space<hbm>>
      tpu.enqueue_dma source(%dma_start3A_124 : memref<40x64xi32, #tpu.memory_space<hbm>>) target(%arg8 : memref<40x64xi32, #tpu.memory_space<vmem>>) target_semaphore(%run_scoped3A : memref<!tpu.dma_semaphore, #tpu.memory_space<semaphore_mem>>)
      %dma_wait3A_125 = arith.constant 0 : i32
      %dma_wait3A_126 = arith.constant 0 : i32
      %dma_wait3A_127 = tpu.memref_slice %arg4[%add3A, %dma_wait3A_125, %dma_wait3A_126] : memref<32x160x64xi32, #tpu.memory_space<hbm>> -> memref<1x40x64xi32, #tpu.memory_space<hbm>>
      %dma_wait3A_128 = tpu.memref_squeeze %dma_wait3A_127 : memref<1x40x64xi32, #tpu.memory_space<hbm>> -> memref<40x64xi32, #tpu.memory_space<hbm>>
      %dma_wait3A_129 = arith.constant 0 : i32
      %dma_wait3A_130 = arith.constant 0 : i32
      %dma_wait3A_131 = tpu.memref_slice %arg4[%add3A, %dma_wait3A_129, %dma_wait3A_130] : memref<32x160x64xi32, #tpu.memory_space<hbm>> -> memref<1x40x64xi32, #tpu.memory_space<hbm>>
      %dma_wait3A_132 = tpu.memref_squeeze %dma_wait3A_131 : memref<1x40x64xi32, #tpu.memory_space<hbm>> -> memref<40x64xi32, #tpu.memory_space<hbm>>
      tpu.wait_dma2 semaphore(%run_scoped3A : memref<!tpu.dma_semaphore, #tpu.memory_space<semaphore_mem>>) src(%dma_wait3A_132 : memref<40x64xi32, #tpu.memory_space<hbm>>) dst(%arg8 : memref<40x64xi32, #tpu.memory_space<vmem>>)
      tpu.yield
    }) : () -> ()
    %dma_start3A = arith.constant 0 : i32
    %dma_start3A_17 = arith.constant 0 : i32
    %dma_start3A_18 = tpu.memref_slice %arg7[%dma_start3A, %dma_start3A_17] : memref<40x64xi32, #tpu.memory_space<vmem>> -> memref<1x64xi32, #tpu.memory_space<vmem>>
    %dma_start3A_19 = tpu.memref_squeeze %dma_start3A_18 : memref<1x64xi32, #tpu.memory_space<vmem>> -> memref<64xi32, #tpu.memory_space<vmem>>
    %dma_start3A_20 = arith.constant 0 : i32
    %dma_start3A_21 = arith.constant 0 : i32
    %dma_start3A_22 = tpu.memref_slice %arg2[%dma_start3A_20, %dma_start3A_21] : memref<10000x128xf32, #tpu.memory_space<hbm>> -> memref<10000x128xf32, #tpu.memory_space<hbm>>
    tpu.enqueue_indirect_dma source(%dma_start3A_22 : memref<10000x128xf32, #tpu.memory_space<hbm>>) target(%arg9 : memref<64x128xf32, #tpu.memory_space<vmem>>) offsets(%dma_start3A_19 : memref<64xi32, #tpu.memory_space<vmem>>) semaphore(%arg13 : memref<!tpu.dma_semaphore, #tpu.memory_space<semaphore_mem>>)
    %dma_start3A_23 = arith.constant 1 : i32
    %dma_start3A_24 = arith.constant 0 : i32
    %dma_start3A_25 = tpu.memref_slice %arg7[%dma_start3A_23, %dma_start3A_24] : memref<40x64xi32, #tpu.memory_space<vmem>> -> memref<1x64xi32, #tpu.memory_space<vmem>>
    %dma_start3A_26 = tpu.memref_squeeze %dma_start3A_25 : memref<1x64xi32, #tpu.memory_space<vmem>> -> memref<64xi32, #tpu.memory_space<vmem>>
    %dma_start3A_27 = arith.constant 0 : i32
    %dma_start3A_28 = arith.constant 0 : i32
    %dma_start3A_29 = tpu.memref_slice %arg2[%dma_start3A_27, %dma_start3A_28] : memref<10000x128xf32, #tpu.memory_space<hbm>> -> memref<10000x128xf32, #tpu.memory_space<hbm>>
    tpu.enqueue_indirect_dma source(%dma_start3A_29 : memref<10000x128xf32, #tpu.memory_space<hbm>>) target(%arg10 : memref<64x128xf32, #tpu.memory_space<vmem>>) offsets(%dma_start3A_26 : memref<64xi32, #tpu.memory_space<vmem>>) semaphore(%arg14 : memref<!tpu.dma_semaphore, #tpu.memory_space<semaphore_mem>>)
    %scan3A_30 = arith.constant 0 : i32
    %scan3A_31 = arith.constant 0 : i32
    %scan3A_32 = arith.constant 10 : i32
    %scan3A_33 = arith.addi %scan3A_31, %scan3A_32 : i32
    %scan3A_34 = arith.constant 1 : i32
    %scan3A_35 = scf.for %scan3A_117 = %scan3A_31 to %scan3A_33 step %scan3A_34 iter_args(%scan3A_118 = %scan3A_30) -> (i32)  : i32 {
      %mul3A_119 = arith.constant 4 : i32
      %mul3A_120 = arith.muli %mul3A_119, %scan3A_117 : i32
      %gt3A = arith.constant 0 : i32
      %gt3A_121 = arith.cmpi sgt, %scan3A_117, %gt3A : i32
      %convert_element_type3A = arith.extui %gt3A_121 : i1 to i32
      %cond3A = arith.constant 0 : i32
      %cond3A_122 = arith.cmpi ne, %convert_element_type3A, %cond3A : i32
      scf.if %cond3A_122 {
        %dma_wait3A_206 = arith.constant 0 : i32
        %dma_wait3A_207 = arith.constant 0 : i32
        %dma_wait3A_208 = tpu.memref_slice %arg8[%dma_wait3A_206, %dma_wait3A_207] : memref<40x64xi32, #tpu.memory_space<vmem>> -> memref<1x64xi32, #tpu.memory_space<vmem>>
        %dma_wait3A_209 = tpu.memref_squeeze %dma_wait3A_208 : memref<1x64xi32, #tpu.memory_space<vmem>> -> memref<64xi32, #tpu.memory_space<vmem>>
        %dma_wait3A_210 = arith.constant 0 : i32
        %dma_wait3A_211 = arith.constant 0 : i32
        %dma_wait3A_212 = tpu.memref_slice %arg6[%dma_wait3A_210, %dma_wait3A_211] : memref<10240x128xf32, #tpu.memory_space<vmem_shared>> -> memref<10240x128xf32, #tpu.memory_space<vmem_shared>>
        tpu.wait_indirect_dma semaphore(%arg19 : memref<!tpu.dma_semaphore, #tpu.memory_space<semaphore_mem>>) src(%arg11 : memref<64x128xf32, #tpu.memory_space<vmem>>) dst(%dma_wait3A_212 : memref<10240x128xf32, #tpu.memory_space<vmem_shared>>)
        %add3A_213 = arith.constant 2 : i32
        %add3A_214 = arith.addi %mul3A_120, %add3A_213 : i32
        %dma_start3A_215 = arith.constant 0 : i32
        %dma_start3A_216 = tpu.memref_slice %arg7[%add3A_214, %dma_start3A_215] : memref<40x64xi32, #tpu.memory_space<vmem>> -> memref<1x64xi32, #tpu.memory_space<vmem>>
        %dma_start3A_217 = tpu.memref_squeeze %dma_start3A_216 : memref<1x64xi32, #tpu.memory_space<vmem>> -> memref<64xi32, #tpu.memory_space<vmem>>
        %dma_start3A_218 = arith.constant 0 : i32
        %dma_start3A_219 = arith.constant 0 : i32
        %dma_start3A_220 = tpu.memref_slice %arg2[%dma_start3A_218, %dma_start3A_219] : memref<10000x128xf32, #tpu.memory_space<hbm>> -> memref<10000x128xf32, #tpu.memory_space<hbm>>
        tpu.enqueue_indirect_dma source(%dma_start3A_220 : memref<10000x128xf32, #tpu.memory_space<hbm>>) target(%arg11 : memref<64x128xf32, #tpu.memory_space<vmem>>) offsets(%dma_start3A_217 : memref<64xi32, #tpu.memory_space<vmem>>) semaphore(%arg15 : memref<!tpu.dma_semaphore, #tpu.memory_space<semaphore_mem>>)
        %dma_wait3A_221 = arith.constant 0 : i32
        %dma_wait3A_222 = arith.constant 0 : i32
        %dma_wait3A_223 = tpu.memref_slice %arg8[%dma_wait3A_221, %dma_wait3A_222] : memref<40x64xi32, #tpu.memory_space<vmem>> -> memref<1x64xi32, #tpu.memory_space<vmem>>
        %dma_wait3A_224 = tpu.memref_squeeze %dma_wait3A_223 : memref<1x64xi32, #tpu.memory_space<vmem>> -> memref<64xi32, #tpu.memory_space<vmem>>
        %dma_wait3A_225 = arith.constant 0 : i32
        %dma_wait3A_226 = arith.constant 0 : i32
        %dma_wait3A_227 = tpu.memref_slice %arg6[%dma_wait3A_225, %dma_wait3A_226] : memref<10240x128xf32, #tpu.memory_space<vmem_shared>> -> memref<10240x128xf32, #tpu.memory_space<vmem_shared>>
        tpu.wait_indirect_dma semaphore(%arg20 : memref<!tpu.dma_semaphore, #tpu.memory_space<semaphore_mem>>) src(%arg12 : memref<64x128xf32, #tpu.memory_space<vmem>>) dst(%dma_wait3A_227 : memref<10240x128xf32, #tpu.memory_space<vmem_shared>>)
        %add3A_228 = arith.constant 3 : i32
        %add3A_229 = arith.addi %mul3A_120, %add3A_228 : i32
        %dma_start3A_230 = arith.constant 0 : i32
        %dma_start3A_231 = tpu.memref_slice %arg7[%add3A_229, %dma_start3A_230] : memref<40x64xi32, #tpu.memory_space<vmem>> -> memref<1x64xi32, #tpu.memory_space<vmem>>
        %dma_start3A_232 = tpu.memref_squeeze %dma_start3A_231 : memref<1x64xi32, #tpu.memory_space<vmem>> -> memref<64xi32, #tpu.memory_space<vmem>>
        %dma_start3A_233 = arith.constant 0 : i32
        %dma_start3A_234 = arith.constant 0 : i32
        %dma_start3A_235 = tpu.memref_slice %arg2[%dma_start3A_233, %dma_start3A_234] : memref<10000x128xf32, #tpu.memory_space<hbm>> -> memref<10000x128xf32, #tpu.memory_space<hbm>>
        tpu.enqueue_indirect_dma source(%dma_start3A_235 : memref<10000x128xf32, #tpu.memory_space<hbm>>) target(%arg12 : memref<64x128xf32, #tpu.memory_space<vmem>>) offsets(%dma_start3A_232 : memref<64xi32, #tpu.memory_space<vmem>>) semaphore(%arg16 : memref<!tpu.dma_semaphore, #tpu.memory_space<semaphore_mem>>)
      } else {
      }
      %eq3A = arith.constant 0 : i32
      %eq3A_123 = arith.cmpi eq, %scan3A_117, %eq3A : i32
      %convert_element_type3A_124 = arith.extui %eq3A_123 : i1 to i32
      %cond3A_125 = arith.constant 0 : i32
      %cond3A_126 = arith.cmpi ne, %convert_element_type3A_124, %cond3A_125 : i32
      scf.if %cond3A_126 {
        %dma_start3A_206 = arith.constant 2 : i32
        %dma_start3A_207 = arith.constant 0 : i32
        %dma_start3A_208 = tpu.memref_slice %arg7[%dma_start3A_206, %dma_start3A_207] : memref<40x64xi32, #tpu.memory_space<vmem>> -> memref<1x64xi32, #tpu.memory_space<vmem>>
        %dma_start3A_209 = tpu.memref_squeeze %dma_start3A_208 : memref<1x64xi32, #tpu.memory_space<vmem>> -> memref<64xi32, #tpu.memory_space<vmem>>
        %dma_start3A_210 = arith.constant 0 : i32
        %dma_start3A_211 = arith.constant 0 : i32
        %dma_start3A_212 = tpu.memref_slice %arg2[%dma_start3A_210, %dma_start3A_211] : memref<10000x128xf32, #tpu.memory_space<hbm>> -> memref<10000x128xf32, #tpu.memory_space<hbm>>
        tpu.enqueue_indirect_dma source(%dma_start3A_212 : memref<10000x128xf32, #tpu.memory_space<hbm>>) target(%arg11 : memref<64x128xf32, #tpu.memory_space<vmem>>) offsets(%dma_start3A_209 : memref<64xi32, #tpu.memory_space<vmem>>) semaphore(%arg15 : memref<!tpu.dma_semaphore, #tpu.memory_space<semaphore_mem>>)
        %dma_start3A_213 = arith.constant 3 : i32
        %dma_start3A_214 = arith.constant 0 : i32
        %dma_start3A_215 = tpu.memref_slice %arg7[%dma_start3A_213, %dma_start3A_214] : memref<40x64xi32, #tpu.memory_space<vmem>> -> memref<1x64xi32, #tpu.memory_space<vmem>>
        %dma_start3A_216 = tpu.memref_squeeze %dma_start3A_215 : memref<1x64xi32, #tpu.memory_space<vmem>> -> memref<64xi32, #tpu.memory_space<vmem>>
        %dma_start3A_217 = arith.constant 0 : i32
        %dma_start3A_218 = arith.constant 0 : i32
        %dma_start3A_219 = tpu.memref_slice %arg2[%dma_start3A_217, %dma_start3A_218] : memref<10000x128xf32, #tpu.memory_space<hbm>> -> memref<10000x128xf32, #tpu.memory_space<hbm>>
        tpu.enqueue_indirect_dma source(%dma_start3A_219 : memref<10000x128xf32, #tpu.memory_space<hbm>>) target(%arg12 : memref<64x128xf32, #tpu.memory_space<vmem>>) offsets(%dma_start3A_216 : memref<64xi32, #tpu.memory_space<vmem>>) semaphore(%arg16 : memref<!tpu.dma_semaphore, #tpu.memory_space<semaphore_mem>>)
      } else {
      }
      %dma_wait3A_127 = arith.constant 0 : i32
      %dma_wait3A_128 = arith.constant 0 : i32
      %dma_wait3A_129 = tpu.memref_slice %arg7[%dma_wait3A_127, %dma_wait3A_128] : memref<40x64xi32, #tpu.memory_space<vmem>> -> memref<1x64xi32, #tpu.memory_space<vmem>>
      %dma_wait3A_130 = tpu.memref_squeeze %dma_wait3A_129 : memref<1x64xi32, #tpu.memory_space<vmem>> -> memref<64xi32, #tpu.memory_space<vmem>>
      %dma_wait3A_131 = arith.constant 0 : i32
      %dma_wait3A_132 = arith.constant 0 : i32
      %dma_wait3A_133 = tpu.memref_slice %arg2[%dma_wait3A_131, %dma_wait3A_132] : memref<10000x128xf32, #tpu.memory_space<hbm>> -> memref<10000x128xf32, #tpu.memory_space<hbm>>
      tpu.wait_indirect_dma semaphore(%arg13 : memref<!tpu.dma_semaphore, #tpu.memory_space<semaphore_mem>>) src(%dma_wait3A_133 : memref<10000x128xf32, #tpu.memory_space<hbm>>) dst(%arg9 : memref<64x128xf32, #tpu.memory_space<vmem>>)
      %dma_start3A_134 = arith.constant 0 : i32
      %dma_start3A_135 = tpu.memref_slice %arg8[%mul3A_120, %dma_start3A_134] : memref<40x64xi32, #tpu.memory_space<vmem>> -> memref<1x64xi32, #tpu.memory_space<vmem>>
      %dma_start3A_136 = tpu.memref_squeeze %dma_start3A_135 : memref<1x64xi32, #tpu.memory_space<vmem>> -> memref<64xi32, #tpu.memory_space<vmem>>
      %dma_start3A_137 = arith.constant 0 : i32
      %dma_start3A_138 = arith.constant 0 : i32
      %dma_start3A_139 = tpu.memref_slice %arg6[%dma_start3A_137, %dma_start3A_138] : memref<10240x128xf32, #tpu.memory_space<vmem_shared>> -> memref<10240x128xf32, #tpu.memory_space<vmem_shared>>
      tpu.enqueue_indirect_dma source(%arg9 : memref<64x128xf32, #tpu.memory_space<vmem>>) target(%dma_start3A_139 : memref<10240x128xf32, #tpu.memory_space<vmem_shared>>) offsets(%dma_start3A_136 : memref<64xi32, #tpu.memory_space<vmem>>) semaphore(%arg17 : memref<!tpu.dma_semaphore, #tpu.memory_space<semaphore_mem>>) {add = true}
      %dma_wait3A_140 = arith.constant 0 : i32
      %dma_wait3A_141 = arith.constant 0 : i32
      %dma_wait3A_142 = tpu.memref_slice %arg7[%dma_wait3A_140, %dma_wait3A_141] : memref<40x64xi32, #tpu.memory_space<vmem>> -> memref<1x64xi32, #tpu.memory_space<vmem>>
      %dma_wait3A_143 = tpu.memref_squeeze %dma_wait3A_142 : memref<1x64xi32, #tpu.memory_space<vmem>> -> memref<64xi32, #tpu.memory_space<vmem>>
      %dma_wait3A_144 = arith.constant 0 : i32
      %dma_wait3A_145 = arith.constant 0 : i32
      %dma_wait3A_146 = tpu.memref_slice %arg2[%dma_wait3A_144, %dma_wait3A_145] : memref<10000x128xf32, #tpu.memory_space<hbm>> -> memref<10000x128xf32, #tpu.memory_space<hbm>>
      tpu.wait_indirect_dma semaphore(%arg14 : memref<!tpu.dma_semaphore, #tpu.memory_space<semaphore_mem>>) src(%dma_wait3A_146 : memref<10000x128xf32, #tpu.memory_space<hbm>>) dst(%arg10 : memref<64x128xf32, #tpu.memory_space<vmem>>)
      %add3A_147 = arith.constant 1 : i32
      %add3A_148 = arith.addi %mul3A_120, %add3A_147 : i32
      %dma_start3A_149 = arith.constant 0 : i32
      %dma_start3A_150 = tpu.memref_slice %arg8[%add3A_148, %dma_start3A_149] : memref<40x64xi32, #tpu.memory_space<vmem>> -> memref<1x64xi32, #tpu.memory_space<vmem>>
      %dma_start3A_151 = tpu.memref_squeeze %dma_start3A_150 : memref<1x64xi32, #tpu.memory_space<vmem>> -> memref<64xi32, #tpu.memory_space<vmem>>
      %dma_start3A_152 = arith.constant 0 : i32
      %dma_start3A_153 = arith.constant 0 : i32
      %dma_start3A_154 = tpu.memref_slice %arg6[%dma_start3A_152, %dma_start3A_153] : memref<10240x128xf32, #tpu.memory_space<vmem_shared>> -> memref<10240x128xf32, #tpu.memory_space<vmem_shared>>
      tpu.enqueue_indirect_dma source(%arg10 : memref<64x128xf32, #tpu.memory_space<vmem>>) target(%dma_start3A_154 : memref<10240x128xf32, #tpu.memory_space<vmem_shared>>) offsets(%dma_start3A_151 : memref<64xi32, #tpu.memory_space<vmem>>) semaphore(%arg18 : memref<!tpu.dma_semaphore, #tpu.memory_space<semaphore_mem>>) {add = true}
      %add3A_155 = arith.constant 1 : i32
      %add3A_156 = arith.addi %scan3A_117, %add3A_155 : i32
      %lt3A = arith.constant 10 : i32
      %lt3A_157 = arith.cmpi slt, %add3A_156, %lt3A : i32
      %convert_element_type3A_158 = arith.extui %lt3A_157 : i1 to i32
      %cond3A_159 = arith.constant 0 : i32
      %cond3A_160 = arith.cmpi ne, %convert_element_type3A_158, %cond3A_159 : i32
      scf.if %cond3A_160 {
        %dma_wait3A_206 = arith.constant 0 : i32
        %dma_wait3A_207 = arith.constant 0 : i32
        %dma_wait3A_208 = tpu.memref_slice %arg8[%dma_wait3A_206, %dma_wait3A_207] : memref<40x64xi32, #tpu.memory_space<vmem>> -> memref<1x64xi32, #tpu.memory_space<vmem>>
        %dma_wait3A_209 = tpu.memref_squeeze %dma_wait3A_208 : memref<1x64xi32, #tpu.memory_space<vmem>> -> memref<64xi32, #tpu.memory_space<vmem>>
        %dma_wait3A_210 = arith.constant 0 : i32
        %dma_wait3A_211 = arith.constant 0 : i32
        %dma_wait3A_212 = tpu.memref_slice %arg6[%dma_wait3A_210, %dma_wait3A_211] : memref<10240x128xf32, #tpu.memory_space<vmem_shared>> -> memref<10240x128xf32, #tpu.memory_space<vmem_shared>>
        tpu.wait_indirect_dma semaphore(%arg17 : memref<!tpu.dma_semaphore, #tpu.memory_space<semaphore_mem>>) src(%arg9 : memref<64x128xf32, #tpu.memory_space<vmem>>) dst(%dma_wait3A_212 : memref<10240x128xf32, #tpu.memory_space<vmem_shared>>)
        %add3A_213 = arith.constant 4 : i32
        %add3A_214 = arith.addi %mul3A_120, %add3A_213 : i32
        %dma_start3A_215 = arith.constant 0 : i32
        %dma_start3A_216 = tpu.memref_slice %arg7[%add3A_214, %dma_start3A_215] : memref<40x64xi32, #tpu.memory_space<vmem>> -> memref<1x64xi32, #tpu.memory_space<vmem>>
        %dma_start3A_217 = tpu.memref_squeeze %dma_start3A_216 : memref<1x64xi32, #tpu.memory_space<vmem>> -> memref<64xi32, #tpu.memory_space<vmem>>
        %dma_start3A_218 = arith.constant 0 : i32
        %dma_start3A_219 = arith.constant 0 : i32
        %dma_start3A_220 = tpu.memref_slice %arg2[%dma_start3A_218, %dma_start3A_219] : memref<10000x128xf32, #tpu.memory_space<hbm>> -> memref<10000x128xf32, #tpu.memory_space<hbm>>
        tpu.enqueue_indirect_dma source(%dma_start3A_220 : memref<10000x128xf32, #tpu.memory_space<hbm>>) target(%arg9 : memref<64x128xf32, #tpu.memory_space<vmem>>) offsets(%dma_start3A_217 : memref<64xi32, #tpu.memory_space<vmem>>) semaphore(%arg13 : memref<!tpu.dma_semaphore, #tpu.memory_space<semaphore_mem>>)
        %dma_wait3A_221 = arith.constant 0 : i32
        %dma_wait3A_222 = arith.constant 0 : i32
        %dma_wait3A_223 = tpu.memref_slice %arg8[%dma_wait3A_221, %dma_wait3A_222] : memref<40x64xi32, #tpu.memory_space<vmem>> -> memref<1x64xi32, #tpu.memory_space<vmem>>
        %dma_wait3A_224 = tpu.memref_squeeze %dma_wait3A_223 : memref<1x64xi32, #tpu.memory_space<vmem>> -> memref<64xi32, #tpu.memory_space<vmem>>
        %dma_wait3A_225 = arith.constant 0 : i32
        %dma_wait3A_226 = arith.constant 0 : i32
        %dma_wait3A_227 = tpu.memref_slice %arg6[%dma_wait3A_225, %dma_wait3A_226] : memref<10240x128xf32, #tpu.memory_space<vmem_shared>> -> memref<10240x128xf32, #tpu.memory_space<vmem_shared>>
        tpu.wait_indirect_dma semaphore(%arg18 : memref<!tpu.dma_semaphore, #tpu.memory_space<semaphore_mem>>) src(%arg10 : memref<64x128xf32, #tpu.memory_space<vmem>>) dst(%dma_wait3A_227 : memref<10240x128xf32, #tpu.memory_space<vmem_shared>>)
        %add3A_228 = arith.constant 5 : i32
        %add3A_229 = arith.addi %mul3A_120, %add3A_228 : i32
        %dma_start3A_230 = arith.constant 0 : i32
        %dma_start3A_231 = tpu.memref_slice %arg7[%add3A_229, %dma_start3A_230] : memref<40x64xi32, #tpu.memory_space<vmem>> -> memref<1x64xi32, #tpu.memory_space<vmem>>
        %dma_start3A_232 = tpu.memref_squeeze %dma_start3A_231 : memref<1x64xi32, #tpu.memory_space<vmem>> -> memref<64xi32, #tpu.memory_space<vmem>>
        %dma_start3A_233 = arith.constant 0 : i32
        %dma_start3A_234 = arith.constant 0 : i32
        %dma_start3A_235 = tpu.memref_slice %arg2[%dma_start3A_233, %dma_start3A_234] : memref<10000x128xf32, #tpu.memory_space<hbm>> -> memref<10000x128xf32, #tpu.memory_space<hbm>>
        tpu.enqueue_indirect_dma source(%dma_start3A_235 : memref<10000x128xf32, #tpu.memory_space<hbm>>) target(%arg10 : memref<64x128xf32, #tpu.memory_space<vmem>>) offsets(%dma_start3A_232 : memref<64xi32, #tpu.memory_space<vmem>>) semaphore(%arg14 : memref<!tpu.dma_semaphore, #tpu.memory_space<semaphore_mem>>)
      } else {
      }
      %add3A_161 = arith.constant 1 : i32
      %add3A_162 = arith.addi %scan3A_117, %add3A_161 : i32
      %eq3A_163 = arith.constant 10 : i32
      %eq3A_164 = arith.cmpi eq, %add3A_162, %eq3A_163 : i32
      %convert_element_type3A_165 = arith.extui %eq3A_164 : i1 to i32
      %cond3A_166 = arith.constant 0 : i32
      %cond3A_167 = arith.cmpi ne, %convert_element_type3A_165, %cond3A_166 : i32
      scf.if %cond3A_167 {
        %dma_wait3A_206 = arith.constant 0 : i32
        %dma_wait3A_207 = arith.constant 0 : i32
        %dma_wait3A_208 = tpu.memref_slice %arg8[%dma_wait3A_206, %dma_wait3A_207] : memref<40x64xi32, #tpu.memory_space<vmem>> -> memref<1x64xi32, #tpu.memory_space<vmem>>
        %dma_wait3A_209 = tpu.memref_squeeze %dma_wait3A_208 : memref<1x64xi32, #tpu.memory_space<vmem>> -> memref<64xi32, #tpu.memory_space<vmem>>
        %dma_wait3A_210 = arith.constant 0 : i32
        %dma_wait3A_211 = arith.constant 0 : i32
        %dma_wait3A_212 = tpu.memref_slice %arg6[%dma_wait3A_210, %dma_wait3A_211] : memref<10240x128xf32, #tpu.memory_space<vmem_shared>> -> memref<10240x128xf32, #tpu.memory_space<vmem_shared>>
        tpu.wait_indirect_dma semaphore(%arg17 : memref<!tpu.dma_semaphore, #tpu.memory_space<semaphore_mem>>) src(%arg9 : memref<64x128xf32, #tpu.memory_space<vmem>>) dst(%dma_wait3A_212 : memref<10240x128xf32, #tpu.memory_space<vmem_shared>>)
        %dma_wait3A_213 = arith.constant 0 : i32
        %dma_wait3A_214 = arith.constant 0 : i32
        %dma_wait3A_215 = tpu.memref_slice %arg8[%dma_wait3A_213, %dma_wait3A_214] : memref<40x64xi32, #tpu.memory_space<vmem>> -> memref<1x64xi32, #tpu.memory_space<vmem>>
        %dma_wait3A_216 = tpu.memref_squeeze %dma_wait3A_215 : memref<1x64xi32, #tpu.memory_space<vmem>> -> memref<64xi32, #tpu.memory_space<vmem>>
        %dma_wait3A_217 = arith.constant 0 : i32
        %dma_wait3A_218 = arith.constant 0 : i32
        %dma_wait3A_219 = tpu.memref_slice %arg6[%dma_wait3A_217, %dma_wait3A_218] : memref<10240x128xf32, #tpu.memory_space<vmem_shared>> -> memref<10240x128xf32, #tpu.memory_space<vmem_shared>>
        tpu.wait_indirect_dma semaphore(%arg18 : memref<!tpu.dma_semaphore, #tpu.memory_space<semaphore_mem>>) src(%arg10 : memref<64x128xf32, #tpu.memory_space<vmem>>) dst(%dma_wait3A_219 : memref<10240x128xf32, #tpu.memory_space<vmem_shared>>)
      } else {
      }
      %dma_wait3A_168 = arith.constant 0 : i32
      %dma_wait3A_169 = arith.constant 0 : i32
      %dma_wait3A_170 = tpu.memref_slice %arg7[%dma_wait3A_168, %dma_wait3A_169] : memref<40x64xi32, #tpu.memory_space<vmem>> -> memref<1x64xi32, #tpu.memory_space<vmem>>
      %dma_wait3A_171 = tpu.memref_squeeze %dma_wait3A_170 : memref<1x64xi32, #tpu.memory_space<vmem>> -> memref<64xi32, #tpu.memory_space<vmem>>
      %dma_wait3A_172 = arith.constant 0 : i32
      %dma_wait3A_173 = arith.constant 0 : i32
      %dma_wait3A_174 = tpu.memref_slice %arg2[%dma_wait3A_172, %dma_wait3A_173] : memref<10000x128xf32, #tpu.memory_space<hbm>> -> memref<10000x128xf32, #tpu.memory_space<hbm>>
      tpu.wait_indirect_dma semaphore(%arg15 : memref<!tpu.dma_semaphore, #tpu.memory_space<semaphore_mem>>) src(%dma_wait3A_174 : memref<10000x128xf32, #tpu.memory_space<hbm>>) dst(%arg11 : memref<64x128xf32, #tpu.memory_space<vmem>>)
      %add3A_175 = arith.constant 2 : i32
      %add3A_176 = arith.addi %mul3A_120, %add3A_175 : i32
      %dma_start3A_177 = arith.constant 0 : i32
      %dma_start3A_178 = tpu.memref_slice %arg8[%add3A_176, %dma_start3A_177] : memref<40x64xi32, #tpu.memory_space<vmem>> -> memref<1x64xi32, #tpu.memory_space<vmem>>
      %dma_start3A_179 = tpu.memref_squeeze %dma_start3A_178 : memref<1x64xi32, #tpu.memory_space<vmem>> -> memref<64xi32, #tpu.memory_space<vmem>>
      %dma_start3A_180 = arith.constant 0 : i32
      %dma_start3A_181 = arith.constant 0 : i32
      %dma_start3A_182 = tpu.memref_slice %arg6[%dma_start3A_180, %dma_start3A_181] : memref<10240x128xf32, #tpu.memory_space<vmem_shared>> -> memref<10240x128xf32, #tpu.memory_space<vmem_shared>>
      tpu.enqueue_indirect_dma source(%arg11 : memref<64x128xf32, #tpu.memory_space<vmem>>) target(%dma_start3A_182 : memref<10240x128xf32, #tpu.memory_space<vmem_shared>>) offsets(%dma_start3A_179 : memref<64xi32, #tpu.memory_space<vmem>>) semaphore(%arg19 : memref<!tpu.dma_semaphore, #tpu.memory_space<semaphore_mem>>) {add = true}
      %dma_wait3A_183 = arith.constant 0 : i32
      %dma_wait3A_184 = arith.constant 0 : i32
      %dma_wait3A_185 = tpu.memref_slice %arg7[%dma_wait3A_183, %dma_wait3A_184] : memref<40x64xi32, #tpu.memory_space<vmem>> -> memref<1x64xi32, #tpu.memory_space<vmem>>
      %dma_wait3A_186 = tpu.memref_squeeze %dma_wait3A_185 : memref<1x64xi32, #tpu.memory_space<vmem>> -> memref<64xi32, #tpu.memory_space<vmem>>
      %dma_wait3A_187 = arith.constant 0 : i32
      %dma_wait3A_188 = arith.constant 0 : i32
      %dma_wait3A_189 = tpu.memref_slice %arg2[%dma_wait3A_187, %dma_wait3A_188] : memref<10000x128xf32, #tpu.memory_space<hbm>> -> memref<10000x128xf32, #tpu.memory_space<hbm>>
      tpu.wait_indirect_dma semaphore(%arg16 : memref<!tpu.dma_semaphore, #tpu.memory_space<semaphore_mem>>) src(%dma_wait3A_189 : memref<10000x128xf32, #tpu.memory_space<hbm>>) dst(%arg12 : memref<64x128xf32, #tpu.memory_space<vmem>>)
      %add3A_190 = arith.constant 3 : i32
      %add3A_191 = arith.addi %mul3A_120, %add3A_190 : i32
      %dma_start3A_192 = arith.constant 0 : i32
      %dma_start3A_193 = tpu.memref_slice %arg8[%add3A_191, %dma_start3A_192] : memref<40x64xi32, #tpu.memory_space<vmem>> -> memref<1x64xi32, #tpu.memory_space<vmem>>
      %dma_start3A_194 = tpu.memref_squeeze %dma_start3A_193 : memref<1x64xi32, #tpu.memory_space<vmem>> -> memref<64xi32, #tpu.memory_space<vmem>>
      %dma_start3A_195 = arith.constant 0 : i32
      %dma_start3A_196 = arith.constant 0 : i32
      %dma_start3A_197 = tpu.memref_slice %arg6[%dma_start3A_195, %dma_start3A_196] : memref<10240x128xf32, #tpu.memory_space<vmem_shared>> -> memref<10240x128xf32, #tpu.memory_space<vmem_shared>>
      tpu.enqueue_indirect_dma source(%arg12 : memref<64x128xf32, #tpu.memory_space<vmem>>) target(%dma_start3A_197 : memref<10240x128xf32, #tpu.memory_space<vmem_shared>>) offsets(%dma_start3A_194 : memref<64xi32, #tpu.memory_space<vmem>>) semaphore(%arg20 : memref<!tpu.dma_semaphore, #tpu.memory_space<semaphore_mem>>) {add = true}
      %add3A_198 = arith.constant 1 : i32
      %add3A_199 = arith.addi %scan3A_117, %add3A_198 : i32
      %eq3A_200 = arith.constant 10 : i32
      %eq3A_201 = arith.cmpi eq, %add3A_199, %eq3A_200 : i32
      %convert_element_type3A_202 = arith.extui %eq3A_201 : i1 to i32
      %cond3A_203 = arith.constant 0 : i32
      %cond3A_204 = arith.cmpi ne, %convert_element_type3A_202, %cond3A_203 : i32
      scf.if %cond3A_204 {
        %dma_wait3A_206 = arith.constant 0 : i32
        %dma_wait3A_207 = arith.constant 0 : i32
        %dma_wait3A_208 = tpu.memref_slice %arg8[%dma_wait3A_206, %dma_wait3A_207] : memref<40x64xi32, #tpu.memory_space<vmem>> -> memref<1x64xi32, #tpu.memory_space<vmem>>
        %dma_wait3A_209 = tpu.memref_squeeze %dma_wait3A_208 : memref<1x64xi32, #tpu.memory_space<vmem>> -> memref<64xi32, #tpu.memory_space<vmem>>
        %dma_wait3A_210 = arith.constant 0 : i32
        %dma_wait3A_211 = arith.constant 0 : i32
        %dma_wait3A_212 = tpu.memref_slice %arg6[%dma_wait3A_210, %dma_wait3A_211] : memref<10240x128xf32, #tpu.memory_space<vmem_shared>> -> memref<10240x128xf32, #tpu.memory_space<vmem_shared>>
        tpu.wait_indirect_dma semaphore(%arg19 : memref<!tpu.dma_semaphore, #tpu.memory_space<semaphore_mem>>) src(%arg11 : memref<64x128xf32, #tpu.memory_space<vmem>>) dst(%dma_wait3A_212 : memref<10240x128xf32, #tpu.memory_space<vmem_shared>>)
        %dma_wait3A_213 = arith.constant 0 : i32
        %dma_wait3A_214 = arith.constant 0 : i32
        %dma_wait3A_215 = tpu.memref_slice %arg8[%dma_wait3A_213, %dma_wait3A_214] : memref<40x64xi32, #tpu.memory_space<vmem>> -> memref<1x64xi32, #tpu.memory_space<vmem>>
        %dma_wait3A_216 = tpu.memref_squeeze %dma_wait3A_215 : memref<1x64xi32, #tpu.memory_space<vmem>> -> memref<64xi32, #tpu.memory_space<vmem>>
        %dma_wait3A_217 = arith.constant 0 : i32
        %dma_wait3A_218 = arith.constant 0 : i32
        %dma_wait3A_219 = tpu.memref_slice %arg6[%dma_wait3A_217, %dma_wait3A_218] : memref<10240x128xf32, #tpu.memory_space<vmem_shared>> -> memref<10240x128xf32, #tpu.memory_space<vmem_shared>>
        tpu.wait_indirect_dma semaphore(%arg20 : memref<!tpu.dma_semaphore, #tpu.memory_space<semaphore_mem>>) src(%arg12 : memref<64x128xf32, #tpu.memory_space<vmem>>) dst(%dma_wait3A_219 : memref<10240x128xf32, #tpu.memory_space<vmem_shared>>)
      } else {
      }
      %scan3A_205 = arith.constant 0 : i32
      scf.yield %scan3A_205 : i32
    }
    %scan3A_36 = arith.constant 10 : i32
    "tpu.region"() ({
      %run_scoped3A = tpu.sem_alloc : memref<!tpu.dma_semaphore, #tpu.memory_space<semaphore_mem>>
      %dma_start3A_117 = arith.constant 40 : i32
      %dma_start3A_118 = arith.constant 0 : i32
      %dma_start3A_119 = tpu.memref_slice %arg3[%add3A, %dma_start3A_117, %dma_start3A_118] : memref<32x160x64xi32, #tpu.memory_space<hbm>> -> memref<1x40x64xi32, #tpu.memory_space<hbm>>
      %dma_start3A_120 = tpu.memref_squeeze %dma_start3A_119 : memref<1x40x64xi32, #tpu.memory_space<hbm>> -> memref<40x64xi32, #tpu.memory_space<hbm>>
      %dma_start3A_121 = arith.constant 40 : i32
      %dma_start3A_122 = arith.constant 0 : i32
      %dma_start3A_123 = tpu.memref_slice %arg3[%add3A, %dma_start3A_121, %dma_start3A_122] : memref<32x160x64xi32, #tpu.memory_space<hbm>> -> memref<1x40x64xi32, #tpu.memory_space<hbm>>
      %dma_start3A_124 = tpu.memref_squeeze %dma_start3A_123 : memref<1x40x64xi32, #tpu.memory_space<hbm>> -> memref<40x64xi32, #tpu.memory_space<hbm>>
      tpu.enqueue_dma source(%dma_start3A_124 : memref<40x64xi32, #tpu.memory_space<hbm>>) target(%arg7 : memref<40x64xi32, #tpu.memory_space<vmem>>) target_semaphore(%run_scoped3A : memref<!tpu.dma_semaphore, #tpu.memory_space<semaphore_mem>>)
      %dma_wait3A_125 = arith.constant 40 : i32
      %dma_wait3A_126 = arith.constant 0 : i32
      %dma_wait3A_127 = tpu.memref_slice %arg3[%add3A, %dma_wait3A_125, %dma_wait3A_126] : memref<32x160x64xi32, #tpu.memory_space<hbm>> -> memref<1x40x64xi32, #tpu.memory_space<hbm>>
      %dma_wait3A_128 = tpu.memref_squeeze %dma_wait3A_127 : memref<1x40x64xi32, #tpu.memory_space<hbm>> -> memref<40x64xi32, #tpu.memory_space<hbm>>
      %dma_wait3A_129 = arith.constant 40 : i32
      %dma_wait3A_130 = arith.constant 0 : i32
      %dma_wait3A_131 = tpu.memref_slice %arg3[%add3A, %dma_wait3A_129, %dma_wait3A_130] : memref<32x160x64xi32, #tpu.memory_space<hbm>> -> memref<1x40x64xi32, #tpu.memory_space<hbm>>
      %dma_wait3A_132 = tpu.memref_squeeze %dma_wait3A_131 : memref<1x40x64xi32, #tpu.memory_space<hbm>> -> memref<40x64xi32, #tpu.memory_space<hbm>>
      tpu.wait_dma2 semaphore(%run_scoped3A : memref<!tpu.dma_semaphore, #tpu.memory_space<semaphore_mem>>) src(%dma_wait3A_132 : memref<40x64xi32, #tpu.memory_space<hbm>>) dst(%arg7 : memref<40x64xi32, #tpu.memory_space<vmem>>)
      tpu.yield
    }) : () -> ()
    "tpu.region"() ({
      %run_scoped3A = tpu.sem_alloc : memref<!tpu.dma_semaphore, #tpu.memory_space<semaphore_mem>>
      %dma_start3A_117 = arith.constant 40 : i32
      %dma_start3A_118 = arith.constant 0 : i32
      %dma_start3A_119 = tpu.memref_slice %arg4[%add3A, %dma_start3A_117, %dma_start3A_118] : memref<32x160x64xi32, #tpu.memory_space<hbm>> -> memref<1x40x64xi32, #tpu.memory_space<hbm>>
      %dma_start3A_120 = tpu.memref_squeeze %dma_start3A_119 : memref<1x40x64xi32, #tpu.memory_space<hbm>> -> memref<40x64xi32, #tpu.memory_space<hbm>>
      %dma_start3A_121 = arith.constant 40 : i32
      %dma_start3A_122 = arith.constant 0 : i32
      %dma_start3A_123 = tpu.memref_slice %arg4[%add3A, %dma_start3A_121, %dma_start3A_122] : memref<32x160x64xi32, #tpu.memory_space<hbm>> -> memref<1x40x64xi32, #tpu.memory_space<hbm>>
      %dma_start3A_124 = tpu.memref_squeeze %dma_start3A_123 : memref<1x40x64xi32, #tpu.memory_space<hbm>> -> memref<40x64xi32, #tpu.memory_space<hbm>>
      tpu.enqueue_dma source(%dma_start3A_124 : memref<40x64xi32, #tpu.memory_space<hbm>>) target(%arg8 : memref<40x64xi32, #tpu.memory_space<vmem>>) target_semaphore(%run_scoped3A : memref<!tpu.dma_semaphore, #tpu.memory_space<semaphore_mem>>)
      %dma_wait3A_125 = arith.constant 40 : i32
      %dma_wait3A_126 = arith.constant 0 : i32
      %dma_wait3A_127 = tpu.memref_slice %arg4[%add3A, %dma_wait3A_125, %dma_wait3A_126] : memref<32x160x64xi32, #tpu.memory_space<hbm>> -> memref<1x40x64xi32, #tpu.memory_space<hbm>>
      %dma_wait3A_128 = tpu.memref_squeeze %dma_wait3A_127 : memref<1x40x64xi32, #tpu.memory_space<hbm>> -> memref<40x64xi32, #tpu.memory_space<hbm>>
      %dma_wait3A_129 = arith.constant 40 : i32
      %dma_wait3A_130 = arith.constant 0 : i32
      %dma_wait3A_131 = tpu.memref_slice %arg4[%add3A, %dma_wait3A_129, %dma_wait3A_130] : memref<32x160x64xi32, #tpu.memory_space<hbm>> -> memref<1x40x64xi32, #tpu.memory_space<hbm>>
      %dma_wait3A_132 = tpu.memref_squeeze %dma_wait3A_131 : memref<1x40x64xi32, #tpu.memory_space<hbm>> -> memref<40x64xi32, #tpu.memory_space<hbm>>
      tpu.wait_dma2 semaphore(%run_scoped3A : memref<!tpu.dma_semaphore, #tpu.memory_space<semaphore_mem>>) src(%dma_wait3A_132 : memref<40x64xi32, #tpu.memory_space<hbm>>) dst(%arg8 : memref<40x64xi32, #tpu.memory_space<vmem>>)
      tpu.yield
    }) : () -> ()
    %dma_start3A_37 = arith.constant 0 : i32
    %dma_start3A_38 = arith.constant 0 : i32
    %dma_start3A_39 = tpu.memref_slice %arg7[%dma_start3A_37, %dma_start3A_38] : memref<40x64xi32, #tpu.memory_space<vmem>> -> memref<1x64xi32, #tpu.memory_space<vmem>>
    %dma_start3A_40 = tpu.memref_squeeze %dma_start3A_39 : memref<1x64xi32, #tpu.memory_space<vmem>> -> memref<64xi32, #tpu.memory_space<vmem>>
    %dma_start3A_41 = arith.constant 0 : i32
    %dma_start3A_42 = arith.constant 0 : i32
    %dma_start3A_43 = tpu.memref_slice %arg2[%dma_start3A_41, %dma_start3A_42] : memref<10000x128xf32, #tpu.memory_space<hbm>> -> memref<10000x128xf32, #tpu.memory_space<hbm>>
    tpu.enqueue_indirect_dma source(%dma_start3A_43 : memref<10000x128xf32, #tpu.memory_space<hbm>>) target(%arg9 : memref<64x128xf32, #tpu.memory_space<vmem>>) offsets(%dma_start3A_40 : memref<64xi32, #tpu.memory_space<vmem>>) semaphore(%arg13 : memref<!tpu.dma_semaphore, #tpu.memory_space<semaphore_mem>>)
    %dma_start3A_44 = arith.constant 1 : i32
    %dma_start3A_45 = arith.constant 0 : i32
    %dma_start3A_46 = tpu.memref_slice %arg7[%dma_start3A_44, %dma_start3A_45] : memref<40x64xi32, #tpu.memory_space<vmem>> -> memref<1x64xi32, #tpu.memory_space<vmem>>
    %dma_start3A_47 = tpu.memref_squeeze %dma_start3A_46 : memref<1x64xi32, #tpu.memory_space<vmem>> -> memref<64xi32, #tpu.memory_space<vmem>>
    %dma_start3A_48 = arith.constant 0 : i32
    %dma_start3A_49 = arith.constant 0 : i32
    %dma_start3A_50 = tpu.memref_slice %arg2[%dma_start3A_48, %dma_start3A_49] : memref<10000x128xf32, #tpu.memory_space<hbm>> -> memref<10000x128xf32, #tpu.memory_space<hbm>>
    tpu.enqueue_indirect_dma source(%dma_start3A_50 : memref<10000x128xf32, #tpu.memory_space<hbm>>) target(%arg10 : memref<64x128xf32, #tpu.memory_space<vmem>>) offsets(%dma_start3A_47 : memref<64xi32, #tpu.memory_space<vmem>>) semaphore(%arg14 : memref<!tpu.dma_semaphore, #tpu.memory_space<semaphore_mem>>)
    %scan3A_51 = arith.constant 0 : i32
    %scan3A_52 = arith.constant 0 : i32
    %scan3A_53 = arith.constant 10 : i32
    %scan3A_54 = arith.addi %scan3A_52, %scan3A_53 : i32
    %scan3A_55 = arith.constant 1 : i32
    %scan3A_56 = scf.for %scan3A_117 = %scan3A_52 to %scan3A_54 step %scan3A_55 iter_args(%scan3A_118 = %scan3A_51) -> (i32)  : i32 {
      %mul3A_119 = arith.constant 4 : i32
      %mul3A_120 = arith.muli %mul3A_119, %scan3A_117 : i32
      %gt3A = arith.constant 0 : i32
      %gt3A_121 = arith.cmpi sgt, %scan3A_117, %gt3A : i32
      %convert_element_type3A = arith.extui %gt3A_121 : i1 to i32
      %cond3A = arith.constant 0 : i32
      %cond3A_122 = arith.cmpi ne, %convert_element_type3A, %cond3A : i32
      scf.if %cond3A_122 {
        %dma_wait3A_206 = arith.constant 0 : i32
        %dma_wait3A_207 = arith.constant 0 : i32
        %dma_wait3A_208 = tpu.memref_slice %arg8[%dma_wait3A_206, %dma_wait3A_207] : memref<40x64xi32, #tpu.memory_space<vmem>> -> memref<1x64xi32, #tpu.memory_space<vmem>>
        %dma_wait3A_209 = tpu.memref_squeeze %dma_wait3A_208 : memref<1x64xi32, #tpu.memory_space<vmem>> -> memref<64xi32, #tpu.memory_space<vmem>>
        %dma_wait3A_210 = arith.constant 0 : i32
        %dma_wait3A_211 = arith.constant 0 : i32
        %dma_wait3A_212 = tpu.memref_slice %arg6[%dma_wait3A_210, %dma_wait3A_211] : memref<10240x128xf32, #tpu.memory_space<vmem_shared>> -> memref<10240x128xf32, #tpu.memory_space<vmem_shared>>
        tpu.wait_indirect_dma semaphore(%arg19 : memref<!tpu.dma_semaphore, #tpu.memory_space<semaphore_mem>>) src(%arg11 : memref<64x128xf32, #tpu.memory_space<vmem>>) dst(%dma_wait3A_212 : memref<10240x128xf32, #tpu.memory_space<vmem_shared>>)
        %add3A_213 = arith.constant 2 : i32
        %add3A_214 = arith.addi %mul3A_120, %add3A_213 : i32
        %dma_start3A_215 = arith.constant 0 : i32
        %dma_start3A_216 = tpu.memref_slice %arg7[%add3A_214, %dma_start3A_215] : memref<40x64xi32, #tpu.memory_space<vmem>> -> memref<1x64xi32, #tpu.memory_space<vmem>>
        %dma_start3A_217 = tpu.memref_squeeze %dma_start3A_216 : memref<1x64xi32, #tpu.memory_space<vmem>> -> memref<64xi32, #tpu.memory_space<vmem>>
        %dma_start3A_218 = arith.constant 0 : i32
        %dma_start3A_219 = arith.constant 0 : i32
        %dma_start3A_220 = tpu.memref_slice %arg2[%dma_start3A_218, %dma_start3A_219] : memref<10000x128xf32, #tpu.memory_space<hbm>> -> memref<10000x128xf32, #tpu.memory_space<hbm>>
        tpu.enqueue_indirect_dma source(%dma_start3A_220 : memref<10000x128xf32, #tpu.memory_space<hbm>>) target(%arg11 : memref<64x128xf32, #tpu.memory_space<vmem>>) offsets(%dma_start3A_217 : memref<64xi32, #tpu.memory_space<vmem>>) semaphore(%arg15 : memref<!tpu.dma_semaphore, #tpu.memory_space<semaphore_mem>>)
        %dma_wait3A_221 = arith.constant 0 : i32
        %dma_wait3A_222 = arith.constant 0 : i32
        %dma_wait3A_223 = tpu.memref_slice %arg8[%dma_wait3A_221, %dma_wait3A_222] : memref<40x64xi32, #tpu.memory_space<vmem>> -> memref<1x64xi32, #tpu.memory_space<vmem>>
        %dma_wait3A_224 = tpu.memref_squeeze %dma_wait3A_223 : memref<1x64xi32, #tpu.memory_space<vmem>> -> memref<64xi32, #tpu.memory_space<vmem>>
        %dma_wait3A_225 = arith.constant 0 : i32
        %dma_wait3A_226 = arith.constant 0 : i32
        %dma_wait3A_227 = tpu.memref_slice %arg6[%dma_wait3A_225, %dma_wait3A_226] : memref<10240x128xf32, #tpu.memory_space<vmem_shared>> -> memref<10240x128xf32, #tpu.memory_space<vmem_shared>>
        tpu.wait_indirect_dma semaphore(%arg20 : memref<!tpu.dma_semaphore, #tpu.memory_space<semaphore_mem>>) src(%arg12 : memref<64x128xf32, #tpu.memory_space<vmem>>) dst(%dma_wait3A_227 : memref<10240x128xf32, #tpu.memory_space<vmem_shared>>)
        %add3A_228 = arith.constant 3 : i32
        %add3A_229 = arith.addi %mul3A_120, %add3A_228 : i32
        %dma_start3A_230 = arith.constant 0 : i32
        %dma_start3A_231 = tpu.memref_slice %arg7[%add3A_229, %dma_start3A_230] : memref<40x64xi32, #tpu.memory_space<vmem>> -> memref<1x64xi32, #tpu.memory_space<vmem>>
        %dma_start3A_232 = tpu.memref_squeeze %dma_start3A_231 : memref<1x64xi32, #tpu.memory_space<vmem>> -> memref<64xi32, #tpu.memory_space<vmem>>
        %dma_start3A_233 = arith.constant 0 : i32
        %dma_start3A_234 = arith.constant 0 : i32
        %dma_start3A_235 = tpu.memref_slice %arg2[%dma_start3A_233, %dma_start3A_234] : memref<10000x128xf32, #tpu.memory_space<hbm>> -> memref<10000x128xf32, #tpu.memory_space<hbm>>
        tpu.enqueue_indirect_dma source(%dma_start3A_235 : memref<10000x128xf32, #tpu.memory_space<hbm>>) target(%arg12 : memref<64x128xf32, #tpu.memory_space<vmem>>) offsets(%dma_start3A_232 : memref<64xi32, #tpu.memory_space<vmem>>) semaphore(%arg16 : memref<!tpu.dma_semaphore, #tpu.memory_space<semaphore_mem>>)
      } else {
      }
      %eq3A = arith.constant 0 : i32
      %eq3A_123 = arith.cmpi eq, %scan3A_117, %eq3A : i32
      %convert_element_type3A_124 = arith.extui %eq3A_123 : i1 to i32
      %cond3A_125 = arith.constant 0 : i32
      %cond3A_126 = arith.cmpi ne, %convert_element_type3A_124, %cond3A_125 : i32
      scf.if %cond3A_126 {
        %dma_start3A_206 = arith.constant 2 : i32
        %dma_start3A_207 = arith.constant 0 : i32
        %dma_start3A_208 = tpu.memref_slice %arg7[%dma_start3A_206, %dma_start3A_207] : memref<40x64xi32, #tpu.memory_space<vmem>> -> memref<1x64xi32, #tpu.memory_space<vmem>>
        %dma_start3A_209 = tpu.memref_squeeze %dma_start3A_208 : memref<1x64xi32, #tpu.memory_space<vmem>> -> memref<64xi32, #tpu.memory_space<vmem>>
        %dma_start3A_210 = arith.constant 0 : i32
        %dma_start3A_211 = arith.constant 0 : i32
        %dma_start3A_212 = tpu.memref_slice %arg2[%dma_start3A_210, %dma_start3A_211] : memref<10000x128xf32, #tpu.memory_space<hbm>> -> memref<10000x128xf32, #tpu.memory_space<hbm>>
        tpu.enqueue_indirect_dma source(%dma_start3A_212 : memref<10000x128xf32, #tpu.memory_space<hbm>>) target(%arg11 : memref<64x128xf32, #tpu.memory_space<vmem>>) offsets(%dma_start3A_209 : memref<64xi32, #tpu.memory_space<vmem>>) semaphore(%arg15 : memref<!tpu.dma_semaphore, #tpu.memory_space<semaphore_mem>>)
        %dma_start3A_213 = arith.constant 3 : i32
        %dma_start3A_214 = arith.constant 0 : i32
        %dma_start3A_215 = tpu.memref_slice %arg7[%dma_start3A_213, %dma_start3A_214] : memref<40x64xi32, #tpu.memory_space<vmem>> -> memref<1x64xi32, #tpu.memory_space<vmem>>
        %dma_start3A_216 = tpu.memref_squeeze %dma_start3A_215 : memref<1x64xi32, #tpu.memory_space<vmem>> -> memref<64xi32, #tpu.memory_space<vmem>>
        %dma_start3A_217 = arith.constant 0 : i32
        %dma_start3A_218 = arith.constant 0 : i32
        %dma_start3A_219 = tpu.memref_slice %arg2[%dma_start3A_217, %dma_start3A_218] : memref<10000x128xf32, #tpu.memory_space<hbm>> -> memref<10000x128xf32, #tpu.memory_space<hbm>>
        tpu.enqueue_indirect_dma source(%dma_start3A_219 : memref<10000x128xf32, #tpu.memory_space<hbm>>) target(%arg12 : memref<64x128xf32, #tpu.memory_space<vmem>>) offsets(%dma_start3A_216 : memref<64xi32, #tpu.memory_space<vmem>>) semaphore(%arg16 : memref<!tpu.dma_semaphore, #tpu.memory_space<semaphore_mem>>)
      } else {
      }
      %dma_wait3A_127 = arith.constant 0 : i32
      %dma_wait3A_128 = arith.constant 0 : i32
      %dma_wait3A_129 = tpu.memref_slice %arg7[%dma_wait3A_127, %dma_wait3A_128] : memref<40x64xi32, #tpu.memory_space<vmem>> -> memref<1x64xi32, #tpu.memory_space<vmem>>
      %dma_wait3A_130 = tpu.memref_squeeze %dma_wait3A_129 : memref<1x64xi32, #tpu.memory_space<vmem>> -> memref<64xi32, #tpu.memory_space<vmem>>
      %dma_wait3A_131 = arith.constant 0 : i32
      %dma_wait3A_132 = arith.constant 0 : i32
      %dma_wait3A_133 = tpu.memref_slice %arg2[%dma_wait3A_131, %dma_wait3A_132] : memref<10000x128xf32, #tpu.memory_space<hbm>> -> memref<10000x128xf32, #tpu.memory_space<hbm>>
      tpu.wait_indirect_dma semaphore(%arg13 : memref<!tpu.dma_semaphore, #tpu.memory_space<semaphore_mem>>) src(%dma_wait3A_133 : memref<10000x128xf32, #tpu.memory_space<hbm>>) dst(%arg9 : memref<64x128xf32, #tpu.memory_space<vmem>>)
      %dma_start3A_134 = arith.constant 0 : i32
      %dma_start3A_135 = tpu.memref_slice %arg8[%mul3A_120, %dma_start3A_134] : memref<40x64xi32, #tpu.memory_space<vmem>> -> memref<1x64xi32, #tpu.memory_space<vmem>>
      %dma_start3A_136 = tpu.memref_squeeze %dma_start3A_135 : memref<1x64xi32, #tpu.memory_space<vmem>> -> memref<64xi32, #tpu.memory_space<vmem>>
      %dma_start3A_137 = arith.constant 0 : i32
      %dma_start3A_138 = arith.constant 0 : i32
      %dma_start3A_139 = tpu.memref_slice %arg6[%dma_start3A_137, %dma_start3A_138] : memref<10240x128xf32, #tpu.memory_space<vmem_shared>> -> memref<10240x128xf32, #tpu.memory_space<vmem_shared>>
      tpu.enqueue_indirect_dma source(%arg9 : memref<64x128xf32, #tpu.memory_space<vmem>>) target(%dma_start3A_139 : memref<10240x128xf32, #tpu.memory_space<vmem_shared>>) offsets(%dma_start3A_136 : memref<64xi32, #tpu.memory_space<vmem>>) semaphore(%arg17 : memref<!tpu.dma_semaphore, #tpu.memory_space<semaphore_mem>>) {add = true}
      %dma_wait3A_140 = arith.constant 0 : i32
      %dma_wait3A_141 = arith.constant 0 : i32
      %dma_wait3A_142 = tpu.memref_slice %arg7[%dma_wait3A_140, %dma_wait3A_141] : memref<40x64xi32, #tpu.memory_space<vmem>> -> memref<1x64xi32, #tpu.memory_space<vmem>>
      %dma_wait3A_143 = tpu.memref_squeeze %dma_wait3A_142 : memref<1x64xi32, #tpu.memory_space<vmem>> -> memref<64xi32, #tpu.memory_space<vmem>>
      %dma_wait3A_144 = arith.constant 0 : i32
      %dma_wait3A_145 = arith.constant 0 : i32
      %dma_wait3A_146 = tpu.memref_slice %arg2[%dma_wait3A_144, %dma_wait3A_145] : memref<10000x128xf32, #tpu.memory_space<hbm>> -> memref<10000x128xf32, #tpu.memory_space<hbm>>
      tpu.wait_indirect_dma semaphore(%arg14 : memref<!tpu.dma_semaphore, #tpu.memory_space<semaphore_mem>>) src(%dma_wait3A_146 : memref<10000x128xf32, #tpu.memory_space<hbm>>) dst(%arg10 : memref<64x128xf32, #tpu.memory_space<vmem>>)
      %add3A_147 = arith.constant 1 : i32
      %add3A_148 = arith.addi %mul3A_120, %add3A_147 : i32
      %dma_start3A_149 = arith.constant 0 : i32
      %dma_start3A_150 = tpu.memref_slice %arg8[%add3A_148, %dma_start3A_149] : memref<40x64xi32, #tpu.memory_space<vmem>> -> memref<1x64xi32, #tpu.memory_space<vmem>>
      %dma_start3A_151 = tpu.memref_squeeze %dma_start3A_150 : memref<1x64xi32, #tpu.memory_space<vmem>> -> memref<64xi32, #tpu.memory_space<vmem>>
      %dma_start3A_152 = arith.constant 0 : i32
      %dma_start3A_153 = arith.constant 0 : i32
      %dma_start3A_154 = tpu.memref_slice %arg6[%dma_start3A_152, %dma_start3A_153] : memref<10240x128xf32, #tpu.memory_space<vmem_shared>> -> memref<10240x128xf32, #tpu.memory_space<vmem_shared>>
      tpu.enqueue_indirect_dma source(%arg10 : memref<64x128xf32, #tpu.memory_space<vmem>>) target(%dma_start3A_154 : memref<10240x128xf32, #tpu.memory_space<vmem_shared>>) offsets(%dma_start3A_151 : memref<64xi32, #tpu.memory_space<vmem>>) semaphore(%arg18 : memref<!tpu.dma_semaphore, #tpu.memory_space<semaphore_mem>>) {add = true}
      %add3A_155 = arith.constant 1 : i32
      %add3A_156 = arith.addi %scan3A_117, %add3A_155 : i32
      %lt3A = arith.constant 10 : i32
      %lt3A_157 = arith.cmpi slt, %add3A_156, %lt3A : i32
      %convert_element_type3A_158 = arith.extui %lt3A_157 : i1 to i32
      %cond3A_159 = arith.constant 0 : i32
      %cond3A_160 = arith.cmpi ne, %convert_element_type3A_158, %cond3A_159 : i32
      scf.if %cond3A_160 {
        %dma_wait3A_206 = arith.constant 0 : i32
        %dma_wait3A_207 = arith.constant 0 : i32
        %dma_wait3A_208 = tpu.memref_slice %arg8[%dma_wait3A_206, %dma_wait3A_207] : memref<40x64xi32, #tpu.memory_space<vmem>> -> memref<1x64xi32, #tpu.memory_space<vmem>>
        %dma_wait3A_209 = tpu.memref_squeeze %dma_wait3A_208 : memref<1x64xi32, #tpu.memory_space<vmem>> -> memref<64xi32, #tpu.memory_space<vmem>>
        %dma_wait3A_210 = arith.constant 0 : i32
        %dma_wait3A_211 = arith.constant 0 : i32
        %dma_wait3A_212 = tpu.memref_slice %arg6[%dma_wait3A_210, %dma_wait3A_211] : memref<10240x128xf32, #tpu.memory_space<vmem_shared>> -> memref<10240x128xf32, #tpu.memory_space<vmem_shared>>
        tpu.wait_indirect_dma semaphore(%arg17 : memref<!tpu.dma_semaphore, #tpu.memory_space<semaphore_mem>>) src(%arg9 : memref<64x128xf32, #tpu.memory_space<vmem>>) dst(%dma_wait3A_212 : memref<10240x128xf32, #tpu.memory_space<vmem_shared>>)
        %add3A_213 = arith.constant 4 : i32
        %add3A_214 = arith.addi %mul3A_120, %add3A_213 : i32
        %dma_start3A_215 = arith.constant 0 : i32
        %dma_start3A_216 = tpu.memref_slice %arg7[%add3A_214, %dma_start3A_215] : memref<40x64xi32, #tpu.memory_space<vmem>> -> memref<1x64xi32, #tpu.memory_space<vmem>>
        %dma_start3A_217 = tpu.memref_squeeze %dma_start3A_216 : memref<1x64xi32, #tpu.memory_space<vmem>> -> memref<64xi32, #tpu.memory_space<vmem>>
        %dma_start3A_218 = arith.constant 0 : i32
        %dma_start3A_219 = arith.constant 0 : i32
        %dma_start3A_220 = tpu.memref_slice %arg2[%dma_start3A_218, %dma_start3A_219] : memref<10000x128xf32, #tpu.memory_space<hbm>> -> memref<10000x128xf32, #tpu.memory_space<hbm>>
        tpu.enqueue_indirect_dma source(%dma_start3A_220 : memref<10000x128xf32, #tpu.memory_space<hbm>>) target(%arg9 : memref<64x128xf32, #tpu.memory_space<vmem>>) offsets(%dma_start3A_217 : memref<64xi32, #tpu.memory_space<vmem>>) semaphore(%arg13 : memref<!tpu.dma_semaphore, #tpu.memory_space<semaphore_mem>>)
        %dma_wait3A_221 = arith.constant 0 : i32
        %dma_wait3A_222 = arith.constant 0 : i32
        %dma_wait3A_223 = tpu.memref_slice %arg8[%dma_wait3A_221, %dma_wait3A_222] : memref<40x64xi32, #tpu.memory_space<vmem>> -> memref<1x64xi32, #tpu.memory_space<vmem>>
        %dma_wait3A_224 = tpu.memref_squeeze %dma_wait3A_223 : memref<1x64xi32, #tpu.memory_space<vmem>> -> memref<64xi32, #tpu.memory_space<vmem>>
        %dma_wait3A_225 = arith.constant 0 : i32
        %dma_wait3A_226 = arith.constant 0 : i32
        %dma_wait3A_227 = tpu.memref_slice %arg6[%dma_wait3A_225, %dma_wait3A_226] : memref<10240x128xf32, #tpu.memory_space<vmem_shared>> -> memref<10240x128xf32, #tpu.memory_space<vmem_shared>>
        tpu.wait_indirect_dma semaphore(%arg18 : memref<!tpu.dma_semaphore, #tpu.memory_space<semaphore_mem>>) src(%arg10 : memref<64x128xf32, #tpu.memory_space<vmem>>) dst(%dma_wait3A_227 : memref<10240x128xf32, #tpu.memory_space<vmem_shared>>)
        %add3A_228 = arith.constant 5 : i32
        %add3A_229 = arith.addi %mul3A_120, %add3A_228 : i32
        %dma_start3A_230 = arith.constant 0 : i32
        %dma_start3A_231 = tpu.memref_slice %arg7[%add3A_229, %dma_start3A_230] : memref<40x64xi32, #tpu.memory_space<vmem>> -> memref<1x64xi32, #tpu.memory_space<vmem>>
        %dma_start3A_232 = tpu.memref_squeeze %dma_start3A_231 : memref<1x64xi32, #tpu.memory_space<vmem>> -> memref<64xi32, #tpu.memory_space<vmem>>
        %dma_start3A_233 = arith.constant 0 : i32
        %dma_start3A_234 = arith.constant 0 : i32
        %dma_start3A_235 = tpu.memref_slice %arg2[%dma_start3A_233, %dma_start3A_234] : memref<10000x128xf32, #tpu.memory_space<hbm>> -> memref<10000x128xf32, #tpu.memory_space<hbm>>
        tpu.enqueue_indirect_dma source(%dma_start3A_235 : memref<10000x128xf32, #tpu.memory_space<hbm>>) target(%arg10 : memref<64x128xf32, #tpu.memory_space<vmem>>) offsets(%dma_start3A_232 : memref<64xi32, #tpu.memory_space<vmem>>) semaphore(%arg14 : memref<!tpu.dma_semaphore, #tpu.memory_space<semaphore_mem>>)
      } else {
      }
      %add3A_161 = arith.constant 1 : i32
      %add3A_162 = arith.addi %scan3A_117, %add3A_161 : i32
      %eq3A_163 = arith.constant 10 : i32
      %eq3A_164 = arith.cmpi eq, %add3A_162, %eq3A_163 : i32
      %convert_element_type3A_165 = arith.extui %eq3A_164 : i1 to i32
      %cond3A_166 = arith.constant 0 : i32
      %cond3A_167 = arith.cmpi ne, %convert_element_type3A_165, %cond3A_166 : i32
      scf.if %cond3A_167 {
        %dma_wait3A_206 = arith.constant 0 : i32
        %dma_wait3A_207 = arith.constant 0 : i32
        %dma_wait3A_208 = tpu.memref_slice %arg8[%dma_wait3A_206, %dma_wait3A_207] : memref<40x64xi32, #tpu.memory_space<vmem>> -> memref<1x64xi32, #tpu.memory_space<vmem>>
        %dma_wait3A_209 = tpu.memref_squeeze %dma_wait3A_208 : memref<1x64xi32, #tpu.memory_space<vmem>> -> memref<64xi32, #tpu.memory_space<vmem>>
        %dma_wait3A_210 = arith.constant 0 : i32
        %dma_wait3A_211 = arith.constant 0 : i32
        %dma_wait3A_212 = tpu.memref_slice %arg6[%dma_wait3A_210, %dma_wait3A_211] : memref<10240x128xf32, #tpu.memory_space<vmem_shared>> -> memref<10240x128xf32, #tpu.memory_space<vmem_shared>>
        tpu.wait_indirect_dma semaphore(%arg17 : memref<!tpu.dma_semaphore, #tpu.memory_space<semaphore_mem>>) src(%arg9 : memref<64x128xf32, #tpu.memory_space<vmem>>) dst(%dma_wait3A_212 : memref<10240x128xf32, #tpu.memory_space<vmem_shared>>)
        %dma_wait3A_213 = arith.constant 0 : i32
        %dma_wait3A_214 = arith.constant 0 : i32
        %dma_wait3A_215 = tpu.memref_slice %arg8[%dma_wait3A_213, %dma_wait3A_214] : memref<40x64xi32, #tpu.memory_space<vmem>> -> memref<1x64xi32, #tpu.memory_space<vmem>>
        %dma_wait3A_216 = tpu.memref_squeeze %dma_wait3A_215 : memref<1x64xi32, #tpu.memory_space<vmem>> -> memref<64xi32, #tpu.memory_space<vmem>>
        %dma_wait3A_217 = arith.constant 0 : i32
        %dma_wait3A_218 = arith.constant 0 : i32
        %dma_wait3A_219 = tpu.memref_slice %arg6[%dma_wait3A_217, %dma_wait3A_218] : memref<10240x128xf32, #tpu.memory_space<vmem_shared>> -> memref<10240x128xf32, #tpu.memory_space<vmem_shared>>
        tpu.wait_indirect_dma semaphore(%arg18 : memref<!tpu.dma_semaphore, #tpu.memory_space<semaphore_mem>>) src(%arg10 : memref<64x128xf32, #tpu.memory_space<vmem>>) dst(%dma_wait3A_219 : memref<10240x128xf32, #tpu.memory_space<vmem_shared>>)
      } else {
      }
      %dma_wait3A_168 = arith.constant 0 : i32
      %dma_wait3A_169 = arith.constant 0 : i32
      %dma_wait3A_170 = tpu.memref_slice %arg7[%dma_wait3A_168, %dma_wait3A_169] : memref<40x64xi32, #tpu.memory_space<vmem>> -> memref<1x64xi32, #tpu.memory_space<vmem>>
      %dma_wait3A_171 = tpu.memref_squeeze %dma_wait3A_170 : memref<1x64xi32, #tpu.memory_space<vmem>> -> memref<64xi32, #tpu.memory_space<vmem>>
      %dma_wait3A_172 = arith.constant 0 : i32
      %dma_wait3A_173 = arith.constant 0 : i32
      %dma_wait3A_174 = tpu.memref_slice %arg2[%dma_wait3A_172, %dma_wait3A_173] : memref<10000x128xf32, #tpu.memory_space<hbm>> -> memref<10000x128xf32, #tpu.memory_space<hbm>>
      tpu.wait_indirect_dma semaphore(%arg15 : memref<!tpu.dma_semaphore, #tpu.memory_space<semaphore_mem>>) src(%dma_wait3A_174 : memref<10000x128xf32, #tpu.memory_space<hbm>>) dst(%arg11 : memref<64x128xf32, #tpu.memory_space<vmem>>)
      %add3A_175 = arith.constant 2 : i32
      %add3A_176 = arith.addi %mul3A_120, %add3A_175 : i32
      %dma_start3A_177 = arith.constant 0 : i32
      %dma_start3A_178 = tpu.memref_slice %arg8[%add3A_176, %dma_start3A_177] : memref<40x64xi32, #tpu.memory_space<vmem>> -> memref<1x64xi32, #tpu.memory_space<vmem>>
      %dma_start3A_179 = tpu.memref_squeeze %dma_start3A_178 : memref<1x64xi32, #tpu.memory_space<vmem>> -> memref<64xi32, #tpu.memory_space<vmem>>
      %dma_start3A_180 = arith.constant 0 : i32
      %dma_start3A_181 = arith.constant 0 : i32
      %dma_start3A_182 = tpu.memref_slice %arg6[%dma_start3A_180, %dma_start3A_181] : memref<10240x128xf32, #tpu.memory_space<vmem_shared>> -> memref<10240x128xf32, #tpu.memory_space<vmem_shared>>
      tpu.enqueue_indirect_dma source(%arg11 : memref<64x128xf32, #tpu.memory_space<vmem>>) target(%dma_start3A_182 : memref<10240x128xf32, #tpu.memory_space<vmem_shared>>) offsets(%dma_start3A_179 : memref<64xi32, #tpu.memory_space<vmem>>) semaphore(%arg19 : memref<!tpu.dma_semaphore, #tpu.memory_space<semaphore_mem>>) {add = true}
      %dma_wait3A_183 = arith.constant 0 : i32
      %dma_wait3A_184 = arith.constant 0 : i32
      %dma_wait3A_185 = tpu.memref_slice %arg7[%dma_wait3A_183, %dma_wait3A_184] : memref<40x64xi32, #tpu.memory_space<vmem>> -> memref<1x64xi32, #tpu.memory_space<vmem>>
      %dma_wait3A_186 = tpu.memref_squeeze %dma_wait3A_185 : memref<1x64xi32, #tpu.memory_space<vmem>> -> memref<64xi32, #tpu.memory_space<vmem>>
      %dma_wait3A_187 = arith.constant 0 : i32
      %dma_wait3A_188 = arith.constant 0 : i32
      %dma_wait3A_189 = tpu.memref_slice %arg2[%dma_wait3A_187, %dma_wait3A_188] : memref<10000x128xf32, #tpu.memory_space<hbm>> -> memref<10000x128xf32, #tpu.memory_space<hbm>>
      tpu.wait_indirect_dma semaphore(%arg16 : memref<!tpu.dma_semaphore, #tpu.memory_space<semaphore_mem>>) src(%dma_wait3A_189 : memref<10000x128xf32, #tpu.memory_space<hbm>>) dst(%arg12 : memref<64x128xf32, #tpu.memory_space<vmem>>)
      %add3A_190 = arith.constant 3 : i32
      %add3A_191 = arith.addi %mul3A_120, %add3A_190 : i32
      %dma_start3A_192 = arith.constant 0 : i32
      %dma_start3A_193 = tpu.memref_slice %arg8[%add3A_191, %dma_start3A_192] : memref<40x64xi32, #tpu.memory_space<vmem>> -> memref<1x64xi32, #tpu.memory_space<vmem>>
      %dma_start3A_194 = tpu.memref_squeeze %dma_start3A_193 : memref<1x64xi32, #tpu.memory_space<vmem>> -> memref<64xi32, #tpu.memory_space<vmem>>
      %dma_start3A_195 = arith.constant 0 : i32
      %dma_start3A_196 = arith.constant 0 : i32
      %dma_start3A_197 = tpu.memref_slice %arg6[%dma_start3A_195, %dma_start3A_196] : memref<10240x128xf32, #tpu.memory_space<vmem_shared>> -> memref<10240x128xf32, #tpu.memory_space<vmem_shared>>
      tpu.enqueue_indirect_dma source(%arg12 : memref<64x128xf32, #tpu.memory_space<vmem>>) target(%dma_start3A_197 : memref<10240x128xf32, #tpu.memory_space<vmem_shared>>) offsets(%dma_start3A_194 : memref<64xi32, #tpu.memory_space<vmem>>) semaphore(%arg20 : memref<!tpu.dma_semaphore, #tpu.memory_space<semaphore_mem>>) {add = true}
      %add3A_198 = arith.constant 1 : i32
      %add3A_199 = arith.addi %scan3A_117, %add3A_198 : i32
      %eq3A_200 = arith.constant 10 : i32
      %eq3A_201 = arith.cmpi eq, %add3A_199, %eq3A_200 : i32
      %convert_element_type3A_202 = arith.extui %eq3A_201 : i1 to i32
      %cond3A_203 = arith.constant 0 : i32
      %cond3A_204 = arith.cmpi ne, %convert_element_type3A_202, %cond3A_203 : i32
      scf.if %cond3A_204 {
        %dma_wait3A_206 = arith.constant 0 : i32
        %dma_wait3A_207 = arith.constant 0 : i32
        %dma_wait3A_208 = tpu.memref_slice %arg8[%dma_wait3A_206, %dma_wait3A_207] : memref<40x64xi32, #tpu.memory_space<vmem>> -> memref<1x64xi32, #tpu.memory_space<vmem>>
        %dma_wait3A_209 = tpu.memref_squeeze %dma_wait3A_208 : memref<1x64xi32, #tpu.memory_space<vmem>> -> memref<64xi32, #tpu.memory_space<vmem>>
        %dma_wait3A_210 = arith.constant 0 : i32
        %dma_wait3A_211 = arith.constant 0 : i32
        %dma_wait3A_212 = tpu.memref_slice %arg6[%dma_wait3A_210, %dma_wait3A_211] : memref<10240x128xf32, #tpu.memory_space<vmem_shared>> -> memref<10240x128xf32, #tpu.memory_space<vmem_shared>>
        tpu.wait_indirect_dma semaphore(%arg19 : memref<!tpu.dma_semaphore, #tpu.memory_space<semaphore_mem>>) src(%arg11 : memref<64x128xf32, #tpu.memory_space<vmem>>) dst(%dma_wait3A_212 : memref<10240x128xf32, #tpu.memory_space<vmem_shared>>)
        %dma_wait3A_213 = arith.constant 0 : i32
        %dma_wait3A_214 = arith.constant 0 : i32
        %dma_wait3A_215 = tpu.memref_slice %arg8[%dma_wait3A_213, %dma_wait3A_214] : memref<40x64xi32, #tpu.memory_space<vmem>> -> memref<1x64xi32, #tpu.memory_space<vmem>>
        %dma_wait3A_216 = tpu.memref_squeeze %dma_wait3A_215 : memref<1x64xi32, #tpu.memory_space<vmem>> -> memref<64xi32, #tpu.memory_space<vmem>>
        %dma_wait3A_217 = arith.constant 0 : i32
        %dma_wait3A_218 = arith.constant 0 : i32
        %dma_wait3A_219 = tpu.memref_slice %arg6[%dma_wait3A_217, %dma_wait3A_218] : memref<10240x128xf32, #tpu.memory_space<vmem_shared>> -> memref<10240x128xf32, #tpu.memory_space<vmem_shared>>
        tpu.wait_indirect_dma semaphore(%arg20 : memref<!tpu.dma_semaphore, #tpu.memory_space<semaphore_mem>>) src(%arg12 : memref<64x128xf32, #tpu.memory_space<vmem>>) dst(%dma_wait3A_219 : memref<10240x128xf32, #tpu.memory_space<vmem_shared>>)
      } else {
      }
      %scan3A_205 = arith.constant 0 : i32
      scf.yield %scan3A_205 : i32
    }
    %scan3A_57 = arith.constant 10 : i32
    "tpu.region"() ({
      %run_scoped3A = tpu.sem_alloc : memref<!tpu.dma_semaphore, #tpu.memory_space<semaphore_mem>>
      %dma_start3A_117 = arith.constant 80 : i32
      %dma_start3A_118 = arith.constant 0 : i32
      %dma_start3A_119 = tpu.memref_slice %arg3[%add3A, %dma_start3A_117, %dma_start3A_118] : memref<32x160x64xi32, #tpu.memory_space<hbm>> -> memref<1x40x64xi32, #tpu.memory_space<hbm>>
      %dma_start3A_120 = tpu.memref_squeeze %dma_start3A_119 : memref<1x40x64xi32, #tpu.memory_space<hbm>> -> memref<40x64xi32, #tpu.memory_space<hbm>>
      %dma_start3A_121 = arith.constant 80 : i32
      %dma_start3A_122 = arith.constant 0 : i32
      %dma_start3A_123 = tpu.memref_slice %arg3[%add3A, %dma_start3A_121, %dma_start3A_122] : memref<32x160x64xi32, #tpu.memory_space<hbm>> -> memref<1x40x64xi32, #tpu.memory_space<hbm>>
      %dma_start3A_124 = tpu.memref_squeeze %dma_start3A_123 : memref<1x40x64xi32, #tpu.memory_space<hbm>> -> memref<40x64xi32, #tpu.memory_space<hbm>>
      tpu.enqueue_dma source(%dma_start3A_124 : memref<40x64xi32, #tpu.memory_space<hbm>>) target(%arg7 : memref<40x64xi32, #tpu.memory_space<vmem>>) target_semaphore(%run_scoped3A : memref<!tpu.dma_semaphore, #tpu.memory_space<semaphore_mem>>)
      %dma_wait3A_125 = arith.constant 80 : i32
      %dma_wait3A_126 = arith.constant 0 : i32
      %dma_wait3A_127 = tpu.memref_slice %arg3[%add3A, %dma_wait3A_125, %dma_wait3A_126] : memref<32x160x64xi32, #tpu.memory_space<hbm>> -> memref<1x40x64xi32, #tpu.memory_space<hbm>>
      %dma_wait3A_128 = tpu.memref_squeeze %dma_wait3A_127 : memref<1x40x64xi32, #tpu.memory_space<hbm>> -> memref<40x64xi32, #tpu.memory_space<hbm>>
      %dma_wait3A_129 = arith.constant 80 : i32
      %dma_wait3A_130 = arith.constant 0 : i32
      %dma_wait3A_131 = tpu.memref_slice %arg3[%add3A, %dma_wait3A_129, %dma_wait3A_130] : memref<32x160x64xi32, #tpu.memory_space<hbm>> -> memref<1x40x64xi32, #tpu.memory_space<hbm>>
      %dma_wait3A_132 = tpu.memref_squeeze %dma_wait3A_131 : memref<1x40x64xi32, #tpu.memory_space<hbm>> -> memref<40x64xi32, #tpu.memory_space<hbm>>
      tpu.wait_dma2 semaphore(%run_scoped3A : memref<!tpu.dma_semaphore, #tpu.memory_space<semaphore_mem>>) src(%dma_wait3A_132 : memref<40x64xi32, #tpu.memory_space<hbm>>) dst(%arg7 : memref<40x64xi32, #tpu.memory_space<vmem>>)
      tpu.yield
    }) : () -> ()
    "tpu.region"() ({
      %run_scoped3A = tpu.sem_alloc : memref<!tpu.dma_semaphore, #tpu.memory_space<semaphore_mem>>
      %dma_start3A_117 = arith.constant 80 : i32
      %dma_start3A_118 = arith.constant 0 : i32
      %dma_start3A_119 = tpu.memref_slice %arg4[%add3A, %dma_start3A_117, %dma_start3A_118] : memref<32x160x64xi32, #tpu.memory_space<hbm>> -> memref<1x40x64xi32, #tpu.memory_space<hbm>>
      %dma_start3A_120 = tpu.memref_squeeze %dma_start3A_119 : memref<1x40x64xi32, #tpu.memory_space<hbm>> -> memref<40x64xi32, #tpu.memory_space<hbm>>
      %dma_start3A_121 = arith.constant 80 : i32
      %dma_start3A_122 = arith.constant 0 : i32
      %dma_start3A_123 = tpu.memref_slice %arg4[%add3A, %dma_start3A_121, %dma_start3A_122] : memref<32x160x64xi32, #tpu.memory_space<hbm>> -> memref<1x40x64xi32, #tpu.memory_space<hbm>>
      %dma_start3A_124 = tpu.memref_squeeze %dma_start3A_123 : memref<1x40x64xi32, #tpu.memory_space<hbm>> -> memref<40x64xi32, #tpu.memory_space<hbm>>
      tpu.enqueue_dma source(%dma_start3A_124 : memref<40x64xi32, #tpu.memory_space<hbm>>) target(%arg8 : memref<40x64xi32, #tpu.memory_space<vmem>>) target_semaphore(%run_scoped3A : memref<!tpu.dma_semaphore, #tpu.memory_space<semaphore_mem>>)
      %dma_wait3A_125 = arith.constant 80 : i32
      %dma_wait3A_126 = arith.constant 0 : i32
      %dma_wait3A_127 = tpu.memref_slice %arg4[%add3A, %dma_wait3A_125, %dma_wait3A_126] : memref<32x160x64xi32, #tpu.memory_space<hbm>> -> memref<1x40x64xi32, #tpu.memory_space<hbm>>
      %dma_wait3A_128 = tpu.memref_squeeze %dma_wait3A_127 : memref<1x40x64xi32, #tpu.memory_space<hbm>> -> memref<40x64xi32, #tpu.memory_space<hbm>>
      %dma_wait3A_129 = arith.constant 80 : i32
      %dma_wait3A_130 = arith.constant 0 : i32
      %dma_wait3A_131 = tpu.memref_slice %arg4[%add3A, %dma_wait3A_129, %dma_wait3A_130] : memref<32x160x64xi32, #tpu.memory_space<hbm>> -> memref<1x40x64xi32, #tpu.memory_space<hbm>>
      %dma_wait3A_132 = tpu.memref_squeeze %dma_wait3A_131 : memref<1x40x64xi32, #tpu.memory_space<hbm>> -> memref<40x64xi32, #tpu.memory_space<hbm>>
      tpu.wait_dma2 semaphore(%run_scoped3A : memref<!tpu.dma_semaphore, #tpu.memory_space<semaphore_mem>>) src(%dma_wait3A_132 : memref<40x64xi32, #tpu.memory_space<hbm>>) dst(%arg8 : memref<40x64xi32, #tpu.memory_space<vmem>>)
      tpu.yield
    }) : () -> ()
    %dma_start3A_58 = arith.constant 0 : i32
    %dma_start3A_59 = arith.constant 0 : i32
    %dma_start3A_60 = tpu.memref_slice %arg7[%dma_start3A_58, %dma_start3A_59] : memref<40x64xi32, #tpu.memory_space<vmem>> -> memref<1x64xi32, #tpu.memory_space<vmem>>
    %dma_start3A_61 = tpu.memref_squeeze %dma_start3A_60 : memref<1x64xi32, #tpu.memory_space<vmem>> -> memref<64xi32, #tpu.memory_space<vmem>>
    %dma_start3A_62 = arith.constant 0 : i32
    %dma_start3A_63 = arith.constant 0 : i32
    %dma_start3A_64 = tpu.memref_slice %arg2[%dma_start3A_62, %dma_start3A_63] : memref<10000x128xf32, #tpu.memory_space<hbm>> -> memref<10000x128xf32, #tpu.memory_space<hbm>>
    tpu.enqueue_indirect_dma source(%dma_start3A_64 : memref<10000x128xf32, #tpu.memory_space<hbm>>) target(%arg9 : memref<64x128xf32, #tpu.memory_space<vmem>>) offsets(%dma_start3A_61 : memref<64xi32, #tpu.memory_space<vmem>>) semaphore(%arg13 : memref<!tpu.dma_semaphore, #tpu.memory_space<semaphore_mem>>)
    %dma_start3A_65 = arith.constant 1 : i32
    %dma_start3A_66 = arith.constant 0 : i32
    %dma_start3A_67 = tpu.memref_slice %arg7[%dma_start3A_65, %dma_start3A_66] : memref<40x64xi32, #tpu.memory_space<vmem>> -> memref<1x64xi32, #tpu.memory_space<vmem>>
    %dma_start3A_68 = tpu.memref_squeeze %dma_start3A_67 : memref<1x64xi32, #tpu.memory_space<vmem>> -> memref<64xi32, #tpu.memory_space<vmem>>
    %dma_start3A_69 = arith.constant 0 : i32
    %dma_start3A_70 = arith.constant 0 : i32
    %dma_start3A_71 = tpu.memref_slice %arg2[%dma_start3A_69, %dma_start3A_70] : memref<10000x128xf32, #tpu.memory_space<hbm>> -> memref<10000x128xf32, #tpu.memory_space<hbm>>
    tpu.enqueue_indirect_dma source(%dma_start3A_71 : memref<10000x128xf32, #tpu.memory_space<hbm>>) target(%arg10 : memref<64x128xf32, #tpu.memory_space<vmem>>) offsets(%dma_start3A_68 : memref<64xi32, #tpu.memory_space<vmem>>) semaphore(%arg14 : memref<!tpu.dma_semaphore, #tpu.memory_space<semaphore_mem>>)
    %scan3A_72 = arith.constant 0 : i32
    %scan3A_73 = arith.constant 0 : i32
    %scan3A_74 = arith.constant 10 : i32
    %scan3A_75 = arith.addi %scan3A_73, %scan3A_74 : i32
    %scan3A_76 = arith.constant 1 : i32
    %scan3A_77 = scf.for %scan3A_117 = %scan3A_73 to %scan3A_75 step %scan3A_76 iter_args(%scan3A_118 = %scan3A_72) -> (i32)  : i32 {
      %mul3A_119 = arith.constant 4 : i32
      %mul3A_120 = arith.muli %mul3A_119, %scan3A_117 : i32
      %gt3A = arith.constant 0 : i32
      %gt3A_121 = arith.cmpi sgt, %scan3A_117, %gt3A : i32
      %convert_element_type3A = arith.extui %gt3A_121 : i1 to i32
      %cond3A = arith.constant 0 : i32
      %cond3A_122 = arith.cmpi ne, %convert_element_type3A, %cond3A : i32
      scf.if %cond3A_122 {
        %dma_wait3A_206 = arith.constant 0 : i32
        %dma_wait3A_207 = arith.constant 0 : i32
        %dma_wait3A_208 = tpu.memref_slice %arg8[%dma_wait3A_206, %dma_wait3A_207] : memref<40x64xi32, #tpu.memory_space<vmem>> -> memref<1x64xi32, #tpu.memory_space<vmem>>
        %dma_wait3A_209 = tpu.memref_squeeze %dma_wait3A_208 : memref<1x64xi32, #tpu.memory_space<vmem>> -> memref<64xi32, #tpu.memory_space<vmem>>
        %dma_wait3A_210 = arith.constant 0 : i32
        %dma_wait3A_211 = arith.constant 0 : i32
        %dma_wait3A_212 = tpu.memref_slice %arg6[%dma_wait3A_210, %dma_wait3A_211] : memref<10240x128xf32, #tpu.memory_space<vmem_shared>> -> memref<10240x128xf32, #tpu.memory_space<vmem_shared>>
        tpu.wait_indirect_dma semaphore(%arg19 : memref<!tpu.dma_semaphore, #tpu.memory_space<semaphore_mem>>) src(%arg11 : memref<64x128xf32, #tpu.memory_space<vmem>>) dst(%dma_wait3A_212 : memref<10240x128xf32, #tpu.memory_space<vmem_shared>>)
        %add3A_213 = arith.constant 2 : i32
        %add3A_214 = arith.addi %mul3A_120, %add3A_213 : i32
        %dma_start3A_215 = arith.constant 0 : i32
        %dma_start3A_216 = tpu.memref_slice %arg7[%add3A_214, %dma_start3A_215] : memref<40x64xi32, #tpu.memory_space<vmem>> -> memref<1x64xi32, #tpu.memory_space<vmem>>
        %dma_start3A_217 = tpu.memref_squeeze %dma_start3A_216 : memref<1x64xi32, #tpu.memory_space<vmem>> -> memref<64xi32, #tpu.memory_space<vmem>>
        %dma_start3A_218 = arith.constant 0 : i32
        %dma_start3A_219 = arith.constant 0 : i32
        %dma_start3A_220 = tpu.memref_slice %arg2[%dma_start3A_218, %dma_start3A_219] : memref<10000x128xf32, #tpu.memory_space<hbm>> -> memref<10000x128xf32, #tpu.memory_space<hbm>>
        tpu.enqueue_indirect_dma source(%dma_start3A_220 : memref<10000x128xf32, #tpu.memory_space<hbm>>) target(%arg11 : memref<64x128xf32, #tpu.memory_space<vmem>>) offsets(%dma_start3A_217 : memref<64xi32, #tpu.memory_space<vmem>>) semaphore(%arg15 : memref<!tpu.dma_semaphore, #tpu.memory_space<semaphore_mem>>)
        %dma_wait3A_221 = arith.constant 0 : i32
        %dma_wait3A_222 = arith.constant 0 : i32
        %dma_wait3A_223 = tpu.memref_slice %arg8[%dma_wait3A_221, %dma_wait3A_222] : memref<40x64xi32, #tpu.memory_space<vmem>> -> memref<1x64xi32, #tpu.memory_space<vmem>>
        %dma_wait3A_224 = tpu.memref_squeeze %dma_wait3A_223 : memref<1x64xi32, #tpu.memory_space<vmem>> -> memref<64xi32, #tpu.memory_space<vmem>>
        %dma_wait3A_225 = arith.constant 0 : i32
        %dma_wait3A_226 = arith.constant 0 : i32
        %dma_wait3A_227 = tpu.memref_slice %arg6[%dma_wait3A_225, %dma_wait3A_226] : memref<10240x128xf32, #tpu.memory_space<vmem_shared>> -> memref<10240x128xf32, #tpu.memory_space<vmem_shared>>
        tpu.wait_indirect_dma semaphore(%arg20 : memref<!tpu.dma_semaphore, #tpu.memory_space<semaphore_mem>>) src(%arg12 : memref<64x128xf32, #tpu.memory_space<vmem>>) dst(%dma_wait3A_227 : memref<10240x128xf32, #tpu.memory_space<vmem_shared>>)
        %add3A_228 = arith.constant 3 : i32
        %add3A_229 = arith.addi %mul3A_120, %add3A_228 : i32
        %dma_start3A_230 = arith.constant 0 : i32
        %dma_start3A_231 = tpu.memref_slice %arg7[%add3A_229, %dma_start3A_230] : memref<40x64xi32, #tpu.memory_space<vmem>> -> memref<1x64xi32, #tpu.memory_space<vmem>>
        %dma_start3A_232 = tpu.memref_squeeze %dma_start3A_231 : memref<1x64xi32, #tpu.memory_space<vmem>> -> memref<64xi32, #tpu.memory_space<vmem>>
        %dma_start3A_233 = arith.constant 0 : i32
        %dma_start3A_234 = arith.constant 0 : i32
        %dma_start3A_235 = tpu.memref_slice %arg2[%dma_start3A_233, %dma_start3A_234] : memref<10000x128xf32, #tpu.memory_space<hbm>> -> memref<10000x128xf32, #tpu.memory_space<hbm>>
        tpu.enqueue_indirect_dma source(%dma_start3A_235 : memref<10000x128xf32, #tpu.memory_space<hbm>>) target(%arg12 : memref<64x128xf32, #tpu.memory_space<vmem>>) offsets(%dma_start3A_232 : memref<64xi32, #tpu.memory_space<vmem>>) semaphore(%arg16 : memref<!tpu.dma_semaphore, #tpu.memory_space<semaphore_mem>>)
      } else {
      }
      %eq3A = arith.constant 0 : i32
      %eq3A_123 = arith.cmpi eq, %scan3A_117, %eq3A : i32
      %convert_element_type3A_124 = arith.extui %eq3A_123 : i1 to i32
      %cond3A_125 = arith.constant 0 : i32
      %cond3A_126 = arith.cmpi ne, %convert_element_type3A_124, %cond3A_125 : i32
      scf.if %cond3A_126 {
        %dma_start3A_206 = arith.constant 2 : i32
        %dma_start3A_207 = arith.constant 0 : i32
        %dma_start3A_208 = tpu.memref_slice %arg7[%dma_start3A_206, %dma_start3A_207] : memref<40x64xi32, #tpu.memory_space<vmem>> -> memref<1x64xi32, #tpu.memory_space<vmem>>
        %dma_start3A_209 = tpu.memref_squeeze %dma_start3A_208 : memref<1x64xi32, #tpu.memory_space<vmem>> -> memref<64xi32, #tpu.memory_space<vmem>>
        %dma_start3A_210 = arith.constant 0 : i32
        %dma_start3A_211 = arith.constant 0 : i32
        %dma_start3A_212 = tpu.memref_slice %arg2[%dma_start3A_210, %dma_start3A_211] : memref<10000x128xf32, #tpu.memory_space<hbm>> -> memref<10000x128xf32, #tpu.memory_space<hbm>>
        tpu.enqueue_indirect_dma source(%dma_start3A_212 : memref<10000x128xf32, #tpu.memory_space<hbm>>) target(%arg11 : memref<64x128xf32, #tpu.memory_space<vmem>>) offsets(%dma_start3A_209 : memref<64xi32, #tpu.memory_space<vmem>>) semaphore(%arg15 : memref<!tpu.dma_semaphore, #tpu.memory_space<semaphore_mem>>)
        %dma_start3A_213 = arith.constant 3 : i32
        %dma_start3A_214 = arith.constant 0 : i32
        %dma_start3A_215 = tpu.memref_slice %arg7[%dma_start3A_213, %dma_start3A_214] : memref<40x64xi32, #tpu.memory_space<vmem>> -> memref<1x64xi32, #tpu.memory_space<vmem>>
        %dma_start3A_216 = tpu.memref_squeeze %dma_start3A_215 : memref<1x64xi32, #tpu.memory_space<vmem>> -> memref<64xi32, #tpu.memory_space<vmem>>
        %dma_start3A_217 = arith.constant 0 : i32
        %dma_start3A_218 = arith.constant 0 : i32
        %dma_start3A_219 = tpu.memref_slice %arg2[%dma_start3A_217, %dma_start3A_218] : memref<10000x128xf32, #tpu.memory_space<hbm>> -> memref<10000x128xf32, #tpu.memory_space<hbm>>
        tpu.enqueue_indirect_dma source(%dma_start3A_219 : memref<10000x128xf32, #tpu.memory_space<hbm>>) target(%arg12 : memref<64x128xf32, #tpu.memory_space<vmem>>) offsets(%dma_start3A_216 : memref<64xi32, #tpu.memory_space<vmem>>) semaphore(%arg16 : memref<!tpu.dma_semaphore, #tpu.memory_space<semaphore_mem>>)
      } else {
      }
      %dma_wait3A_127 = arith.constant 0 : i32
      %dma_wait3A_128 = arith.constant 0 : i32
      %dma_wait3A_129 = tpu.memref_slice %arg7[%dma_wait3A_127, %dma_wait3A_128] : memref<40x64xi32, #tpu.memory_space<vmem>> -> memref<1x64xi32, #tpu.memory_space<vmem>>
      %dma_wait3A_130 = tpu.memref_squeeze %dma_wait3A_129 : memref<1x64xi32, #tpu.memory_space<vmem>> -> memref<64xi32, #tpu.memory_space<vmem>>
      %dma_wait3A_131 = arith.constant 0 : i32
      %dma_wait3A_132 = arith.constant 0 : i32
      %dma_wait3A_133 = tpu.memref_slice %arg2[%dma_wait3A_131, %dma_wait3A_132] : memref<10000x128xf32, #tpu.memory_space<hbm>> -> memref<10000x128xf32, #tpu.memory_space<hbm>>
      tpu.wait_indirect_dma semaphore(%arg13 : memref<!tpu.dma_semaphore, #tpu.memory_space<semaphore_mem>>) src(%dma_wait3A_133 : memref<10000x128xf32, #tpu.memory_space<hbm>>) dst(%arg9 : memref<64x128xf32, #tpu.memory_space<vmem>>)
      %dma_start3A_134 = arith.constant 0 : i32
      %dma_start3A_135 = tpu.memref_slice %arg8[%mul3A_120, %dma_start3A_134] : memref<40x64xi32, #tpu.memory_space<vmem>> -> memref<1x64xi32, #tpu.memory_space<vmem>>
      %dma_start3A_136 = tpu.memref_squeeze %dma_start3A_135 : memref<1x64xi32, #tpu.memory_space<vmem>> -> memref<64xi32, #tpu.memory_space<vmem>>
      %dma_start3A_137 = arith.constant 0 : i32
      %dma_start3A_138 = arith.constant 0 : i32
      %dma_start3A_139 = tpu.memref_slice %arg6[%dma_start3A_137, %dma_start3A_138] : memref<10240x128xf32, #tpu.memory_space<vmem_shared>> -> memref<10240x128xf32, #tpu.memory_space<vmem_shared>>
      tpu.enqueue_indirect_dma source(%arg9 : memref<64x128xf32, #tpu.memory_space<vmem>>) target(%dma_start3A_139 : memref<10240x128xf32, #tpu.memory_space<vmem_shared>>) offsets(%dma_start3A_136 : memref<64xi32, #tpu.memory_space<vmem>>) semaphore(%arg17 : memref<!tpu.dma_semaphore, #tpu.memory_space<semaphore_mem>>) {add = true}
      %dma_wait3A_140 = arith.constant 0 : i32
      %dma_wait3A_141 = arith.constant 0 : i32
      %dma_wait3A_142 = tpu.memref_slice %arg7[%dma_wait3A_140, %dma_wait3A_141] : memref<40x64xi32, #tpu.memory_space<vmem>> -> memref<1x64xi32, #tpu.memory_space<vmem>>
      %dma_wait3A_143 = tpu.memref_squeeze %dma_wait3A_142 : memref<1x64xi32, #tpu.memory_space<vmem>> -> memref<64xi32, #tpu.memory_space<vmem>>
      %dma_wait3A_144 = arith.constant 0 : i32
      %dma_wait3A_145 = arith.constant 0 : i32
      %dma_wait3A_146 = tpu.memref_slice %arg2[%dma_wait3A_144, %dma_wait3A_145] : memref<10000x128xf32, #tpu.memory_space<hbm>> -> memref<10000x128xf32, #tpu.memory_space<hbm>>
      tpu.wait_indirect_dma semaphore(%arg14 : memref<!tpu.dma_semaphore, #tpu.memory_space<semaphore_mem>>) src(%dma_wait3A_146 : memref<10000x128xf32, #tpu.memory_space<hbm>>) dst(%arg10 : memref<64x128xf32, #tpu.memory_space<vmem>>)
      %add3A_147 = arith.constant 1 : i32
      %add3A_148 = arith.addi %mul3A_120, %add3A_147 : i32
      %dma_start3A_149 = arith.constant 0 : i32
      %dma_start3A_150 = tpu.memref_slice %arg8[%add3A_148, %dma_start3A_149] : memref<40x64xi32, #tpu.memory_space<vmem>> -> memref<1x64xi32, #tpu.memory_space<vmem>>
      %dma_start3A_151 = tpu.memref_squeeze %dma_start3A_150 : memref<1x64xi32, #tpu.memory_space<vmem>> -> memref<64xi32, #tpu.memory_space<vmem>>
      %dma_start3A_152 = arith.constant 0 : i32
      %dma_start3A_153 = arith.constant 0 : i32
      %dma_start3A_154 = tpu.memref_slice %arg6[%dma_start3A_152, %dma_start3A_153] : memref<10240x128xf32, #tpu.memory_space<vmem_shared>> -> memref<10240x128xf32, #tpu.memory_space<vmem_shared>>
      tpu.enqueue_indirect_dma source(%arg10 : memref<64x128xf32, #tpu.memory_space<vmem>>) target(%dma_start3A_154 : memref<10240x128xf32, #tpu.memory_space<vmem_shared>>) offsets(%dma_start3A_151 : memref<64xi32, #tpu.memory_space<vmem>>) semaphore(%arg18 : memref<!tpu.dma_semaphore, #tpu.memory_space<semaphore_mem>>) {add = true}
      %add3A_155 = arith.constant 1 : i32
      %add3A_156 = arith.addi %scan3A_117, %add3A_155 : i32
      %lt3A = arith.constant 10 : i32
      %lt3A_157 = arith.cmpi slt, %add3A_156, %lt3A : i32
      %convert_element_type3A_158 = arith.extui %lt3A_157 : i1 to i32
      %cond3A_159 = arith.constant 0 : i32
      %cond3A_160 = arith.cmpi ne, %convert_element_type3A_158, %cond3A_159 : i32
      scf.if %cond3A_160 {
        %dma_wait3A_206 = arith.constant 0 : i32
        %dma_wait3A_207 = arith.constant 0 : i32
        %dma_wait3A_208 = tpu.memref_slice %arg8[%dma_wait3A_206, %dma_wait3A_207] : memref<40x64xi32, #tpu.memory_space<vmem>> -> memref<1x64xi32, #tpu.memory_space<vmem>>
        %dma_wait3A_209 = tpu.memref_squeeze %dma_wait3A_208 : memref<1x64xi32, #tpu.memory_space<vmem>> -> memref<64xi32, #tpu.memory_space<vmem>>
        %dma_wait3A_210 = arith.constant 0 : i32
        %dma_wait3A_211 = arith.constant 0 : i32
        %dma_wait3A_212 = tpu.memref_slice %arg6[%dma_wait3A_210, %dma_wait3A_211] : memref<10240x128xf32, #tpu.memory_space<vmem_shared>> -> memref<10240x128xf32, #tpu.memory_space<vmem_shared>>
        tpu.wait_indirect_dma semaphore(%arg17 : memref<!tpu.dma_semaphore, #tpu.memory_space<semaphore_mem>>) src(%arg9 : memref<64x128xf32, #tpu.memory_space<vmem>>) dst(%dma_wait3A_212 : memref<10240x128xf32, #tpu.memory_space<vmem_shared>>)
        %add3A_213 = arith.constant 4 : i32
        %add3A_214 = arith.addi %mul3A_120, %add3A_213 : i32
        %dma_start3A_215 = arith.constant 0 : i32
        %dma_start3A_216 = tpu.memref_slice %arg7[%add3A_214, %dma_start3A_215] : memref<40x64xi32, #tpu.memory_space<vmem>> -> memref<1x64xi32, #tpu.memory_space<vmem>>
        %dma_start3A_217 = tpu.memref_squeeze %dma_start3A_216 : memref<1x64xi32, #tpu.memory_space<vmem>> -> memref<64xi32, #tpu.memory_space<vmem>>
        %dma_start3A_218 = arith.constant 0 : i32
        %dma_start3A_219 = arith.constant 0 : i32
        %dma_start3A_220 = tpu.memref_slice %arg2[%dma_start3A_218, %dma_start3A_219] : memref<10000x128xf32, #tpu.memory_space<hbm>> -> memref<10000x128xf32, #tpu.memory_space<hbm>>
        tpu.enqueue_indirect_dma source(%dma_start3A_220 : memref<10000x128xf32, #tpu.memory_space<hbm>>) target(%arg9 : memref<64x128xf32, #tpu.memory_space<vmem>>) offsets(%dma_start3A_217 : memref<64xi32, #tpu.memory_space<vmem>>) semaphore(%arg13 : memref<!tpu.dma_semaphore, #tpu.memory_space<semaphore_mem>>)
        %dma_wait3A_221 = arith.constant 0 : i32
        %dma_wait3A_222 = arith.constant 0 : i32
        %dma_wait3A_223 = tpu.memref_slice %arg8[%dma_wait3A_221, %dma_wait3A_222] : memref<40x64xi32, #tpu.memory_space<vmem>> -> memref<1x64xi32, #tpu.memory_space<vmem>>
        %dma_wait3A_224 = tpu.memref_squeeze %dma_wait3A_223 : memref<1x64xi32, #tpu.memory_space<vmem>> -> memref<64xi32, #tpu.memory_space<vmem>>
        %dma_wait3A_225 = arith.constant 0 : i32
        %dma_wait3A_226 = arith.constant 0 : i32
        %dma_wait3A_227 = tpu.memref_slice %arg6[%dma_wait3A_225, %dma_wait3A_226] : memref<10240x128xf32, #tpu.memory_space<vmem_shared>> -> memref<10240x128xf32, #tpu.memory_space<vmem_shared>>
        tpu.wait_indirect_dma semaphore(%arg18 : memref<!tpu.dma_semaphore, #tpu.memory_space<semaphore_mem>>) src(%arg10 : memref<64x128xf32, #tpu.memory_space<vmem>>) dst(%dma_wait3A_227 : memref<10240x128xf32, #tpu.memory_space<vmem_shared>>)
        %add3A_228 = arith.constant 5 : i32
        %add3A_229 = arith.addi %mul3A_120, %add3A_228 : i32
        %dma_start3A_230 = arith.constant 0 : i32
        %dma_start3A_231 = tpu.memref_slice %arg7[%add3A_229, %dma_start3A_230] : memref<40x64xi32, #tpu.memory_space<vmem>> -> memref<1x64xi32, #tpu.memory_space<vmem>>
        %dma_start3A_232 = tpu.memref_squeeze %dma_start3A_231 : memref<1x64xi32, #tpu.memory_space<vmem>> -> memref<64xi32, #tpu.memory_space<vmem>>
        %dma_start3A_233 = arith.constant 0 : i32
        %dma_start3A_234 = arith.constant 0 : i32
        %dma_start3A_235 = tpu.memref_slice %arg2[%dma_start3A_233, %dma_start3A_234] : memref<10000x128xf32, #tpu.memory_space<hbm>> -> memref<10000x128xf32, #tpu.memory_space<hbm>>
        tpu.enqueue_indirect_dma source(%dma_start3A_235 : memref<10000x128xf32, #tpu.memory_space<hbm>>) target(%arg10 : memref<64x128xf32, #tpu.memory_space<vmem>>) offsets(%dma_start3A_232 : memref<64xi32, #tpu.memory_space<vmem>>) semaphore(%arg14 : memref<!tpu.dma_semaphore, #tpu.memory_space<semaphore_mem>>)
      } else {
      }
      %add3A_161 = arith.constant 1 : i32
      %add3A_162 = arith.addi %scan3A_117, %add3A_161 : i32
      %eq3A_163 = arith.constant 10 : i32
      %eq3A_164 = arith.cmpi eq, %add3A_162, %eq3A_163 : i32
      %convert_element_type3A_165 = arith.extui %eq3A_164 : i1 to i32
      %cond3A_166 = arith.constant 0 : i32
      %cond3A_167 = arith.cmpi ne, %convert_element_type3A_165, %cond3A_166 : i32
      scf.if %cond3A_167 {
        %dma_wait3A_206 = arith.constant 0 : i32
        %dma_wait3A_207 = arith.constant 0 : i32
        %dma_wait3A_208 = tpu.memref_slice %arg8[%dma_wait3A_206, %dma_wait3A_207] : memref<40x64xi32, #tpu.memory_space<vmem>> -> memref<1x64xi32, #tpu.memory_space<vmem>>
        %dma_wait3A_209 = tpu.memref_squeeze %dma_wait3A_208 : memref<1x64xi32, #tpu.memory_space<vmem>> -> memref<64xi32, #tpu.memory_space<vmem>>
        %dma_wait3A_210 = arith.constant 0 : i32
        %dma_wait3A_211 = arith.constant 0 : i32
        %dma_wait3A_212 = tpu.memref_slice %arg6[%dma_wait3A_210, %dma_wait3A_211] : memref<10240x128xf32, #tpu.memory_space<vmem_shared>> -> memref<10240x128xf32, #tpu.memory_space<vmem_shared>>
        tpu.wait_indirect_dma semaphore(%arg17 : memref<!tpu.dma_semaphore, #tpu.memory_space<semaphore_mem>>) src(%arg9 : memref<64x128xf32, #tpu.memory_space<vmem>>) dst(%dma_wait3A_212 : memref<10240x128xf32, #tpu.memory_space<vmem_shared>>)
        %dma_wait3A_213 = arith.constant 0 : i32
        %dma_wait3A_214 = arith.constant 0 : i32
        %dma_wait3A_215 = tpu.memref_slice %arg8[%dma_wait3A_213, %dma_wait3A_214] : memref<40x64xi32, #tpu.memory_space<vmem>> -> memref<1x64xi32, #tpu.memory_space<vmem>>
        %dma_wait3A_216 = tpu.memref_squeeze %dma_wait3A_215 : memref<1x64xi32, #tpu.memory_space<vmem>> -> memref<64xi32, #tpu.memory_space<vmem>>
        %dma_wait3A_217 = arith.constant 0 : i32
        %dma_wait3A_218 = arith.constant 0 : i32
        %dma_wait3A_219 = tpu.memref_slice %arg6[%dma_wait3A_217, %dma_wait3A_218] : memref<10240x128xf32, #tpu.memory_space<vmem_shared>> -> memref<10240x128xf32, #tpu.memory_space<vmem_shared>>
        tpu.wait_indirect_dma semaphore(%arg18 : memref<!tpu.dma_semaphore, #tpu.memory_space<semaphore_mem>>) src(%arg10 : memref<64x128xf32, #tpu.memory_space<vmem>>) dst(%dma_wait3A_219 : memref<10240x128xf32, #tpu.memory_space<vmem_shared>>)
      } else {
      }
      %dma_wait3A_168 = arith.constant 0 : i32
      %dma_wait3A_169 = arith.constant 0 : i32
      %dma_wait3A_170 = tpu.memref_slice %arg7[%dma_wait3A_168, %dma_wait3A_169] : memref<40x64xi32, #tpu.memory_space<vmem>> -> memref<1x64xi32, #tpu.memory_space<vmem>>
      %dma_wait3A_171 = tpu.memref_squeeze %dma_wait3A_170 : memref<1x64xi32, #tpu.memory_space<vmem>> -> memref<64xi32, #tpu.memory_space<vmem>>
      %dma_wait3A_172 = arith.constant 0 : i32
      %dma_wait3A_173 = arith.constant 0 : i32
      %dma_wait3A_174 = tpu.memref_slice %arg2[%dma_wait3A_172, %dma_wait3A_173] : memref<10000x128xf32, #tpu.memory_space<hbm>> -> memref<10000x128xf32, #tpu.memory_space<hbm>>
      tpu.wait_indirect_dma semaphore(%arg15 : memref<!tpu.dma_semaphore, #tpu.memory_space<semaphore_mem>>) src(%dma_wait3A_174 : memref<10000x128xf32, #tpu.memory_space<hbm>>) dst(%arg11 : memref<64x128xf32, #tpu.memory_space<vmem>>)
      %add3A_175 = arith.constant 2 : i32
      %add3A_176 = arith.addi %mul3A_120, %add3A_175 : i32
      %dma_start3A_177 = arith.constant 0 : i32
      %dma_start3A_178 = tpu.memref_slice %arg8[%add3A_176, %dma_start3A_177] : memref<40x64xi32, #tpu.memory_space<vmem>> -> memref<1x64xi32, #tpu.memory_space<vmem>>
      %dma_start3A_179 = tpu.memref_squeeze %dma_start3A_178 : memref<1x64xi32, #tpu.memory_space<vmem>> -> memref<64xi32, #tpu.memory_space<vmem>>
      %dma_start3A_180 = arith.constant 0 : i32
      %dma_start3A_181 = arith.constant 0 : i32
      %dma_start3A_182 = tpu.memref_slice %arg6[%dma_start3A_180, %dma_start3A_181] : memref<10240x128xf32, #tpu.memory_space<vmem_shared>> -> memref<10240x128xf32, #tpu.memory_space<vmem_shared>>
      tpu.enqueue_indirect_dma source(%arg11 : memref<64x128xf32, #tpu.memory_space<vmem>>) target(%dma_start3A_182 : memref<10240x128xf32, #tpu.memory_space<vmem_shared>>) offsets(%dma_start3A_179 : memref<64xi32, #tpu.memory_space<vmem>>) semaphore(%arg19 : memref<!tpu.dma_semaphore, #tpu.memory_space<semaphore_mem>>) {add = true}
      %dma_wait3A_183 = arith.constant 0 : i32
      %dma_wait3A_184 = arith.constant 0 : i32
      %dma_wait3A_185 = tpu.memref_slice %arg7[%dma_wait3A_183, %dma_wait3A_184] : memref<40x64xi32, #tpu.memory_space<vmem>> -> memref<1x64xi32, #tpu.memory_space<vmem>>
      %dma_wait3A_186 = tpu.memref_squeeze %dma_wait3A_185 : memref<1x64xi32, #tpu.memory_space<vmem>> -> memref<64xi32, #tpu.memory_space<vmem>>
      %dma_wait3A_187 = arith.constant 0 : i32
      %dma_wait3A_188 = arith.constant 0 : i32
      %dma_wait3A_189 = tpu.memref_slice %arg2[%dma_wait3A_187, %dma_wait3A_188] : memref<10000x128xf32, #tpu.memory_space<hbm>> -> memref<10000x128xf32, #tpu.memory_space<hbm>>
      tpu.wait_indirect_dma semaphore(%arg16 : memref<!tpu.dma_semaphore, #tpu.memory_space<semaphore_mem>>) src(%dma_wait3A_189 : memref<10000x128xf32, #tpu.memory_space<hbm>>) dst(%arg12 : memref<64x128xf32, #tpu.memory_space<vmem>>)
      %add3A_190 = arith.constant 3 : i32
      %add3A_191 = arith.addi %mul3A_120, %add3A_190 : i32
      %dma_start3A_192 = arith.constant 0 : i32
      %dma_start3A_193 = tpu.memref_slice %arg8[%add3A_191, %dma_start3A_192] : memref<40x64xi32, #tpu.memory_space<vmem>> -> memref<1x64xi32, #tpu.memory_space<vmem>>
      %dma_start3A_194 = tpu.memref_squeeze %dma_start3A_193 : memref<1x64xi32, #tpu.memory_space<vmem>> -> memref<64xi32, #tpu.memory_space<vmem>>
      %dma_start3A_195 = arith.constant 0 : i32
      %dma_start3A_196 = arith.constant 0 : i32
      %dma_start3A_197 = tpu.memref_slice %arg6[%dma_start3A_195, %dma_start3A_196] : memref<10240x128xf32, #tpu.memory_space<vmem_shared>> -> memref<10240x128xf32, #tpu.memory_space<vmem_shared>>
      tpu.enqueue_indirect_dma source(%arg12 : memref<64x128xf32, #tpu.memory_space<vmem>>) target(%dma_start3A_197 : memref<10240x128xf32, #tpu.memory_space<vmem_shared>>) offsets(%dma_start3A_194 : memref<64xi32, #tpu.memory_space<vmem>>) semaphore(%arg20 : memref<!tpu.dma_semaphore, #tpu.memory_space<semaphore_mem>>) {add = true}
      %add3A_198 = arith.constant 1 : i32
      %add3A_199 = arith.addi %scan3A_117, %add3A_198 : i32
      %eq3A_200 = arith.constant 10 : i32
      %eq3A_201 = arith.cmpi eq, %add3A_199, %eq3A_200 : i32
      %convert_element_type3A_202 = arith.extui %eq3A_201 : i1 to i32
      %cond3A_203 = arith.constant 0 : i32
      %cond3A_204 = arith.cmpi ne, %convert_element_type3A_202, %cond3A_203 : i32
      scf.if %cond3A_204 {
        %dma_wait3A_206 = arith.constant 0 : i32
        %dma_wait3A_207 = arith.constant 0 : i32
        %dma_wait3A_208 = tpu.memref_slice %arg8[%dma_wait3A_206, %dma_wait3A_207] : memref<40x64xi32, #tpu.memory_space<vmem>> -> memref<1x64xi32, #tpu.memory_space<vmem>>
        %dma_wait3A_209 = tpu.memref_squeeze %dma_wait3A_208 : memref<1x64xi32, #tpu.memory_space<vmem>> -> memref<64xi32, #tpu.memory_space<vmem>>
        %dma_wait3A_210 = arith.constant 0 : i32
        %dma_wait3A_211 = arith.constant 0 : i32
        %dma_wait3A_212 = tpu.memref_slice %arg6[%dma_wait3A_210, %dma_wait3A_211] : memref<10240x128xf32, #tpu.memory_space<vmem_shared>> -> memref<10240x128xf32, #tpu.memory_space<vmem_shared>>
        tpu.wait_indirect_dma semaphore(%arg19 : memref<!tpu.dma_semaphore, #tpu.memory_space<semaphore_mem>>) src(%arg11 : memref<64x128xf32, #tpu.memory_space<vmem>>) dst(%dma_wait3A_212 : memref<10240x128xf32, #tpu.memory_space<vmem_shared>>)
        %dma_wait3A_213 = arith.constant 0 : i32
        %dma_wait3A_214 = arith.constant 0 : i32
        %dma_wait3A_215 = tpu.memref_slice %arg8[%dma_wait3A_213, %dma_wait3A_214] : memref<40x64xi32, #tpu.memory_space<vmem>> -> memref<1x64xi32, #tpu.memory_space<vmem>>
        %dma_wait3A_216 = tpu.memref_squeeze %dma_wait3A_215 : memref<1x64xi32, #tpu.memory_space<vmem>> -> memref<64xi32, #tpu.memory_space<vmem>>
        %dma_wait3A_217 = arith.constant 0 : i32
        %dma_wait3A_218 = arith.constant 0 : i32
        %dma_wait3A_219 = tpu.memref_slice %arg6[%dma_wait3A_217, %dma_wait3A_218] : memref<10240x128xf32, #tpu.memory_space<vmem_shared>> -> memref<10240x128xf32, #tpu.memory_space<vmem_shared>>
        tpu.wait_indirect_dma semaphore(%arg20 : memref<!tpu.dma_semaphore, #tpu.memory_space<semaphore_mem>>) src(%arg12 : memref<64x128xf32, #tpu.memory_space<vmem>>) dst(%dma_wait3A_219 : memref<10240x128xf32, #tpu.memory_space<vmem_shared>>)
      } else {
      }
      %scan3A_205 = arith.constant 0 : i32
      scf.yield %scan3A_205 : i32
    }
    %scan3A_78 = arith.constant 10 : i32
    "tpu.region"() ({
      %run_scoped3A = tpu.sem_alloc : memref<!tpu.dma_semaphore, #tpu.memory_space<semaphore_mem>>
      %dma_start3A_117 = arith.constant 120 : i32
      %dma_start3A_118 = arith.constant 0 : i32
      %dma_start3A_119 = tpu.memref_slice %arg3[%add3A, %dma_start3A_117, %dma_start3A_118] : memref<32x160x64xi32, #tpu.memory_space<hbm>> -> memref<1x40x64xi32, #tpu.memory_space<hbm>>
      %dma_start3A_120 = tpu.memref_squeeze %dma_start3A_119 : memref<1x40x64xi32, #tpu.memory_space<hbm>> -> memref<40x64xi32, #tpu.memory_space<hbm>>
      %dma_start3A_121 = arith.constant 120 : i32
      %dma_start3A_122 = arith.constant 0 : i32
      %dma_start3A_123 = tpu.memref_slice %arg3[%add3A, %dma_start3A_121, %dma_start3A_122] : memref<32x160x64xi32, #tpu.memory_space<hbm>> -> memref<1x40x64xi32, #tpu.memory_space<hbm>>
      %dma_start3A_124 = tpu.memref_squeeze %dma_start3A_123 : memref<1x40x64xi32, #tpu.memory_space<hbm>> -> memref<40x64xi32, #tpu.memory_space<hbm>>
      tpu.enqueue_dma source(%dma_start3A_124 : memref<40x64xi32, #tpu.memory_space<hbm>>) target(%arg7 : memref<40x64xi32, #tpu.memory_space<vmem>>) target_semaphore(%run_scoped3A : memref<!tpu.dma_semaphore, #tpu.memory_space<semaphore_mem>>)
      %dma_wait3A_125 = arith.constant 120 : i32
      %dma_wait3A_126 = arith.constant 0 : i32
      %dma_wait3A_127 = tpu.memref_slice %arg3[%add3A, %dma_wait3A_125, %dma_wait3A_126] : memref<32x160x64xi32, #tpu.memory_space<hbm>> -> memref<1x40x64xi32, #tpu.memory_space<hbm>>
      %dma_wait3A_128 = tpu.memref_squeeze %dma_wait3A_127 : memref<1x40x64xi32, #tpu.memory_space<hbm>> -> memref<40x64xi32, #tpu.memory_space<hbm>>
      %dma_wait3A_129 = arith.constant 120 : i32
      %dma_wait3A_130 = arith.constant 0 : i32
      %dma_wait3A_131 = tpu.memref_slice %arg3[%add3A, %dma_wait3A_129, %dma_wait3A_130] : memref<32x160x64xi32, #tpu.memory_space<hbm>> -> memref<1x40x64xi32, #tpu.memory_space<hbm>>
      %dma_wait3A_132 = tpu.memref_squeeze %dma_wait3A_131 : memref<1x40x64xi32, #tpu.memory_space<hbm>> -> memref<40x64xi32, #tpu.memory_space<hbm>>
      tpu.wait_dma2 semaphore(%run_scoped3A : memref<!tpu.dma_semaphore, #tpu.memory_space<semaphore_mem>>) src(%dma_wait3A_132 : memref<40x64xi32, #tpu.memory_space<hbm>>) dst(%arg7 : memref<40x64xi32, #tpu.memory_space<vmem>>)
      tpu.yield
    }) : () -> ()
    "tpu.region"() ({
      %run_scoped3A = tpu.sem_alloc : memref<!tpu.dma_semaphore, #tpu.memory_space<semaphore_mem>>
      %dma_start3A_117 = arith.constant 120 : i32
      %dma_start3A_118 = arith.constant 0 : i32
      %dma_start3A_119 = tpu.memref_slice %arg4[%add3A, %dma_start3A_117, %dma_start3A_118] : memref<32x160x64xi32, #tpu.memory_space<hbm>> -> memref<1x40x64xi32, #tpu.memory_space<hbm>>
      %dma_start3A_120 = tpu.memref_squeeze %dma_start3A_119 : memref<1x40x64xi32, #tpu.memory_space<hbm>> -> memref<40x64xi32, #tpu.memory_space<hbm>>
      %dma_start3A_121 = arith.constant 120 : i32
      %dma_start3A_122 = arith.constant 0 : i32
      %dma_start3A_123 = tpu.memref_slice %arg4[%add3A, %dma_start3A_121, %dma_start3A_122] : memref<32x160x64xi32, #tpu.memory_space<hbm>> -> memref<1x40x64xi32, #tpu.memory_space<hbm>>
      %dma_start3A_124 = tpu.memref_squeeze %dma_start3A_123 : memref<1x40x64xi32, #tpu.memory_space<hbm>> -> memref<40x64xi32, #tpu.memory_space<hbm>>
      tpu.enqueue_dma source(%dma_start3A_124 : memref<40x64xi32, #tpu.memory_space<hbm>>) target(%arg8 : memref<40x64xi32, #tpu.memory_space<vmem>>) target_semaphore(%run_scoped3A : memref<!tpu.dma_semaphore, #tpu.memory_space<semaphore_mem>>)
      %dma_wait3A_125 = arith.constant 120 : i32
      %dma_wait3A_126 = arith.constant 0 : i32
      %dma_wait3A_127 = tpu.memref_slice %arg4[%add3A, %dma_wait3A_125, %dma_wait3A_126] : memref<32x160x64xi32, #tpu.memory_space<hbm>> -> memref<1x40x64xi32, #tpu.memory_space<hbm>>
      %dma_wait3A_128 = tpu.memref_squeeze %dma_wait3A_127 : memref<1x40x64xi32, #tpu.memory_space<hbm>> -> memref<40x64xi32, #tpu.memory_space<hbm>>
      %dma_wait3A_129 = arith.constant 120 : i32
      %dma_wait3A_130 = arith.constant 0 : i32
      %dma_wait3A_131 = tpu.memref_slice %arg4[%add3A, %dma_wait3A_129, %dma_wait3A_130] : memref<32x160x64xi32, #tpu.memory_space<hbm>> -> memref<1x40x64xi32, #tpu.memory_space<hbm>>
      %dma_wait3A_132 = tpu.memref_squeeze %dma_wait3A_131 : memref<1x40x64xi32, #tpu.memory_space<hbm>> -> memref<40x64xi32, #tpu.memory_space<hbm>>
      tpu.wait_dma2 semaphore(%run_scoped3A : memref<!tpu.dma_semaphore, #tpu.memory_space<semaphore_mem>>) src(%dma_wait3A_132 : memref<40x64xi32, #tpu.memory_space<hbm>>) dst(%arg8 : memref<40x64xi32, #tpu.memory_space<vmem>>)
      tpu.yield
    }) : () -> ()
    %dma_start3A_79 = arith.constant 0 : i32
    %dma_start3A_80 = arith.constant 0 : i32
    %dma_start3A_81 = tpu.memref_slice %arg7[%dma_start3A_79, %dma_start3A_80] : memref<40x64xi32, #tpu.memory_space<vmem>> -> memref<1x64xi32, #tpu.memory_space<vmem>>
    %dma_start3A_82 = tpu.memref_squeeze %dma_start3A_81 : memref<1x64xi32, #tpu.memory_space<vmem>> -> memref<64xi32, #tpu.memory_space<vmem>>
    %dma_start3A_83 = arith.constant 0 : i32
    %dma_start3A_84 = arith.constant 0 : i32
    %dma_start3A_85 = tpu.memref_slice %arg2[%dma_start3A_83, %dma_start3A_84] : memref<10000x128xf32, #tpu.memory_space<hbm>> -> memref<10000x128xf32, #tpu.memory_space<hbm>>
    tpu.enqueue_indirect_dma source(%dma_start3A_85 : memref<10000x128xf32, #tpu.memory_space<hbm>>) target(%arg9 : memref<64x128xf32, #tpu.memory_space<vmem>>) offsets(%dma_start3A_82 : memref<64xi32, #tpu.memory_space<vmem>>) semaphore(%arg13 : memref<!tpu.dma_semaphore, #tpu.memory_space<semaphore_mem>>)
    %dma_start3A_86 = arith.constant 1 : i32
    %dma_start3A_87 = arith.constant 0 : i32
    %dma_start3A_88 = tpu.memref_slice %arg7[%dma_start3A_86, %dma_start3A_87] : memref<40x64xi32, #tpu.memory_space<vmem>> -> memref<1x64xi32, #tpu.memory_space<vmem>>
    %dma_start3A_89 = tpu.memref_squeeze %dma_start3A_88 : memref<1x64xi32, #tpu.memory_space<vmem>> -> memref<64xi32, #tpu.memory_space<vmem>>
    %dma_start3A_90 = arith.constant 0 : i32
    %dma_start3A_91 = arith.constant 0 : i32
    %dma_start3A_92 = tpu.memref_slice %arg2[%dma_start3A_90, %dma_start3A_91] : memref<10000x128xf32, #tpu.memory_space<hbm>> -> memref<10000x128xf32, #tpu.memory_space<hbm>>
    tpu.enqueue_indirect_dma source(%dma_start3A_92 : memref<10000x128xf32, #tpu.memory_space<hbm>>) target(%arg10 : memref<64x128xf32, #tpu.memory_space<vmem>>) offsets(%dma_start3A_89 : memref<64xi32, #tpu.memory_space<vmem>>) semaphore(%arg14 : memref<!tpu.dma_semaphore, #tpu.memory_space<semaphore_mem>>)
    %scan3A_93 = arith.constant 0 : i32
    %scan3A_94 = arith.constant 0 : i32
    %scan3A_95 = arith.constant 10 : i32
    %scan3A_96 = arith.addi %scan3A_94, %scan3A_95 : i32
    %scan3A_97 = arith.constant 1 : i32
    %scan3A_98 = scf.for %scan3A_117 = %scan3A_94 to %scan3A_96 step %scan3A_97 iter_args(%scan3A_118 = %scan3A_93) -> (i32)  : i32 {
      %mul3A_119 = arith.constant 4 : i32
      %mul3A_120 = arith.muli %mul3A_119, %scan3A_117 : i32
      %gt3A = arith.constant 0 : i32
      %gt3A_121 = arith.cmpi sgt, %scan3A_117, %gt3A : i32
      %convert_element_type3A = arith.extui %gt3A_121 : i1 to i32
      %cond3A = arith.constant 0 : i32
      %cond3A_122 = arith.cmpi ne, %convert_element_type3A, %cond3A : i32
      scf.if %cond3A_122 {
        %dma_wait3A_206 = arith.constant 0 : i32
        %dma_wait3A_207 = arith.constant 0 : i32
        %dma_wait3A_208 = tpu.memref_slice %arg8[%dma_wait3A_206, %dma_wait3A_207] : memref<40x64xi32, #tpu.memory_space<vmem>> -> memref<1x64xi32, #tpu.memory_space<vmem>>
        %dma_wait3A_209 = tpu.memref_squeeze %dma_wait3A_208 : memref<1x64xi32, #tpu.memory_space<vmem>> -> memref<64xi32, #tpu.memory_space<vmem>>
        %dma_wait3A_210 = arith.constant 0 : i32
        %dma_wait3A_211 = arith.constant 0 : i32
        %dma_wait3A_212 = tpu.memref_slice %arg6[%dma_wait3A_210, %dma_wait3A_211] : memref<10240x128xf32, #tpu.memory_space<vmem_shared>> -> memref<10240x128xf32, #tpu.memory_space<vmem_shared>>
        tpu.wait_indirect_dma semaphore(%arg19 : memref<!tpu.dma_semaphore, #tpu.memory_space<semaphore_mem>>) src(%arg11 : memref<64x128xf32, #tpu.memory_space<vmem>>) dst(%dma_wait3A_212 : memref<10240x128xf32, #tpu.memory_space<vmem_shared>>)
        %add3A_213 = arith.constant 2 : i32
        %add3A_214 = arith.addi %mul3A_120, %add3A_213 : i32
        %dma_start3A_215 = arith.constant 0 : i32
        %dma_start3A_216 = tpu.memref_slice %arg7[%add3A_214, %dma_start3A_215] : memref<40x64xi32, #tpu.memory_space<vmem>> -> memref<1x64xi32, #tpu.memory_space<vmem>>
        %dma_start3A_217 = tpu.memref_squeeze %dma_start3A_216 : memref<1x64xi32, #tpu.memory_space<vmem>> -> memref<64xi32, #tpu.memory_space<vmem>>
        %dma_start3A_218 = arith.constant 0 : i32
        %dma_start3A_219 = arith.constant 0 : i32
        %dma_start3A_220 = tpu.memref_slice %arg2[%dma_start3A_218, %dma_start3A_219] : memref<10000x128xf32, #tpu.memory_space<hbm>> -> memref<10000x128xf32, #tpu.memory_space<hbm>>
        tpu.enqueue_indirect_dma source(%dma_start3A_220 : memref<10000x128xf32, #tpu.memory_space<hbm>>) target(%arg11 : memref<64x128xf32, #tpu.memory_space<vmem>>) offsets(%dma_start3A_217 : memref<64xi32, #tpu.memory_space<vmem>>) semaphore(%arg15 : memref<!tpu.dma_semaphore, #tpu.memory_space<semaphore_mem>>)
        %dma_wait3A_221 = arith.constant 0 : i32
        %dma_wait3A_222 = arith.constant 0 : i32
        %dma_wait3A_223 = tpu.memref_slice %arg8[%dma_wait3A_221, %dma_wait3A_222] : memref<40x64xi32, #tpu.memory_space<vmem>> -> memref<1x64xi32, #tpu.memory_space<vmem>>
        %dma_wait3A_224 = tpu.memref_squeeze %dma_wait3A_223 : memref<1x64xi32, #tpu.memory_space<vmem>> -> memref<64xi32, #tpu.memory_space<vmem>>
        %dma_wait3A_225 = arith.constant 0 : i32
        %dma_wait3A_226 = arith.constant 0 : i32
        %dma_wait3A_227 = tpu.memref_slice %arg6[%dma_wait3A_225, %dma_wait3A_226] : memref<10240x128xf32, #tpu.memory_space<vmem_shared>> -> memref<10240x128xf32, #tpu.memory_space<vmem_shared>>
        tpu.wait_indirect_dma semaphore(%arg20 : memref<!tpu.dma_semaphore, #tpu.memory_space<semaphore_mem>>) src(%arg12 : memref<64x128xf32, #tpu.memory_space<vmem>>) dst(%dma_wait3A_227 : memref<10240x128xf32, #tpu.memory_space<vmem_shared>>)
        %add3A_228 = arith.constant 3 : i32
        %add3A_229 = arith.addi %mul3A_120, %add3A_228 : i32
        %dma_start3A_230 = arith.constant 0 : i32
        %dma_start3A_231 = tpu.memref_slice %arg7[%add3A_229, %dma_start3A_230] : memref<40x64xi32, #tpu.memory_space<vmem>> -> memref<1x64xi32, #tpu.memory_space<vmem>>
        %dma_start3A_232 = tpu.memref_squeeze %dma_start3A_231 : memref<1x64xi32, #tpu.memory_space<vmem>> -> memref<64xi32, #tpu.memory_space<vmem>>
        %dma_start3A_233 = arith.constant 0 : i32
        %dma_start3A_234 = arith.constant 0 : i32
        %dma_start3A_235 = tpu.memref_slice %arg2[%dma_start3A_233, %dma_start3A_234] : memref<10000x128xf32, #tpu.memory_space<hbm>> -> memref<10000x128xf32, #tpu.memory_space<hbm>>
        tpu.enqueue_indirect_dma source(%dma_start3A_235 : memref<10000x128xf32, #tpu.memory_space<hbm>>) target(%arg12 : memref<64x128xf32, #tpu.memory_space<vmem>>) offsets(%dma_start3A_232 : memref<64xi32, #tpu.memory_space<vmem>>) semaphore(%arg16 : memref<!tpu.dma_semaphore, #tpu.memory_space<semaphore_mem>>)
      } else {
      }
      %eq3A = arith.constant 0 : i32
      %eq3A_123 = arith.cmpi eq, %scan3A_117, %eq3A : i32
      %convert_element_type3A_124 = arith.extui %eq3A_123 : i1 to i32
      %cond3A_125 = arith.constant 0 : i32
      %cond3A_126 = arith.cmpi ne, %convert_element_type3A_124, %cond3A_125 : i32
      scf.if %cond3A_126 {
        %dma_start3A_206 = arith.constant 2 : i32
        %dma_start3A_207 = arith.constant 0 : i32
        %dma_start3A_208 = tpu.memref_slice %arg7[%dma_start3A_206, %dma_start3A_207] : memref<40x64xi32, #tpu.memory_space<vmem>> -> memref<1x64xi32, #tpu.memory_space<vmem>>
        %dma_start3A_209 = tpu.memref_squeeze %dma_start3A_208 : memref<1x64xi32, #tpu.memory_space<vmem>> -> memref<64xi32, #tpu.memory_space<vmem>>
        %dma_start3A_210 = arith.constant 0 : i32
        %dma_start3A_211 = arith.constant 0 : i32
        %dma_start3A_212 = tpu.memref_slice %arg2[%dma_start3A_210, %dma_start3A_211] : memref<10000x128xf32, #tpu.memory_space<hbm>> -> memref<10000x128xf32, #tpu.memory_space<hbm>>
        tpu.enqueue_indirect_dma source(%dma_start3A_212 : memref<10000x128xf32, #tpu.memory_space<hbm>>) target(%arg11 : memref<64x128xf32, #tpu.memory_space<vmem>>) offsets(%dma_start3A_209 : memref<64xi32, #tpu.memory_space<vmem>>) semaphore(%arg15 : memref<!tpu.dma_semaphore, #tpu.memory_space<semaphore_mem>>)
        %dma_start3A_213 = arith.constant 3 : i32
        %dma_start3A_214 = arith.constant 0 : i32
        %dma_start3A_215 = tpu.memref_slice %arg7[%dma_start3A_213, %dma_start3A_214] : memref<40x64xi32, #tpu.memory_space<vmem>> -> memref<1x64xi32, #tpu.memory_space<vmem>>
        %dma_start3A_216 = tpu.memref_squeeze %dma_start3A_215 : memref<1x64xi32, #tpu.memory_space<vmem>> -> memref<64xi32, #tpu.memory_space<vmem>>
        %dma_start3A_217 = arith.constant 0 : i32
        %dma_start3A_218 = arith.constant 0 : i32
        %dma_start3A_219 = tpu.memref_slice %arg2[%dma_start3A_217, %dma_start3A_218] : memref<10000x128xf32, #tpu.memory_space<hbm>> -> memref<10000x128xf32, #tpu.memory_space<hbm>>
        tpu.enqueue_indirect_dma source(%dma_start3A_219 : memref<10000x128xf32, #tpu.memory_space<hbm>>) target(%arg12 : memref<64x128xf32, #tpu.memory_space<vmem>>) offsets(%dma_start3A_216 : memref<64xi32, #tpu.memory_space<vmem>>) semaphore(%arg16 : memref<!tpu.dma_semaphore, #tpu.memory_space<semaphore_mem>>)
      } else {
      }
      %dma_wait3A_127 = arith.constant 0 : i32
      %dma_wait3A_128 = arith.constant 0 : i32
      %dma_wait3A_129 = tpu.memref_slice %arg7[%dma_wait3A_127, %dma_wait3A_128] : memref<40x64xi32, #tpu.memory_space<vmem>> -> memref<1x64xi32, #tpu.memory_space<vmem>>
      %dma_wait3A_130 = tpu.memref_squeeze %dma_wait3A_129 : memref<1x64xi32, #tpu.memory_space<vmem>> -> memref<64xi32, #tpu.memory_space<vmem>>
      %dma_wait3A_131 = arith.constant 0 : i32
      %dma_wait3A_132 = arith.constant 0 : i32
      %dma_wait3A_133 = tpu.memref_slice %arg2[%dma_wait3A_131, %dma_wait3A_132] : memref<10000x128xf32, #tpu.memory_space<hbm>> -> memref<10000x128xf32, #tpu.memory_space<hbm>>
      tpu.wait_indirect_dma semaphore(%arg13 : memref<!tpu.dma_semaphore, #tpu.memory_space<semaphore_mem>>) src(%dma_wait3A_133 : memref<10000x128xf32, #tpu.memory_space<hbm>>) dst(%arg9 : memref<64x128xf32, #tpu.memory_space<vmem>>)
      %dma_start3A_134 = arith.constant 0 : i32
      %dma_start3A_135 = tpu.memref_slice %arg8[%mul3A_120, %dma_start3A_134] : memref<40x64xi32, #tpu.memory_space<vmem>> -> memref<1x64xi32, #tpu.memory_space<vmem>>
      %dma_start3A_136 = tpu.memref_squeeze %dma_start3A_135 : memref<1x64xi32, #tpu.memory_space<vmem>> -> memref<64xi32, #tpu.memory_space<vmem>>
      %dma_start3A_137 = arith.constant 0 : i32
      %dma_start3A_138 = arith.constant 0 : i32
      %dma_start3A_139 = tpu.memref_slice %arg6[%dma_start3A_137, %dma_start3A_138] : memref<10240x128xf32, #tpu.memory_space<vmem_shared>> -> memref<10240x128xf32, #tpu.memory_space<vmem_shared>>
      tpu.enqueue_indirect_dma source(%arg9 : memref<64x128xf32, #tpu.memory_space<vmem>>) target(%dma_start3A_139 : memref<10240x128xf32, #tpu.memory_space<vmem_shared>>) offsets(%dma_start3A_136 : memref<64xi32, #tpu.memory_space<vmem>>) semaphore(%arg17 : memref<!tpu.dma_semaphore, #tpu.memory_space<semaphore_mem>>) {add = true}
      %dma_wait3A_140 = arith.constant 0 : i32
      %dma_wait3A_141 = arith.constant 0 : i32
      %dma_wait3A_142 = tpu.memref_slice %arg7[%dma_wait3A_140, %dma_wait3A_141] : memref<40x64xi32, #tpu.memory_space<vmem>> -> memref<1x64xi32, #tpu.memory_space<vmem>>
      %dma_wait3A_143 = tpu.memref_squeeze %dma_wait3A_142 : memref<1x64xi32, #tpu.memory_space<vmem>> -> memref<64xi32, #tpu.memory_space<vmem>>
      %dma_wait3A_144 = arith.constant 0 : i32
      %dma_wait3A_145 = arith.constant 0 : i32
      %dma_wait3A_146 = tpu.memref_slice %arg2[%dma_wait3A_144, %dma_wait3A_145] : memref<10000x128xf32, #tpu.memory_space<hbm>> -> memref<10000x128xf32, #tpu.memory_space<hbm>>
      tpu.wait_indirect_dma semaphore(%arg14 : memref<!tpu.dma_semaphore, #tpu.memory_space<semaphore_mem>>) src(%dma_wait3A_146 : memref<10000x128xf32, #tpu.memory_space<hbm>>) dst(%arg10 : memref<64x128xf32, #tpu.memory_space<vmem>>)
      %add3A_147 = arith.constant 1 : i32
      %add3A_148 = arith.addi %mul3A_120, %add3A_147 : i32
      %dma_start3A_149 = arith.constant 0 : i32
      %dma_start3A_150 = tpu.memref_slice %arg8[%add3A_148, %dma_start3A_149] : memref<40x64xi32, #tpu.memory_space<vmem>> -> memref<1x64xi32, #tpu.memory_space<vmem>>
      %dma_start3A_151 = tpu.memref_squeeze %dma_start3A_150 : memref<1x64xi32, #tpu.memory_space<vmem>> -> memref<64xi32, #tpu.memory_space<vmem>>
      %dma_start3A_152 = arith.constant 0 : i32
      %dma_start3A_153 = arith.constant 0 : i32
      %dma_start3A_154 = tpu.memref_slice %arg6[%dma_start3A_152, %dma_start3A_153] : memref<10240x128xf32, #tpu.memory_space<vmem_shared>> -> memref<10240x128xf32, #tpu.memory_space<vmem_shared>>
      tpu.enqueue_indirect_dma source(%arg10 : memref<64x128xf32, #tpu.memory_space<vmem>>) target(%dma_start3A_154 : memref<10240x128xf32, #tpu.memory_space<vmem_shared>>) offsets(%dma_start3A_151 : memref<64xi32, #tpu.memory_space<vmem>>) semaphore(%arg18 : memref<!tpu.dma_semaphore, #tpu.memory_space<semaphore_mem>>) {add = true}
      %add3A_155 = arith.constant 1 : i32
      %add3A_156 = arith.addi %scan3A_117, %add3A_155 : i32
      %lt3A = arith.constant 10 : i32
      %lt3A_157 = arith.cmpi slt, %add3A_156, %lt3A : i32
      %convert_element_type3A_158 = arith.extui %lt3A_157 : i1 to i32
      %cond3A_159 = arith.constant 0 : i32
      %cond3A_160 = arith.cmpi ne, %convert_element_type3A_158, %cond3A_159 : i32
      scf.if %cond3A_160 {
        %dma_wait3A_206 = arith.constant 0 : i32
        %dma_wait3A_207 = arith.constant 0 : i32
        %dma_wait3A_208 = tpu.memref_slice %arg8[%dma_wait3A_206, %dma_wait3A_207] : memref<40x64xi32, #tpu.memory_space<vmem>> -> memref<1x64xi32, #tpu.memory_space<vmem>>
        %dma_wait3A_209 = tpu.memref_squeeze %dma_wait3A_208 : memref<1x64xi32, #tpu.memory_space<vmem>> -> memref<64xi32, #tpu.memory_space<vmem>>
        %dma_wait3A_210 = arith.constant 0 : i32
        %dma_wait3A_211 = arith.constant 0 : i32
        %dma_wait3A_212 = tpu.memref_slice %arg6[%dma_wait3A_210, %dma_wait3A_211] : memref<10240x128xf32, #tpu.memory_space<vmem_shared>> -> memref<10240x128xf32, #tpu.memory_space<vmem_shared>>
        tpu.wait_indirect_dma semaphore(%arg17 : memref<!tpu.dma_semaphore, #tpu.memory_space<semaphore_mem>>) src(%arg9 : memref<64x128xf32, #tpu.memory_space<vmem>>) dst(%dma_wait3A_212 : memref<10240x128xf32, #tpu.memory_space<vmem_shared>>)
        %add3A_213 = arith.constant 4 : i32
        %add3A_214 = arith.addi %mul3A_120, %add3A_213 : i32
        %dma_start3A_215 = arith.constant 0 : i32
        %dma_start3A_216 = tpu.memref_slice %arg7[%add3A_214, %dma_start3A_215] : memref<40x64xi32, #tpu.memory_space<vmem>> -> memref<1x64xi32, #tpu.memory_space<vmem>>
        %dma_start3A_217 = tpu.memref_squeeze %dma_start3A_216 : memref<1x64xi32, #tpu.memory_space<vmem>> -> memref<64xi32, #tpu.memory_space<vmem>>
        %dma_start3A_218 = arith.constant 0 : i32
        %dma_start3A_219 = arith.constant 0 : i32
        %dma_start3A_220 = tpu.memref_slice %arg2[%dma_start3A_218, %dma_start3A_219] : memref<10000x128xf32, #tpu.memory_space<hbm>> -> memref<10000x128xf32, #tpu.memory_space<hbm>>
        tpu.enqueue_indirect_dma source(%dma_start3A_220 : memref<10000x128xf32, #tpu.memory_space<hbm>>) target(%arg9 : memref<64x128xf32, #tpu.memory_space<vmem>>) offsets(%dma_start3A_217 : memref<64xi32, #tpu.memory_space<vmem>>) semaphore(%arg13 : memref<!tpu.dma_semaphore, #tpu.memory_space<semaphore_mem>>)
        %dma_wait3A_221 = arith.constant 0 : i32
        %dma_wait3A_222 = arith.constant 0 : i32
        %dma_wait3A_223 = tpu.memref_slice %arg8[%dma_wait3A_221, %dma_wait3A_222] : memref<40x64xi32, #tpu.memory_space<vmem>> -> memref<1x64xi32, #tpu.memory_space<vmem>>
        %dma_wait3A_224 = tpu.memref_squeeze %dma_wait3A_223 : memref<1x64xi32, #tpu.memory_space<vmem>> -> memref<64xi32, #tpu.memory_space<vmem>>
        %dma_wait3A_225 = arith.constant 0 : i32
        %dma_wait3A_226 = arith.constant 0 : i32
        %dma_wait3A_227 = tpu.memref_slice %arg6[%dma_wait3A_225, %dma_wait3A_226] : memref<10240x128xf32, #tpu.memory_space<vmem_shared>> -> memref<10240x128xf32, #tpu.memory_space<vmem_shared>>
        tpu.wait_indirect_dma semaphore(%arg18 : memref<!tpu.dma_semaphore, #tpu.memory_space<semaphore_mem>>) src(%arg10 : memref<64x128xf32, #tpu.memory_space<vmem>>) dst(%dma_wait3A_227 : memref<10240x128xf32, #tpu.memory_space<vmem_shared>>)
        %add3A_228 = arith.constant 5 : i32
        %add3A_229 = arith.addi %mul3A_120, %add3A_228 : i32
        %dma_start3A_230 = arith.constant 0 : i32
        %dma_start3A_231 = tpu.memref_slice %arg7[%add3A_229, %dma_start3A_230] : memref<40x64xi32, #tpu.memory_space<vmem>> -> memref<1x64xi32, #tpu.memory_space<vmem>>
        %dma_start3A_232 = tpu.memref_squeeze %dma_start3A_231 : memref<1x64xi32, #tpu.memory_space<vmem>> -> memref<64xi32, #tpu.memory_space<vmem>>
        %dma_start3A_233 = arith.constant 0 : i32
        %dma_start3A_234 = arith.constant 0 : i32
        %dma_start3A_235 = tpu.memref_slice %arg2[%dma_start3A_233, %dma_start3A_234] : memref<10000x128xf32, #tpu.memory_space<hbm>> -> memref<10000x128xf32, #tpu.memory_space<hbm>>
        tpu.enqueue_indirect_dma source(%dma_start3A_235 : memref<10000x128xf32, #tpu.memory_space<hbm>>) target(%arg10 : memref<64x128xf32, #tpu.memory_space<vmem>>) offsets(%dma_start3A_232 : memref<64xi32, #tpu.memory_space<vmem>>) semaphore(%arg14 : memref<!tpu.dma_semaphore, #tpu.memory_space<semaphore_mem>>)
      } else {
      }
      %add3A_161 = arith.constant 1 : i32
      %add3A_162 = arith.addi %scan3A_117, %add3A_161 : i32
      %eq3A_163 = arith.constant 10 : i32
      %eq3A_164 = arith.cmpi eq, %add3A_162, %eq3A_163 : i32
      %convert_element_type3A_165 = arith.extui %eq3A_164 : i1 to i32
      %cond3A_166 = arith.constant 0 : i32
      %cond3A_167 = arith.cmpi ne, %convert_element_type3A_165, %cond3A_166 : i32
      scf.if %cond3A_167 {
        %dma_wait3A_206 = arith.constant 0 : i32
        %dma_wait3A_207 = arith.constant 0 : i32
        %dma_wait3A_208 = tpu.memref_slice %arg8[%dma_wait3A_206, %dma_wait3A_207] : memref<40x64xi32, #tpu.memory_space<vmem>> -> memref<1x64xi32, #tpu.memory_space<vmem>>
        %dma_wait3A_209 = tpu.memref_squeeze %dma_wait3A_208 : memref<1x64xi32, #tpu.memory_space<vmem>> -> memref<64xi32, #tpu.memory_space<vmem>>
        %dma_wait3A_210 = arith.constant 0 : i32
        %dma_wait3A_211 = arith.constant 0 : i32
        %dma_wait3A_212 = tpu.memref_slice %arg6[%dma_wait3A_210, %dma_wait3A_211] : memref<10240x128xf32, #tpu.memory_space<vmem_shared>> -> memref<10240x128xf32, #tpu.memory_space<vmem_shared>>
        tpu.wait_indirect_dma semaphore(%arg17 : memref<!tpu.dma_semaphore, #tpu.memory_space<semaphore_mem>>) src(%arg9 : memref<64x128xf32, #tpu.memory_space<vmem>>) dst(%dma_wait3A_212 : memref<10240x128xf32, #tpu.memory_space<vmem_shared>>)
        %dma_wait3A_213 = arith.constant 0 : i32
        %dma_wait3A_214 = arith.constant 0 : i32
        %dma_wait3A_215 = tpu.memref_slice %arg8[%dma_wait3A_213, %dma_wait3A_214] : memref<40x64xi32, #tpu.memory_space<vmem>> -> memref<1x64xi32, #tpu.memory_space<vmem>>
        %dma_wait3A_216 = tpu.memref_squeeze %dma_wait3A_215 : memref<1x64xi32, #tpu.memory_space<vmem>> -> memref<64xi32, #tpu.memory_space<vmem>>
        %dma_wait3A_217 = arith.constant 0 : i32
        %dma_wait3A_218 = arith.constant 0 : i32
        %dma_wait3A_219 = tpu.memref_slice %arg6[%dma_wait3A_217, %dma_wait3A_218] : memref<10240x128xf32, #tpu.memory_space<vmem_shared>> -> memref<10240x128xf32, #tpu.memory_space<vmem_shared>>
        tpu.wait_indirect_dma semaphore(%arg18 : memref<!tpu.dma_semaphore, #tpu.memory_space<semaphore_mem>>) src(%arg10 : memref<64x128xf32, #tpu.memory_space<vmem>>) dst(%dma_wait3A_219 : memref<10240x128xf32, #tpu.memory_space<vmem_shared>>)
      } else {
      }
      %dma_wait3A_168 = arith.constant 0 : i32
      %dma_wait3A_169 = arith.constant 0 : i32
      %dma_wait3A_170 = tpu.memref_slice %arg7[%dma_wait3A_168, %dma_wait3A_169] : memref<40x64xi32, #tpu.memory_space<vmem>> -> memref<1x64xi32, #tpu.memory_space<vmem>>
      %dma_wait3A_171 = tpu.memref_squeeze %dma_wait3A_170 : memref<1x64xi32, #tpu.memory_space<vmem>> -> memref<64xi32, #tpu.memory_space<vmem>>
      %dma_wait3A_172 = arith.constant 0 : i32
      %dma_wait3A_173 = arith.constant 0 : i32
      %dma_wait3A_174 = tpu.memref_slice %arg2[%dma_wait3A_172, %dma_wait3A_173] : memref<10000x128xf32, #tpu.memory_space<hbm>> -> memref<10000x128xf32, #tpu.memory_space<hbm>>
      tpu.wait_indirect_dma semaphore(%arg15 : memref<!tpu.dma_semaphore, #tpu.memory_space<semaphore_mem>>) src(%dma_wait3A_174 : memref<10000x128xf32, #tpu.memory_space<hbm>>) dst(%arg11 : memref<64x128xf32, #tpu.memory_space<vmem>>)
      %add3A_175 = arith.constant 2 : i32
      %add3A_176 = arith.addi %mul3A_120, %add3A_175 : i32
      %dma_start3A_177 = arith.constant 0 : i32
      %dma_start3A_178 = tpu.memref_slice %arg8[%add3A_176, %dma_start3A_177] : memref<40x64xi32, #tpu.memory_space<vmem>> -> memref<1x64xi32, #tpu.memory_space<vmem>>
      %dma_start3A_179 = tpu.memref_squeeze %dma_start3A_178 : memref<1x64xi32, #tpu.memory_space<vmem>> -> memref<64xi32, #tpu.memory_space<vmem>>
      %dma_start3A_180 = arith.constant 0 : i32
      %dma_start3A_181 = arith.constant 0 : i32
      %dma_start3A_182 = tpu.memref_slice %arg6[%dma_start3A_180, %dma_start3A_181] : memref<10240x128xf32, #tpu.memory_space<vmem_shared>> -> memref<10240x128xf32, #tpu.memory_space<vmem_shared>>
      tpu.enqueue_indirect_dma source(%arg11 : memref<64x128xf32, #tpu.memory_space<vmem>>) target(%dma_start3A_182 : memref<10240x128xf32, #tpu.memory_space<vmem_shared>>) offsets(%dma_start3A_179 : memref<64xi32, #tpu.memory_space<vmem>>) semaphore(%arg19 : memref<!tpu.dma_semaphore, #tpu.memory_space<semaphore_mem>>) {add = true}
      %dma_wait3A_183 = arith.constant 0 : i32
      %dma_wait3A_184 = arith.constant 0 : i32
      %dma_wait3A_185 = tpu.memref_slice %arg7[%dma_wait3A_183, %dma_wait3A_184] : memref<40x64xi32, #tpu.memory_space<vmem>> -> memref<1x64xi32, #tpu.memory_space<vmem>>
      %dma_wait3A_186 = tpu.memref_squeeze %dma_wait3A_185 : memref<1x64xi32, #tpu.memory_space<vmem>> -> memref<64xi32, #tpu.memory_space<vmem>>
      %dma_wait3A_187 = arith.constant 0 : i32
      %dma_wait3A_188 = arith.constant 0 : i32
      %dma_wait3A_189 = tpu.memref_slice %arg2[%dma_wait3A_187, %dma_wait3A_188] : memref<10000x128xf32, #tpu.memory_space<hbm>> -> memref<10000x128xf32, #tpu.memory_space<hbm>>
      tpu.wait_indirect_dma semaphore(%arg16 : memref<!tpu.dma_semaphore, #tpu.memory_space<semaphore_mem>>) src(%dma_wait3A_189 : memref<10000x128xf32, #tpu.memory_space<hbm>>) dst(%arg12 : memref<64x128xf32, #tpu.memory_space<vmem>>)
      %add3A_190 = arith.constant 3 : i32
      %add3A_191 = arith.addi %mul3A_120, %add3A_190 : i32
      %dma_start3A_192 = arith.constant 0 : i32
      %dma_start3A_193 = tpu.memref_slice %arg8[%add3A_191, %dma_start3A_192] : memref<40x64xi32, #tpu.memory_space<vmem>> -> memref<1x64xi32, #tpu.memory_space<vmem>>
      %dma_start3A_194 = tpu.memref_squeeze %dma_start3A_193 : memref<1x64xi32, #tpu.memory_space<vmem>> -> memref<64xi32, #tpu.memory_space<vmem>>
      %dma_start3A_195 = arith.constant 0 : i32
      %dma_start3A_196 = arith.constant 0 : i32
      %dma_start3A_197 = tpu.memref_slice %arg6[%dma_start3A_195, %dma_start3A_196] : memref<10240x128xf32, #tpu.memory_space<vmem_shared>> -> memref<10240x128xf32, #tpu.memory_space<vmem_shared>>
      tpu.enqueue_indirect_dma source(%arg12 : memref<64x128xf32, #tpu.memory_space<vmem>>) target(%dma_start3A_197 : memref<10240x128xf32, #tpu.memory_space<vmem_shared>>) offsets(%dma_start3A_194 : memref<64xi32, #tpu.memory_space<vmem>>) semaphore(%arg20 : memref<!tpu.dma_semaphore, #tpu.memory_space<semaphore_mem>>) {add = true}
      %add3A_198 = arith.constant 1 : i32
      %add3A_199 = arith.addi %scan3A_117, %add3A_198 : i32
      %eq3A_200 = arith.constant 10 : i32
      %eq3A_201 = arith.cmpi eq, %add3A_199, %eq3A_200 : i32
      %convert_element_type3A_202 = arith.extui %eq3A_201 : i1 to i32
      %cond3A_203 = arith.constant 0 : i32
      %cond3A_204 = arith.cmpi ne, %convert_element_type3A_202, %cond3A_203 : i32
      scf.if %cond3A_204 {
        %dma_wait3A_206 = arith.constant 0 : i32
        %dma_wait3A_207 = arith.constant 0 : i32
        %dma_wait3A_208 = tpu.memref_slice %arg8[%dma_wait3A_206, %dma_wait3A_207] : memref<40x64xi32, #tpu.memory_space<vmem>> -> memref<1x64xi32, #tpu.memory_space<vmem>>
        %dma_wait3A_209 = tpu.memref_squeeze %dma_wait3A_208 : memref<1x64xi32, #tpu.memory_space<vmem>> -> memref<64xi32, #tpu.memory_space<vmem>>
        %dma_wait3A_210 = arith.constant 0 : i32
        %dma_wait3A_211 = arith.constant 0 : i32
        %dma_wait3A_212 = tpu.memref_slice %arg6[%dma_wait3A_210, %dma_wait3A_211] : memref<10240x128xf32, #tpu.memory_space<vmem_shared>> -> memref<10240x128xf32, #tpu.memory_space<vmem_shared>>
        tpu.wait_indirect_dma semaphore(%arg19 : memref<!tpu.dma_semaphore, #tpu.memory_space<semaphore_mem>>) src(%arg11 : memref<64x128xf32, #tpu.memory_space<vmem>>) dst(%dma_wait3A_212 : memref<10240x128xf32, #tpu.memory_space<vmem_shared>>)
        %dma_wait3A_213 = arith.constant 0 : i32
        %dma_wait3A_214 = arith.constant 0 : i32
        %dma_wait3A_215 = tpu.memref_slice %arg8[%dma_wait3A_213, %dma_wait3A_214] : memref<40x64xi32, #tpu.memory_space<vmem>> -> memref<1x64xi32, #tpu.memory_space<vmem>>
        %dma_wait3A_216 = tpu.memref_squeeze %dma_wait3A_215 : memref<1x64xi32, #tpu.memory_space<vmem>> -> memref<64xi32, #tpu.memory_space<vmem>>
        %dma_wait3A_217 = arith.constant 0 : i32
        %dma_wait3A_218 = arith.constant 0 : i32
        %dma_wait3A_219 = tpu.memref_slice %arg6[%dma_wait3A_217, %dma_wait3A_218] : memref<10240x128xf32, #tpu.memory_space<vmem_shared>> -> memref<10240x128xf32, #tpu.memory_space<vmem_shared>>
        tpu.wait_indirect_dma semaphore(%arg20 : memref<!tpu.dma_semaphore, #tpu.memory_space<semaphore_mem>>) src(%arg12 : memref<64x128xf32, #tpu.memory_space<vmem>>) dst(%dma_wait3A_219 : memref<10240x128xf32, #tpu.memory_space<vmem_shared>>)
      } else {
      }
      %scan3A_205 = arith.constant 0 : i32
      scf.yield %scan3A_205 : i32
    }
    %scan3A_99 = arith.constant 10 : i32
    %barrier3A_100 = arith.constant 0 : index
    tpu.barrier barrier_id(%barrier3A_100)
    %scan3A_101 = arith.constant 0 : i32
    %scan3A_102 = arith.constant 0 : i32
    %scan3A_103 = arith.constant 5 : i32
    %scan3A_104 = arith.addi %scan3A_102, %scan3A_103 : i32
    %scan3A_105 = arith.constant 1 : i32
    %scan3A_106 = scf.for %scan3A_117 = %scan3A_102 to %scan3A_104 step %scan3A_105 iter_args(%scan3A_118 = %scan3A_101) -> (i32)  : i32 {
      %mul3A_119 = arith.constant 2 : i32
      %mul3A_120 = arith.muli %mul3A_119, %scan3A_117 : i32
      %mul3A_121 = arith.constant 64 : i32
      %mul3A_122 = arith.muli %mul3A_120, %mul3A_121 : i32
      %add3A_123 = arith.addi %multiple_of3A, %mul3A_122 : i32
      %multiple_of3A_124 = tpu.assume_multiple %add3A_123, 64 : i32
      %gt3A = arith.constant 0 : i32
      %gt3A_125 = arith.cmpi sgt, %scan3A_117, %gt3A : i32
      %convert_element_type3A = arith.extui %gt3A_125 : i1 to i32
      %cond3A = arith.constant 0 : i32
      %cond3A_126 = arith.cmpi ne, %convert_element_type3A, %cond3A : i32
      scf.if %cond3A_126 {
        %dma_wait3A_142 = arith.constant 0 : i32
        %dma_wait3A_143 = tpu.memref_slice %arg5[%arg0, %multiple_of3A, %dma_wait3A_142] : memref<2x10240x128xf32, #tpu.memory_space<hbm>> -> memref<1x64x128xf32, #tpu.memory_space<hbm>>
        %dma_wait3A_144 = tpu.memref_squeeze %dma_wait3A_143 : memref<1x64x128xf32, #tpu.memory_space<hbm>> -> memref<64x128xf32, #tpu.memory_space<hbm>>
        %dma_wait3A_145 = arith.constant 0 : i32
        %dma_wait3A_146 = tpu.memref_slice %arg6[%multiple_of3A, %dma_wait3A_145] : memref<10240x128xf32, #tpu.memory_space<vmem_shared>> -> memref<64x128xf32, #tpu.memory_space<vmem_shared>>
        tpu.wait_dma2 semaphore(%arg13 : memref<!tpu.dma_semaphore, #tpu.memory_space<semaphore_mem>>) src(%dma_wait3A_146 : memref<64x128xf32, #tpu.memory_space<vmem_shared>>) dst(%dma_wait3A_144 : memref<64x128xf32, #tpu.memory_space<hbm>>)
        %dma_wait3A_147 = arith.constant 0 : i32
        %dma_wait3A_148 = tpu.memref_slice %arg5[%arg0, %multiple_of3A, %dma_wait3A_147] : memref<2x10240x128xf32, #tpu.memory_space<hbm>> -> memref<1x64x128xf32, #tpu.memory_space<hbm>>
        %dma_wait3A_149 = tpu.memref_squeeze %dma_wait3A_148 : memref<1x64x128xf32, #tpu.memory_space<hbm>> -> memref<64x128xf32, #tpu.memory_space<hbm>>
        %dma_wait3A_150 = arith.constant 0 : i32
        %dma_wait3A_151 = tpu.memref_slice %arg6[%multiple_of3A, %dma_wait3A_150] : memref<10240x128xf32, #tpu.memory_space<vmem_shared>> -> memref<64x128xf32, #tpu.memory_space<vmem_shared>>
        tpu.wait_dma2 semaphore(%arg14 : memref<!tpu.dma_semaphore, #tpu.memory_space<semaphore_mem>>) src(%dma_wait3A_151 : memref<64x128xf32, #tpu.memory_space<vmem_shared>>) dst(%dma_wait3A_149 : memref<64x128xf32, #tpu.memory_space<hbm>>)
      } else {
      }
      %dma_start3A_127 = arith.constant 0 : i32
      %dma_start3A_128 = tpu.memref_slice %arg5[%arg0, %multiple_of3A_124, %dma_start3A_127] : memref<2x10240x128xf32, #tpu.memory_space<hbm>> -> memref<1x64x128xf32, #tpu.memory_space<hbm>>
      %dma_start3A_129 = tpu.memref_squeeze %dma_start3A_128 : memref<1x64x128xf32, #tpu.memory_space<hbm>> -> memref<64x128xf32, #tpu.memory_space<hbm>>
      %dma_start3A_130 = arith.constant 0 : i32
      %dma_start3A_131 = tpu.memref_slice %arg6[%multiple_of3A_124, %dma_start3A_130] : memref<10240x128xf32, #tpu.memory_space<vmem_shared>> -> memref<64x128xf32, #tpu.memory_space<vmem_shared>>
      tpu.enqueue_dma source(%dma_start3A_131 : memref<64x128xf32, #tpu.memory_space<vmem_shared>>) target(%dma_start3A_129 : memref<64x128xf32, #tpu.memory_space<hbm>>) target_semaphore(%arg13 : memref<!tpu.dma_semaphore, #tpu.memory_space<semaphore_mem>>)
      %add3A_132 = arith.constant 64 : i32
      %add3A_133 = arith.addi %multiple_of3A_124, %add3A_132 : i32
      %add3A_134 = arith.constant 64 : i32
      %add3A_135 = arith.addi %multiple_of3A_124, %add3A_134 : i32
      %dma_start3A_136 = arith.constant 0 : i32
      %dma_start3A_137 = tpu.memref_slice %arg5[%arg0, %add3A_135, %dma_start3A_136] : memref<2x10240x128xf32, #tpu.memory_space<hbm>> -> memref<1x64x128xf32, #tpu.memory_space<hbm>>
      %dma_start3A_138 = tpu.memref_squeeze %dma_start3A_137 : memref<1x64x128xf32, #tpu.memory_space<hbm>> -> memref<64x128xf32, #tpu.memory_space<hbm>>
      %dma_start3A_139 = arith.constant 0 : i32
      %dma_start3A_140 = tpu.memref_slice %arg6[%add3A_133, %dma_start3A_139] : memref<10240x128xf32, #tpu.memory_space<vmem_shared>> -> memref<64x128xf32, #tpu.memory_space<vmem_shared>>
      tpu.enqueue_dma source(%dma_start3A_140 : memref<64x128xf32, #tpu.memory_space<vmem_shared>>) target(%dma_start3A_138 : memref<64x128xf32, #tpu.memory_space<hbm>>) target_semaphore(%arg14 : memref<!tpu.dma_semaphore, #tpu.memory_space<semaphore_mem>>)
      %scan3A_141 = arith.constant 0 : i32
      scf.yield %scan3A_141 : i32
    }
    %scan3A_107 = arith.constant 5 : i32
    %dma_wait3A = arith.constant 0 : i32
    %dma_wait3A_108 = tpu.memref_slice %arg5[%arg0, %multiple_of3A, %dma_wait3A] : memref<2x10240x128xf32, #tpu.memory_space<hbm>> -> memref<1x64x128xf32, #tpu.memory_space<hbm>>
    %dma_wait3A_109 = tpu.memref_squeeze %dma_wait3A_108 : memref<1x64x128xf32, #tpu.memory_space<hbm>> -> memref<64x128xf32, #tpu.memory_space<hbm>>
    %dma_wait3A_110 = arith.constant 0 : i32
    %dma_wait3A_111 = tpu.memref_slice %arg6[%multiple_of3A, %dma_wait3A_110] : memref<10240x128xf32, #tpu.memory_space<vmem_shared>> -> memref<64x128xf32, #tpu.memory_space<vmem_shared>>
    tpu.wait_dma2 semaphore(%arg13 : memref<!tpu.dma_semaphore, #tpu.memory_space<semaphore_mem>>) src(%dma_wait3A_111 : memref<64x128xf32, #tpu.memory_space<vmem_shared>>) dst(%dma_wait3A_109 : memref<64x128xf32, #tpu.memory_space<hbm>>)
    %dma_wait3A_112 = arith.constant 0 : i32
    %dma_wait3A_113 = tpu.memref_slice %arg5[%arg0, %multiple_of3A, %dma_wait3A_112] : memref<2x10240x128xf32, #tpu.memory_space<hbm>> -> memref<1x64x128xf32, #tpu.memory_space<hbm>>
    %dma_wait3A_114 = tpu.memref_squeeze %dma_wait3A_113 : memref<1x64x128xf32, #tpu.memory_space<hbm>> -> memref<64x128xf32, #tpu.memory_space<hbm>>
    %dma_wait3A_115 = arith.constant 0 : i32
    %dma_wait3A_116 = tpu.memref_slice %arg6[%multiple_of3A, %dma_wait3A_115] : memref<10240x128xf32, #tpu.memory_space<vmem_shared>> -> memref<64x128xf32, #tpu.memory_space<vmem_shared>>
    tpu.wait_dma2 semaphore(%arg14 : memref<!tpu.dma_semaphore, #tpu.memory_space<semaphore_mem>>) src(%dma_wait3A_116 : memref<64x128xf32, #tpu.memory_space<vmem_shared>>) dst(%dma_wait3A_114 : memref<64x128xf32, #tpu.memory_space<hbm>>)
    return
  }
}

#map = affine_map<(d0, d1) -> (0)>
#map1 = affine_map<(d0, d1) -> (0, 0, 0)>
module attributes {stable_mosaic.version = 14 : i64} {
  func.func @k(%arg0: i32, %arg1: i32, %arg2: memref<10240xf32, #tpu.memory_space<hbm>>, %arg3: memref<10240xf32, #tpu.memory_space<hbm>>, %arg4: memref<32x80x128xi32, #tpu.memory_space<hbm>>, %arg5: memref<32x80x128xi32, #tpu.memory_space<hbm>>, %arg6: memref<10240xf32, #tpu.memory_space<hbm>>, %arg7: memref<10240xf32, #tpu.memory_space<hbm>>, %arg8: memref<10240xf32, #tpu.memory_space<hbm>>, %arg9: memref<10240xf32, #tpu.memory_space<vmem_shared>>, %arg10: memref<10240xf32, #tpu.memory_space<vmem_shared>>, %arg11: memref<160x128xi32, #tpu.memory_space<vmem>>, %arg12: memref<160x128xi32, #tpu.memory_space<vmem>>, %arg13: memref<128xf32, #tpu.memory_space<vmem>>, %arg14: memref<128xf32, #tpu.memory_space<vmem>>, %arg15: memref<128xf32, #tpu.memory_space<vmem>>, %arg16: memref<128xf32, #tpu.memory_space<vmem>>, %arg17: memref<128xf32, #tpu.memory_space<vmem>>, %arg18: memref<128xf32, #tpu.memory_space<vmem>>, %arg19: memref<128xf32, #tpu.memory_space<vmem>>, %arg20: memref<128xf32, #tpu.memory_space<vmem>>, %arg21: memref<640xf32, #tpu.memory_space<vmem>>, %arg22: memref<640xf32, #tpu.memory_space<vmem>>, %arg23: memref<!tpu.dma_semaphore, #tpu.memory_space<semaphore_mem>>, %arg24: memref<!tpu.dma_semaphore, #tpu.memory_space<semaphore_mem>>, %arg25: memref<!tpu.dma_semaphore, #tpu.memory_space<semaphore_mem>>, %arg26: memref<!tpu.dma_semaphore, #tpu.memory_space<semaphore_mem>>, %arg27: memref<!tpu.dma_semaphore, #tpu.memory_space<semaphore_mem>>, %arg28: memref<!tpu.dma_semaphore, #tpu.memory_space<semaphore_mem>>, %arg29: memref<!tpu.dma_semaphore, #tpu.memory_space<semaphore_mem>>, %arg30: memref<!tpu.dma_semaphore, #tpu.memory_space<semaphore_mem>>, %arg31: memref<!tpu.dma_semaphore, #tpu.memory_space<semaphore_mem>>, %arg32: memref<!tpu.dma_semaphore, #tpu.memory_space<semaphore_mem>>, %arg33: memref<!tpu.dma_semaphore, #tpu.memory_space<semaphore_mem>>, %arg34: memref<!tpu.dma_semaphore, #tpu.memory_space<semaphore_mem>>, %arg35: memref<!tpu.dma_semaphore, #tpu.memory_space<semaphore_mem>>, %arg36: memref<!tpu.dma_semaphore, #tpu.memory_space<semaphore_mem>>, %arg37: memref<!tpu.dma_semaphore, #tpu.memory_space<semaphore_mem>>, %arg38: memref<!tpu.dma_semaphore, #tpu.memory_space<semaphore_mem>>) attributes {dimension_semantics = [#tpu.dimension_semantics<core_parallel>, #tpu.dimension_semantics<subcore_parallel>], iteration_bounds = array<i64: 2, 16>, scalar_prefetch = 0 : i64, scratch_operands = 30 : i64, tpu.core_type = #tpu.core_type<sc_vector_subcore>, window_params = [{transform_indices = #map}, {transform_indices = #map}, {transform_indices = #map1}, {transform_indices = #map1}, {transform_indices = #map}, {transform_indices = #map}, {transform_indices = #map}]} {
    %mul3A = arith.constant 640 : i32
    %mul3A_0 = arith.muli %arg1, %mul3A : i32
    %multiple_of3A = tpu.assume_multiple %mul3A_0, 64 : i32
    %eq3A = arith.constant 0 : i32
    %eq3A_1 = arith.cmpi eq, %arg0, %eq3A : i32
    %convert_element_type3A = arith.extui %eq3A_1 : i1 to i32
    %cond3A = arith.constant 0 : i32
    %cond3A_2 = arith.cmpi ne, %convert_element_type3A, %cond3A : i32
    scf.if %cond3A_2 {
      %broadcast_in_dim3A = arith.constant 0.000000e+00 : f32
      %broadcast_in_dim3A_8 = vector.broadcast %broadcast_in_dim3A : f32 to vector<16xf32>
      %scan3A = arith.constant 0 : i32
      %scan3A_9 = arith.constant 0 : i32
      %scan3A_10 = arith.constant 40 : i32
      %scan3A_11 = arith.addi %scan3A_9, %scan3A_10 : i32
      %scan3A_12 = arith.constant 1 : i32
      %scan3A_13 = scf.for %scan3A_68 = %scan3A_9 to %scan3A_11 step %scan3A_12 iter_args(%scan3A_69 = %scan3A) -> (i32)  : i32 {
        %mul3A_70 = arith.constant 16 : i32
        %mul3A_71 = arith.muli %scan3A_68, %mul3A_70 : i32
        %multiple_of3A_72 = tpu.assume_multiple %mul3A_71, 16 : i32
        %swap3A = arith.index_cast %multiple_of3A_72 : i32 to index
        %swap3A_73 = tpu.vector_load %arg21[%swap3A] {strides = array<i32>} : memref<640xf32, #tpu.memory_space<vmem>>, vector<16xf32>,
        %swap3A_74 = vector.shape_cast %swap3A_73 : vector<16xf32> to vector<16xf32>
        %swap3A_75 = vector.shape_cast %broadcast_in_dim3A_8 : vector<16xf32> to vector<16xf32>
        tpu.vector_store %arg21[%swap3A], %swap3A_75 {strides = array<i32>} : memref<640xf32, #tpu.memory_space<vmem>>, vector<16xf32>,
        %scan3A_76 = arith.constant 0 : i32
        scf.yield %scan3A_76 : i32
      }
      %scan3A_14 = arith.constant 40 : i32
      "tpu.region"() ({
        %run_scoped3A = tpu.sem_alloc : memref<!tpu.dma_semaphore, #tpu.memory_space<semaphore_mem>>
        %dma_start3A_68 = tpu.memref_slice %arg9[%multiple_of3A] : memref<10240xf32, #tpu.memory_space<vmem_shared>> -> memref<640xf32, #tpu.memory_space<vmem_shared>>
        %dma_start3A_69 = tpu.memref_slice %arg9[%multiple_of3A] : memref<10240xf32, #tpu.memory_space<vmem_shared>> -> memref<640xf32, #tpu.memory_space<vmem_shared>>
        tpu.enqueue_dma source(%arg21 : memref<640xf32, #tpu.memory_space<vmem>>) target(%dma_start3A_69 : memref<640xf32, #tpu.memory_space<vmem_shared>>) target_semaphore(%run_scoped3A : memref<!tpu.dma_semaphore, #tpu.memory_space<semaphore_mem>>)
        %dma_wait3A = tpu.memref_slice %arg9[%multiple_of3A] : memref<10240xf32, #tpu.memory_space<vmem_shared>> -> memref<640xf32, #tpu.memory_space<vmem_shared>>
        %dma_wait3A_70 = tpu.memref_slice %arg9[%multiple_of3A] : memref<10240xf32, #tpu.memory_space<vmem_shared>> -> memref<640xf32, #tpu.memory_space<vmem_shared>>
        tpu.wait_dma2 semaphore(%run_scoped3A : memref<!tpu.dma_semaphore, #tpu.memory_space<semaphore_mem>>) src(%arg21 : memref<640xf32, #tpu.memory_space<vmem>>) dst(%dma_wait3A_70 : memref<640xf32, #tpu.memory_space<vmem_shared>>)
        tpu.yield
      }) : () -> ()
      "tpu.region"() ({
        %run_scoped3A = tpu.sem_alloc : memref<!tpu.dma_semaphore, #tpu.memory_space<semaphore_mem>>
        %dma_start3A_68 = tpu.memref_slice %arg2[%multiple_of3A] : memref<10240xf32, #tpu.memory_space<hbm>> -> memref<640xf32, #tpu.memory_space<hbm>>
        %dma_start3A_69 = tpu.memref_slice %arg2[%multiple_of3A] : memref<10240xf32, #tpu.memory_space<hbm>> -> memref<640xf32, #tpu.memory_space<hbm>>
        tpu.enqueue_dma source(%dma_start3A_69 : memref<640xf32, #tpu.memory_space<hbm>>) target(%arg22 : memref<640xf32, #tpu.memory_space<vmem>>) target_semaphore(%run_scoped3A : memref<!tpu.dma_semaphore, #tpu.memory_space<semaphore_mem>>)
        %dma_wait3A = tpu.memref_slice %arg2[%multiple_of3A] : memref<10240xf32, #tpu.memory_space<hbm>> -> memref<640xf32, #tpu.memory_space<hbm>>
        %dma_wait3A_70 = tpu.memref_slice %arg2[%multiple_of3A] : memref<10240xf32, #tpu.memory_space<hbm>> -> memref<640xf32, #tpu.memory_space<hbm>>
        tpu.wait_dma2 semaphore(%run_scoped3A : memref<!tpu.dma_semaphore, #tpu.memory_space<semaphore_mem>>) src(%dma_wait3A_70 : memref<640xf32, #tpu.memory_space<hbm>>) dst(%arg22 : memref<640xf32, #tpu.memory_space<vmem>>)
        tpu.yield
      }) : () -> ()
      "tpu.region"() ({
        %run_scoped3A = tpu.sem_alloc : memref<!tpu.dma_semaphore, #tpu.memory_space<semaphore_mem>>
        %dma_start3A_68 = tpu.memref_slice %arg10[%multiple_of3A] : memref<10240xf32, #tpu.memory_space<vmem_shared>> -> memref<640xf32, #tpu.memory_space<vmem_shared>>
        %dma_start3A_69 = tpu.memref_slice %arg10[%multiple_of3A] : memref<10240xf32, #tpu.memory_space<vmem_shared>> -> memref<640xf32, #tpu.memory_space<vmem_shared>>
        tpu.enqueue_dma source(%arg22 : memref<640xf32, #tpu.memory_space<vmem>>) target(%dma_start3A_69 : memref<640xf32, #tpu.memory_space<vmem_shared>>) target_semaphore(%run_scoped3A : memref<!tpu.dma_semaphore, #tpu.memory_space<semaphore_mem>>)
        %dma_wait3A = tpu.memref_slice %arg10[%multiple_of3A] : memref<10240xf32, #tpu.memory_space<vmem_shared>> -> memref<640xf32, #tpu.memory_space<vmem_shared>>
        %dma_wait3A_70 = tpu.memref_slice %arg10[%multiple_of3A] : memref<10240xf32, #tpu.memory_space<vmem_shared>> -> memref<640xf32, #tpu.memory_space<vmem_shared>>
        tpu.wait_dma2 semaphore(%run_scoped3A : memref<!tpu.dma_semaphore, #tpu.memory_space<semaphore_mem>>) src(%arg22 : memref<640xf32, #tpu.memory_space<vmem>>) dst(%dma_wait3A_70 : memref<640xf32, #tpu.memory_space<vmem_shared>>)
        tpu.yield
      }) : () -> ()
      %barrier3A = arith.constant 0 : index
      tpu.barrier barrier_id(%barrier3A)
      %mul3A_15 = arith.constant 2 : i32
      %mul3A_16 = arith.muli %arg1, %mul3A_15 : i32
      %add3A = arith.constant 0 : i32
      %add3A_17 = arith.addi %mul3A_16, %add3A : i32
      "tpu.region"() ({
        %run_scoped3A = tpu.sem_alloc : memref<!tpu.dma_semaphore, #tpu.memory_space<semaphore_mem>>
        %dma_start3A_68 = arith.constant 0 : i32
        %dma_start3A_69 = arith.constant 0 : i32
        %dma_start3A_70 = tpu.memref_slice %arg11[%dma_start3A_68, %dma_start3A_69] : memref<160x128xi32, #tpu.memory_space<vmem>> -> memref<80x128xi32, #tpu.memory_space<vmem>>
        %dma_start3A_71 = arith.constant 0 : i32
        %dma_start3A_72 = arith.constant 0 : i32
        %dma_start3A_73 = tpu.memref_slice %arg4[%add3A_17, %dma_start3A_71, %dma_start3A_72] : memref<32x80x128xi32, #tpu.memory_space<hbm>> -> memref<1x80x128xi32, #tpu.memory_space<hbm>>
        %dma_start3A_74 = tpu.memref_squeeze %dma_start3A_73 : memref<1x80x128xi32, #tpu.memory_space<hbm>> -> memref<80x128xi32, #tpu.memory_space<hbm>>
        %dma_start3A_75 = arith.constant 0 : i32
        %dma_start3A_76 = arith.constant 0 : i32
        %dma_start3A_77 = tpu.memref_slice %arg11[%dma_start3A_75, %dma_start3A_76] : memref<160x128xi32, #tpu.memory_space<vmem>> -> memref<80x128xi32, #tpu.memory_space<vmem>>
        %dma_start3A_78 = arith.constant 0 : i32
        %dma_start3A_79 = arith.constant 0 : i32
        %dma_start3A_80 = tpu.memref_slice %arg4[%add3A_17, %dma_start3A_78, %dma_start3A_79] : memref<32x80x128xi32, #tpu.memory_space<hbm>> -> memref<1x80x128xi32, #tpu.memory_space<hbm>>
        %dma_start3A_81 = tpu.memref_squeeze %dma_start3A_80 : memref<1x80x128xi32, #tpu.memory_space<hbm>> -> memref<80x128xi32, #tpu.memory_space<hbm>>
        tpu.enqueue_dma source(%dma_start3A_81 : memref<80x128xi32, #tpu.memory_space<hbm>>) target(%dma_start3A_77 : memref<80x128xi32, #tpu.memory_space<vmem>>) target_semaphore(%run_scoped3A : memref<!tpu.dma_semaphore, #tpu.memory_space<semaphore_mem>>)
        %dma_wait3A = arith.constant 0 : i32
        %dma_wait3A_82 = arith.constant 0 : i32
        %dma_wait3A_83 = tpu.memref_slice %arg11[%dma_wait3A, %dma_wait3A_82] : memref<160x128xi32, #tpu.memory_space<vmem>> -> memref<80x128xi32, #tpu.memory_space<vmem>>
        %dma_wait3A_84 = arith.constant 0 : i32
        %dma_wait3A_85 = arith.constant 0 : i32
        %dma_wait3A_86 = tpu.memref_slice %arg4[%add3A_17, %dma_wait3A_84, %dma_wait3A_85] : memref<32x80x128xi32, #tpu.memory_space<hbm>> -> memref<1x80x128xi32, #tpu.memory_space<hbm>>
        %dma_wait3A_87 = tpu.memref_squeeze %dma_wait3A_86 : memref<1x80x128xi32, #tpu.memory_space<hbm>> -> memref<80x128xi32, #tpu.memory_space<hbm>>
        %dma_wait3A_88 = arith.constant 0 : i32
        %dma_wait3A_89 = arith.constant 0 : i32
        %dma_wait3A_90 = tpu.memref_slice %arg11[%dma_wait3A_88, %dma_wait3A_89] : memref<160x128xi32, #tpu.memory_space<vmem>> -> memref<80x128xi32, #tpu.memory_space<vmem>>
        %dma_wait3A_91 = arith.constant 0 : i32
        %dma_wait3A_92 = arith.constant 0 : i32
        %dma_wait3A_93 = tpu.memref_slice %arg4[%add3A_17, %dma_wait3A_91, %dma_wait3A_92] : memref<32x80x128xi32, #tpu.memory_space<hbm>> -> memref<1x80x128xi32, #tpu.memory_space<hbm>>
        %dma_wait3A_94 = tpu.memref_squeeze %dma_wait3A_93 : memref<1x80x128xi32, #tpu.memory_space<hbm>> -> memref<80x128xi32, #tpu.memory_space<hbm>>
        tpu.wait_dma2 semaphore(%run_scoped3A : memref<!tpu.dma_semaphore, #tpu.memory_space<semaphore_mem>>) src(%dma_wait3A_94 : memref<80x128xi32, #tpu.memory_space<hbm>>) dst(%dma_wait3A_90 : memref<80x128xi32, #tpu.memory_space<vmem>>)
        tpu.yield
      }) : () -> ()
      %mul3A_18 = arith.constant 2 : i32
      %mul3A_19 = arith.muli %arg1, %mul3A_18 : i32
      %add3A_20 = arith.constant 0 : i32
      %add3A_21 = arith.addi %mul3A_19, %add3A_20 : i32
      "tpu.region"() ({
        %run_scoped3A = tpu.sem_alloc : memref<!tpu.dma_semaphore, #tpu.memory_space<semaphore_mem>>
        %dma_start3A_68 = arith.constant 0 : i32
        %dma_start3A_69 = arith.constant 0 : i32
        %dma_start3A_70 = tpu.memref_slice %arg12[%dma_start3A_68, %dma_start3A_69] : memref<160x128xi32, #tpu.memory_space<vmem>> -> memref<80x128xi32, #tpu.memory_space<vmem>>
        %dma_start3A_71 = arith.constant 0 : i32
        %dma_start3A_72 = arith.constant 0 : i32
        %dma_start3A_73 = tpu.memref_slice %arg5[%add3A_21, %dma_start3A_71, %dma_start3A_72] : memref<32x80x128xi32, #tpu.memory_space<hbm>> -> memref<1x80x128xi32, #tpu.memory_space<hbm>>
        %dma_start3A_74 = tpu.memref_squeeze %dma_start3A_73 : memref<1x80x128xi32, #tpu.memory_space<hbm>> -> memref<80x128xi32, #tpu.memory_space<hbm>>
        %dma_start3A_75 = arith.constant 0 : i32
        %dma_start3A_76 = arith.constant 0 : i32
        %dma_start3A_77 = tpu.memref_slice %arg12[%dma_start3A_75, %dma_start3A_76] : memref<160x128xi32, #tpu.memory_space<vmem>> -> memref<80x128xi32, #tpu.memory_space<vmem>>
        %dma_start3A_78 = arith.constant 0 : i32
        %dma_start3A_79 = arith.constant 0 : i32
        %dma_start3A_80 = tpu.memref_slice %arg5[%add3A_21, %dma_start3A_78, %dma_start3A_79] : memref<32x80x128xi32, #tpu.memory_space<hbm>> -> memref<1x80x128xi32, #tpu.memory_space<hbm>>
        %dma_start3A_81 = tpu.memref_squeeze %dma_start3A_80 : memref<1x80x128xi32, #tpu.memory_space<hbm>> -> memref<80x128xi32, #tpu.memory_space<hbm>>
        tpu.enqueue_dma source(%dma_start3A_81 : memref<80x128xi32, #tpu.memory_space<hbm>>) target(%dma_start3A_77 : memref<80x128xi32, #tpu.memory_space<vmem>>) target_semaphore(%run_scoped3A : memref<!tpu.dma_semaphore, #tpu.memory_space<semaphore_mem>>)
        %dma_wait3A = arith.constant 0 : i32
        %dma_wait3A_82 = arith.constant 0 : i32
        %dma_wait3A_83 = tpu.memref_slice %arg12[%dma_wait3A, %dma_wait3A_82] : memref<160x128xi32, #tpu.memory_space<vmem>> -> memref<80x128xi32, #tpu.memory_space<vmem>>
        %dma_wait3A_84 = arith.constant 0 : i32
        %dma_wait3A_85 = arith.constant 0 : i32
        %dma_wait3A_86 = tpu.memref_slice %arg5[%add3A_21, %dma_wait3A_84, %dma_wait3A_85] : memref<32x80x128xi32, #tpu.memory_space<hbm>> -> memref<1x80x128xi32, #tpu.memory_space<hbm>>
        %dma_wait3A_87 = tpu.memref_squeeze %dma_wait3A_86 : memref<1x80x128xi32, #tpu.memory_space<hbm>> -> memref<80x128xi32, #tpu.memory_space<hbm>>
        %dma_wait3A_88 = arith.constant 0 : i32
        %dma_wait3A_89 = arith.constant 0 : i32
        %dma_wait3A_90 = tpu.memref_slice %arg12[%dma_wait3A_88, %dma_wait3A_89] : memref<160x128xi32, #tpu.memory_space<vmem>> -> memref<80x128xi32, #tpu.memory_space<vmem>>
        %dma_wait3A_91 = arith.constant 0 : i32
        %dma_wait3A_92 = arith.constant 0 : i32
        %dma_wait3A_93 = tpu.memref_slice %arg5[%add3A_21, %dma_wait3A_91, %dma_wait3A_92] : memref<32x80x128xi32, #tpu.memory_space<hbm>> -> memref<1x80x128xi32, #tpu.memory_space<hbm>>
        %dma_wait3A_94 = tpu.memref_squeeze %dma_wait3A_93 : memref<1x80x128xi32, #tpu.memory_space<hbm>> -> memref<80x128xi32, #tpu.memory_space<hbm>>
        tpu.wait_dma2 semaphore(%run_scoped3A : memref<!tpu.dma_semaphore, #tpu.memory_space<semaphore_mem>>) src(%dma_wait3A_94 : memref<80x128xi32, #tpu.memory_space<hbm>>) dst(%dma_wait3A_90 : memref<80x128xi32, #tpu.memory_space<vmem>>)
        tpu.yield
      }) : () -> ()
      %mul3A_22 = arith.constant 2 : i32
      %mul3A_23 = arith.muli %arg1, %mul3A_22 : i32
      %add3A_24 = arith.constant 1 : i32
      %add3A_25 = arith.addi %mul3A_23, %add3A_24 : i32
      "tpu.region"() ({
        %run_scoped3A = tpu.sem_alloc : memref<!tpu.dma_semaphore, #tpu.memory_space<semaphore_mem>>
        %dma_start3A_68 = arith.constant 80 : i32
        %dma_start3A_69 = arith.constant 0 : i32
        %dma_start3A_70 = tpu.memref_slice %arg11[%dma_start3A_68, %dma_start3A_69] : memref<160x128xi32, #tpu.memory_space<vmem>> -> memref<80x128xi32, #tpu.memory_space<vmem>>
        %dma_start3A_71 = arith.constant 0 : i32
        %dma_start3A_72 = arith.constant 0 : i32
        %dma_start3A_73 = tpu.memref_slice %arg4[%add3A_25, %dma_start3A_71, %dma_start3A_72] : memref<32x80x128xi32, #tpu.memory_space<hbm>> -> memref<1x80x128xi32, #tpu.memory_space<hbm>>
        %dma_start3A_74 = tpu.memref_squeeze %dma_start3A_73 : memref<1x80x128xi32, #tpu.memory_space<hbm>> -> memref<80x128xi32, #tpu.memory_space<hbm>>
        %dma_start3A_75 = arith.constant 80 : i32
        %dma_start3A_76 = arith.constant 0 : i32
        %dma_start3A_77 = tpu.memref_slice %arg11[%dma_start3A_75, %dma_start3A_76] : memref<160x128xi32, #tpu.memory_space<vmem>> -> memref<80x128xi32, #tpu.memory_space<vmem>>
        %dma_start3A_78 = arith.constant 0 : i32
        %dma_start3A_79 = arith.constant 0 : i32
        %dma_start3A_80 = tpu.memref_slice %arg4[%add3A_25, %dma_start3A_78, %dma_start3A_79] : memref<32x80x128xi32, #tpu.memory_space<hbm>> -> memref<1x80x128xi32, #tpu.memory_space<hbm>>
        %dma_start3A_81 = tpu.memref_squeeze %dma_start3A_80 : memref<1x80x128xi32, #tpu.memory_space<hbm>> -> memref<80x128xi32, #tpu.memory_space<hbm>>
        tpu.enqueue_dma source(%dma_start3A_81 : memref<80x128xi32, #tpu.memory_space<hbm>>) target(%dma_start3A_77 : memref<80x128xi32, #tpu.memory_space<vmem>>) target_semaphore(%run_scoped3A : memref<!tpu.dma_semaphore, #tpu.memory_space<semaphore_mem>>)
        %dma_wait3A = arith.constant 80 : i32
        %dma_wait3A_82 = arith.constant 0 : i32
        %dma_wait3A_83 = tpu.memref_slice %arg11[%dma_wait3A, %dma_wait3A_82] : memref<160x128xi32, #tpu.memory_space<vmem>> -> memref<80x128xi32, #tpu.memory_space<vmem>>
        %dma_wait3A_84 = arith.constant 0 : i32
        %dma_wait3A_85 = arith.constant 0 : i32
        %dma_wait3A_86 = tpu.memref_slice %arg4[%add3A_25, %dma_wait3A_84, %dma_wait3A_85] : memref<32x80x128xi32, #tpu.memory_space<hbm>> -> memref<1x80x128xi32, #tpu.memory_space<hbm>>
        %dma_wait3A_87 = tpu.memref_squeeze %dma_wait3A_86 : memref<1x80x128xi32, #tpu.memory_space<hbm>> -> memref<80x128xi32, #tpu.memory_space<hbm>>
        %dma_wait3A_88 = arith.constant 80 : i32
        %dma_wait3A_89 = arith.constant 0 : i32
        %dma_wait3A_90 = tpu.memref_slice %arg11[%dma_wait3A_88, %dma_wait3A_89] : memref<160x128xi32, #tpu.memory_space<vmem>> -> memref<80x128xi32, #tpu.memory_space<vmem>>
        %dma_wait3A_91 = arith.constant 0 : i32
        %dma_wait3A_92 = arith.constant 0 : i32
        %dma_wait3A_93 = tpu.memref_slice %arg4[%add3A_25, %dma_wait3A_91, %dma_wait3A_92] : memref<32x80x128xi32, #tpu.memory_space<hbm>> -> memref<1x80x128xi32, #tpu.memory_space<hbm>>
        %dma_wait3A_94 = tpu.memref_squeeze %dma_wait3A_93 : memref<1x80x128xi32, #tpu.memory_space<hbm>> -> memref<80x128xi32, #tpu.memory_space<hbm>>
        tpu.wait_dma2 semaphore(%run_scoped3A : memref<!tpu.dma_semaphore, #tpu.memory_space<semaphore_mem>>) src(%dma_wait3A_94 : memref<80x128xi32, #tpu.memory_space<hbm>>) dst(%dma_wait3A_90 : memref<80x128xi32, #tpu.memory_space<vmem>>)
        tpu.yield
      }) : () -> ()
      %mul3A_26 = arith.constant 2 : i32
      %mul3A_27 = arith.muli %arg1, %mul3A_26 : i32
      %add3A_28 = arith.constant 1 : i32
      %add3A_29 = arith.addi %mul3A_27, %add3A_28 : i32
      "tpu.region"() ({
        %run_scoped3A = tpu.sem_alloc : memref<!tpu.dma_semaphore, #tpu.memory_space<semaphore_mem>>
        %dma_start3A_68 = arith.constant 80 : i32
        %dma_start3A_69 = arith.constant 0 : i32
        %dma_start3A_70 = tpu.memref_slice %arg12[%dma_start3A_68, %dma_start3A_69] : memref<160x128xi32, #tpu.memory_space<vmem>> -> memref<80x128xi32, #tpu.memory_space<vmem>>
        %dma_start3A_71 = arith.constant 0 : i32
        %dma_start3A_72 = arith.constant 0 : i32
        %dma_start3A_73 = tpu.memref_slice %arg5[%add3A_29, %dma_start3A_71, %dma_start3A_72] : memref<32x80x128xi32, #tpu.memory_space<hbm>> -> memref<1x80x128xi32, #tpu.memory_space<hbm>>
        %dma_start3A_74 = tpu.memref_squeeze %dma_start3A_73 : memref<1x80x128xi32, #tpu.memory_space<hbm>> -> memref<80x128xi32, #tpu.memory_space<hbm>>
        %dma_start3A_75 = arith.constant 80 : i32
        %dma_start3A_76 = arith.constant 0 : i32
        %dma_start3A_77 = tpu.memref_slice %arg12[%dma_start3A_75, %dma_start3A_76] : memref<160x128xi32, #tpu.memory_space<vmem>> -> memref<80x128xi32, #tpu.memory_space<vmem>>
        %dma_start3A_78 = arith.constant 0 : i32
        %dma_start3A_79 = arith.constant 0 : i32
        %dma_start3A_80 = tpu.memref_slice %arg5[%add3A_29, %dma_start3A_78, %dma_start3A_79] : memref<32x80x128xi32, #tpu.memory_space<hbm>> -> memref<1x80x128xi32, #tpu.memory_space<hbm>>
        %dma_start3A_81 = tpu.memref_squeeze %dma_start3A_80 : memref<1x80x128xi32, #tpu.memory_space<hbm>> -> memref<80x128xi32, #tpu.memory_space<hbm>>
        tpu.enqueue_dma source(%dma_start3A_81 : memref<80x128xi32, #tpu.memory_space<hbm>>) target(%dma_start3A_77 : memref<80x128xi32, #tpu.memory_space<vmem>>) target_semaphore(%run_scoped3A : memref<!tpu.dma_semaphore, #tpu.memory_space<semaphore_mem>>)
        %dma_wait3A = arith.constant 80 : i32
        %dma_wait3A_82 = arith.constant 0 : i32
        %dma_wait3A_83 = tpu.memref_slice %arg12[%dma_wait3A, %dma_wait3A_82] : memref<160x128xi32, #tpu.memory_space<vmem>> -> memref<80x128xi32, #tpu.memory_space<vmem>>
        %dma_wait3A_84 = arith.constant 0 : i32
        %dma_wait3A_85 = arith.constant 0 : i32
        %dma_wait3A_86 = tpu.memref_slice %arg5[%add3A_29, %dma_wait3A_84, %dma_wait3A_85] : memref<32x80x128xi32, #tpu.memory_space<hbm>> -> memref<1x80x128xi32, #tpu.memory_space<hbm>>
        %dma_wait3A_87 = tpu.memref_squeeze %dma_wait3A_86 : memref<1x80x128xi32, #tpu.memory_space<hbm>> -> memref<80x128xi32, #tpu.memory_space<hbm>>
        %dma_wait3A_88 = arith.constant 80 : i32
        %dma_wait3A_89 = arith.constant 0 : i32
        %dma_wait3A_90 = tpu.memref_slice %arg12[%dma_wait3A_88, %dma_wait3A_89] : memref<160x128xi32, #tpu.memory_space<vmem>> -> memref<80x128xi32, #tpu.memory_space<vmem>>
        %dma_wait3A_91 = arith.constant 0 : i32
        %dma_wait3A_92 = arith.constant 0 : i32
        %dma_wait3A_93 = tpu.memref_slice %arg5[%add3A_29, %dma_wait3A_91, %dma_wait3A_92] : memref<32x80x128xi32, #tpu.memory_space<hbm>> -> memref<1x80x128xi32, #tpu.memory_space<hbm>>
        %dma_wait3A_94 = tpu.memref_squeeze %dma_wait3A_93 : memref<1x80x128xi32, #tpu.memory_space<hbm>> -> memref<80x128xi32, #tpu.memory_space<hbm>>
        tpu.wait_dma2 semaphore(%run_scoped3A : memref<!tpu.dma_semaphore, #tpu.memory_space<semaphore_mem>>) src(%dma_wait3A_94 : memref<80x128xi32, #tpu.memory_space<hbm>>) dst(%dma_wait3A_90 : memref<80x128xi32, #tpu.memory_space<vmem>>)
        tpu.yield
      }) : () -> ()
      %dma_start3A = arith.constant 0 : i32
      %dma_start3A_30 = arith.constant 0 : i32
      %dma_start3A_31 = tpu.memref_slice %arg11[%dma_start3A, %dma_start3A_30] : memref<160x128xi32, #tpu.memory_space<vmem>> -> memref<1x128xi32, #tpu.memory_space<vmem>>
      %dma_start3A_32 = tpu.memref_squeeze %dma_start3A_31 : memref<1x128xi32, #tpu.memory_space<vmem>> -> memref<128xi32, #tpu.memory_space<vmem>>
      %dma_start3A_33 = arith.constant 0 : i32
      %dma_start3A_34 = tpu.memref_slice %arg10[%dma_start3A_33] : memref<10240xf32, #tpu.memory_space<vmem_shared>> -> memref<10240xf32, #tpu.memory_space<vmem_shared>>
      tpu.enqueue_indirect_dma source(%dma_start3A_34 : memref<10240xf32, #tpu.memory_space<vmem_shared>>) target(%arg13 : memref<128xf32, #tpu.memory_space<vmem>>) offsets(%dma_start3A_32 : memref<128xi32, #tpu.memory_space<vmem>>) semaphore(%arg23 : memref<!tpu.dma_semaphore, #tpu.memory_space<semaphore_mem>>)
      %dma_start3A_35 = arith.constant 1 : i32
      %dma_start3A_36 = arith.constant 0 : i32
      %dma_start3A_37 = tpu.memref_slice %arg11[%dma_start3A_35, %dma_start3A_36] : memref<160x128xi32, #tpu.memory_space<vmem>> -> memref<1x128xi32, #tpu.memory_space<vmem>>
      %dma_start3A_38 = tpu.memref_squeeze %dma_start3A_37 : memref<1x128xi32, #tpu.memory_space<vmem>> -> memref<128xi32, #tpu.memory_space<vmem>>
      %dma_start3A_39 = arith.constant 0 : i32
      %dma_start3A_40 = tpu.memref_slice %arg10[%dma_start3A_39] : memref<10240xf32, #tpu.memory_space<vmem_shared>> -> memref<10240xf32, #tpu.memory_space<vmem_shared>>
      tpu.enqueue_indirect_dma source(%dma_start3A_40 : memref<10240xf32, #tpu.memory_space<vmem_shared>>) target(%arg14 : memref<128xf32, #tpu.memory_space<vmem>>) offsets(%dma_start3A_38 : memref<128xi32, #tpu.memory_space<vmem>>) semaphore(%arg24 : memref<!tpu.dma_semaphore, #tpu.memory_space<semaphore_mem>>)
      %dma_start3A_41 = arith.constant 2 : i32
      %dma_start3A_42 = arith.constant 0 : i32
      %dma_start3A_43 = tpu.memref_slice %arg11[%dma_start3A_41, %dma_start3A_42] : memref<160x128xi32, #tpu.memory_space<vmem>> -> memref<1x128xi32, #tpu.memory_space<vmem>>
      %dma_start3A_44 = tpu.memref_squeeze %dma_start3A_43 : memref<1x128xi32, #tpu.memory_space<vmem>> -> memref<128xi32, #tpu.memory_space<vmem>>
      %dma_start3A_45 = arith.constant 0 : i32
      %dma_start3A_46 = tpu.memref_slice %arg10[%dma_start3A_45] : memref<10240xf32, #tpu.memory_space<vmem_shared>> -> memref<10240xf32, #tpu.memory_space<vmem_shared>>
      tpu.enqueue_indirect_dma source(%dma_start3A_46 : memref<10240xf32, #tpu.memory_space<vmem_shared>>) target(%arg15 : memref<128xf32, #tpu.memory_space<vmem>>) offsets(%dma_start3A_44 : memref<128xi32, #tpu.memory_space<vmem>>) semaphore(%arg25 : memref<!tpu.dma_semaphore, #tpu.memory_space<semaphore_mem>>)
      %dma_start3A_47 = arith.constant 3 : i32
      %dma_start3A_48 = arith.constant 0 : i32
      %dma_start3A_49 = tpu.memref_slice %arg11[%dma_start3A_47, %dma_start3A_48] : memref<160x128xi32, #tpu.memory_space<vmem>> -> memref<1x128xi32, #tpu.memory_space<vmem>>
      %dma_start3A_50 = tpu.memref_squeeze %dma_start3A_49 : memref<1x128xi32, #tpu.memory_space<vmem>> -> memref<128xi32, #tpu.memory_space<vmem>>
      %dma_start3A_51 = arith.constant 0 : i32
      %dma_start3A_52 = tpu.memref_slice %arg10[%dma_start3A_51] : memref<10240xf32, #tpu.memory_space<vmem_shared>> -> memref<10240xf32, #tpu.memory_space<vmem_shared>>
      tpu.enqueue_indirect_dma source(%dma_start3A_52 : memref<10240xf32, #tpu.memory_space<vmem_shared>>) target(%arg16 : memref<128xf32, #tpu.memory_space<vmem>>) offsets(%dma_start3A_50 : memref<128xi32, #tpu.memory_space<vmem>>) semaphore(%arg26 : memref<!tpu.dma_semaphore, #tpu.memory_space<semaphore_mem>>)
      %scan3A_53 = arith.constant 0 : i32
      %scan3A_54 = arith.constant 0 : i32
      %scan3A_55 = arith.constant 20 : i32
      %scan3A_56 = arith.addi %scan3A_54, %scan3A_55 : i32
      %scan3A_57 = arith.constant 1 : i32
      %scan3A_58 = scf.for %scan3A_68 = %scan3A_54 to %scan3A_56 step %scan3A_57 iter_args(%scan3A_69 = %scan3A_53) -> (i32)  : i32 {
        %mul3A_70 = arith.constant 8 : i32
        %mul3A_71 = arith.muli %mul3A_70, %scan3A_68 : i32
        %gt3A = arith.constant 0 : i32
        %gt3A_72 = arith.cmpi sgt, %scan3A_68, %gt3A : i32
        %convert_element_type3A_73 = arith.extui %gt3A_72 : i1 to i32
        %cond3A_74 = arith.constant 0 : i32
        %cond3A_75 = arith.cmpi ne, %convert_element_type3A_73, %cond3A_74 : i32
        scf.if %cond3A_75 {
          %dma_wait3A_205 = arith.constant 0 : i32
          %dma_wait3A_206 = arith.constant 0 : i32
          %dma_wait3A_207 = tpu.memref_slice %arg12[%dma_wait3A_205, %dma_wait3A_206] : memref<160x128xi32, #tpu.memory_space<vmem>> -> memref<1x128xi32, #tpu.memory_space<vmem>>
          %dma_wait3A_208 = tpu.memref_squeeze %dma_wait3A_207 : memref<1x128xi32, #tpu.memory_space<vmem>> -> memref<128xi32, #tpu.memory_space<vmem>>
          %dma_wait3A_209 = arith.constant 0 : i32
          %dma_wait3A_210 = tpu.memref_slice %arg9[%dma_wait3A_209] : memref<10240xf32, #tpu.memory_space<vmem_shared>> -> memref<10240xf32, #tpu.memory_space<vmem_shared>>
          tpu.wait_indirect_dma semaphore(%arg35 : memref<!tpu.dma_semaphore, #tpu.memory_space<semaphore_mem>>) src(%arg17 : memref<128xf32, #tpu.memory_space<vmem>>) dst(%dma_wait3A_210 : memref<10240xf32, #tpu.memory_space<vmem_shared>>)
          %add3A_211 = arith.constant 4 : i32
          %add3A_212 = arith.addi %mul3A_71, %add3A_211 : i32
          %dma_start3A_213 = arith.constant 0 : i32
          %dma_start3A_214 = tpu.memref_slice %arg11[%add3A_212, %dma_start3A_213] : memref<160x128xi32, #tpu.memory_space<vmem>> -> memref<1x128xi32, #tpu.memory_space<vmem>>
          %dma_start3A_215 = tpu.memref_squeeze %dma_start3A_214 : memref<1x128xi32, #tpu.memory_space<vmem>> -> memref<128xi32, #tpu.memory_space<vmem>>
          %dma_start3A_216 = arith.constant 0 : i32
          %dma_start3A_217 = tpu.memref_slice %arg10[%dma_start3A_216] : memref<10240xf32, #tpu.memory_space<vmem_shared>> -> memref<10240xf32, #tpu.memory_space<vmem_shared>>
          tpu.enqueue_indirect_dma source(%dma_start3A_217 : memref<10240xf32, #tpu.memory_space<vmem_shared>>) target(%arg17 : memref<128xf32, #tpu.memory_space<vmem>>) offsets(%dma_start3A_215 : memref<128xi32, #tpu.memory_space<vmem>>) semaphore(%arg27 : memref<!tpu.dma_semaphore, #tpu.memory_space<semaphore_mem>>)
          %dma_wait3A_218 = arith.constant 0 : i32
          %dma_wait3A_219 = arith.constant 0 : i32
          %dma_wait3A_220 = tpu.memref_slice %arg12[%dma_wait3A_218, %dma_wait3A_219] : memref<160x128xi32, #tpu.memory_space<vmem>> -> memref<1x128xi32, #tpu.memory_space<vmem>>
          %dma_wait3A_221 = tpu.memref_squeeze %dma_wait3A_220 : memref<1x128xi32, #tpu.memory_space<vmem>> -> memref<128xi32, #tpu.memory_space<vmem>>
          %dma_wait3A_222 = arith.constant 0 : i32
          %dma_wait3A_223 = tpu.memref_slice %arg9[%dma_wait3A_222] : memref<10240xf32, #tpu.memory_space<vmem_shared>> -> memref<10240xf32, #tpu.memory_space<vmem_shared>>
          tpu.wait_indirect_dma semaphore(%arg36 : memref<!tpu.dma_semaphore, #tpu.memory_space<semaphore_mem>>) src(%arg18 : memref<128xf32, #tpu.memory_space<vmem>>) dst(%dma_wait3A_223 : memref<10240xf32, #tpu.memory_space<vmem_shared>>)
          %add3A_224 = arith.constant 5 : i32
          %add3A_225 = arith.addi %mul3A_71, %add3A_224 : i32
          %dma_start3A_226 = arith.constant 0 : i32
          %dma_start3A_227 = tpu.memref_slice %arg11[%add3A_225, %dma_start3A_226] : memref<160x128xi32, #tpu.memory_space<vmem>> -> memref<1x128xi32, #tpu.memory_space<vmem>>
          %dma_start3A_228 = tpu.memref_squeeze %dma_start3A_227 : memref<1x128xi32, #tpu.memory_space<vmem>> -> memref<128xi32, #tpu.memory_space<vmem>>
          %dma_start3A_229 = arith.constant 0 : i32
          %dma_start3A_230 = tpu.memref_slice %arg10[%dma_start3A_229] : memref<10240xf32, #tpu.memory_space<vmem_shared>> -> memref<10240xf32, #tpu.memory_space<vmem_shared>>
          tpu.enqueue_indirect_dma source(%dma_start3A_230 : memref<10240xf32, #tpu.memory_space<vmem_shared>>) target(%arg18 : memref<128xf32, #tpu.memory_space<vmem>>) offsets(%dma_start3A_228 : memref<128xi32, #tpu.memory_space<vmem>>) semaphore(%arg28 : memref<!tpu.dma_semaphore, #tpu.memory_space<semaphore_mem>>)
          %dma_wait3A_231 = arith.constant 0 : i32
          %dma_wait3A_232 = arith.constant 0 : i32
          %dma_wait3A_233 = tpu.memref_slice %arg12[%dma_wait3A_231, %dma_wait3A_232] : memref<160x128xi32, #tpu.memory_space<vmem>> -> memref<1x128xi32, #tpu.memory_space<vmem>>
          %dma_wait3A_234 = tpu.memref_squeeze %dma_wait3A_233 : memref<1x128xi32, #tpu.memory_space<vmem>> -> memref<128xi32, #tpu.memory_space<vmem>>
          %dma_wait3A_235 = arith.constant 0 : i32
          %dma_wait3A_236 = tpu.memref_slice %arg9[%dma_wait3A_235] : memref<10240xf32, #tpu.memory_space<vmem_shared>> -> memref<10240xf32, #tpu.memory_space<vmem_shared>>
          tpu.wait_indirect_dma semaphore(%arg37 : memref<!tpu.dma_semaphore, #tpu.memory_space<semaphore_mem>>) src(%arg19 : memref<128xf32, #tpu.memory_space<vmem>>) dst(%dma_wait3A_236 : memref<10240xf32, #tpu.memory_space<vmem_shared>>)
          %add3A_237 = arith.constant 6 : i32
          %add3A_238 = arith.addi %mul3A_71, %add3A_237 : i32
          %dma_start3A_239 = arith.constant 0 : i32
          %dma_start3A_240 = tpu.memref_slice %arg11[%add3A_238, %dma_start3A_239] : memref<160x128xi32, #tpu.memory_space<vmem>> -> memref<1x128xi32, #tpu.memory_space<vmem>>
          %dma_start3A_241 = tpu.memref_squeeze %dma_start3A_240 : memref<1x128xi32, #tpu.memory_space<vmem>> -> memref<128xi32, #tpu.memory_space<vmem>>
          %dma_start3A_242 = arith.constant 0 : i32
          %dma_start3A_243 = tpu.memref_slice %arg10[%dma_start3A_242] : memref<10240xf32, #tpu.memory_space<vmem_shared>> -> memref<10240xf32, #tpu.memory_space<vmem_shared>>
          tpu.enqueue_indirect_dma source(%dma_start3A_243 : memref<10240xf32, #tpu.memory_space<vmem_shared>>) target(%arg19 : memref<128xf32, #tpu.memory_space<vmem>>) offsets(%dma_start3A_241 : memref<128xi32, #tpu.memory_space<vmem>>) semaphore(%arg29 : memref<!tpu.dma_semaphore, #tpu.memory_space<semaphore_mem>>)
          %dma_wait3A_244 = arith.constant 0 : i32
          %dma_wait3A_245 = arith.constant 0 : i32
          %dma_wait3A_246 = tpu.memref_slice %arg12[%dma_wait3A_244, %dma_wait3A_245] : memref<160x128xi32, #tpu.memory_space<vmem>> -> memref<1x128xi32, #tpu.memory_space<vmem>>
          %dma_wait3A_247 = tpu.memref_squeeze %dma_wait3A_246 : memref<1x128xi32, #tpu.memory_space<vmem>> -> memref<128xi32, #tpu.memory_space<vmem>>
          %dma_wait3A_248 = arith.constant 0 : i32
          %dma_wait3A_249 = tpu.memref_slice %arg9[%dma_wait3A_248] : memref<10240xf32, #tpu.memory_space<vmem_shared>> -> memref<10240xf32, #tpu.memory_space<vmem_shared>>
          tpu.wait_indirect_dma semaphore(%arg38 : memref<!tpu.dma_semaphore, #tpu.memory_space<semaphore_mem>>) src(%arg20 : memref<128xf32, #tpu.memory_space<vmem>>) dst(%dma_wait3A_249 : memref<10240xf32, #tpu.memory_space<vmem_shared>>)
          %add3A_250 = arith.constant 7 : i32
          %add3A_251 = arith.addi %mul3A_71, %add3A_250 : i32
          %dma_start3A_252 = arith.constant 0 : i32
          %dma_start3A_253 = tpu.memref_slice %arg11[%add3A_251, %dma_start3A_252] : memref<160x128xi32, #tpu.memory_space<vmem>> -> memref<1x128xi32, #tpu.memory_space<vmem>>
          %dma_start3A_254 = tpu.memref_squeeze %dma_start3A_253 : memref<1x128xi32, #tpu.memory_space<vmem>> -> memref<128xi32, #tpu.memory_space<vmem>>
          %dma_start3A_255 = arith.constant 0 : i32
          %dma_start3A_256 = tpu.memref_slice %arg10[%dma_start3A_255] : memref<10240xf32, #tpu.memory_space<vmem_shared>> -> memref<10240xf32, #tpu.memory_space<vmem_shared>>
          tpu.enqueue_indirect_dma source(%dma_start3A_256 : memref<10240xf32, #tpu.memory_space<vmem_shared>>) target(%arg20 : memref<128xf32, #tpu.memory_space<vmem>>) offsets(%dma_start3A_254 : memref<128xi32, #tpu.memory_space<vmem>>) semaphore(%arg30 : memref<!tpu.dma_semaphore, #tpu.memory_space<semaphore_mem>>)
        } else {
        }
        %eq3A_76 = arith.constant 0 : i32
        %eq3A_77 = arith.cmpi eq, %scan3A_68, %eq3A_76 : i32
        %convert_element_type3A_78 = arith.extui %eq3A_77 : i1 to i32
        %cond3A_79 = arith.constant 0 : i32
        %cond3A_80 = arith.cmpi ne, %convert_element_type3A_78, %cond3A_79 : i32
        scf.if %cond3A_80 {
          %dma_start3A_205 = arith.constant 4 : i32
          %dma_start3A_206 = arith.constant 0 : i32
          %dma_start3A_207 = tpu.memref_slice %arg11[%dma_start3A_205, %dma_start3A_206] : memref<160x128xi32, #tpu.memory_space<vmem>> -> memref<1x128xi32, #tpu.memory_space<vmem>>
          %dma_start3A_208 = tpu.memref_squeeze %dma_start3A_207 : memref<1x128xi32, #tpu.memory_space<vmem>> -> memref<128xi32, #tpu.memory_space<vmem>>
          %dma_start3A_209 = arith.constant 0 : i32
          %dma_start3A_210 = tpu.memref_slice %arg10[%dma_start3A_209] : memref<10240xf32, #tpu.memory_space<vmem_shared>> -> memref<10240xf32, #tpu.memory_space<vmem_shared>>
          tpu.enqueue_indirect_dma source(%dma_start3A_210 : memref<10240xf32, #tpu.memory_space<vmem_shared>>) target(%arg17 : memref<128xf32, #tpu.memory_space<vmem>>) offsets(%dma_start3A_208 : memref<128xi32, #tpu.memory_space<vmem>>) semaphore(%arg27 : memref<!tpu.dma_semaphore, #tpu.memory_space<semaphore_mem>>)
          %dma_start3A_211 = arith.constant 5 : i32
          %dma_start3A_212 = arith.constant 0 : i32
          %dma_start3A_213 = tpu.memref_slice %arg11[%dma_start3A_211, %dma_start3A_212] : memref<160x128xi32, #tpu.memory_space<vmem>> -> memref<1x128xi32, #tpu.memory_space<vmem>>
          %dma_start3A_214 = tpu.memref_squeeze %dma_start3A_213 : memref<1x128xi32, #tpu.memory_space<vmem>> -> memref<128xi32, #tpu.memory_space<vmem>>
          %dma_start3A_215 = arith.constant 0 : i32
          %dma_start3A_216 = tpu.memref_slice %arg10[%dma_start3A_215] : memref<10240xf32, #tpu.memory_space<vmem_shared>> -> memref<10240xf32, #tpu.memory_space<vmem_shared>>
          tpu.enqueue_indirect_dma source(%dma_start3A_216 : memref<10240xf32, #tpu.memory_space<vmem_shared>>) target(%arg18 : memref<128xf32, #tpu.memory_space<vmem>>) offsets(%dma_start3A_214 : memref<128xi32, #tpu.memory_space<vmem>>) semaphore(%arg28 : memref<!tpu.dma_semaphore, #tpu.memory_space<semaphore_mem>>)
          %dma_start3A_217 = arith.constant 6 : i32
          %dma_start3A_218 = arith.constant 0 : i32
          %dma_start3A_219 = tpu.memref_slice %arg11[%dma_start3A_217, %dma_start3A_218] : memref<160x128xi32, #tpu.memory_space<vmem>> -> memref<1x128xi32, #tpu.memory_space<vmem>>
          %dma_start3A_220 = tpu.memref_squeeze %dma_start3A_219 : memref<1x128xi32, #tpu.memory_space<vmem>> -> memref<128xi32, #tpu.memory_space<vmem>>
          %dma_start3A_221 = arith.constant 0 : i32
          %dma_start3A_222 = tpu.memref_slice %arg10[%dma_start3A_221] : memref<10240xf32, #tpu.memory_space<vmem_shared>> -> memref<10240xf32, #tpu.memory_space<vmem_shared>>
          tpu.enqueue_indirect_dma source(%dma_start3A_222 : memref<10240xf32, #tpu.memory_space<vmem_shared>>) target(%arg19 : memref<128xf32, #tpu.memory_space<vmem>>) offsets(%dma_start3A_220 : memref<128xi32, #tpu.memory_space<vmem>>) semaphore(%arg29 : memref<!tpu.dma_semaphore, #tpu.memory_space<semaphore_mem>>)
          %dma_start3A_223 = arith.constant 7 : i32
          %dma_start3A_224 = arith.constant 0 : i32
          %dma_start3A_225 = tpu.memref_slice %arg11[%dma_start3A_223, %dma_start3A_224] : memref<160x128xi32, #tpu.memory_space<vmem>> -> memref<1x128xi32, #tpu.memory_space<vmem>>
          %dma_start3A_226 = tpu.memref_squeeze %dma_start3A_225 : memref<1x128xi32, #tpu.memory_space<vmem>> -> memref<128xi32, #tpu.memory_space<vmem>>
          %dma_start3A_227 = arith.constant 0 : i32
          %dma_start3A_228 = tpu.memref_slice %arg10[%dma_start3A_227] : memref<10240xf32, #tpu.memory_space<vmem_shared>> -> memref<10240xf32, #tpu.memory_space<vmem_shared>>
          tpu.enqueue_indirect_dma source(%dma_start3A_228 : memref<10240xf32, #tpu.memory_space<vmem_shared>>) target(%arg20 : memref<128xf32, #tpu.memory_space<vmem>>) offsets(%dma_start3A_226 : memref<128xi32, #tpu.memory_space<vmem>>) semaphore(%arg30 : memref<!tpu.dma_semaphore, #tpu.memory_space<semaphore_mem>>)
        } else {
        }
        %dma_wait3A = arith.constant 0 : i32
        %dma_wait3A_81 = arith.constant 0 : i32
        %dma_wait3A_82 = tpu.memref_slice %arg11[%dma_wait3A, %dma_wait3A_81] : memref<160x128xi32, #tpu.memory_space<vmem>> -> memref<1x128xi32, #tpu.memory_space<vmem>>
        %dma_wait3A_83 = tpu.memref_squeeze %dma_wait3A_82 : memref<1x128xi32, #tpu.memory_space<vmem>> -> memref<128xi32, #tpu.memory_space<vmem>>
        %dma_wait3A_84 = arith.constant 0 : i32
        %dma_wait3A_85 = tpu.memref_slice %arg10[%dma_wait3A_84] : memref<10240xf32, #tpu.memory_space<vmem_shared>> -> memref<10240xf32, #tpu.memory_space<vmem_shared>>
        tpu.wait_indirect_dma semaphore(%arg23 : memref<!tpu.dma_semaphore, #tpu.memory_space<semaphore_mem>>) src(%dma_wait3A_85 : memref<10240xf32, #tpu.memory_space<vmem_shared>>) dst(%arg13 : memref<128xf32, #tpu.memory_space<vmem>>)
        %add3A_86 = arith.constant 0 : i32
        %add3A_87 = arith.addi %mul3A_71, %add3A_86 : i32
        %dma_start3A_88 = arith.constant 0 : i32
        %dma_start3A_89 = tpu.memref_slice %arg12[%add3A_87, %dma_start3A_88] : memref<160x128xi32, #tpu.memory_space<vmem>> -> memref<1x128xi32, #tpu.memory_space<vmem>>
        %dma_start3A_90 = tpu.memref_squeeze %dma_start3A_89 : memref<1x128xi32, #tpu.memory_space<vmem>> -> memref<128xi32, #tpu.memory_space<vmem>>
        %dma_start3A_91 = arith.constant 0 : i32
        %dma_start3A_92 = tpu.memref_slice %arg9[%dma_start3A_91] : memref<10240xf32, #tpu.memory_space<vmem_shared>> -> memref<10240xf32, #tpu.memory_space<vmem_shared>>
        tpu.enqueue_indirect_dma source(%arg13 : memref<128xf32, #tpu.memory_space<vmem>>) target(%dma_start3A_92 : memref<10240xf32, #tpu.memory_space<vmem_shared>>) offsets(%dma_start3A_90 : memref<128xi32, #tpu.memory_space<vmem>>) semaphore(%arg31 : memref<!tpu.dma_semaphore, #tpu.memory_space<semaphore_mem>>) {add = true}
        %dma_wait3A_93 = arith.constant 0 : i32
        %dma_wait3A_94 = arith.constant 0 : i32
        %dma_wait3A_95 = tpu.memref_slice %arg11[%dma_wait3A_93, %dma_wait3A_94] : memref<160x128xi32, #tpu.memory_space<vmem>> -> memref<1x128xi32, #tpu.memory_space<vmem>>
        %dma_wait3A_96 = tpu.memref_squeeze %dma_wait3A_95 : memref<1x128xi32, #tpu.memory_space<vmem>> -> memref<128xi32, #tpu.memory_space<vmem>>
        %dma_wait3A_97 = arith.constant 0 : i32
        %dma_wait3A_98 = tpu.memref_slice %arg10[%dma_wait3A_97] : memref<10240xf32, #tpu.memory_space<vmem_shared>> -> memref<10240xf32, #tpu.memory_space<vmem_shared>>
        tpu.wait_indirect_dma semaphore(%arg24 : memref<!tpu.dma_semaphore, #tpu.memory_space<semaphore_mem>>) src(%dma_wait3A_98 : memref<10240xf32, #tpu.memory_space<vmem_shared>>) dst(%arg14 : memref<128xf32, #tpu.memory_space<vmem>>)
        %add3A_99 = arith.constant 1 : i32
        %add3A_100 = arith.addi %mul3A_71, %add3A_99 : i32
        %dma_start3A_101 = arith.constant 0 : i32
        %dma_start3A_102 = tpu.memref_slice %arg12[%add3A_100, %dma_start3A_101] : memref<160x128xi32, #tpu.memory_space<vmem>> -> memref<1x128xi32, #tpu.memory_space<vmem>>
        %dma_start3A_103 = tpu.memref_squeeze %dma_start3A_102 : memref<1x128xi32, #tpu.memory_space<vmem>> -> memref<128xi32, #tpu.memory_space<vmem>>
        %dma_start3A_104 = arith.constant 0 : i32
        %dma_start3A_105 = tpu.memref_slice %arg9[%dma_start3A_104] : memref<10240xf32, #tpu.memory_space<vmem_shared>> -> memref<10240xf32, #tpu.memory_space<vmem_shared>>
        tpu.enqueue_indirect_dma source(%arg14 : memref<128xf32, #tpu.memory_space<vmem>>) target(%dma_start3A_105 : memref<10240xf32, #tpu.memory_space<vmem_shared>>) offsets(%dma_start3A_103 : memref<128xi32, #tpu.memory_space<vmem>>) semaphore(%arg32 : memref<!tpu.dma_semaphore, #tpu.memory_space<semaphore_mem>>) {add = true}
        %dma_wait3A_106 = arith.constant 0 : i32
        %dma_wait3A_107 = arith.constant 0 : i32
        %dma_wait3A_108 = tpu.memref_slice %arg11[%dma_wait3A_106, %dma_wait3A_107] : memref<160x128xi32, #tpu.memory_space<vmem>> -> memref<1x128xi32, #tpu.memory_space<vmem>>
        %dma_wait3A_109 = tpu.memref_squeeze %dma_wait3A_108 : memref<1x128xi32, #tpu.memory_space<vmem>> -> memref<128xi32, #tpu.memory_space<vmem>>
        %dma_wait3A_110 = arith.constant 0 : i32
        %dma_wait3A_111 = tpu.memref_slice %arg10[%dma_wait3A_110] : memref<10240xf32, #tpu.memory_space<vmem_shared>> -> memref<10240xf32, #tpu.memory_space<vmem_shared>>
        tpu.wait_indirect_dma semaphore(%arg25 : memref<!tpu.dma_semaphore, #tpu.memory_space<semaphore_mem>>) src(%dma_wait3A_111 : memref<10240xf32, #tpu.memory_space<vmem_shared>>) dst(%arg15 : memref<128xf32, #tpu.memory_space<vmem>>)
        %add3A_112 = arith.constant 2 : i32
        %add3A_113 = arith.addi %mul3A_71, %add3A_112 : i32
        %dma_start3A_114 = arith.constant 0 : i32
        %dma_start3A_115 = tpu.memref_slice %arg12[%add3A_113, %dma_start3A_114] : memref<160x128xi32, #tpu.memory_space<vmem>> -> memref<1x128xi32, #tpu.memory_space<vmem>>
        %dma_start3A_116 = tpu.memref_squeeze %dma_start3A_115 : memref<1x128xi32, #tpu.memory_space<vmem>> -> memref<128xi32, #tpu.memory_space<vmem>>
        %dma_start3A_117 = arith.constant 0 : i32
        %dma_start3A_118 = tpu.memref_slice %arg9[%dma_start3A_117] : memref<10240xf32, #tpu.memory_space<vmem_shared>> -> memref<10240xf32, #tpu.memory_space<vmem_shared>>
        tpu.enqueue_indirect_dma source(%arg15 : memref<128xf32, #tpu.memory_space<vmem>>) target(%dma_start3A_118 : memref<10240xf32, #tpu.memory_space<vmem_shared>>) offsets(%dma_start3A_116 : memref<128xi32, #tpu.memory_space<vmem>>) semaphore(%arg33 : memref<!tpu.dma_semaphore, #tpu.memory_space<semaphore_mem>>) {add = true}
        %dma_wait3A_119 = arith.constant 0 : i32
        %dma_wait3A_120 = arith.constant 0 : i32
        %dma_wait3A_121 = tpu.memref_slice %arg11[%dma_wait3A_119, %dma_wait3A_120] : memref<160x128xi32, #tpu.memory_space<vmem>> -> memref<1x128xi32, #tpu.memory_space<vmem>>
        %dma_wait3A_122 = tpu.memref_squeeze %dma_wait3A_121 : memref<1x128xi32, #tpu.memory_space<vmem>> -> memref<128xi32, #tpu.memory_space<vmem>>
        %dma_wait3A_123 = arith.constant 0 : i32
        %dma_wait3A_124 = tpu.memref_slice %arg10[%dma_wait3A_123] : memref<10240xf32, #tpu.memory_space<vmem_shared>> -> memref<10240xf32, #tpu.memory_space<vmem_shared>>
        tpu.wait_indirect_dma semaphore(%arg26 : memref<!tpu.dma_semaphore, #tpu.memory_space<semaphore_mem>>) src(%dma_wait3A_124 : memref<10240xf32, #tpu.memory_space<vmem_shared>>) dst(%arg16 : memref<128xf32, #tpu.memory_space<vmem>>)
        %add3A_125 = arith.constant 3 : i32
        %add3A_126 = arith.addi %mul3A_71, %add3A_125 : i32
        %dma_start3A_127 = arith.constant 0 : i32
        %dma_start3A_128 = tpu.memref_slice %arg12[%add3A_126, %dma_start3A_127] : memref<160x128xi32, #tpu.memory_space<vmem>> -> memref<1x128xi32, #tpu.memory_space<vmem>>
        %dma_start3A_129 = tpu.memref_squeeze %dma_start3A_128 : memref<1x128xi32, #tpu.memory_space<vmem>> -> memref<128xi32, #tpu.memory_space<vmem>>
        %dma_start3A_130 = arith.constant 0 : i32
        %dma_start3A_131 = tpu.memref_slice %arg9[%dma_start3A_130] : memref<10240xf32, #tpu.memory_space<vmem_shared>> -> memref<10240xf32, #tpu.memory_space<vmem_shared>>
        tpu.enqueue_indirect_dma source(%arg16 : memref<128xf32, #tpu.memory_space<vmem>>) target(%dma_start3A_131 : memref<10240xf32, #tpu.memory_space<vmem_shared>>) offsets(%dma_start3A_129 : memref<128xi32, #tpu.memory_space<vmem>>) semaphore(%arg34 : memref<!tpu.dma_semaphore, #tpu.memory_space<semaphore_mem>>) {add = true}
        %add3A_132 = arith.constant 1 : i32
        %add3A_133 = arith.addi %scan3A_68, %add3A_132 : i32
        %lt3A = arith.constant 20 : i32
        %lt3A_134 = arith.cmpi slt, %add3A_133, %lt3A : i32
        %convert_element_type3A_135 = arith.extui %lt3A_134 : i1 to i32
        %cond3A_136 = arith.constant 0 : i32
        %cond3A_137 = arith.cmpi ne, %convert_element_type3A_135, %cond3A_136 : i32
        scf.if %cond3A_137 {
          %dma_wait3A_205 = arith.constant 0 : i32
          %dma_wait3A_206 = arith.constant 0 : i32
          %dma_wait3A_207 = tpu.memref_slice %arg12[%dma_wait3A_205, %dma_wait3A_206] : memref<160x128xi32, #tpu.memory_space<vmem>> -> memref<1x128xi32, #tpu.memory_space<vmem>>
          %dma_wait3A_208 = tpu.memref_squeeze %dma_wait3A_207 : memref<1x128xi32, #tpu.memory_space<vmem>> -> memref<128xi32, #tpu.memory_space<vmem>>
          %dma_wait3A_209 = arith.constant 0 : i32
          %dma_wait3A_210 = tpu.memref_slice %arg9[%dma_wait3A_209] : memref<10240xf32, #tpu.memory_space<vmem_shared>> -> memref<10240xf32, #tpu.memory_space<vmem_shared>>
          tpu.wait_indirect_dma semaphore(%arg31 : memref<!tpu.dma_semaphore, #tpu.memory_space<semaphore_mem>>) src(%arg13 : memref<128xf32, #tpu.memory_space<vmem>>) dst(%dma_wait3A_210 : memref<10240xf32, #tpu.memory_space<vmem_shared>>)
          %add3A_211 = arith.constant 8 : i32
          %add3A_212 = arith.addi %mul3A_71, %add3A_211 : i32
          %add3A_213 = arith.constant 0 : i32
          %add3A_214 = arith.addi %add3A_212, %add3A_213 : i32
          %dma_start3A_215 = arith.constant 0 : i32
          %dma_start3A_216 = tpu.memref_slice %arg11[%add3A_214, %dma_start3A_215] : memref<160x128xi32, #tpu.memory_space<vmem>> -> memref<1x128xi32, #tpu.memory_space<vmem>>
          %dma_start3A_217 = tpu.memref_squeeze %dma_start3A_216 : memref<1x128xi32, #tpu.memory_space<vmem>> -> memref<128xi32, #tpu.memory_space<vmem>>
          %dma_start3A_218 = arith.constant 0 : i32
          %dma_start3A_219 = tpu.memref_slice %arg10[%dma_start3A_218] : memref<10240xf32, #tpu.memory_space<vmem_shared>> -> memref<10240xf32, #tpu.memory_space<vmem_shared>>
          tpu.enqueue_indirect_dma source(%dma_start3A_219 : memref<10240xf32, #tpu.memory_space<vmem_shared>>) target(%arg13 : memref<128xf32, #tpu.memory_space<vmem>>) offsets(%dma_start3A_217 : memref<128xi32, #tpu.memory_space<vmem>>) semaphore(%arg23 : memref<!tpu.dma_semaphore, #tpu.memory_space<semaphore_mem>>)
          %dma_wait3A_220 = arith.constant 0 : i32
          %dma_wait3A_221 = arith.constant 0 : i32
          %dma_wait3A_222 = tpu.memref_slice %arg12[%dma_wait3A_220, %dma_wait3A_221] : memref<160x128xi32, #tpu.memory_space<vmem>> -> memref<1x128xi32, #tpu.memory_space<vmem>>
          %dma_wait3A_223 = tpu.memref_squeeze %dma_wait3A_222 : memref<1x128xi32, #tpu.memory_space<vmem>> -> memref<128xi32, #tpu.memory_space<vmem>>
          %dma_wait3A_224 = arith.constant 0 : i32
          %dma_wait3A_225 = tpu.memref_slice %arg9[%dma_wait3A_224] : memref<10240xf32, #tpu.memory_space<vmem_shared>> -> memref<10240xf32, #tpu.memory_space<vmem_shared>>
          tpu.wait_indirect_dma semaphore(%arg32 : memref<!tpu.dma_semaphore, #tpu.memory_space<semaphore_mem>>) src(%arg14 : memref<128xf32, #tpu.memory_space<vmem>>) dst(%dma_wait3A_225 : memref<10240xf32, #tpu.memory_space<vmem_shared>>)
          %add3A_226 = arith.constant 8 : i32
          %add3A_227 = arith.addi %mul3A_71, %add3A_226 : i32
          %add3A_228 = arith.constant 1 : i32
          %add3A_229 = arith.addi %add3A_227, %add3A_228 : i32
          %dma_start3A_230 = arith.constant 0 : i32
          %dma_start3A_231 = tpu.memref_slice %arg11[%add3A_229, %dma_start3A_230] : memref<160x128xi32, #tpu.memory_space<vmem>> -> memref<1x128xi32, #tpu.memory_space<vmem>>
          %dma_start3A_232 = tpu.memref_squeeze %dma_start3A_231 : memref<1x128xi32, #tpu.memory_space<vmem>> -> memref<128xi32, #tpu.memory_space<vmem>>
          %dma_start3A_233 = arith.constant 0 : i32
          %dma_start3A_234 = tpu.memref_slice %arg10[%dma_start3A_233] : memref<10240xf32, #tpu.memory_space<vmem_shared>> -> memref<10240xf32, #tpu.memory_space<vmem_shared>>
          tpu.enqueue_indirect_dma source(%dma_start3A_234 : memref<10240xf32, #tpu.memory_space<vmem_shared>>) target(%arg14 : memref<128xf32, #tpu.memory_space<vmem>>) offsets(%dma_start3A_232 : memref<128xi32, #tpu.memory_space<vmem>>) semaphore(%arg24 : memref<!tpu.dma_semaphore, #tpu.memory_space<semaphore_mem>>)
          %dma_wait3A_235 = arith.constant 0 : i32
          %dma_wait3A_236 = arith.constant 0 : i32
          %dma_wait3A_237 = tpu.memref_slice %arg12[%dma_wait3A_235, %dma_wait3A_236] : memref<160x128xi32, #tpu.memory_space<vmem>> -> memref<1x128xi32, #tpu.memory_space<vmem>>
          %dma_wait3A_238 = tpu.memref_squeeze %dma_wait3A_237 : memref<1x128xi32, #tpu.memory_space<vmem>> -> memref<128xi32, #tpu.memory_space<vmem>>
          %dma_wait3A_239 = arith.constant 0 : i32
          %dma_wait3A_240 = tpu.memref_slice %arg9[%dma_wait3A_239] : memref<10240xf32, #tpu.memory_space<vmem_shared>> -> memref<10240xf32, #tpu.memory_space<vmem_shared>>
          tpu.wait_indirect_dma semaphore(%arg33 : memref<!tpu.dma_semaphore, #tpu.memory_space<semaphore_mem>>) src(%arg15 : memref<128xf32, #tpu.memory_space<vmem>>) dst(%dma_wait3A_240 : memref<10240xf32, #tpu.memory_space<vmem_shared>>)
          %add3A_241 = arith.constant 8 : i32
          %add3A_242 = arith.addi %mul3A_71, %add3A_241 : i32
          %add3A_243 = arith.constant 2 : i32
          %add3A_244 = arith.addi %add3A_242, %add3A_243 : i32
          %dma_start3A_245 = arith.constant 0 : i32
          %dma_start3A_246 = tpu.memref_slice %arg11[%add3A_244, %dma_start3A_245] : memref<160x128xi32, #tpu.memory_space<vmem>> -> memref<1x128xi32, #tpu.memory_space<vmem>>
          %dma_start3A_247 = tpu.memref_squeeze %dma_start3A_246 : memref<1x128xi32, #tpu.memory_space<vmem>> -> memref<128xi32, #tpu.memory_space<vmem>>
          %dma_start3A_248 = arith.constant 0 : i32
          %dma_start3A_249 = tpu.memref_slice %arg10[%dma_start3A_248] : memref<10240xf32, #tpu.memory_space<vmem_shared>> -> memref<10240xf32, #tpu.memory_space<vmem_shared>>
          tpu.enqueue_indirect_dma source(%dma_start3A_249 : memref<10240xf32, #tpu.memory_space<vmem_shared>>) target(%arg15 : memref<128xf32, #tpu.memory_space<vmem>>) offsets(%dma_start3A_247 : memref<128xi32, #tpu.memory_space<vmem>>) semaphore(%arg25 : memref<!tpu.dma_semaphore, #tpu.memory_space<semaphore_mem>>)
          %dma_wait3A_250 = arith.constant 0 : i32
          %dma_wait3A_251 = arith.constant 0 : i32
          %dma_wait3A_252 = tpu.memref_slice %arg12[%dma_wait3A_250, %dma_wait3A_251] : memref<160x128xi32, #tpu.memory_space<vmem>> -> memref<1x128xi32, #tpu.memory_space<vmem>>
          %dma_wait3A_253 = tpu.memref_squeeze %dma_wait3A_252 : memref<1x128xi32, #tpu.memory_space<vmem>> -> memref<128xi32, #tpu.memory_space<vmem>>
          %dma_wait3A_254 = arith.constant 0 : i32
          %dma_wait3A_255 = tpu.memref_slice %arg9[%dma_wait3A_254] : memref<10240xf32, #tpu.memory_space<vmem_shared>> -> memref<10240xf32, #tpu.memory_space<vmem_shared>>
          tpu.wait_indirect_dma semaphore(%arg34 : memref<!tpu.dma_semaphore, #tpu.memory_space<semaphore_mem>>) src(%arg16 : memref<128xf32, #tpu.memory_space<vmem>>) dst(%dma_wait3A_255 : memref<10240xf32, #tpu.memory_space<vmem_shared>>)
          %add3A_256 = arith.constant 8 : i32
          %add3A_257 = arith.addi %mul3A_71, %add3A_256 : i32
          %add3A_258 = arith.constant 3 : i32
          %add3A_259 = arith.addi %add3A_257, %add3A_258 : i32
          %dma_start3A_260 = arith.constant 0 : i32
          %dma_start3A_261 = tpu.memref_slice %arg11[%add3A_259, %dma_start3A_260] : memref<160x128xi32, #tpu.memory_space<vmem>> -> memref<1x128xi32, #tpu.memory_space<vmem>>
          %dma_start3A_262 = tpu.memref_squeeze %dma_start3A_261 : memref<1x128xi32, #tpu.memory_space<vmem>> -> memref<128xi32, #tpu.memory_space<vmem>>
          %dma_start3A_263 = arith.constant 0 : i32
          %dma_start3A_264 = tpu.memref_slice %arg10[%dma_start3A_263] : memref<10240xf32, #tpu.memory_space<vmem_shared>> -> memref<10240xf32, #tpu.memory_space<vmem_shared>>
          tpu.enqueue_indirect_dma source(%dma_start3A_264 : memref<10240xf32, #tpu.memory_space<vmem_shared>>) target(%arg16 : memref<128xf32, #tpu.memory_space<vmem>>) offsets(%dma_start3A_262 : memref<128xi32, #tpu.memory_space<vmem>>) semaphore(%arg26 : memref<!tpu.dma_semaphore, #tpu.memory_space<semaphore_mem>>)
        } else {
        }
        %add3A_138 = arith.constant 1 : i32
        %add3A_139 = arith.addi %scan3A_68, %add3A_138 : i32
        %eq3A_140 = arith.constant 20 : i32
        %eq3A_141 = arith.cmpi eq, %add3A_139, %eq3A_140 : i32
        %convert_element_type3A_142 = arith.extui %eq3A_141 : i1 to i32
        %cond3A_143 = arith.constant 0 : i32
        %cond3A_144 = arith.cmpi ne, %convert_element_type3A_142, %cond3A_143 : i32
        scf.if %cond3A_144 {
          %dma_wait3A_205 = arith.constant 0 : i32
          %dma_wait3A_206 = arith.constant 0 : i32
          %dma_wait3A_207 = tpu.memref_slice %arg12[%dma_wait3A_205, %dma_wait3A_206] : memref<160x128xi32, #tpu.memory_space<vmem>> -> memref<1x128xi32, #tpu.memory_space<vmem>>
          %dma_wait3A_208 = tpu.memref_squeeze %dma_wait3A_207 : memref<1x128xi32, #tpu.memory_space<vmem>> -> memref<128xi32, #tpu.memory_space<vmem>>
          %dma_wait3A_209 = arith.constant 0 : i32
          %dma_wait3A_210 = tpu.memref_slice %arg9[%dma_wait3A_209] : memref<10240xf32, #tpu.memory_space<vmem_shared>> -> memref<10240xf32, #tpu.memory_space<vmem_shared>>
          tpu.wait_indirect_dma semaphore(%arg31 : memref<!tpu.dma_semaphore, #tpu.memory_space<semaphore_mem>>) src(%arg13 : memref<128xf32, #tpu.memory_space<vmem>>) dst(%dma_wait3A_210 : memref<10240xf32, #tpu.memory_space<vmem_shared>>)
          %dma_wait3A_211 = arith.constant 0 : i32
          %dma_wait3A_212 = arith.constant 0 : i32
          %dma_wait3A_213 = tpu.memref_slice %arg12[%dma_wait3A_211, %dma_wait3A_212] : memref<160x128xi32, #tpu.memory_space<vmem>> -> memref<1x128xi32, #tpu.memory_space<vmem>>
          %dma_wait3A_214 = tpu.memref_squeeze %dma_wait3A_213 : memref<1x128xi32, #tpu.memory_space<vmem>> -> memref<128xi32, #tpu.memory_space<vmem>>
          %dma_wait3A_215 = arith.constant 0 : i32
          %dma_wait3A_216 = tpu.memref_slice %arg9[%dma_wait3A_215] : memref<10240xf32, #tpu.memory_space<vmem_shared>> -> memref<10240xf32, #tpu.memory_space<vmem_shared>>
          tpu.wait_indirect_dma semaphore(%arg32 : memref<!tpu.dma_semaphore, #tpu.memory_space<semaphore_mem>>) src(%arg14 : memref<128xf32, #tpu.memory_space<vmem>>) dst(%dma_wait3A_216 : memref<10240xf32, #tpu.memory_space<vmem_shared>>)
          %dma_wait3A_217 = arith.constant 0 : i32
          %dma_wait3A_218 = arith.constant 0 : i32
          %dma_wait3A_219 = tpu.memref_slice %arg12[%dma_wait3A_217, %dma_wait3A_218] : memref<160x128xi32, #tpu.memory_space<vmem>> -> memref<1x128xi32, #tpu.memory_space<vmem>>
          %dma_wait3A_220 = tpu.memref_squeeze %dma_wait3A_219 : memref<1x128xi32, #tpu.memory_space<vmem>> -> memref<128xi32, #tpu.memory_space<vmem>>
          %dma_wait3A_221 = arith.constant 0 : i32
          %dma_wait3A_222 = tpu.memref_slice %arg9[%dma_wait3A_221] : memref<10240xf32, #tpu.memory_space<vmem_shared>> -> memref<10240xf32, #tpu.memory_space<vmem_shared>>
          tpu.wait_indirect_dma semaphore(%arg33 : memref<!tpu.dma_semaphore, #tpu.memory_space<semaphore_mem>>) src(%arg15 : memref<128xf32, #tpu.memory_space<vmem>>) dst(%dma_wait3A_222 : memref<10240xf32, #tpu.memory_space<vmem_shared>>)
          %dma_wait3A_223 = arith.constant 0 : i32
          %dma_wait3A_224 = arith.constant 0 : i32
          %dma_wait3A_225 = tpu.memref_slice %arg12[%dma_wait3A_223, %dma_wait3A_224] : memref<160x128xi32, #tpu.memory_space<vmem>> -> memref<1x128xi32, #tpu.memory_space<vmem>>
          %dma_wait3A_226 = tpu.memref_squeeze %dma_wait3A_225 : memref<1x128xi32, #tpu.memory_space<vmem>> -> memref<128xi32, #tpu.memory_space<vmem>>
          %dma_wait3A_227 = arith.constant 0 : i32
          %dma_wait3A_228 = tpu.memref_slice %arg9[%dma_wait3A_227] : memref<10240xf32, #tpu.memory_space<vmem_shared>> -> memref<10240xf32, #tpu.memory_space<vmem_shared>>
          tpu.wait_indirect_dma semaphore(%arg34 : memref<!tpu.dma_semaphore, #tpu.memory_space<semaphore_mem>>) src(%arg16 : memref<128xf32, #tpu.memory_space<vmem>>) dst(%dma_wait3A_228 : memref<10240xf32, #tpu.memory_space<vmem_shared>>)
        } else {
        }
        %dma_wait3A_145 = arith.constant 0 : i32
        %dma_wait3A_146 = arith.constant 0 : i32
        %dma_wait3A_147 = tpu.memref_slice %arg11[%dma_wait3A_145, %dma_wait3A_146] : memref<160x128xi32, #tpu.memory_space<vmem>> -> memref<1x128xi32, #tpu.memory_space<vmem>>
        %dma_wait3A_148 = tpu.memref_squeeze %dma_wait3A_147 : memref<1x128xi32, #tpu.memory_space<vmem>> -> memref<128xi32, #tpu.memory_space<vmem>>
        %dma_wait3A_149 = arith.constant 0 : i32
        %dma_wait3A_150 = tpu.memref_slice %arg10[%dma_wait3A_149] : memref<10240xf32, #tpu.memory_space<vmem_shared>> -> memref<10240xf32, #tpu.memory_space<vmem_shared>>
        tpu.wait_indirect_dma semaphore(%arg27 : memref<!tpu.dma_semaphore, #tpu.memory_space<semaphore_mem>>) src(%dma_wait3A_150 : memref<10240xf32, #tpu.memory_space<vmem_shared>>) dst(%arg17 : memref<128xf32, #tpu.memory_space<vmem>>)
        %add3A_151 = arith.constant 4 : i32
        %add3A_152 = arith.addi %mul3A_71, %add3A_151 : i32
        %dma_start3A_153 = arith.constant 0 : i32
        %dma_start3A_154 = tpu.memref_slice %arg12[%add3A_152, %dma_start3A_153] : memref<160x128xi32, #tpu.memory_space<vmem>> -> memref<1x128xi32, #tpu.memory_space<vmem>>
        %dma_start3A_155 = tpu.memref_squeeze %dma_start3A_154 : memref<1x128xi32, #tpu.memory_space<vmem>> -> memref<128xi32, #tpu.memory_space<vmem>>
        %dma_start3A_156 = arith.constant 0 : i32
        %dma_start3A_157 = tpu.memref_slice %arg9[%dma_start3A_156] : memref<10240xf32, #tpu.memory_space<vmem_shared>> -> memref<10240xf32, #tpu.memory_space<vmem_shared>>
        tpu.enqueue_indirect_dma source(%arg17 : memref<128xf32, #tpu.memory_space<vmem>>) target(%dma_start3A_157 : memref<10240xf32, #tpu.memory_space<vmem_shared>>) offsets(%dma_start3A_155 : memref<128xi32, #tpu.memory_space<vmem>>) semaphore(%arg35 : memref<!tpu.dma_semaphore, #tpu.memory_space<semaphore_mem>>) {add = true}
        %dma_wait3A_158 = arith.constant 0 : i32
        %dma_wait3A_159 = arith.constant 0 : i32
        %dma_wait3A_160 = tpu.memref_slice %arg11[%dma_wait3A_158, %dma_wait3A_159] : memref<160x128xi32, #tpu.memory_space<vmem>> -> memref<1x128xi32, #tpu.memory_space<vmem>>
        %dma_wait3A_161 = tpu.memref_squeeze %dma_wait3A_160 : memref<1x128xi32, #tpu.memory_space<vmem>> -> memref<128xi32, #tpu.memory_space<vmem>>
        %dma_wait3A_162 = arith.constant 0 : i32
        %dma_wait3A_163 = tpu.memref_slice %arg10[%dma_wait3A_162] : memref<10240xf32, #tpu.memory_space<vmem_shared>> -> memref<10240xf32, #tpu.memory_space<vmem_shared>>
        tpu.wait_indirect_dma semaphore(%arg28 : memref<!tpu.dma_semaphore, #tpu.memory_space<semaphore_mem>>) src(%dma_wait3A_163 : memref<10240xf32, #tpu.memory_space<vmem_shared>>) dst(%arg18 : memref<128xf32, #tpu.memory_space<vmem>>)
        %add3A_164 = arith.constant 5 : i32
        %add3A_165 = arith.addi %mul3A_71, %add3A_164 : i32
        %dma_start3A_166 = arith.constant 0 : i32
        %dma_start3A_167 = tpu.memref_slice %arg12[%add3A_165, %dma_start3A_166] : memref<160x128xi32, #tpu.memory_space<vmem>> -> memref<1x128xi32, #tpu.memory_space<vmem>>
        %dma_start3A_168 = tpu.memref_squeeze %dma_start3A_167 : memref<1x128xi32, #tpu.memory_space<vmem>> -> memref<128xi32, #tpu.memory_space<vmem>>
        %dma_start3A_169 = arith.constant 0 : i32
        %dma_start3A_170 = tpu.memref_slice %arg9[%dma_start3A_169] : memref<10240xf32, #tpu.memory_space<vmem_shared>> -> memref<10240xf32, #tpu.memory_space<vmem_shared>>
        tpu.enqueue_indirect_dma source(%arg18 : memref<128xf32, #tpu.memory_space<vmem>>) target(%dma_start3A_170 : memref<10240xf32, #tpu.memory_space<vmem_shared>>) offsets(%dma_start3A_168 : memref<128xi32, #tpu.memory_space<vmem>>) semaphore(%arg36 : memref<!tpu.dma_semaphore, #tpu.memory_space<semaphore_mem>>) {add = true}
        %dma_wait3A_171 = arith.constant 0 : i32
        %dma_wait3A_172 = arith.constant 0 : i32
        %dma_wait3A_173 = tpu.memref_slice %arg11[%dma_wait3A_171, %dma_wait3A_172] : memref<160x128xi32, #tpu.memory_space<vmem>> -> memref<1x128xi32, #tpu.memory_space<vmem>>
        %dma_wait3A_174 = tpu.memref_squeeze %dma_wait3A_173 : memref<1x128xi32, #tpu.memory_space<vmem>> -> memref<128xi32, #tpu.memory_space<vmem>>
        %dma_wait3A_175 = arith.constant 0 : i32
        %dma_wait3A_176 = tpu.memref_slice %arg10[%dma_wait3A_175] : memref<10240xf32, #tpu.memory_space<vmem_shared>> -> memref<10240xf32, #tpu.memory_space<vmem_shared>>
        tpu.wait_indirect_dma semaphore(%arg29 : memref<!tpu.dma_semaphore, #tpu.memory_space<semaphore_mem>>) src(%dma_wait3A_176 : memref<10240xf32, #tpu.memory_space<vmem_shared>>) dst(%arg19 : memref<128xf32, #tpu.memory_space<vmem>>)
        %add3A_177 = arith.constant 6 : i32
        %add3A_178 = arith.addi %mul3A_71, %add3A_177 : i32
        %dma_start3A_179 = arith.constant 0 : i32
        %dma_start3A_180 = tpu.memref_slice %arg12[%add3A_178, %dma_start3A_179] : memref<160x128xi32, #tpu.memory_space<vmem>> -> memref<1x128xi32, #tpu.memory_space<vmem>>
        %dma_start3A_181 = tpu.memref_squeeze %dma_start3A_180 : memref<1x128xi32, #tpu.memory_space<vmem>> -> memref<128xi32, #tpu.memory_space<vmem>>
        %dma_start3A_182 = arith.constant 0 : i32
        %dma_start3A_183 = tpu.memref_slice %arg9[%dma_start3A_182] : memref<10240xf32, #tpu.memory_space<vmem_shared>> -> memref<10240xf32, #tpu.memory_space<vmem_shared>>
        tpu.enqueue_indirect_dma source(%arg19 : memref<128xf32, #tpu.memory_space<vmem>>) target(%dma_start3A_183 : memref<10240xf32, #tpu.memory_space<vmem_shared>>) offsets(%dma_start3A_181 : memref<128xi32, #tpu.memory_space<vmem>>) semaphore(%arg37 : memref<!tpu.dma_semaphore, #tpu.memory_space<semaphore_mem>>) {add = true}
        %dma_wait3A_184 = arith.constant 0 : i32
        %dma_wait3A_185 = arith.constant 0 : i32
        %dma_wait3A_186 = tpu.memref_slice %arg11[%dma_wait3A_184, %dma_wait3A_185] : memref<160x128xi32, #tpu.memory_space<vmem>> -> memref<1x128xi32, #tpu.memory_space<vmem>>
        %dma_wait3A_187 = tpu.memref_squeeze %dma_wait3A_186 : memref<1x128xi32, #tpu.memory_space<vmem>> -> memref<128xi32, #tpu.memory_space<vmem>>
        %dma_wait3A_188 = arith.constant 0 : i32
        %dma_wait3A_189 = tpu.memref_slice %arg10[%dma_wait3A_188] : memref<10240xf32, #tpu.memory_space<vmem_shared>> -> memref<10240xf32, #tpu.memory_space<vmem_shared>>
        tpu.wait_indirect_dma semaphore(%arg30 : memref<!tpu.dma_semaphore, #tpu.memory_space<semaphore_mem>>) src(%dma_wait3A_189 : memref<10240xf32, #tpu.memory_space<vmem_shared>>) dst(%arg20 : memref<128xf32, #tpu.memory_space<vmem>>)
        %add3A_190 = arith.constant 7 : i32
        %add3A_191 = arith.addi %mul3A_71, %add3A_190 : i32
        %dma_start3A_192 = arith.constant 0 : i32
        %dma_start3A_193 = tpu.memref_slice %arg12[%add3A_191, %dma_start3A_192] : memref<160x128xi32, #tpu.memory_space<vmem>> -> memref<1x128xi32, #tpu.memory_space<vmem>>
        %dma_start3A_194 = tpu.memref_squeeze %dma_start3A_193 : memref<1x128xi32, #tpu.memory_space<vmem>> -> memref<128xi32, #tpu.memory_space<vmem>>
        %dma_start3A_195 = arith.constant 0 : i32
        %dma_start3A_196 = tpu.memref_slice %arg9[%dma_start3A_195] : memref<10240xf32, #tpu.memory_space<vmem_shared>> -> memref<10240xf32, #tpu.memory_space<vmem_shared>>
        tpu.enqueue_indirect_dma source(%arg20 : memref<128xf32, #tpu.memory_space<vmem>>) target(%dma_start3A_196 : memref<10240xf32, #tpu.memory_space<vmem_shared>>) offsets(%dma_start3A_194 : memref<128xi32, #tpu.memory_space<vmem>>) semaphore(%arg38 : memref<!tpu.dma_semaphore, #tpu.memory_space<semaphore_mem>>) {add = true}
        %add3A_197 = arith.constant 1 : i32
        %add3A_198 = arith.addi %scan3A_68, %add3A_197 : i32
        %eq3A_199 = arith.constant 20 : i32
        %eq3A_200 = arith.cmpi eq, %add3A_198, %eq3A_199 : i32
        %convert_element_type3A_201 = arith.extui %eq3A_200 : i1 to i32
        %cond3A_202 = arith.constant 0 : i32
        %cond3A_203 = arith.cmpi ne, %convert_element_type3A_201, %cond3A_202 : i32
        scf.if %cond3A_203 {
          %dma_wait3A_205 = arith.constant 0 : i32
          %dma_wait3A_206 = arith.constant 0 : i32
          %dma_wait3A_207 = tpu.memref_slice %arg12[%dma_wait3A_205, %dma_wait3A_206] : memref<160x128xi32, #tpu.memory_space<vmem>> -> memref<1x128xi32, #tpu.memory_space<vmem>>
          %dma_wait3A_208 = tpu.memref_squeeze %dma_wait3A_207 : memref<1x128xi32, #tpu.memory_space<vmem>> -> memref<128xi32, #tpu.memory_space<vmem>>
          %dma_wait3A_209 = arith.constant 0 : i32
          %dma_wait3A_210 = tpu.memref_slice %arg9[%dma_wait3A_209] : memref<10240xf32, #tpu.memory_space<vmem_shared>> -> memref<10240xf32, #tpu.memory_space<vmem_shared>>
          tpu.wait_indirect_dma semaphore(%arg35 : memref<!tpu.dma_semaphore, #tpu.memory_space<semaphore_mem>>) src(%arg17 : memref<128xf32, #tpu.memory_space<vmem>>) dst(%dma_wait3A_210 : memref<10240xf32, #tpu.memory_space<vmem_shared>>)
          %dma_wait3A_211 = arith.constant 0 : i32
          %dma_wait3A_212 = arith.constant 0 : i32
          %dma_wait3A_213 = tpu.memref_slice %arg12[%dma_wait3A_211, %dma_wait3A_212] : memref<160x128xi32, #tpu.memory_space<vmem>> -> memref<1x128xi32, #tpu.memory_space<vmem>>
          %dma_wait3A_214 = tpu.memref_squeeze %dma_wait3A_213 : memref<1x128xi32, #tpu.memory_space<vmem>> -> memref<128xi32, #tpu.memory_space<vmem>>
          %dma_wait3A_215 = arith.constant 0 : i32
          %dma_wait3A_216 = tpu.memref_slice %arg9[%dma_wait3A_215] : memref<10240xf32, #tpu.memory_space<vmem_shared>> -> memref<10240xf32, #tpu.memory_space<vmem_shared>>
          tpu.wait_indirect_dma semaphore(%arg36 : memref<!tpu.dma_semaphore, #tpu.memory_space<semaphore_mem>>) src(%arg18 : memref<128xf32, #tpu.memory_space<vmem>>) dst(%dma_wait3A_216 : memref<10240xf32, #tpu.memory_space<vmem_shared>>)
          %dma_wait3A_217 = arith.constant 0 : i32
          %dma_wait3A_218 = arith.constant 0 : i32
          %dma_wait3A_219 = tpu.memref_slice %arg12[%dma_wait3A_217, %dma_wait3A_218] : memref<160x128xi32, #tpu.memory_space<vmem>> -> memref<1x128xi32, #tpu.memory_space<vmem>>
          %dma_wait3A_220 = tpu.memref_squeeze %dma_wait3A_219 : memref<1x128xi32, #tpu.memory_space<vmem>> -> memref<128xi32, #tpu.memory_space<vmem>>
          %dma_wait3A_221 = arith.constant 0 : i32
          %dma_wait3A_222 = tpu.memref_slice %arg9[%dma_wait3A_221] : memref<10240xf32, #tpu.memory_space<vmem_shared>> -> memref<10240xf32, #tpu.memory_space<vmem_shared>>
          tpu.wait_indirect_dma semaphore(%arg37 : memref<!tpu.dma_semaphore, #tpu.memory_space<semaphore_mem>>) src(%arg19 : memref<128xf32, #tpu.memory_space<vmem>>) dst(%dma_wait3A_222 : memref<10240xf32, #tpu.memory_space<vmem_shared>>)
          %dma_wait3A_223 = arith.constant 0 : i32
          %dma_wait3A_224 = arith.constant 0 : i32
          %dma_wait3A_225 = tpu.memref_slice %arg12[%dma_wait3A_223, %dma_wait3A_224] : memref<160x128xi32, #tpu.memory_space<vmem>> -> memref<1x128xi32, #tpu.memory_space<vmem>>
          %dma_wait3A_226 = tpu.memref_squeeze %dma_wait3A_225 : memref<1x128xi32, #tpu.memory_space<vmem>> -> memref<128xi32, #tpu.memory_space<vmem>>
          %dma_wait3A_227 = arith.constant 0 : i32
          %dma_wait3A_228 = tpu.memref_slice %arg9[%dma_wait3A_227] : memref<10240xf32, #tpu.memory_space<vmem_shared>> -> memref<10240xf32, #tpu.memory_space<vmem_shared>>
          tpu.wait_indirect_dma semaphore(%arg38 : memref<!tpu.dma_semaphore, #tpu.memory_space<semaphore_mem>>) src(%arg20 : memref<128xf32, #tpu.memory_space<vmem>>) dst(%dma_wait3A_228 : memref<10240xf32, #tpu.memory_space<vmem_shared>>)
        } else {
        }
        %scan3A_204 = arith.constant 0 : i32
        scf.yield %scan3A_204 : i32
      }
      %scan3A_59 = arith.constant 20 : i32
      %barrier3A_60 = arith.constant 0 : index
      tpu.barrier barrier_id(%barrier3A_60)
      "tpu.region"() ({
        %run_scoped3A = tpu.sem_alloc : memref<!tpu.dma_semaphore, #tpu.memory_space<semaphore_mem>>
        %dma_start3A_68 = tpu.memref_slice %arg6[%multiple_of3A] : memref<10240xf32, #tpu.memory_space<hbm>> -> memref<640xf32, #tpu.memory_space<hbm>>
        %dma_start3A_69 = tpu.memref_slice %arg6[%multiple_of3A] : memref<10240xf32, #tpu.memory_space<hbm>> -> memref<640xf32, #tpu.memory_space<hbm>>
        tpu.enqueue_dma source(%dma_start3A_69 : memref<640xf32, #tpu.memory_space<hbm>>) target(%arg22 : memref<640xf32, #tpu.memory_space<vmem>>) target_semaphore(%run_scoped3A : memref<!tpu.dma_semaphore, #tpu.memory_space<semaphore_mem>>)
        %dma_wait3A = tpu.memref_slice %arg6[%multiple_of3A] : memref<10240xf32, #tpu.memory_space<hbm>> -> memref<640xf32, #tpu.memory_space<hbm>>
        %dma_wait3A_70 = tpu.memref_slice %arg6[%multiple_of3A] : memref<10240xf32, #tpu.memory_space<hbm>> -> memref<640xf32, #tpu.memory_space<hbm>>
        tpu.wait_dma2 semaphore(%run_scoped3A : memref<!tpu.dma_semaphore, #tpu.memory_space<semaphore_mem>>) src(%dma_wait3A_70 : memref<640xf32, #tpu.memory_space<hbm>>) dst(%arg22 : memref<640xf32, #tpu.memory_space<vmem>>)
        tpu.yield
      }) : () -> ()
      "tpu.region"() ({
        %run_scoped3A = tpu.sem_alloc : memref<!tpu.dma_semaphore, #tpu.memory_space<semaphore_mem>>
        %dma_start3A_68 = tpu.memref_slice %arg9[%multiple_of3A] : memref<10240xf32, #tpu.memory_space<vmem_shared>> -> memref<640xf32, #tpu.memory_space<vmem_shared>>
        %dma_start3A_69 = tpu.memref_slice %arg9[%multiple_of3A] : memref<10240xf32, #tpu.memory_space<vmem_shared>> -> memref<640xf32, #tpu.memory_space<vmem_shared>>
        tpu.enqueue_dma source(%dma_start3A_69 : memref<640xf32, #tpu.memory_space<vmem_shared>>) target(%arg21 : memref<640xf32, #tpu.memory_space<vmem>>) target_semaphore(%run_scoped3A : memref<!tpu.dma_semaphore, #tpu.memory_space<semaphore_mem>>)
        %dma_wait3A = tpu.memref_slice %arg9[%multiple_of3A] : memref<10240xf32, #tpu.memory_space<vmem_shared>> -> memref<640xf32, #tpu.memory_space<vmem_shared>>
        %dma_wait3A_70 = tpu.memref_slice %arg9[%multiple_of3A] : memref<10240xf32, #tpu.memory_space<vmem_shared>> -> memref<640xf32, #tpu.memory_space<vmem_shared>>
        tpu.wait_dma2 semaphore(%run_scoped3A : memref<!tpu.dma_semaphore, #tpu.memory_space<semaphore_mem>>) src(%dma_wait3A_70 : memref<640xf32, #tpu.memory_space<vmem_shared>>) dst(%arg21 : memref<640xf32, #tpu.memory_space<vmem>>)
        tpu.yield
      }) : () -> ()
      %scan3A_61 = arith.constant 0 : i32
      %scan3A_62 = arith.constant 0 : i32
      %scan3A_63 = arith.constant 40 : i32
      %scan3A_64 = arith.addi %scan3A_62, %scan3A_63 : i32
      %scan3A_65 = arith.constant 1 : i32
      %scan3A_66 = scf.for %scan3A_68 = %scan3A_62 to %scan3A_64 step %scan3A_65 iter_args(%scan3A_69 = %scan3A_61) -> (i32)  : i32 {
        %mul3A_70 = arith.constant 16 : i32
        %mul3A_71 = arith.muli %scan3A_68, %mul3A_70 : i32
        %multiple_of3A_72 = tpu.assume_multiple %mul3A_71, 16 : i32
        %get3A = arith.index_cast %multiple_of3A_72 : i32 to index
        %get3A_73 = tpu.vector_load %arg21[%get3A] {strides = array<i32>} : memref<640xf32, #tpu.memory_space<vmem>>, vector<16xf32>,
        %get3A_74 = vector.shape_cast %get3A_73 : vector<16xf32> to vector<16xf32>
        %get3A_75 = arith.index_cast %multiple_of3A_72 : i32 to index
        %get3A_76 = tpu.vector_load %arg22[%get3A_75] {strides = array<i32>} : memref<640xf32, #tpu.memory_space<vmem>>, vector<16xf32>,
        %get3A_77 = vector.shape_cast %get3A_76 : vector<16xf32> to vector<16xf32>
        %mul3A_78 = arith.mulf %get3A_74, %get3A_77 : vector<16xf32>
        %swap3A = arith.index_cast %multiple_of3A_72 : i32 to index
        %swap3A_79 = tpu.vector_load %arg21[%swap3A] {strides = array<i32>} : memref<640xf32, #tpu.memory_space<vmem>>, vector<16xf32>,
        %swap3A_80 = vector.shape_cast %swap3A_79 : vector<16xf32> to vector<16xf32>
        %swap3A_81 = vector.shape_cast %mul3A_78 : vector<16xf32> to vector<16xf32>
        tpu.vector_store %arg21[%swap3A], %swap3A_81 {strides = array<i32>} : memref<640xf32, #tpu.memory_space<vmem>>, vector<16xf32>,
        %scan3A_82 = arith.constant 0 : i32
        scf.yield %scan3A_82 : i32
      }
      %scan3A_67 = arith.constant 40 : i32
      "tpu.region"() ({
        %run_scoped3A = tpu.sem_alloc : memref<!tpu.dma_semaphore, #tpu.memory_space<semaphore_mem>>
        %dma_start3A_68 = tpu.memref_slice %arg7[%multiple_of3A] : memref<10240xf32, #tpu.memory_space<hbm>> -> memref<640xf32, #tpu.memory_space<hbm>>
        %dma_start3A_69 = tpu.memref_slice %arg7[%multiple_of3A] : memref<10240xf32, #tpu.memory_space<hbm>> -> memref<640xf32, #tpu.memory_space<hbm>>
        tpu.enqueue_dma source(%arg21 : memref<640xf32, #tpu.memory_space<vmem>>) target(%dma_start3A_69 : memref<640xf32, #tpu.memory_space<hbm>>) target_semaphore(%run_scoped3A : memref<!tpu.dma_semaphore, #tpu.memory_space<semaphore_mem>>)
        %dma_wait3A = tpu.memref_slice %arg7[%multiple_of3A] : memref<10240xf32, #tpu.memory_space<hbm>> -> memref<640xf32, #tpu.memory_space<hbm>>
        %dma_wait3A_70 = tpu.memref_slice %arg7[%multiple_of3A] : memref<10240xf32, #tpu.memory_space<hbm>> -> memref<640xf32, #tpu.memory_space<hbm>>
        tpu.wait_dma2 semaphore(%run_scoped3A : memref<!tpu.dma_semaphore, #tpu.memory_space<semaphore_mem>>) src(%arg21 : memref<640xf32, #tpu.memory_space<vmem>>) dst(%dma_wait3A_70 : memref<640xf32, #tpu.memory_space<hbm>>)
        tpu.yield
      }) : () -> ()
    } else {
    }
    %eq3A_3 = arith.constant 1 : i32
    %eq3A_4 = arith.cmpi eq, %arg0, %eq3A_3 : i32
    %convert_element_type3A_5 = arith.extui %eq3A_4 : i1 to i32
    %cond3A_6 = arith.constant 0 : i32
    %cond3A_7 = arith.cmpi ne, %convert_element_type3A_5, %cond3A_6 : i32
    scf.if %cond3A_7 {
      %broadcast_in_dim3A = arith.constant 0.000000e+00 : f32
      %broadcast_in_dim3A_8 = vector.broadcast %broadcast_in_dim3A : f32 to vector<16xf32>
      %scan3A = arith.constant 0 : i32
      %scan3A_9 = arith.constant 0 : i32
      %scan3A_10 = arith.constant 40 : i32
      %scan3A_11 = arith.addi %scan3A_9, %scan3A_10 : i32
      %scan3A_12 = arith.constant 1 : i32
      %scan3A_13 = scf.for %scan3A_68 = %scan3A_9 to %scan3A_11 step %scan3A_12 iter_args(%scan3A_69 = %scan3A) -> (i32)  : i32 {
        %mul3A_70 = arith.constant 16 : i32
        %mul3A_71 = arith.muli %scan3A_68, %mul3A_70 : i32
        %multiple_of3A_72 = tpu.assume_multiple %mul3A_71, 16 : i32
        %swap3A = arith.index_cast %multiple_of3A_72 : i32 to index
        %swap3A_73 = tpu.vector_load %arg21[%swap3A] {strides = array<i32>} : memref<640xf32, #tpu.memory_space<vmem>>, vector<16xf32>,
        %swap3A_74 = vector.shape_cast %swap3A_73 : vector<16xf32> to vector<16xf32>
        %swap3A_75 = vector.shape_cast %broadcast_in_dim3A_8 : vector<16xf32> to vector<16xf32>
        tpu.vector_store %arg21[%swap3A], %swap3A_75 {strides = array<i32>} : memref<640xf32, #tpu.memory_space<vmem>>, vector<16xf32>,
        %scan3A_76 = arith.constant 0 : i32
        scf.yield %scan3A_76 : i32
      }
      %scan3A_14 = arith.constant 40 : i32
      "tpu.region"() ({
        %run_scoped3A = tpu.sem_alloc : memref<!tpu.dma_semaphore, #tpu.memory_space<semaphore_mem>>
        %dma_start3A_68 = tpu.memref_slice %arg9[%multiple_of3A] : memref<10240xf32, #tpu.memory_space<vmem_shared>> -> memref<640xf32, #tpu.memory_space<vmem_shared>>
        %dma_start3A_69 = tpu.memref_slice %arg9[%multiple_of3A] : memref<10240xf32, #tpu.memory_space<vmem_shared>> -> memref<640xf32, #tpu.memory_space<vmem_shared>>
        tpu.enqueue_dma source(%arg21 : memref<640xf32, #tpu.memory_space<vmem>>) target(%dma_start3A_69 : memref<640xf32, #tpu.memory_space<vmem_shared>>) target_semaphore(%run_scoped3A : memref<!tpu.dma_semaphore, #tpu.memory_space<semaphore_mem>>)
        %dma_wait3A = tpu.memref_slice %arg9[%multiple_of3A] : memref<10240xf32, #tpu.memory_space<vmem_shared>> -> memref<640xf32, #tpu.memory_space<vmem_shared>>
        %dma_wait3A_70 = tpu.memref_slice %arg9[%multiple_of3A] : memref<10240xf32, #tpu.memory_space<vmem_shared>> -> memref<640xf32, #tpu.memory_space<vmem_shared>>
        tpu.wait_dma2 semaphore(%run_scoped3A : memref<!tpu.dma_semaphore, #tpu.memory_space<semaphore_mem>>) src(%arg21 : memref<640xf32, #tpu.memory_space<vmem>>) dst(%dma_wait3A_70 : memref<640xf32, #tpu.memory_space<vmem_shared>>)
        tpu.yield
      }) : () -> ()
      "tpu.region"() ({
        %run_scoped3A = tpu.sem_alloc : memref<!tpu.dma_semaphore, #tpu.memory_space<semaphore_mem>>
        %dma_start3A_68 = tpu.memref_slice %arg3[%multiple_of3A] : memref<10240xf32, #tpu.memory_space<hbm>> -> memref<640xf32, #tpu.memory_space<hbm>>
        %dma_start3A_69 = tpu.memref_slice %arg3[%multiple_of3A] : memref<10240xf32, #tpu.memory_space<hbm>> -> memref<640xf32, #tpu.memory_space<hbm>>
        tpu.enqueue_dma source(%dma_start3A_69 : memref<640xf32, #tpu.memory_space<hbm>>) target(%arg22 : memref<640xf32, #tpu.memory_space<vmem>>) target_semaphore(%run_scoped3A : memref<!tpu.dma_semaphore, #tpu.memory_space<semaphore_mem>>)
        %dma_wait3A = tpu.memref_slice %arg3[%multiple_of3A] : memref<10240xf32, #tpu.memory_space<hbm>> -> memref<640xf32, #tpu.memory_space<hbm>>
        %dma_wait3A_70 = tpu.memref_slice %arg3[%multiple_of3A] : memref<10240xf32, #tpu.memory_space<hbm>> -> memref<640xf32, #tpu.memory_space<hbm>>
        tpu.wait_dma2 semaphore(%run_scoped3A : memref<!tpu.dma_semaphore, #tpu.memory_space<semaphore_mem>>) src(%dma_wait3A_70 : memref<640xf32, #tpu.memory_space<hbm>>) dst(%arg22 : memref<640xf32, #tpu.memory_space<vmem>>)
        tpu.yield
      }) : () -> ()
      "tpu.region"() ({
        %run_scoped3A = tpu.sem_alloc : memref<!tpu.dma_semaphore, #tpu.memory_space<semaphore_mem>>
        %dma_start3A_68 = tpu.memref_slice %arg10[%multiple_of3A] : memref<10240xf32, #tpu.memory_space<vmem_shared>> -> memref<640xf32, #tpu.memory_space<vmem_shared>>
        %dma_start3A_69 = tpu.memref_slice %arg10[%multiple_of3A] : memref<10240xf32, #tpu.memory_space<vmem_shared>> -> memref<640xf32, #tpu.memory_space<vmem_shared>>
        tpu.enqueue_dma source(%arg22 : memref<640xf32, #tpu.memory_space<vmem>>) target(%dma_start3A_69 : memref<640xf32, #tpu.memory_space<vmem_shared>>) target_semaphore(%run_scoped3A : memref<!tpu.dma_semaphore, #tpu.memory_space<semaphore_mem>>)
        %dma_wait3A = tpu.memref_slice %arg10[%multiple_of3A] : memref<10240xf32, #tpu.memory_space<vmem_shared>> -> memref<640xf32, #tpu.memory_space<vmem_shared>>
        %dma_wait3A_70 = tpu.memref_slice %arg10[%multiple_of3A] : memref<10240xf32, #tpu.memory_space<vmem_shared>> -> memref<640xf32, #tpu.memory_space<vmem_shared>>
        tpu.wait_dma2 semaphore(%run_scoped3A : memref<!tpu.dma_semaphore, #tpu.memory_space<semaphore_mem>>) src(%arg22 : memref<640xf32, #tpu.memory_space<vmem>>) dst(%dma_wait3A_70 : memref<640xf32, #tpu.memory_space<vmem_shared>>)
        tpu.yield
      }) : () -> ()
      %barrier3A = arith.constant 0 : index
      tpu.barrier barrier_id(%barrier3A)
      %mul3A_15 = arith.constant 2 : i32
      %mul3A_16 = arith.muli %arg1, %mul3A_15 : i32
      %add3A = arith.constant 0 : i32
      %add3A_17 = arith.addi %mul3A_16, %add3A : i32
      "tpu.region"() ({
        %run_scoped3A = tpu.sem_alloc : memref<!tpu.dma_semaphore, #tpu.memory_space<semaphore_mem>>
        %dma_start3A_68 = arith.constant 0 : i32
        %dma_start3A_69 = arith.constant 0 : i32
        %dma_start3A_70 = tpu.memref_slice %arg11[%dma_start3A_68, %dma_start3A_69] : memref<160x128xi32, #tpu.memory_space<vmem>> -> memref<80x128xi32, #tpu.memory_space<vmem>>
        %dma_start3A_71 = arith.constant 0 : i32
        %dma_start3A_72 = arith.constant 0 : i32
        %dma_start3A_73 = tpu.memref_slice %arg4[%add3A_17, %dma_start3A_71, %dma_start3A_72] : memref<32x80x128xi32, #tpu.memory_space<hbm>> -> memref<1x80x128xi32, #tpu.memory_space<hbm>>
        %dma_start3A_74 = tpu.memref_squeeze %dma_start3A_73 : memref<1x80x128xi32, #tpu.memory_space<hbm>> -> memref<80x128xi32, #tpu.memory_space<hbm>>
        %dma_start3A_75 = arith.constant 0 : i32
        %dma_start3A_76 = arith.constant 0 : i32
        %dma_start3A_77 = tpu.memref_slice %arg11[%dma_start3A_75, %dma_start3A_76] : memref<160x128xi32, #tpu.memory_space<vmem>> -> memref<80x128xi32, #tpu.memory_space<vmem>>
        %dma_start3A_78 = arith.constant 0 : i32
        %dma_start3A_79 = arith.constant 0 : i32
        %dma_start3A_80 = tpu.memref_slice %arg4[%add3A_17, %dma_start3A_78, %dma_start3A_79] : memref<32x80x128xi32, #tpu.memory_space<hbm>> -> memref<1x80x128xi32, #tpu.memory_space<hbm>>
        %dma_start3A_81 = tpu.memref_squeeze %dma_start3A_80 : memref<1x80x128xi32, #tpu.memory_space<hbm>> -> memref<80x128xi32, #tpu.memory_space<hbm>>
        tpu.enqueue_dma source(%dma_start3A_81 : memref<80x128xi32, #tpu.memory_space<hbm>>) target(%dma_start3A_77 : memref<80x128xi32, #tpu.memory_space<vmem>>) target_semaphore(%run_scoped3A : memref<!tpu.dma_semaphore, #tpu.memory_space<semaphore_mem>>)
        %dma_wait3A = arith.constant 0 : i32
        %dma_wait3A_82 = arith.constant 0 : i32
        %dma_wait3A_83 = tpu.memref_slice %arg11[%dma_wait3A, %dma_wait3A_82] : memref<160x128xi32, #tpu.memory_space<vmem>> -> memref<80x128xi32, #tpu.memory_space<vmem>>
        %dma_wait3A_84 = arith.constant 0 : i32
        %dma_wait3A_85 = arith.constant 0 : i32
        %dma_wait3A_86 = tpu.memref_slice %arg4[%add3A_17, %dma_wait3A_84, %dma_wait3A_85] : memref<32x80x128xi32, #tpu.memory_space<hbm>> -> memref<1x80x128xi32, #tpu.memory_space<hbm>>
        %dma_wait3A_87 = tpu.memref_squeeze %dma_wait3A_86 : memref<1x80x128xi32, #tpu.memory_space<hbm>> -> memref<80x128xi32, #tpu.memory_space<hbm>>
        %dma_wait3A_88 = arith.constant 0 : i32
        %dma_wait3A_89 = arith.constant 0 : i32
        %dma_wait3A_90 = tpu.memref_slice %arg11[%dma_wait3A_88, %dma_wait3A_89] : memref<160x128xi32, #tpu.memory_space<vmem>> -> memref<80x128xi32, #tpu.memory_space<vmem>>
        %dma_wait3A_91 = arith.constant 0 : i32
        %dma_wait3A_92 = arith.constant 0 : i32
        %dma_wait3A_93 = tpu.memref_slice %arg4[%add3A_17, %dma_wait3A_91, %dma_wait3A_92] : memref<32x80x128xi32, #tpu.memory_space<hbm>> -> memref<1x80x128xi32, #tpu.memory_space<hbm>>
        %dma_wait3A_94 = tpu.memref_squeeze %dma_wait3A_93 : memref<1x80x128xi32, #tpu.memory_space<hbm>> -> memref<80x128xi32, #tpu.memory_space<hbm>>
        tpu.wait_dma2 semaphore(%run_scoped3A : memref<!tpu.dma_semaphore, #tpu.memory_space<semaphore_mem>>) src(%dma_wait3A_94 : memref<80x128xi32, #tpu.memory_space<hbm>>) dst(%dma_wait3A_90 : memref<80x128xi32, #tpu.memory_space<vmem>>)
        tpu.yield
      }) : () -> ()
      %mul3A_18 = arith.constant 2 : i32
      %mul3A_19 = arith.muli %arg1, %mul3A_18 : i32
      %add3A_20 = arith.constant 0 : i32
      %add3A_21 = arith.addi %mul3A_19, %add3A_20 : i32
      "tpu.region"() ({
        %run_scoped3A = tpu.sem_alloc : memref<!tpu.dma_semaphore, #tpu.memory_space<semaphore_mem>>
        %dma_start3A_68 = arith.constant 0 : i32
        %dma_start3A_69 = arith.constant 0 : i32
        %dma_start3A_70 = tpu.memref_slice %arg12[%dma_start3A_68, %dma_start3A_69] : memref<160x128xi32, #tpu.memory_space<vmem>> -> memref<80x128xi32, #tpu.memory_space<vmem>>
        %dma_start3A_71 = arith.constant 0 : i32
        %dma_start3A_72 = arith.constant 0 : i32
        %dma_start3A_73 = tpu.memref_slice %arg5[%add3A_21, %dma_start3A_71, %dma_start3A_72] : memref<32x80x128xi32, #tpu.memory_space<hbm>> -> memref<1x80x128xi32, #tpu.memory_space<hbm>>
        %dma_start3A_74 = tpu.memref_squeeze %dma_start3A_73 : memref<1x80x128xi32, #tpu.memory_space<hbm>> -> memref<80x128xi32, #tpu.memory_space<hbm>>
        %dma_start3A_75 = arith.constant 0 : i32
        %dma_start3A_76 = arith.constant 0 : i32
        %dma_start3A_77 = tpu.memref_slice %arg12[%dma_start3A_75, %dma_start3A_76] : memref<160x128xi32, #tpu.memory_space<vmem>> -> memref<80x128xi32, #tpu.memory_space<vmem>>
        %dma_start3A_78 = arith.constant 0 : i32
        %dma_start3A_79 = arith.constant 0 : i32
        %dma_start3A_80 = tpu.memref_slice %arg5[%add3A_21, %dma_start3A_78, %dma_start3A_79] : memref<32x80x128xi32, #tpu.memory_space<hbm>> -> memref<1x80x128xi32, #tpu.memory_space<hbm>>
        %dma_start3A_81 = tpu.memref_squeeze %dma_start3A_80 : memref<1x80x128xi32, #tpu.memory_space<hbm>> -> memref<80x128xi32, #tpu.memory_space<hbm>>
        tpu.enqueue_dma source(%dma_start3A_81 : memref<80x128xi32, #tpu.memory_space<hbm>>) target(%dma_start3A_77 : memref<80x128xi32, #tpu.memory_space<vmem>>) target_semaphore(%run_scoped3A : memref<!tpu.dma_semaphore, #tpu.memory_space<semaphore_mem>>)
        %dma_wait3A = arith.constant 0 : i32
        %dma_wait3A_82 = arith.constant 0 : i32
        %dma_wait3A_83 = tpu.memref_slice %arg12[%dma_wait3A, %dma_wait3A_82] : memref<160x128xi32, #tpu.memory_space<vmem>> -> memref<80x128xi32, #tpu.memory_space<vmem>>
        %dma_wait3A_84 = arith.constant 0 : i32
        %dma_wait3A_85 = arith.constant 0 : i32
        %dma_wait3A_86 = tpu.memref_slice %arg5[%add3A_21, %dma_wait3A_84, %dma_wait3A_85] : memref<32x80x128xi32, #tpu.memory_space<hbm>> -> memref<1x80x128xi32, #tpu.memory_space<hbm>>
        %dma_wait3A_87 = tpu.memref_squeeze %dma_wait3A_86 : memref<1x80x128xi32, #tpu.memory_space<hbm>> -> memref<80x128xi32, #tpu.memory_space<hbm>>
        %dma_wait3A_88 = arith.constant 0 : i32
        %dma_wait3A_89 = arith.constant 0 : i32
        %dma_wait3A_90 = tpu.memref_slice %arg12[%dma_wait3A_88, %dma_wait3A_89] : memref<160x128xi32, #tpu.memory_space<vmem>> -> memref<80x128xi32, #tpu.memory_space<vmem>>
        %dma_wait3A_91 = arith.constant 0 : i32
        %dma_wait3A_92 = arith.constant 0 : i32
        %dma_wait3A_93 = tpu.memref_slice %arg5[%add3A_21, %dma_wait3A_91, %dma_wait3A_92] : memref<32x80x128xi32, #tpu.memory_space<hbm>> -> memref<1x80x128xi32, #tpu.memory_space<hbm>>
        %dma_wait3A_94 = tpu.memref_squeeze %dma_wait3A_93 : memref<1x80x128xi32, #tpu.memory_space<hbm>> -> memref<80x128xi32, #tpu.memory_space<hbm>>
        tpu.wait_dma2 semaphore(%run_scoped3A : memref<!tpu.dma_semaphore, #tpu.memory_space<semaphore_mem>>) src(%dma_wait3A_94 : memref<80x128xi32, #tpu.memory_space<hbm>>) dst(%dma_wait3A_90 : memref<80x128xi32, #tpu.memory_space<vmem>>)
        tpu.yield
      }) : () -> ()
      %mul3A_22 = arith.constant 2 : i32
      %mul3A_23 = arith.muli %arg1, %mul3A_22 : i32
      %add3A_24 = arith.constant 1 : i32
      %add3A_25 = arith.addi %mul3A_23, %add3A_24 : i32
      "tpu.region"() ({
        %run_scoped3A = tpu.sem_alloc : memref<!tpu.dma_semaphore, #tpu.memory_space<semaphore_mem>>
        %dma_start3A_68 = arith.constant 80 : i32
        %dma_start3A_69 = arith.constant 0 : i32
        %dma_start3A_70 = tpu.memref_slice %arg11[%dma_start3A_68, %dma_start3A_69] : memref<160x128xi32, #tpu.memory_space<vmem>> -> memref<80x128xi32, #tpu.memory_space<vmem>>
        %dma_start3A_71 = arith.constant 0 : i32
        %dma_start3A_72 = arith.constant 0 : i32
        %dma_start3A_73 = tpu.memref_slice %arg4[%add3A_25, %dma_start3A_71, %dma_start3A_72] : memref<32x80x128xi32, #tpu.memory_space<hbm>> -> memref<1x80x128xi32, #tpu.memory_space<hbm>>
        %dma_start3A_74 = tpu.memref_squeeze %dma_start3A_73 : memref<1x80x128xi32, #tpu.memory_space<hbm>> -> memref<80x128xi32, #tpu.memory_space<hbm>>
        %dma_start3A_75 = arith.constant 80 : i32
        %dma_start3A_76 = arith.constant 0 : i32
        %dma_start3A_77 = tpu.memref_slice %arg11[%dma_start3A_75, %dma_start3A_76] : memref<160x128xi32, #tpu.memory_space<vmem>> -> memref<80x128xi32, #tpu.memory_space<vmem>>
        %dma_start3A_78 = arith.constant 0 : i32
        %dma_start3A_79 = arith.constant 0 : i32
        %dma_start3A_80 = tpu.memref_slice %arg4[%add3A_25, %dma_start3A_78, %dma_start3A_79] : memref<32x80x128xi32, #tpu.memory_space<hbm>> -> memref<1x80x128xi32, #tpu.memory_space<hbm>>
        %dma_start3A_81 = tpu.memref_squeeze %dma_start3A_80 : memref<1x80x128xi32, #tpu.memory_space<hbm>> -> memref<80x128xi32, #tpu.memory_space<hbm>>
        tpu.enqueue_dma source(%dma_start3A_81 : memref<80x128xi32, #tpu.memory_space<hbm>>) target(%dma_start3A_77 : memref<80x128xi32, #tpu.memory_space<vmem>>) target_semaphore(%run_scoped3A : memref<!tpu.dma_semaphore, #tpu.memory_space<semaphore_mem>>)
        %dma_wait3A = arith.constant 80 : i32
        %dma_wait3A_82 = arith.constant 0 : i32
        %dma_wait3A_83 = tpu.memref_slice %arg11[%dma_wait3A, %dma_wait3A_82] : memref<160x128xi32, #tpu.memory_space<vmem>> -> memref<80x128xi32, #tpu.memory_space<vmem>>
        %dma_wait3A_84 = arith.constant 0 : i32
        %dma_wait3A_85 = arith.constant 0 : i32
        %dma_wait3A_86 = tpu.memref_slice %arg4[%add3A_25, %dma_wait3A_84, %dma_wait3A_85] : memref<32x80x128xi32, #tpu.memory_space<hbm>> -> memref<1x80x128xi32, #tpu.memory_space<hbm>>
        %dma_wait3A_87 = tpu.memref_squeeze %dma_wait3A_86 : memref<1x80x128xi32, #tpu.memory_space<hbm>> -> memref<80x128xi32, #tpu.memory_space<hbm>>
        %dma_wait3A_88 = arith.constant 80 : i32
        %dma_wait3A_89 = arith.constant 0 : i32
        %dma_wait3A_90 = tpu.memref_slice %arg11[%dma_wait3A_88, %dma_wait3A_89] : memref<160x128xi32, #tpu.memory_space<vmem>> -> memref<80x128xi32, #tpu.memory_space<vmem>>
        %dma_wait3A_91 = arith.constant 0 : i32
        %dma_wait3A_92 = arith.constant 0 : i32
        %dma_wait3A_93 = tpu.memref_slice %arg4[%add3A_25, %dma_wait3A_91, %dma_wait3A_92] : memref<32x80x128xi32, #tpu.memory_space<hbm>> -> memref<1x80x128xi32, #tpu.memory_space<hbm>>
        %dma_wait3A_94 = tpu.memref_squeeze %dma_wait3A_93 : memref<1x80x128xi32, #tpu.memory_space<hbm>> -> memref<80x128xi32, #tpu.memory_space<hbm>>
        tpu.wait_dma2 semaphore(%run_scoped3A : memref<!tpu.dma_semaphore, #tpu.memory_space<semaphore_mem>>) src(%dma_wait3A_94 : memref<80x128xi32, #tpu.memory_space<hbm>>) dst(%dma_wait3A_90 : memref<80x128xi32, #tpu.memory_space<vmem>>)
        tpu.yield
      }) : () -> ()
      %mul3A_26 = arith.constant 2 : i32
      %mul3A_27 = arith.muli %arg1, %mul3A_26 : i32
      %add3A_28 = arith.constant 1 : i32
      %add3A_29 = arith.addi %mul3A_27, %add3A_28 : i32
      "tpu.region"() ({
        %run_scoped3A = tpu.sem_alloc : memref<!tpu.dma_semaphore, #tpu.memory_space<semaphore_mem>>
        %dma_start3A_68 = arith.constant 80 : i32
        %dma_start3A_69 = arith.constant 0 : i32
        %dma_start3A_70 = tpu.memref_slice %arg12[%dma_start3A_68, %dma_start3A_69] : memref<160x128xi32, #tpu.memory_space<vmem>> -> memref<80x128xi32, #tpu.memory_space<vmem>>
        %dma_start3A_71 = arith.constant 0 : i32
        %dma_start3A_72 = arith.constant 0 : i32
        %dma_start3A_73 = tpu.memref_slice %arg5[%add3A_29, %dma_start3A_71, %dma_start3A_72] : memref<32x80x128xi32, #tpu.memory_space<hbm>> -> memref<1x80x128xi32, #tpu.memory_space<hbm>>
        %dma_start3A_74 = tpu.memref_squeeze %dma_start3A_73 : memref<1x80x128xi32, #tpu.memory_space<hbm>> -> memref<80x128xi32, #tpu.memory_space<hbm>>
        %dma_start3A_75 = arith.constant 80 : i32
        %dma_start3A_76 = arith.constant 0 : i32
        %dma_start3A_77 = tpu.memref_slice %arg12[%dma_start3A_75, %dma_start3A_76] : memref<160x128xi32, #tpu.memory_space<vmem>> -> memref<80x128xi32, #tpu.memory_space<vmem>>
        %dma_start3A_78 = arith.constant 0 : i32
        %dma_start3A_79 = arith.constant 0 : i32
        %dma_start3A_80 = tpu.memref_slice %arg5[%add3A_29, %dma_start3A_78, %dma_start3A_79] : memref<32x80x128xi32, #tpu.memory_space<hbm>> -> memref<1x80x128xi32, #tpu.memory_space<hbm>>
        %dma_start3A_81 = tpu.memref_squeeze %dma_start3A_80 : memref<1x80x128xi32, #tpu.memory_space<hbm>> -> memref<80x128xi32, #tpu.memory_space<hbm>>
        tpu.enqueue_dma source(%dma_start3A_81 : memref<80x128xi32, #tpu.memory_space<hbm>>) target(%dma_start3A_77 : memref<80x128xi32, #tpu.memory_space<vmem>>) target_semaphore(%run_scoped3A : memref<!tpu.dma_semaphore, #tpu.memory_space<semaphore_mem>>)
        %dma_wait3A = arith.constant 80 : i32
        %dma_wait3A_82 = arith.constant 0 : i32
        %dma_wait3A_83 = tpu.memref_slice %arg12[%dma_wait3A, %dma_wait3A_82] : memref<160x128xi32, #tpu.memory_space<vmem>> -> memref<80x128xi32, #tpu.memory_space<vmem>>
        %dma_wait3A_84 = arith.constant 0 : i32
        %dma_wait3A_85 = arith.constant 0 : i32
        %dma_wait3A_86 = tpu.memref_slice %arg5[%add3A_29, %dma_wait3A_84, %dma_wait3A_85] : memref<32x80x128xi32, #tpu.memory_space<hbm>> -> memref<1x80x128xi32, #tpu.memory_space<hbm>>
        %dma_wait3A_87 = tpu.memref_squeeze %dma_wait3A_86 : memref<1x80x128xi32, #tpu.memory_space<hbm>> -> memref<80x128xi32, #tpu.memory_space<hbm>>
        %dma_wait3A_88 = arith.constant 80 : i32
        %dma_wait3A_89 = arith.constant 0 : i32
        %dma_wait3A_90 = tpu.memref_slice %arg12[%dma_wait3A_88, %dma_wait3A_89] : memref<160x128xi32, #tpu.memory_space<vmem>> -> memref<80x128xi32, #tpu.memory_space<vmem>>
        %dma_wait3A_91 = arith.constant 0 : i32
        %dma_wait3A_92 = arith.constant 0 : i32
        %dma_wait3A_93 = tpu.memref_slice %arg5[%add3A_29, %dma_wait3A_91, %dma_wait3A_92] : memref<32x80x128xi32, #tpu.memory_space<hbm>> -> memref<1x80x128xi32, #tpu.memory_space<hbm>>
        %dma_wait3A_94 = tpu.memref_squeeze %dma_wait3A_93 : memref<1x80x128xi32, #tpu.memory_space<hbm>> -> memref<80x128xi32, #tpu.memory_space<hbm>>
        tpu.wait_dma2 semaphore(%run_scoped3A : memref<!tpu.dma_semaphore, #tpu.memory_space<semaphore_mem>>) src(%dma_wait3A_94 : memref<80x128xi32, #tpu.memory_space<hbm>>) dst(%dma_wait3A_90 : memref<80x128xi32, #tpu.memory_space<vmem>>)
        tpu.yield
      }) : () -> ()
      %dma_start3A = arith.constant 0 : i32
      %dma_start3A_30 = arith.constant 0 : i32
      %dma_start3A_31 = tpu.memref_slice %arg11[%dma_start3A, %dma_start3A_30] : memref<160x128xi32, #tpu.memory_space<vmem>> -> memref<1x128xi32, #tpu.memory_space<vmem>>
      %dma_start3A_32 = tpu.memref_squeeze %dma_start3A_31 : memref<1x128xi32, #tpu.memory_space<vmem>> -> memref<128xi32, #tpu.memory_space<vmem>>
      %dma_start3A_33 = arith.constant 0 : i32
      %dma_start3A_34 = tpu.memref_slice %arg10[%dma_start3A_33] : memref<10240xf32, #tpu.memory_space<vmem_shared>> -> memref<10240xf32, #tpu.memory_space<vmem_shared>>
      tpu.enqueue_indirect_dma source(%dma_start3A_34 : memref<10240xf32, #tpu.memory_space<vmem_shared>>) target(%arg13 : memref<128xf32, #tpu.memory_space<vmem>>) offsets(%dma_start3A_32 : memref<128xi32, #tpu.memory_space<vmem>>) semaphore(%arg23 : memref<!tpu.dma_semaphore, #tpu.memory_space<semaphore_mem>>)
      %dma_start3A_35 = arith.constant 1 : i32
      %dma_start3A_36 = arith.constant 0 : i32
      %dma_start3A_37 = tpu.memref_slice %arg11[%dma_start3A_35, %dma_start3A_36] : memref<160x128xi32, #tpu.memory_space<vmem>> -> memref<1x128xi32, #tpu.memory_space<vmem>>
      %dma_start3A_38 = tpu.memref_squeeze %dma_start3A_37 : memref<1x128xi32, #tpu.memory_space<vmem>> -> memref<128xi32, #tpu.memory_space<vmem>>
      %dma_start3A_39 = arith.constant 0 : i32
      %dma_start3A_40 = tpu.memref_slice %arg10[%dma_start3A_39] : memref<10240xf32, #tpu.memory_space<vmem_shared>> -> memref<10240xf32, #tpu.memory_space<vmem_shared>>
      tpu.enqueue_indirect_dma source(%dma_start3A_40 : memref<10240xf32, #tpu.memory_space<vmem_shared>>) target(%arg14 : memref<128xf32, #tpu.memory_space<vmem>>) offsets(%dma_start3A_38 : memref<128xi32, #tpu.memory_space<vmem>>) semaphore(%arg24 : memref<!tpu.dma_semaphore, #tpu.memory_space<semaphore_mem>>)
      %dma_start3A_41 = arith.constant 2 : i32
      %dma_start3A_42 = arith.constant 0 : i32
      %dma_start3A_43 = tpu.memref_slice %arg11[%dma_start3A_41, %dma_start3A_42] : memref<160x128xi32, #tpu.memory_space<vmem>> -> memref<1x128xi32, #tpu.memory_space<vmem>>
      %dma_start3A_44 = tpu.memref_squeeze %dma_start3A_43 : memref<1x128xi32, #tpu.memory_space<vmem>> -> memref<128xi32, #tpu.memory_space<vmem>>
      %dma_start3A_45 = arith.constant 0 : i32
      %dma_start3A_46 = tpu.memref_slice %arg10[%dma_start3A_45] : memref<10240xf32, #tpu.memory_space<vmem_shared>> -> memref<10240xf32, #tpu.memory_space<vmem_shared>>
      tpu.enqueue_indirect_dma source(%dma_start3A_46 : memref<10240xf32, #tpu.memory_space<vmem_shared>>) target(%arg15 : memref<128xf32, #tpu.memory_space<vmem>>) offsets(%dma_start3A_44 : memref<128xi32, #tpu.memory_space<vmem>>) semaphore(%arg25 : memref<!tpu.dma_semaphore, #tpu.memory_space<semaphore_mem>>)
      %dma_start3A_47 = arith.constant 3 : i32
      %dma_start3A_48 = arith.constant 0 : i32
      %dma_start3A_49 = tpu.memref_slice %arg11[%dma_start3A_47, %dma_start3A_48] : memref<160x128xi32, #tpu.memory_space<vmem>> -> memref<1x128xi32, #tpu.memory_space<vmem>>
      %dma_start3A_50 = tpu.memref_squeeze %dma_start3A_49 : memref<1x128xi32, #tpu.memory_space<vmem>> -> memref<128xi32, #tpu.memory_space<vmem>>
      %dma_start3A_51 = arith.constant 0 : i32
      %dma_start3A_52 = tpu.memref_slice %arg10[%dma_start3A_51] : memref<10240xf32, #tpu.memory_space<vmem_shared>> -> memref<10240xf32, #tpu.memory_space<vmem_shared>>
      tpu.enqueue_indirect_dma source(%dma_start3A_52 : memref<10240xf32, #tpu.memory_space<vmem_shared>>) target(%arg16 : memref<128xf32, #tpu.memory_space<vmem>>) offsets(%dma_start3A_50 : memref<128xi32, #tpu.memory_space<vmem>>) semaphore(%arg26 : memref<!tpu.dma_semaphore, #tpu.memory_space<semaphore_mem>>)
      %scan3A_53 = arith.constant 0 : i32
      %scan3A_54 = arith.constant 0 : i32
      %scan3A_55 = arith.constant 20 : i32
      %scan3A_56 = arith.addi %scan3A_54, %scan3A_55 : i32
      %scan3A_57 = arith.constant 1 : i32
      %scan3A_58 = scf.for %scan3A_68 = %scan3A_54 to %scan3A_56 step %scan3A_57 iter_args(%scan3A_69 = %scan3A_53) -> (i32)  : i32 {
        %mul3A_70 = arith.constant 8 : i32
        %mul3A_71 = arith.muli %mul3A_70, %scan3A_68 : i32
        %gt3A = arith.constant 0 : i32
        %gt3A_72 = arith.cmpi sgt, %scan3A_68, %gt3A : i32
        %convert_element_type3A_73 = arith.extui %gt3A_72 : i1 to i32
        %cond3A_74 = arith.constant 0 : i32
        %cond3A_75 = arith.cmpi ne, %convert_element_type3A_73, %cond3A_74 : i32
        scf.if %cond3A_75 {
          %dma_wait3A_205 = arith.constant 0 : i32
          %dma_wait3A_206 = arith.constant 0 : i32
          %dma_wait3A_207 = tpu.memref_slice %arg12[%dma_wait3A_205, %dma_wait3A_206] : memref<160x128xi32, #tpu.memory_space<vmem>> -> memref<1x128xi32, #tpu.memory_space<vmem>>
          %dma_wait3A_208 = tpu.memref_squeeze %dma_wait3A_207 : memref<1x128xi32, #tpu.memory_space<vmem>> -> memref<128xi32, #tpu.memory_space<vmem>>
          %dma_wait3A_209 = arith.constant 0 : i32
          %dma_wait3A_210 = tpu.memref_slice %arg9[%dma_wait3A_209] : memref<10240xf32, #tpu.memory_space<vmem_shared>> -> memref<10240xf32, #tpu.memory_space<vmem_shared>>
          tpu.wait_indirect_dma semaphore(%arg35 : memref<!tpu.dma_semaphore, #tpu.memory_space<semaphore_mem>>) src(%arg17 : memref<128xf32, #tpu.memory_space<vmem>>) dst(%dma_wait3A_210 : memref<10240xf32, #tpu.memory_space<vmem_shared>>)
          %add3A_211 = arith.constant 4 : i32
          %add3A_212 = arith.addi %mul3A_71, %add3A_211 : i32
          %dma_start3A_213 = arith.constant 0 : i32
          %dma_start3A_214 = tpu.memref_slice %arg11[%add3A_212, %dma_start3A_213] : memref<160x128xi32, #tpu.memory_space<vmem>> -> memref<1x128xi32, #tpu.memory_space<vmem>>
          %dma_start3A_215 = tpu.memref_squeeze %dma_start3A_214 : memref<1x128xi32, #tpu.memory_space<vmem>> -> memref<128xi32, #tpu.memory_space<vmem>>
          %dma_start3A_216 = arith.constant 0 : i32
          %dma_start3A_217 = tpu.memref_slice %arg10[%dma_start3A_216] : memref<10240xf32, #tpu.memory_space<vmem_shared>> -> memref<10240xf32, #tpu.memory_space<vmem_shared>>
          tpu.enqueue_indirect_dma source(%dma_start3A_217 : memref<10240xf32, #tpu.memory_space<vmem_shared>>) target(%arg17 : memref<128xf32, #tpu.memory_space<vmem>>) offsets(%dma_start3A_215 : memref<128xi32, #tpu.memory_space<vmem>>) semaphore(%arg27 : memref<!tpu.dma_semaphore, #tpu.memory_space<semaphore_mem>>)
          %dma_wait3A_218 = arith.constant 0 : i32
          %dma_wait3A_219 = arith.constant 0 : i32
          %dma_wait3A_220 = tpu.memref_slice %arg12[%dma_wait3A_218, %dma_wait3A_219] : memref<160x128xi32, #tpu.memory_space<vmem>> -> memref<1x128xi32, #tpu.memory_space<vmem>>
          %dma_wait3A_221 = tpu.memref_squeeze %dma_wait3A_220 : memref<1x128xi32, #tpu.memory_space<vmem>> -> memref<128xi32, #tpu.memory_space<vmem>>
          %dma_wait3A_222 = arith.constant 0 : i32
          %dma_wait3A_223 = tpu.memref_slice %arg9[%dma_wait3A_222] : memref<10240xf32, #tpu.memory_space<vmem_shared>> -> memref<10240xf32, #tpu.memory_space<vmem_shared>>
          tpu.wait_indirect_dma semaphore(%arg36 : memref<!tpu.dma_semaphore, #tpu.memory_space<semaphore_mem>>) src(%arg18 : memref<128xf32, #tpu.memory_space<vmem>>) dst(%dma_wait3A_223 : memref<10240xf32, #tpu.memory_space<vmem_shared>>)
          %add3A_224 = arith.constant 5 : i32
          %add3A_225 = arith.addi %mul3A_71, %add3A_224 : i32
          %dma_start3A_226 = arith.constant 0 : i32
          %dma_start3A_227 = tpu.memref_slice %arg11[%add3A_225, %dma_start3A_226] : memref<160x128xi32, #tpu.memory_space<vmem>> -> memref<1x128xi32, #tpu.memory_space<vmem>>
          %dma_start3A_228 = tpu.memref_squeeze %dma_start3A_227 : memref<1x128xi32, #tpu.memory_space<vmem>> -> memref<128xi32, #tpu.memory_space<vmem>>
          %dma_start3A_229 = arith.constant 0 : i32
          %dma_start3A_230 = tpu.memref_slice %arg10[%dma_start3A_229] : memref<10240xf32, #tpu.memory_space<vmem_shared>> -> memref<10240xf32, #tpu.memory_space<vmem_shared>>
          tpu.enqueue_indirect_dma source(%dma_start3A_230 : memref<10240xf32, #tpu.memory_space<vmem_shared>>) target(%arg18 : memref<128xf32, #tpu.memory_space<vmem>>) offsets(%dma_start3A_228 : memref<128xi32, #tpu.memory_space<vmem>>) semaphore(%arg28 : memref<!tpu.dma_semaphore, #tpu.memory_space<semaphore_mem>>)
          %dma_wait3A_231 = arith.constant 0 : i32
          %dma_wait3A_232 = arith.constant 0 : i32
          %dma_wait3A_233 = tpu.memref_slice %arg12[%dma_wait3A_231, %dma_wait3A_232] : memref<160x128xi32, #tpu.memory_space<vmem>> -> memref<1x128xi32, #tpu.memory_space<vmem>>
          %dma_wait3A_234 = tpu.memref_squeeze %dma_wait3A_233 : memref<1x128xi32, #tpu.memory_space<vmem>> -> memref<128xi32, #tpu.memory_space<vmem>>
          %dma_wait3A_235 = arith.constant 0 : i32
          %dma_wait3A_236 = tpu.memref_slice %arg9[%dma_wait3A_235] : memref<10240xf32, #tpu.memory_space<vmem_shared>> -> memref<10240xf32, #tpu.memory_space<vmem_shared>>
          tpu.wait_indirect_dma semaphore(%arg37 : memref<!tpu.dma_semaphore, #tpu.memory_space<semaphore_mem>>) src(%arg19 : memref<128xf32, #tpu.memory_space<vmem>>) dst(%dma_wait3A_236 : memref<10240xf32, #tpu.memory_space<vmem_shared>>)
          %add3A_237 = arith.constant 6 : i32
          %add3A_238 = arith.addi %mul3A_71, %add3A_237 : i32
          %dma_start3A_239 = arith.constant 0 : i32
          %dma_start3A_240 = tpu.memref_slice %arg11[%add3A_238, %dma_start3A_239] : memref<160x128xi32, #tpu.memory_space<vmem>> -> memref<1x128xi32, #tpu.memory_space<vmem>>
          %dma_start3A_241 = tpu.memref_squeeze %dma_start3A_240 : memref<1x128xi32, #tpu.memory_space<vmem>> -> memref<128xi32, #tpu.memory_space<vmem>>
          %dma_start3A_242 = arith.constant 0 : i32
          %dma_start3A_243 = tpu.memref_slice %arg10[%dma_start3A_242] : memref<10240xf32, #tpu.memory_space<vmem_shared>> -> memref<10240xf32, #tpu.memory_space<vmem_shared>>
          tpu.enqueue_indirect_dma source(%dma_start3A_243 : memref<10240xf32, #tpu.memory_space<vmem_shared>>) target(%arg19 : memref<128xf32, #tpu.memory_space<vmem>>) offsets(%dma_start3A_241 : memref<128xi32, #tpu.memory_space<vmem>>) semaphore(%arg29 : memref<!tpu.dma_semaphore, #tpu.memory_space<semaphore_mem>>)
          %dma_wait3A_244 = arith.constant 0 : i32
          %dma_wait3A_245 = arith.constant 0 : i32
          %dma_wait3A_246 = tpu.memref_slice %arg12[%dma_wait3A_244, %dma_wait3A_245] : memref<160x128xi32, #tpu.memory_space<vmem>> -> memref<1x128xi32, #tpu.memory_space<vmem>>
          %dma_wait3A_247 = tpu.memref_squeeze %dma_wait3A_246 : memref<1x128xi32, #tpu.memory_space<vmem>> -> memref<128xi32, #tpu.memory_space<vmem>>
          %dma_wait3A_248 = arith.constant 0 : i32
          %dma_wait3A_249 = tpu.memref_slice %arg9[%dma_wait3A_248] : memref<10240xf32, #tpu.memory_space<vmem_shared>> -> memref<10240xf32, #tpu.memory_space<vmem_shared>>
          tpu.wait_indirect_dma semaphore(%arg38 : memref<!tpu.dma_semaphore, #tpu.memory_space<semaphore_mem>>) src(%arg20 : memref<128xf32, #tpu.memory_space<vmem>>) dst(%dma_wait3A_249 : memref<10240xf32, #tpu.memory_space<vmem_shared>>)
          %add3A_250 = arith.constant 7 : i32
          %add3A_251 = arith.addi %mul3A_71, %add3A_250 : i32
          %dma_start3A_252 = arith.constant 0 : i32
          %dma_start3A_253 = tpu.memref_slice %arg11[%add3A_251, %dma_start3A_252] : memref<160x128xi32, #tpu.memory_space<vmem>> -> memref<1x128xi32, #tpu.memory_space<vmem>>
          %dma_start3A_254 = tpu.memref_squeeze %dma_start3A_253 : memref<1x128xi32, #tpu.memory_space<vmem>> -> memref<128xi32, #tpu.memory_space<vmem>>
          %dma_start3A_255 = arith.constant 0 : i32
          %dma_start3A_256 = tpu.memref_slice %arg10[%dma_start3A_255] : memref<10240xf32, #tpu.memory_space<vmem_shared>> -> memref<10240xf32, #tpu.memory_space<vmem_shared>>
          tpu.enqueue_indirect_dma source(%dma_start3A_256 : memref<10240xf32, #tpu.memory_space<vmem_shared>>) target(%arg20 : memref<128xf32, #tpu.memory_space<vmem>>) offsets(%dma_start3A_254 : memref<128xi32, #tpu.memory_space<vmem>>) semaphore(%arg30 : memref<!tpu.dma_semaphore, #tpu.memory_space<semaphore_mem>>)
        } else {
        }
        %eq3A_76 = arith.constant 0 : i32
        %eq3A_77 = arith.cmpi eq, %scan3A_68, %eq3A_76 : i32
        %convert_element_type3A_78 = arith.extui %eq3A_77 : i1 to i32
        %cond3A_79 = arith.constant 0 : i32
        %cond3A_80 = arith.cmpi ne, %convert_element_type3A_78, %cond3A_79 : i32
        scf.if %cond3A_80 {
          %dma_start3A_205 = arith.constant 4 : i32
          %dma_start3A_206 = arith.constant 0 : i32
          %dma_start3A_207 = tpu.memref_slice %arg11[%dma_start3A_205, %dma_start3A_206] : memref<160x128xi32, #tpu.memory_space<vmem>> -> memref<1x128xi32, #tpu.memory_space<vmem>>
          %dma_start3A_208 = tpu.memref_squeeze %dma_start3A_207 : memref<1x128xi32, #tpu.memory_space<vmem>> -> memref<128xi32, #tpu.memory_space<vmem>>
          %dma_start3A_209 = arith.constant 0 : i32
          %dma_start3A_210 = tpu.memref_slice %arg10[%dma_start3A_209] : memref<10240xf32, #tpu.memory_space<vmem_shared>> -> memref<10240xf32, #tpu.memory_space<vmem_shared>>
          tpu.enqueue_indirect_dma source(%dma_start3A_210 : memref<10240xf32, #tpu.memory_space<vmem_shared>>) target(%arg17 : memref<128xf32, #tpu.memory_space<vmem>>) offsets(%dma_start3A_208 : memref<128xi32, #tpu.memory_space<vmem>>) semaphore(%arg27 : memref<!tpu.dma_semaphore, #tpu.memory_space<semaphore_mem>>)
          %dma_start3A_211 = arith.constant 5 : i32
          %dma_start3A_212 = arith.constant 0 : i32
          %dma_start3A_213 = tpu.memref_slice %arg11[%dma_start3A_211, %dma_start3A_212] : memref<160x128xi32, #tpu.memory_space<vmem>> -> memref<1x128xi32, #tpu.memory_space<vmem>>
          %dma_start3A_214 = tpu.memref_squeeze %dma_start3A_213 : memref<1x128xi32, #tpu.memory_space<vmem>> -> memref<128xi32, #tpu.memory_space<vmem>>
          %dma_start3A_215 = arith.constant 0 : i32
          %dma_start3A_216 = tpu.memref_slice %arg10[%dma_start3A_215] : memref<10240xf32, #tpu.memory_space<vmem_shared>> -> memref<10240xf32, #tpu.memory_space<vmem_shared>>
          tpu.enqueue_indirect_dma source(%dma_start3A_216 : memref<10240xf32, #tpu.memory_space<vmem_shared>>) target(%arg18 : memref<128xf32, #tpu.memory_space<vmem>>) offsets(%dma_start3A_214 : memref<128xi32, #tpu.memory_space<vmem>>) semaphore(%arg28 : memref<!tpu.dma_semaphore, #tpu.memory_space<semaphore_mem>>)
          %dma_start3A_217 = arith.constant 6 : i32
          %dma_start3A_218 = arith.constant 0 : i32
          %dma_start3A_219 = tpu.memref_slice %arg11[%dma_start3A_217, %dma_start3A_218] : memref<160x128xi32, #tpu.memory_space<vmem>> -> memref<1x128xi32, #tpu.memory_space<vmem>>
          %dma_start3A_220 = tpu.memref_squeeze %dma_start3A_219 : memref<1x128xi32, #tpu.memory_space<vmem>> -> memref<128xi32, #tpu.memory_space<vmem>>
          %dma_start3A_221 = arith.constant 0 : i32
          %dma_start3A_222 = tpu.memref_slice %arg10[%dma_start3A_221] : memref<10240xf32, #tpu.memory_space<vmem_shared>> -> memref<10240xf32, #tpu.memory_space<vmem_shared>>
          tpu.enqueue_indirect_dma source(%dma_start3A_222 : memref<10240xf32, #tpu.memory_space<vmem_shared>>) target(%arg19 : memref<128xf32, #tpu.memory_space<vmem>>) offsets(%dma_start3A_220 : memref<128xi32, #tpu.memory_space<vmem>>) semaphore(%arg29 : memref<!tpu.dma_semaphore, #tpu.memory_space<semaphore_mem>>)
          %dma_start3A_223 = arith.constant 7 : i32
          %dma_start3A_224 = arith.constant 0 : i32
          %dma_start3A_225 = tpu.memref_slice %arg11[%dma_start3A_223, %dma_start3A_224] : memref<160x128xi32, #tpu.memory_space<vmem>> -> memref<1x128xi32, #tpu.memory_space<vmem>>
          %dma_start3A_226 = tpu.memref_squeeze %dma_start3A_225 : memref<1x128xi32, #tpu.memory_space<vmem>> -> memref<128xi32, #tpu.memory_space<vmem>>
          %dma_start3A_227 = arith.constant 0 : i32
          %dma_start3A_228 = tpu.memref_slice %arg10[%dma_start3A_227] : memref<10240xf32, #tpu.memory_space<vmem_shared>> -> memref<10240xf32, #tpu.memory_space<vmem_shared>>
          tpu.enqueue_indirect_dma source(%dma_start3A_228 : memref<10240xf32, #tpu.memory_space<vmem_shared>>) target(%arg20 : memref<128xf32, #tpu.memory_space<vmem>>) offsets(%dma_start3A_226 : memref<128xi32, #tpu.memory_space<vmem>>) semaphore(%arg30 : memref<!tpu.dma_semaphore, #tpu.memory_space<semaphore_mem>>)
        } else {
        }
        %dma_wait3A = arith.constant 0 : i32
        %dma_wait3A_81 = arith.constant 0 : i32
        %dma_wait3A_82 = tpu.memref_slice %arg11[%dma_wait3A, %dma_wait3A_81] : memref<160x128xi32, #tpu.memory_space<vmem>> -> memref<1x128xi32, #tpu.memory_space<vmem>>
        %dma_wait3A_83 = tpu.memref_squeeze %dma_wait3A_82 : memref<1x128xi32, #tpu.memory_space<vmem>> -> memref<128xi32, #tpu.memory_space<vmem>>
        %dma_wait3A_84 = arith.constant 0 : i32
        %dma_wait3A_85 = tpu.memref_slice %arg10[%dma_wait3A_84] : memref<10240xf32, #tpu.memory_space<vmem_shared>> -> memref<10240xf32, #tpu.memory_space<vmem_shared>>
        tpu.wait_indirect_dma semaphore(%arg23 : memref<!tpu.dma_semaphore, #tpu.memory_space<semaphore_mem>>) src(%dma_wait3A_85 : memref<10240xf32, #tpu.memory_space<vmem_shared>>) dst(%arg13 : memref<128xf32, #tpu.memory_space<vmem>>)
        %add3A_86 = arith.constant 0 : i32
        %add3A_87 = arith.addi %mul3A_71, %add3A_86 : i32
        %dma_start3A_88 = arith.constant 0 : i32
        %dma_start3A_89 = tpu.memref_slice %arg12[%add3A_87, %dma_start3A_88] : memref<160x128xi32, #tpu.memory_space<vmem>> -> memref<1x128xi32, #tpu.memory_space<vmem>>
        %dma_start3A_90 = tpu.memref_squeeze %dma_start3A_89 : memref<1x128xi32, #tpu.memory_space<vmem>> -> memref<128xi32, #tpu.memory_space<vmem>>
        %dma_start3A_91 = arith.constant 0 : i32
        %dma_start3A_92 = tpu.memref_slice %arg9[%dma_start3A_91] : memref<10240xf32, #tpu.memory_space<vmem_shared>> -> memref<10240xf32, #tpu.memory_space<vmem_shared>>
        tpu.enqueue_indirect_dma source(%arg13 : memref<128xf32, #tpu.memory_space<vmem>>) target(%dma_start3A_92 : memref<10240xf32, #tpu.memory_space<vmem_shared>>) offsets(%dma_start3A_90 : memref<128xi32, #tpu.memory_space<vmem>>) semaphore(%arg31 : memref<!tpu.dma_semaphore, #tpu.memory_space<semaphore_mem>>) {add = true}
        %dma_wait3A_93 = arith.constant 0 : i32
        %dma_wait3A_94 = arith.constant 0 : i32
        %dma_wait3A_95 = tpu.memref_slice %arg11[%dma_wait3A_93, %dma_wait3A_94] : memref<160x128xi32, #tpu.memory_space<vmem>> -> memref<1x128xi32, #tpu.memory_space<vmem>>
        %dma_wait3A_96 = tpu.memref_squeeze %dma_wait3A_95 : memref<1x128xi32, #tpu.memory_space<vmem>> -> memref<128xi32, #tpu.memory_space<vmem>>
        %dma_wait3A_97 = arith.constant 0 : i32
        %dma_wait3A_98 = tpu.memref_slice %arg10[%dma_wait3A_97] : memref<10240xf32, #tpu.memory_space<vmem_shared>> -> memref<10240xf32, #tpu.memory_space<vmem_shared>>
        tpu.wait_indirect_dma semaphore(%arg24 : memref<!tpu.dma_semaphore, #tpu.memory_space<semaphore_mem>>) src(%dma_wait3A_98 : memref<10240xf32, #tpu.memory_space<vmem_shared>>) dst(%arg14 : memref<128xf32, #tpu.memory_space<vmem>>)
        %add3A_99 = arith.constant 1 : i32
        %add3A_100 = arith.addi %mul3A_71, %add3A_99 : i32
        %dma_start3A_101 = arith.constant 0 : i32
        %dma_start3A_102 = tpu.memref_slice %arg12[%add3A_100, %dma_start3A_101] : memref<160x128xi32, #tpu.memory_space<vmem>> -> memref<1x128xi32, #tpu.memory_space<vmem>>
        %dma_start3A_103 = tpu.memref_squeeze %dma_start3A_102 : memref<1x128xi32, #tpu.memory_space<vmem>> -> memref<128xi32, #tpu.memory_space<vmem>>
        %dma_start3A_104 = arith.constant 0 : i32
        %dma_start3A_105 = tpu.memref_slice %arg9[%dma_start3A_104] : memref<10240xf32, #tpu.memory_space<vmem_shared>> -> memref<10240xf32, #tpu.memory_space<vmem_shared>>
        tpu.enqueue_indirect_dma source(%arg14 : memref<128xf32, #tpu.memory_space<vmem>>) target(%dma_start3A_105 : memref<10240xf32, #tpu.memory_space<vmem_shared>>) offsets(%dma_start3A_103 : memref<128xi32, #tpu.memory_space<vmem>>) semaphore(%arg32 : memref<!tpu.dma_semaphore, #tpu.memory_space<semaphore_mem>>) {add = true}
        %dma_wait3A_106 = arith.constant 0 : i32
        %dma_wait3A_107 = arith.constant 0 : i32
        %dma_wait3A_108 = tpu.memref_slice %arg11[%dma_wait3A_106, %dma_wait3A_107] : memref<160x128xi32, #tpu.memory_space<vmem>> -> memref<1x128xi32, #tpu.memory_space<vmem>>
        %dma_wait3A_109 = tpu.memref_squeeze %dma_wait3A_108 : memref<1x128xi32, #tpu.memory_space<vmem>> -> memref<128xi32, #tpu.memory_space<vmem>>
        %dma_wait3A_110 = arith.constant 0 : i32
        %dma_wait3A_111 = tpu.memref_slice %arg10[%dma_wait3A_110] : memref<10240xf32, #tpu.memory_space<vmem_shared>> -> memref<10240xf32, #tpu.memory_space<vmem_shared>>
        tpu.wait_indirect_dma semaphore(%arg25 : memref<!tpu.dma_semaphore, #tpu.memory_space<semaphore_mem>>) src(%dma_wait3A_111 : memref<10240xf32, #tpu.memory_space<vmem_shared>>) dst(%arg15 : memref<128xf32, #tpu.memory_space<vmem>>)
        %add3A_112 = arith.constant 2 : i32
        %add3A_113 = arith.addi %mul3A_71, %add3A_112 : i32
        %dma_start3A_114 = arith.constant 0 : i32
        %dma_start3A_115 = tpu.memref_slice %arg12[%add3A_113, %dma_start3A_114] : memref<160x128xi32, #tpu.memory_space<vmem>> -> memref<1x128xi32, #tpu.memory_space<vmem>>
        %dma_start3A_116 = tpu.memref_squeeze %dma_start3A_115 : memref<1x128xi32, #tpu.memory_space<vmem>> -> memref<128xi32, #tpu.memory_space<vmem>>
        %dma_start3A_117 = arith.constant 0 : i32
        %dma_start3A_118 = tpu.memref_slice %arg9[%dma_start3A_117] : memref<10240xf32, #tpu.memory_space<vmem_shared>> -> memref<10240xf32, #tpu.memory_space<vmem_shared>>
        tpu.enqueue_indirect_dma source(%arg15 : memref<128xf32, #tpu.memory_space<vmem>>) target(%dma_start3A_118 : memref<10240xf32, #tpu.memory_space<vmem_shared>>) offsets(%dma_start3A_116 : memref<128xi32, #tpu.memory_space<vmem>>) semaphore(%arg33 : memref<!tpu.dma_semaphore, #tpu.memory_space<semaphore_mem>>) {add = true}
        %dma_wait3A_119 = arith.constant 0 : i32
        %dma_wait3A_120 = arith.constant 0 : i32
        %dma_wait3A_121 = tpu.memref_slice %arg11[%dma_wait3A_119, %dma_wait3A_120] : memref<160x128xi32, #tpu.memory_space<vmem>> -> memref<1x128xi32, #tpu.memory_space<vmem>>
        %dma_wait3A_122 = tpu.memref_squeeze %dma_wait3A_121 : memref<1x128xi32, #tpu.memory_space<vmem>> -> memref<128xi32, #tpu.memory_space<vmem>>
        %dma_wait3A_123 = arith.constant 0 : i32
        %dma_wait3A_124 = tpu.memref_slice %arg10[%dma_wait3A_123] : memref<10240xf32, #tpu.memory_space<vmem_shared>> -> memref<10240xf32, #tpu.memory_space<vmem_shared>>
        tpu.wait_indirect_dma semaphore(%arg26 : memref<!tpu.dma_semaphore, #tpu.memory_space<semaphore_mem>>) src(%dma_wait3A_124 : memref<10240xf32, #tpu.memory_space<vmem_shared>>) dst(%arg16 : memref<128xf32, #tpu.memory_space<vmem>>)
        %add3A_125 = arith.constant 3 : i32
        %add3A_126 = arith.addi %mul3A_71, %add3A_125 : i32
        %dma_start3A_127 = arith.constant 0 : i32
        %dma_start3A_128 = tpu.memref_slice %arg12[%add3A_126, %dma_start3A_127] : memref<160x128xi32, #tpu.memory_space<vmem>> -> memref<1x128xi32, #tpu.memory_space<vmem>>
        %dma_start3A_129 = tpu.memref_squeeze %dma_start3A_128 : memref<1x128xi32, #tpu.memory_space<vmem>> -> memref<128xi32, #tpu.memory_space<vmem>>
        %dma_start3A_130 = arith.constant 0 : i32
        %dma_start3A_131 = tpu.memref_slice %arg9[%dma_start3A_130] : memref<10240xf32, #tpu.memory_space<vmem_shared>> -> memref<10240xf32, #tpu.memory_space<vmem_shared>>
        tpu.enqueue_indirect_dma source(%arg16 : memref<128xf32, #tpu.memory_space<vmem>>) target(%dma_start3A_131 : memref<10240xf32, #tpu.memory_space<vmem_shared>>) offsets(%dma_start3A_129 : memref<128xi32, #tpu.memory_space<vmem>>) semaphore(%arg34 : memref<!tpu.dma_semaphore, #tpu.memory_space<semaphore_mem>>) {add = true}
        %add3A_132 = arith.constant 1 : i32
        %add3A_133 = arith.addi %scan3A_68, %add3A_132 : i32
        %lt3A = arith.constant 20 : i32
        %lt3A_134 = arith.cmpi slt, %add3A_133, %lt3A : i32
        %convert_element_type3A_135 = arith.extui %lt3A_134 : i1 to i32
        %cond3A_136 = arith.constant 0 : i32
        %cond3A_137 = arith.cmpi ne, %convert_element_type3A_135, %cond3A_136 : i32
        scf.if %cond3A_137 {
          %dma_wait3A_205 = arith.constant 0 : i32
          %dma_wait3A_206 = arith.constant 0 : i32
          %dma_wait3A_207 = tpu.memref_slice %arg12[%dma_wait3A_205, %dma_wait3A_206] : memref<160x128xi32, #tpu.memory_space<vmem>> -> memref<1x128xi32, #tpu.memory_space<vmem>>
          %dma_wait3A_208 = tpu.memref_squeeze %dma_wait3A_207 : memref<1x128xi32, #tpu.memory_space<vmem>> -> memref<128xi32, #tpu.memory_space<vmem>>
          %dma_wait3A_209 = arith.constant 0 : i32
          %dma_wait3A_210 = tpu.memref_slice %arg9[%dma_wait3A_209] : memref<10240xf32, #tpu.memory_space<vmem_shared>> -> memref<10240xf32, #tpu.memory_space<vmem_shared>>
          tpu.wait_indirect_dma semaphore(%arg31 : memref<!tpu.dma_semaphore, #tpu.memory_space<semaphore_mem>>) src(%arg13 : memref<128xf32, #tpu.memory_space<vmem>>) dst(%dma_wait3A_210 : memref<10240xf32, #tpu.memory_space<vmem_shared>>)
          %add3A_211 = arith.constant 8 : i32
          %add3A_212 = arith.addi %mul3A_71, %add3A_211 : i32
          %add3A_213 = arith.constant 0 : i32
          %add3A_214 = arith.addi %add3A_212, %add3A_213 : i32
          %dma_start3A_215 = arith.constant 0 : i32
          %dma_start3A_216 = tpu.memref_slice %arg11[%add3A_214, %dma_start3A_215] : memref<160x128xi32, #tpu.memory_space<vmem>> -> memref<1x128xi32, #tpu.memory_space<vmem>>
          %dma_start3A_217 = tpu.memref_squeeze %dma_start3A_216 : memref<1x128xi32, #tpu.memory_space<vmem>> -> memref<128xi32, #tpu.memory_space<vmem>>
          %dma_start3A_218 = arith.constant 0 : i32
          %dma_start3A_219 = tpu.memref_slice %arg10[%dma_start3A_218] : memref<10240xf32, #tpu.memory_space<vmem_shared>> -> memref<10240xf32, #tpu.memory_space<vmem_shared>>
          tpu.enqueue_indirect_dma source(%dma_start3A_219 : memref<10240xf32, #tpu.memory_space<vmem_shared>>) target(%arg13 : memref<128xf32, #tpu.memory_space<vmem>>) offsets(%dma_start3A_217 : memref<128xi32, #tpu.memory_space<vmem>>) semaphore(%arg23 : memref<!tpu.dma_semaphore, #tpu.memory_space<semaphore_mem>>)
          %dma_wait3A_220 = arith.constant 0 : i32
          %dma_wait3A_221 = arith.constant 0 : i32
          %dma_wait3A_222 = tpu.memref_slice %arg12[%dma_wait3A_220, %dma_wait3A_221] : memref<160x128xi32, #tpu.memory_space<vmem>> -> memref<1x128xi32, #tpu.memory_space<vmem>>
          %dma_wait3A_223 = tpu.memref_squeeze %dma_wait3A_222 : memref<1x128xi32, #tpu.memory_space<vmem>> -> memref<128xi32, #tpu.memory_space<vmem>>
          %dma_wait3A_224 = arith.constant 0 : i32
          %dma_wait3A_225 = tpu.memref_slice %arg9[%dma_wait3A_224] : memref<10240xf32, #tpu.memory_space<vmem_shared>> -> memref<10240xf32, #tpu.memory_space<vmem_shared>>
          tpu.wait_indirect_dma semaphore(%arg32 : memref<!tpu.dma_semaphore, #tpu.memory_space<semaphore_mem>>) src(%arg14 : memref<128xf32, #tpu.memory_space<vmem>>) dst(%dma_wait3A_225 : memref<10240xf32, #tpu.memory_space<vmem_shared>>)
          %add3A_226 = arith.constant 8 : i32
          %add3A_227 = arith.addi %mul3A_71, %add3A_226 : i32
          %add3A_228 = arith.constant 1 : i32
          %add3A_229 = arith.addi %add3A_227, %add3A_228 : i32
          %dma_start3A_230 = arith.constant 0 : i32
          %dma_start3A_231 = tpu.memref_slice %arg11[%add3A_229, %dma_start3A_230] : memref<160x128xi32, #tpu.memory_space<vmem>> -> memref<1x128xi32, #tpu.memory_space<vmem>>
          %dma_start3A_232 = tpu.memref_squeeze %dma_start3A_231 : memref<1x128xi32, #tpu.memory_space<vmem>> -> memref<128xi32, #tpu.memory_space<vmem>>
          %dma_start3A_233 = arith.constant 0 : i32
          %dma_start3A_234 = tpu.memref_slice %arg10[%dma_start3A_233] : memref<10240xf32, #tpu.memory_space<vmem_shared>> -> memref<10240xf32, #tpu.memory_space<vmem_shared>>
          tpu.enqueue_indirect_dma source(%dma_start3A_234 : memref<10240xf32, #tpu.memory_space<vmem_shared>>) target(%arg14 : memref<128xf32, #tpu.memory_space<vmem>>) offsets(%dma_start3A_232 : memref<128xi32, #tpu.memory_space<vmem>>) semaphore(%arg24 : memref<!tpu.dma_semaphore, #tpu.memory_space<semaphore_mem>>)
          %dma_wait3A_235 = arith.constant 0 : i32
          %dma_wait3A_236 = arith.constant 0 : i32
          %dma_wait3A_237 = tpu.memref_slice %arg12[%dma_wait3A_235, %dma_wait3A_236] : memref<160x128xi32, #tpu.memory_space<vmem>> -> memref<1x128xi32, #tpu.memory_space<vmem>>
          %dma_wait3A_238 = tpu.memref_squeeze %dma_wait3A_237 : memref<1x128xi32, #tpu.memory_space<vmem>> -> memref<128xi32, #tpu.memory_space<vmem>>
          %dma_wait3A_239 = arith.constant 0 : i32
          %dma_wait3A_240 = tpu.memref_slice %arg9[%dma_wait3A_239] : memref<10240xf32, #tpu.memory_space<vmem_shared>> -> memref<10240xf32, #tpu.memory_space<vmem_shared>>
          tpu.wait_indirect_dma semaphore(%arg33 : memref<!tpu.dma_semaphore, #tpu.memory_space<semaphore_mem>>) src(%arg15 : memref<128xf32, #tpu.memory_space<vmem>>) dst(%dma_wait3A_240 : memref<10240xf32, #tpu.memory_space<vmem_shared>>)
          %add3A_241 = arith.constant 8 : i32
          %add3A_242 = arith.addi %mul3A_71, %add3A_241 : i32
          %add3A_243 = arith.constant 2 : i32
          %add3A_244 = arith.addi %add3A_242, %add3A_243 : i32
          %dma_start3A_245 = arith.constant 0 : i32
          %dma_start3A_246 = tpu.memref_slice %arg11[%add3A_244, %dma_start3A_245] : memref<160x128xi32, #tpu.memory_space<vmem>> -> memref<1x128xi32, #tpu.memory_space<vmem>>
          %dma_start3A_247 = tpu.memref_squeeze %dma_start3A_246 : memref<1x128xi32, #tpu.memory_space<vmem>> -> memref<128xi32, #tpu.memory_space<vmem>>
          %dma_start3A_248 = arith.constant 0 : i32
          %dma_start3A_249 = tpu.memref_slice %arg10[%dma_start3A_248] : memref<10240xf32, #tpu.memory_space<vmem_shared>> -> memref<10240xf32, #tpu.memory_space<vmem_shared>>
          tpu.enqueue_indirect_dma source(%dma_start3A_249 : memref<10240xf32, #tpu.memory_space<vmem_shared>>) target(%arg15 : memref<128xf32, #tpu.memory_space<vmem>>) offsets(%dma_start3A_247 : memref<128xi32, #tpu.memory_space<vmem>>) semaphore(%arg25 : memref<!tpu.dma_semaphore, #tpu.memory_space<semaphore_mem>>)
          %dma_wait3A_250 = arith.constant 0 : i32
          %dma_wait3A_251 = arith.constant 0 : i32
          %dma_wait3A_252 = tpu.memref_slice %arg12[%dma_wait3A_250, %dma_wait3A_251] : memref<160x128xi32, #tpu.memory_space<vmem>> -> memref<1x128xi32, #tpu.memory_space<vmem>>
          %dma_wait3A_253 = tpu.memref_squeeze %dma_wait3A_252 : memref<1x128xi32, #tpu.memory_space<vmem>> -> memref<128xi32, #tpu.memory_space<vmem>>
          %dma_wait3A_254 = arith.constant 0 : i32
          %dma_wait3A_255 = tpu.memref_slice %arg9[%dma_wait3A_254] : memref<10240xf32, #tpu.memory_space<vmem_shared>> -> memref<10240xf32, #tpu.memory_space<vmem_shared>>
          tpu.wait_indirect_dma semaphore(%arg34 : memref<!tpu.dma_semaphore, #tpu.memory_space<semaphore_mem>>) src(%arg16 : memref<128xf32, #tpu.memory_space<vmem>>) dst(%dma_wait3A_255 : memref<10240xf32, #tpu.memory_space<vmem_shared>>)
          %add3A_256 = arith.constant 8 : i32
          %add3A_257 = arith.addi %mul3A_71, %add3A_256 : i32
          %add3A_258 = arith.constant 3 : i32
          %add3A_259 = arith.addi %add3A_257, %add3A_258 : i32
          %dma_start3A_260 = arith.constant 0 : i32
          %dma_start3A_261 = tpu.memref_slice %arg11[%add3A_259, %dma_start3A_260] : memref<160x128xi32, #tpu.memory_space<vmem>> -> memref<1x128xi32, #tpu.memory_space<vmem>>
          %dma_start3A_262 = tpu.memref_squeeze %dma_start3A_261 : memref<1x128xi32, #tpu.memory_space<vmem>> -> memref<128xi32, #tpu.memory_space<vmem>>
          %dma_start3A_263 = arith.constant 0 : i32
          %dma_start3A_264 = tpu.memref_slice %arg10[%dma_start3A_263] : memref<10240xf32, #tpu.memory_space<vmem_shared>> -> memref<10240xf32, #tpu.memory_space<vmem_shared>>
          tpu.enqueue_indirect_dma source(%dma_start3A_264 : memref<10240xf32, #tpu.memory_space<vmem_shared>>) target(%arg16 : memref<128xf32, #tpu.memory_space<vmem>>) offsets(%dma_start3A_262 : memref<128xi32, #tpu.memory_space<vmem>>) semaphore(%arg26 : memref<!tpu.dma_semaphore, #tpu.memory_space<semaphore_mem>>)
        } else {
        }
        %add3A_138 = arith.constant 1 : i32
        %add3A_139 = arith.addi %scan3A_68, %add3A_138 : i32
        %eq3A_140 = arith.constant 20 : i32
        %eq3A_141 = arith.cmpi eq, %add3A_139, %eq3A_140 : i32
        %convert_element_type3A_142 = arith.extui %eq3A_141 : i1 to i32
        %cond3A_143 = arith.constant 0 : i32
        %cond3A_144 = arith.cmpi ne, %convert_element_type3A_142, %cond3A_143 : i32
        scf.if %cond3A_144 {
          %dma_wait3A_205 = arith.constant 0 : i32
          %dma_wait3A_206 = arith.constant 0 : i32
          %dma_wait3A_207 = tpu.memref_slice %arg12[%dma_wait3A_205, %dma_wait3A_206] : memref<160x128xi32, #tpu.memory_space<vmem>> -> memref<1x128xi32, #tpu.memory_space<vmem>>
          %dma_wait3A_208 = tpu.memref_squeeze %dma_wait3A_207 : memref<1x128xi32, #tpu.memory_space<vmem>> -> memref<128xi32, #tpu.memory_space<vmem>>
          %dma_wait3A_209 = arith.constant 0 : i32
          %dma_wait3A_210 = tpu.memref_slice %arg9[%dma_wait3A_209] : memref<10240xf32, #tpu.memory_space<vmem_shared>> -> memref<10240xf32, #tpu.memory_space<vmem_shared>>
          tpu.wait_indirect_dma semaphore(%arg31 : memref<!tpu.dma_semaphore, #tpu.memory_space<semaphore_mem>>) src(%arg13 : memref<128xf32, #tpu.memory_space<vmem>>) dst(%dma_wait3A_210 : memref<10240xf32, #tpu.memory_space<vmem_shared>>)
          %dma_wait3A_211 = arith.constant 0 : i32
          %dma_wait3A_212 = arith.constant 0 : i32
          %dma_wait3A_213 = tpu.memref_slice %arg12[%dma_wait3A_211, %dma_wait3A_212] : memref<160x128xi32, #tpu.memory_space<vmem>> -> memref<1x128xi32, #tpu.memory_space<vmem>>
          %dma_wait3A_214 = tpu.memref_squeeze %dma_wait3A_213 : memref<1x128xi32, #tpu.memory_space<vmem>> -> memref<128xi32, #tpu.memory_space<vmem>>
          %dma_wait3A_215 = arith.constant 0 : i32
          %dma_wait3A_216 = tpu.memref_slice %arg9[%dma_wait3A_215] : memref<10240xf32, #tpu.memory_space<vmem_shared>> -> memref<10240xf32, #tpu.memory_space<vmem_shared>>
          tpu.wait_indirect_dma semaphore(%arg32 : memref<!tpu.dma_semaphore, #tpu.memory_space<semaphore_mem>>) src(%arg14 : memref<128xf32, #tpu.memory_space<vmem>>) dst(%dma_wait3A_216 : memref<10240xf32, #tpu.memory_space<vmem_shared>>)
          %dma_wait3A_217 = arith.constant 0 : i32
          %dma_wait3A_218 = arith.constant 0 : i32
          %dma_wait3A_219 = tpu.memref_slice %arg12[%dma_wait3A_217, %dma_wait3A_218] : memref<160x128xi32, #tpu.memory_space<vmem>> -> memref<1x128xi32, #tpu.memory_space<vmem>>
          %dma_wait3A_220 = tpu.memref_squeeze %dma_wait3A_219 : memref<1x128xi32, #tpu.memory_space<vmem>> -> memref<128xi32, #tpu.memory_space<vmem>>
          %dma_wait3A_221 = arith.constant 0 : i32
          %dma_wait3A_222 = tpu.memref_slice %arg9[%dma_wait3A_221] : memref<10240xf32, #tpu.memory_space<vmem_shared>> -> memref<10240xf32, #tpu.memory_space<vmem_shared>>
          tpu.wait_indirect_dma semaphore(%arg33 : memref<!tpu.dma_semaphore, #tpu.memory_space<semaphore_mem>>) src(%arg15 : memref<128xf32, #tpu.memory_space<vmem>>) dst(%dma_wait3A_222 : memref<10240xf32, #tpu.memory_space<vmem_shared>>)
          %dma_wait3A_223 = arith.constant 0 : i32
          %dma_wait3A_224 = arith.constant 0 : i32
          %dma_wait3A_225 = tpu.memref_slice %arg12[%dma_wait3A_223, %dma_wait3A_224] : memref<160x128xi32, #tpu.memory_space<vmem>> -> memref<1x128xi32, #tpu.memory_space<vmem>>
          %dma_wait3A_226 = tpu.memref_squeeze %dma_wait3A_225 : memref<1x128xi32, #tpu.memory_space<vmem>> -> memref<128xi32, #tpu.memory_space<vmem>>
          %dma_wait3A_227 = arith.constant 0 : i32
          %dma_wait3A_228 = tpu.memref_slice %arg9[%dma_wait3A_227] : memref<10240xf32, #tpu.memory_space<vmem_shared>> -> memref<10240xf32, #tpu.memory_space<vmem_shared>>
          tpu.wait_indirect_dma semaphore(%arg34 : memref<!tpu.dma_semaphore, #tpu.memory_space<semaphore_mem>>) src(%arg16 : memref<128xf32, #tpu.memory_space<vmem>>) dst(%dma_wait3A_228 : memref<10240xf32, #tpu.memory_space<vmem_shared>>)
        } else {
        }
        %dma_wait3A_145 = arith.constant 0 : i32
        %dma_wait3A_146 = arith.constant 0 : i32
        %dma_wait3A_147 = tpu.memref_slice %arg11[%dma_wait3A_145, %dma_wait3A_146] : memref<160x128xi32, #tpu.memory_space<vmem>> -> memref<1x128xi32, #tpu.memory_space<vmem>>
        %dma_wait3A_148 = tpu.memref_squeeze %dma_wait3A_147 : memref<1x128xi32, #tpu.memory_space<vmem>> -> memref<128xi32, #tpu.memory_space<vmem>>
        %dma_wait3A_149 = arith.constant 0 : i32
        %dma_wait3A_150 = tpu.memref_slice %arg10[%dma_wait3A_149] : memref<10240xf32, #tpu.memory_space<vmem_shared>> -> memref<10240xf32, #tpu.memory_space<vmem_shared>>
        tpu.wait_indirect_dma semaphore(%arg27 : memref<!tpu.dma_semaphore, #tpu.memory_space<semaphore_mem>>) src(%dma_wait3A_150 : memref<10240xf32, #tpu.memory_space<vmem_shared>>) dst(%arg17 : memref<128xf32, #tpu.memory_space<vmem>>)
        %add3A_151 = arith.constant 4 : i32
        %add3A_152 = arith.addi %mul3A_71, %add3A_151 : i32
        %dma_start3A_153 = arith.constant 0 : i32
        %dma_start3A_154 = tpu.memref_slice %arg12[%add3A_152, %dma_start3A_153] : memref<160x128xi32, #tpu.memory_space<vmem>> -> memref<1x128xi32, #tpu.memory_space<vmem>>
        %dma_start3A_155 = tpu.memref_squeeze %dma_start3A_154 : memref<1x128xi32, #tpu.memory_space<vmem>> -> memref<128xi32, #tpu.memory_space<vmem>>
        %dma_start3A_156 = arith.constant 0 : i32
        %dma_start3A_157 = tpu.memref_slice %arg9[%dma_start3A_156] : memref<10240xf32, #tpu.memory_space<vmem_shared>> -> memref<10240xf32, #tpu.memory_space<vmem_shared>>
        tpu.enqueue_indirect_dma source(%arg17 : memref<128xf32, #tpu.memory_space<vmem>>) target(%dma_start3A_157 : memref<10240xf32, #tpu.memory_space<vmem_shared>>) offsets(%dma_start3A_155 : memref<128xi32, #tpu.memory_space<vmem>>) semaphore(%arg35 : memref<!tpu.dma_semaphore, #tpu.memory_space<semaphore_mem>>) {add = true}
        %dma_wait3A_158 = arith.constant 0 : i32
        %dma_wait3A_159 = arith.constant 0 : i32
        %dma_wait3A_160 = tpu.memref_slice %arg11[%dma_wait3A_158, %dma_wait3A_159] : memref<160x128xi32, #tpu.memory_space<vmem>> -> memref<1x128xi32, #tpu.memory_space<vmem>>
        %dma_wait3A_161 = tpu.memref_squeeze %dma_wait3A_160 : memref<1x128xi32, #tpu.memory_space<vmem>> -> memref<128xi32, #tpu.memory_space<vmem>>
        %dma_wait3A_162 = arith.constant 0 : i32
        %dma_wait3A_163 = tpu.memref_slice %arg10[%dma_wait3A_162] : memref<10240xf32, #tpu.memory_space<vmem_shared>> -> memref<10240xf32, #tpu.memory_space<vmem_shared>>
        tpu.wait_indirect_dma semaphore(%arg28 : memref<!tpu.dma_semaphore, #tpu.memory_space<semaphore_mem>>) src(%dma_wait3A_163 : memref<10240xf32, #tpu.memory_space<vmem_shared>>) dst(%arg18 : memref<128xf32, #tpu.memory_space<vmem>>)
        %add3A_164 = arith.constant 5 : i32
        %add3A_165 = arith.addi %mul3A_71, %add3A_164 : i32
        %dma_start3A_166 = arith.constant 0 : i32
        %dma_start3A_167 = tpu.memref_slice %arg12[%add3A_165, %dma_start3A_166] : memref<160x128xi32, #tpu.memory_space<vmem>> -> memref<1x128xi32, #tpu.memory_space<vmem>>
        %dma_start3A_168 = tpu.memref_squeeze %dma_start3A_167 : memref<1x128xi32, #tpu.memory_space<vmem>> -> memref<128xi32, #tpu.memory_space<vmem>>
        %dma_start3A_169 = arith.constant 0 : i32
        %dma_start3A_170 = tpu.memref_slice %arg9[%dma_start3A_169] : memref<10240xf32, #tpu.memory_space<vmem_shared>> -> memref<10240xf32, #tpu.memory_space<vmem_shared>>
        tpu.enqueue_indirect_dma source(%arg18 : memref<128xf32, #tpu.memory_space<vmem>>) target(%dma_start3A_170 : memref<10240xf32, #tpu.memory_space<vmem_shared>>) offsets(%dma_start3A_168 : memref<128xi32, #tpu.memory_space<vmem>>) semaphore(%arg36 : memref<!tpu.dma_semaphore, #tpu.memory_space<semaphore_mem>>) {add = true}
        %dma_wait3A_171 = arith.constant 0 : i32
        %dma_wait3A_172 = arith.constant 0 : i32
        %dma_wait3A_173 = tpu.memref_slice %arg11[%dma_wait3A_171, %dma_wait3A_172] : memref<160x128xi32, #tpu.memory_space<vmem>> -> memref<1x128xi32, #tpu.memory_space<vmem>>
        %dma_wait3A_174 = tpu.memref_squeeze %dma_wait3A_173 : memref<1x128xi32, #tpu.memory_space<vmem>> -> memref<128xi32, #tpu.memory_space<vmem>>
        %dma_wait3A_175 = arith.constant 0 : i32
        %dma_wait3A_176 = tpu.memref_slice %arg10[%dma_wait3A_175] : memref<10240xf32, #tpu.memory_space<vmem_shared>> -> memref<10240xf32, #tpu.memory_space<vmem_shared>>
        tpu.wait_indirect_dma semaphore(%arg29 : memref<!tpu.dma_semaphore, #tpu.memory_space<semaphore_mem>>) src(%dma_wait3A_176 : memref<10240xf32, #tpu.memory_space<vmem_shared>>) dst(%arg19 : memref<128xf32, #tpu.memory_space<vmem>>)
        %add3A_177 = arith.constant 6 : i32
        %add3A_178 = arith.addi %mul3A_71, %add3A_177 : i32
        %dma_start3A_179 = arith.constant 0 : i32
        %dma_start3A_180 = tpu.memref_slice %arg12[%add3A_178, %dma_start3A_179] : memref<160x128xi32, #tpu.memory_space<vmem>> -> memref<1x128xi32, #tpu.memory_space<vmem>>
        %dma_start3A_181 = tpu.memref_squeeze %dma_start3A_180 : memref<1x128xi32, #tpu.memory_space<vmem>> -> memref<128xi32, #tpu.memory_space<vmem>>
        %dma_start3A_182 = arith.constant 0 : i32
        %dma_start3A_183 = tpu.memref_slice %arg9[%dma_start3A_182] : memref<10240xf32, #tpu.memory_space<vmem_shared>> -> memref<10240xf32, #tpu.memory_space<vmem_shared>>
        tpu.enqueue_indirect_dma source(%arg19 : memref<128xf32, #tpu.memory_space<vmem>>) target(%dma_start3A_183 : memref<10240xf32, #tpu.memory_space<vmem_shared>>) offsets(%dma_start3A_181 : memref<128xi32, #tpu.memory_space<vmem>>) semaphore(%arg37 : memref<!tpu.dma_semaphore, #tpu.memory_space<semaphore_mem>>) {add = true}
        %dma_wait3A_184 = arith.constant 0 : i32
        %dma_wait3A_185 = arith.constant 0 : i32
        %dma_wait3A_186 = tpu.memref_slice %arg11[%dma_wait3A_184, %dma_wait3A_185] : memref<160x128xi32, #tpu.memory_space<vmem>> -> memref<1x128xi32, #tpu.memory_space<vmem>>
        %dma_wait3A_187 = tpu.memref_squeeze %dma_wait3A_186 : memref<1x128xi32, #tpu.memory_space<vmem>> -> memref<128xi32, #tpu.memory_space<vmem>>
        %dma_wait3A_188 = arith.constant 0 : i32
        %dma_wait3A_189 = tpu.memref_slice %arg10[%dma_wait3A_188] : memref<10240xf32, #tpu.memory_space<vmem_shared>> -> memref<10240xf32, #tpu.memory_space<vmem_shared>>
        tpu.wait_indirect_dma semaphore(%arg30 : memref<!tpu.dma_semaphore, #tpu.memory_space<semaphore_mem>>) src(%dma_wait3A_189 : memref<10240xf32, #tpu.memory_space<vmem_shared>>) dst(%arg20 : memref<128xf32, #tpu.memory_space<vmem>>)
        %add3A_190 = arith.constant 7 : i32
        %add3A_191 = arith.addi %mul3A_71, %add3A_190 : i32
        %dma_start3A_192 = arith.constant 0 : i32
        %dma_start3A_193 = tpu.memref_slice %arg12[%add3A_191, %dma_start3A_192] : memref<160x128xi32, #tpu.memory_space<vmem>> -> memref<1x128xi32, #tpu.memory_space<vmem>>
        %dma_start3A_194 = tpu.memref_squeeze %dma_start3A_193 : memref<1x128xi32, #tpu.memory_space<vmem>> -> memref<128xi32, #tpu.memory_space<vmem>>
        %dma_start3A_195 = arith.constant 0 : i32
        %dma_start3A_196 = tpu.memref_slice %arg9[%dma_start3A_195] : memref<10240xf32, #tpu.memory_space<vmem_shared>> -> memref<10240xf32, #tpu.memory_space<vmem_shared>>
        tpu.enqueue_indirect_dma source(%arg20 : memref<128xf32, #tpu.memory_space<vmem>>) target(%dma_start3A_196 : memref<10240xf32, #tpu.memory_space<vmem_shared>>) offsets(%dma_start3A_194 : memref<128xi32, #tpu.memory_space<vmem>>) semaphore(%arg38 : memref<!tpu.dma_semaphore, #tpu.memory_space<semaphore_mem>>) {add = true}
        %add3A_197 = arith.constant 1 : i32
        %add3A_198 = arith.addi %scan3A_68, %add3A_197 : i32
        %eq3A_199 = arith.constant 20 : i32
        %eq3A_200 = arith.cmpi eq, %add3A_198, %eq3A_199 : i32
        %convert_element_type3A_201 = arith.extui %eq3A_200 : i1 to i32
        %cond3A_202 = arith.constant 0 : i32
        %cond3A_203 = arith.cmpi ne, %convert_element_type3A_201, %cond3A_202 : i32
        scf.if %cond3A_203 {
          %dma_wait3A_205 = arith.constant 0 : i32
          %dma_wait3A_206 = arith.constant 0 : i32
          %dma_wait3A_207 = tpu.memref_slice %arg12[%dma_wait3A_205, %dma_wait3A_206] : memref<160x128xi32, #tpu.memory_space<vmem>> -> memref<1x128xi32, #tpu.memory_space<vmem>>
          %dma_wait3A_208 = tpu.memref_squeeze %dma_wait3A_207 : memref<1x128xi32, #tpu.memory_space<vmem>> -> memref<128xi32, #tpu.memory_space<vmem>>
          %dma_wait3A_209 = arith.constant 0 : i32
          %dma_wait3A_210 = tpu.memref_slice %arg9[%dma_wait3A_209] : memref<10240xf32, #tpu.memory_space<vmem_shared>> -> memref<10240xf32, #tpu.memory_space<vmem_shared>>
          tpu.wait_indirect_dma semaphore(%arg35 : memref<!tpu.dma_semaphore, #tpu.memory_space<semaphore_mem>>) src(%arg17 : memref<128xf32, #tpu.memory_space<vmem>>) dst(%dma_wait3A_210 : memref<10240xf32, #tpu.memory_space<vmem_shared>>)
          %dma_wait3A_211 = arith.constant 0 : i32
          %dma_wait3A_212 = arith.constant 0 : i32
          %dma_wait3A_213 = tpu.memref_slice %arg12[%dma_wait3A_211, %dma_wait3A_212] : memref<160x128xi32, #tpu.memory_space<vmem>> -> memref<1x128xi32, #tpu.memory_space<vmem>>
          %dma_wait3A_214 = tpu.memref_squeeze %dma_wait3A_213 : memref<1x128xi32, #tpu.memory_space<vmem>> -> memref<128xi32, #tpu.memory_space<vmem>>
          %dma_wait3A_215 = arith.constant 0 : i32
          %dma_wait3A_216 = tpu.memref_slice %arg9[%dma_wait3A_215] : memref<10240xf32, #tpu.memory_space<vmem_shared>> -> memref<10240xf32, #tpu.memory_space<vmem_shared>>
          tpu.wait_indirect_dma semaphore(%arg36 : memref<!tpu.dma_semaphore, #tpu.memory_space<semaphore_mem>>) src(%arg18 : memref<128xf32, #tpu.memory_space<vmem>>) dst(%dma_wait3A_216 : memref<10240xf32, #tpu.memory_space<vmem_shared>>)
          %dma_wait3A_217 = arith.constant 0 : i32
          %dma_wait3A_218 = arith.constant 0 : i32
          %dma_wait3A_219 = tpu.memref_slice %arg12[%dma_wait3A_217, %dma_wait3A_218] : memref<160x128xi32, #tpu.memory_space<vmem>> -> memref<1x128xi32, #tpu.memory_space<vmem>>
          %dma_wait3A_220 = tpu.memref_squeeze %dma_wait3A_219 : memref<1x128xi32, #tpu.memory_space<vmem>> -> memref<128xi32, #tpu.memory_space<vmem>>
          %dma_wait3A_221 = arith.constant 0 : i32
          %dma_wait3A_222 = tpu.memref_slice %arg9[%dma_wait3A_221] : memref<10240xf32, #tpu.memory_space<vmem_shared>> -> memref<10240xf32, #tpu.memory_space<vmem_shared>>
          tpu.wait_indirect_dma semaphore(%arg37 : memref<!tpu.dma_semaphore, #tpu.memory_space<semaphore_mem>>) src(%arg19 : memref<128xf32, #tpu.memory_space<vmem>>) dst(%dma_wait3A_222 : memref<10240xf32, #tpu.memory_space<vmem_shared>>)
          %dma_wait3A_223 = arith.constant 0 : i32
          %dma_wait3A_224 = arith.constant 0 : i32
          %dma_wait3A_225 = tpu.memref_slice %arg12[%dma_wait3A_223, %dma_wait3A_224] : memref<160x128xi32, #tpu.memory_space<vmem>> -> memref<1x128xi32, #tpu.memory_space<vmem>>
          %dma_wait3A_226 = tpu.memref_squeeze %dma_wait3A_225 : memref<1x128xi32, #tpu.memory_space<vmem>> -> memref<128xi32, #tpu.memory_space<vmem>>
          %dma_wait3A_227 = arith.constant 0 : i32
          %dma_wait3A_228 = tpu.memref_slice %arg9[%dma_wait3A_227] : memref<10240xf32, #tpu.memory_space<vmem_shared>> -> memref<10240xf32, #tpu.memory_space<vmem_shared>>
          tpu.wait_indirect_dma semaphore(%arg38 : memref<!tpu.dma_semaphore, #tpu.memory_space<semaphore_mem>>) src(%arg20 : memref<128xf32, #tpu.memory_space<vmem>>) dst(%dma_wait3A_228 : memref<10240xf32, #tpu.memory_space<vmem_shared>>)
        } else {
        }
        %scan3A_204 = arith.constant 0 : i32
        scf.yield %scan3A_204 : i32
      }
      %scan3A_59 = arith.constant 20 : i32
      %barrier3A_60 = arith.constant 0 : index
      tpu.barrier barrier_id(%barrier3A_60)
      "tpu.region"() ({
        %run_scoped3A = tpu.sem_alloc : memref<!tpu.dma_semaphore, #tpu.memory_space<semaphore_mem>>
        %dma_start3A_68 = tpu.memref_slice %arg6[%multiple_of3A] : memref<10240xf32, #tpu.memory_space<hbm>> -> memref<640xf32, #tpu.memory_space<hbm>>
        %dma_start3A_69 = tpu.memref_slice %arg6[%multiple_of3A] : memref<10240xf32, #tpu.memory_space<hbm>> -> memref<640xf32, #tpu.memory_space<hbm>>
        tpu.enqueue_dma source(%dma_start3A_69 : memref<640xf32, #tpu.memory_space<hbm>>) target(%arg22 : memref<640xf32, #tpu.memory_space<vmem>>) target_semaphore(%run_scoped3A : memref<!tpu.dma_semaphore, #tpu.memory_space<semaphore_mem>>)
        %dma_wait3A = tpu.memref_slice %arg6[%multiple_of3A] : memref<10240xf32, #tpu.memory_space<hbm>> -> memref<640xf32, #tpu.memory_space<hbm>>
        %dma_wait3A_70 = tpu.memref_slice %arg6[%multiple_of3A] : memref<10240xf32, #tpu.memory_space<hbm>> -> memref<640xf32, #tpu.memory_space<hbm>>
        tpu.wait_dma2 semaphore(%run_scoped3A : memref<!tpu.dma_semaphore, #tpu.memory_space<semaphore_mem>>) src(%dma_wait3A_70 : memref<640xf32, #tpu.memory_space<hbm>>) dst(%arg22 : memref<640xf32, #tpu.memory_space<vmem>>)
        tpu.yield
      }) : () -> ()
      "tpu.region"() ({
        %run_scoped3A = tpu.sem_alloc : memref<!tpu.dma_semaphore, #tpu.memory_space<semaphore_mem>>
        %dma_start3A_68 = tpu.memref_slice %arg9[%multiple_of3A] : memref<10240xf32, #tpu.memory_space<vmem_shared>> -> memref<640xf32, #tpu.memory_space<vmem_shared>>
        %dma_start3A_69 = tpu.memref_slice %arg9[%multiple_of3A] : memref<10240xf32, #tpu.memory_space<vmem_shared>> -> memref<640xf32, #tpu.memory_space<vmem_shared>>
        tpu.enqueue_dma source(%dma_start3A_69 : memref<640xf32, #tpu.memory_space<vmem_shared>>) target(%arg21 : memref<640xf32, #tpu.memory_space<vmem>>) target_semaphore(%run_scoped3A : memref<!tpu.dma_semaphore, #tpu.memory_space<semaphore_mem>>)
        %dma_wait3A = tpu.memref_slice %arg9[%multiple_of3A] : memref<10240xf32, #tpu.memory_space<vmem_shared>> -> memref<640xf32, #tpu.memory_space<vmem_shared>>
        %dma_wait3A_70 = tpu.memref_slice %arg9[%multiple_of3A] : memref<10240xf32, #tpu.memory_space<vmem_shared>> -> memref<640xf32, #tpu.memory_space<vmem_shared>>
        tpu.wait_dma2 semaphore(%run_scoped3A : memref<!tpu.dma_semaphore, #tpu.memory_space<semaphore_mem>>) src(%dma_wait3A_70 : memref<640xf32, #tpu.memory_space<vmem_shared>>) dst(%arg21 : memref<640xf32, #tpu.memory_space<vmem>>)
        tpu.yield
      }) : () -> ()
      %scan3A_61 = arith.constant 0 : i32
      %scan3A_62 = arith.constant 0 : i32
      %scan3A_63 = arith.constant 40 : i32
      %scan3A_64 = arith.addi %scan3A_62, %scan3A_63 : i32
      %scan3A_65 = arith.constant 1 : i32
      %scan3A_66 = scf.for %scan3A_68 = %scan3A_62 to %scan3A_64 step %scan3A_65 iter_args(%scan3A_69 = %scan3A_61) -> (i32)  : i32 {
        %mul3A_70 = arith.constant 16 : i32
        %mul3A_71 = arith.muli %scan3A_68, %mul3A_70 : i32
        %multiple_of3A_72 = tpu.assume_multiple %mul3A_71, 16 : i32
        %get3A = arith.index_cast %multiple_of3A_72 : i32 to index
        %get3A_73 = tpu.vector_load %arg21[%get3A] {strides = array<i32>} : memref<640xf32, #tpu.memory_space<vmem>>, vector<16xf32>,
        %get3A_74 = vector.shape_cast %get3A_73 : vector<16xf32> to vector<16xf32>
        %get3A_75 = arith.index_cast %multiple_of3A_72 : i32 to index
        %get3A_76 = tpu.vector_load %arg22[%get3A_75] {strides = array<i32>} : memref<640xf32, #tpu.memory_space<vmem>>, vector<16xf32>,
        %get3A_77 = vector.shape_cast %get3A_76 : vector<16xf32> to vector<16xf32>
        %mul3A_78 = arith.mulf %get3A_74, %get3A_77 : vector<16xf32>
        %swap3A = arith.index_cast %multiple_of3A_72 : i32 to index
        %swap3A_79 = tpu.vector_load %arg21[%swap3A] {strides = array<i32>} : memref<640xf32, #tpu.memory_space<vmem>>, vector<16xf32>,
        %swap3A_80 = vector.shape_cast %swap3A_79 : vector<16xf32> to vector<16xf32>
        %swap3A_81 = vector.shape_cast %mul3A_78 : vector<16xf32> to vector<16xf32>
        tpu.vector_store %arg21[%swap3A], %swap3A_81 {strides = array<i32>} : memref<640xf32, #tpu.memory_space<vmem>>, vector<16xf32>,
        %scan3A_82 = arith.constant 0 : i32
        scf.yield %scan3A_82 : i32
      }
      %scan3A_67 = arith.constant 40 : i32
      "tpu.region"() ({
        %run_scoped3A = tpu.sem_alloc : memref<!tpu.dma_semaphore, #tpu.memory_space<semaphore_mem>>
        %dma_start3A_68 = tpu.memref_slice %arg8[%multiple_of3A] : memref<10240xf32, #tpu.memory_space<hbm>> -> memref<640xf32, #tpu.memory_space<hbm>>
        %dma_start3A_69 = tpu.memref_slice %arg8[%multiple_of3A] : memref<10240xf32, #tpu.memory_space<hbm>> -> memref<640xf32, #tpu.memory_space<hbm>>
        tpu.enqueue_dma source(%arg21 : memref<640xf32, #tpu.memory_space<vmem>>) target(%dma_start3A_69 : memref<640xf32, #tpu.memory_space<hbm>>) target_semaphore(%run_scoped3A : memref<!tpu.dma_semaphore, #tpu.memory_space<semaphore_mem>>)
        %dma_wait3A = tpu.memref_slice %arg8[%multiple_of3A] : memref<10240xf32, #tpu.memory_space<hbm>> -> memref<640xf32, #tpu.memory_space<hbm>>
        %dma_wait3A_70 = tpu.memref_slice %arg8[%multiple_of3A] : memref<10240xf32, #tpu.memory_space<hbm>> -> memref<640xf32, #tpu.memory_space<hbm>>
        tpu.wait_dma2 semaphore(%run_scoped3A : memref<!tpu.dma_semaphore, #tpu.memory_space<semaphore_mem>>) src(%arg21 : memref<640xf32, #tpu.memory_space<vmem>>) dst(%dma_wait3A_70 : memref<640xf32, #tpu.memory_space<hbm>>)
        tpu.yield
      }) : () -> ()
    } else {
    }
    return
  }
}

module attributes {stable_mosaic.version = 14 : i64} {
  func.func @body(%arg0: memref<10240x1xf32, #tpu.memory_space<vmem>>, %arg1: memref<10240x1xf32, #tpu.memory_space<vmem>>, %arg2: memref<10000x128xf32, #tpu.memory_space<vmem>>, %arg3: memref<10000x128xf32, #tpu.memory_space<vmem>>, %arg4: memref<10240x1xf32, #tpu.memory_space<vmem>>) attributes {dimension_semantics = [], scalar_prefetch = 0 : i64, scratch_operands = 0 : i64, tpu.core_type = #tpu.core_type<tc>} {
    %get3A = arith.constant 0 : index
    %get3A_0 = arith.constant 0 : index
    %get3A_1 = vector.load %arg0[%get3A, %get3A_0] : memref<10240x1xf32, #tpu.memory_space<vmem>>, vector<10240x1xf32>
    %get3A_2 = arith.constant 0 : index
    %get3A_3 = arith.constant 0 : index
    %get3A_4 = vector.load %arg1[%get3A_2, %get3A_3] : memref<10240x1xf32, #tpu.memory_space<vmem>>, vector<10240x1xf32>
    %add3A = arith.addf %get3A_1, %get3A_4 : vector<10240x1xf32>
    %max3A = arith.constant 1.000000e+00 : f32
    %max3A_5 = vector.broadcast %max3A : f32 to vector<10240x1xf32>
    %max3A_6 = arith.maximumf %add3A, %max3A_5 : vector<10240x1xf32>
    %rsqrt3A = math.rsqrt %max3A_6 : vector<10240x1xf32>
    %swap3A = arith.constant 0 : index
    %swap3A_7 = arith.constant 0 : index
    %swap3A_8 = vector.load %arg4[%swap3A, %swap3A_7] : memref<10240x1xf32, #tpu.memory_space<vmem>>, vector<10240x1xf32>
    tpu.vector_store %arg4[%swap3A, %swap3A_7], %rsqrt3A {strides = array<i32>} : memref<10240x1xf32, #tpu.memory_space<vmem>>, vector<10240x1xf32>,
    %get3A_9 = arith.constant 0 : index
    %get3A_10 = arith.constant 0 : index
    %get3A_11 = vector.load %arg2[%get3A_9, %get3A_10] : memref<10000x128xf32, #tpu.memory_space<vmem>>, vector<10000x128xf32>
    %slice3A = vector.extract_strided_slice %rsqrt3A {offsets = [0, 0], sizes = [10000, 1], strides = [1, 1]} : vector<10240x1xf32> to vector<10000x1xf32>
    %mul3A = vector.broadcast %slice3A : vector<10000x1xf32> to vector<10000x128xf32>
    %mul3A_12 = arith.mulf %get3A_11, %mul3A : vector<10000x128xf32>
    %swap3A_13 = arith.constant 0 : index
    %swap3A_14 = arith.constant 0 : index
    %swap3A_15 = vector.load %arg3[%swap3A_13, %swap3A_14] : memref<10000x128xf32, #tpu.memory_space<vmem>>, vector<10000x128xf32>
    tpu.vector_store %arg3[%swap3A_13, %swap3A_14], %mul3A_12 {strides = array<i32>} : memref<10000x128xf32, #tpu.memory_space<vmem>>, vector<10000x128xf32>,
    return
  }
}

module attributes {stable_mosaic.version = 14 : i64} {
  func.func @body(%arg0: i32, %arg1: memref<2000x128xf32, #tpu.memory_space<vmem>>, %arg2: memref<2000x128xf32, #tpu.memory_space<vmem>>, %arg3: memref<2000x1xf32, #tpu.memory_space<vmem>>, %arg4: memref<128x128xf32, #tpu.memory_space<vmem>>, %arg5: memref<1x128xf32, #tpu.memory_space<vmem>>, %arg6: memref<128x1xf32, #tpu.memory_space<vmem>>, %arg7: memref<1x1xf32, #tpu.memory_space<vmem>>, %arg8: memref<128x128xf32, #tpu.memory_space<vmem>>, %arg9: memref<1x128xf32, #tpu.memory_space<vmem>>, %arg10: memref<128x1xf32, #tpu.memory_space<vmem>>, %arg11: memref<1x1xf32, #tpu.memory_space<vmem>>, %arg12: memref<2000x1xf32, #tpu.memory_space<vmem>>, %arg13: memref<2000x1xf32, #tpu.memory_space<vmem>>) attributes {dimension_semantics = [#tpu.dimension_semantics<arbitrary>], iteration_bounds = array<i64: 5>, scalar_prefetch = 0 : i64, scratch_operands = 0 : i64, tpu.core_type = #tpu.core_type<tc>, window_params = [{transform_indices = @transform_0, window_bounds = array<i64: 2000, 128>}, {transform_indices = @transform_1, window_bounds = array<i64: 2000, 128>}, {transform_indices = @transform_2, window_bounds = array<i64: 2000, 1>}, {pipeline_mode = #tpu.pipeline_mode<synchronous>, transform_indices = @transform_3, window_bounds = array<i64: 128, 128>}, {pipeline_mode = #tpu.pipeline_mode<synchronous>, transform_indices = @transform_4, window_bounds = array<i64: 1, 128>}, {pipeline_mode = #tpu.pipeline_mode<synchronous>, transform_indices = @transform_5, window_bounds = array<i64: 128, 1>}, {pipeline_mode = #tpu.pipeline_mode<synchronous>, transform_indices = @transform_6, window_bounds = array<i64: 1, 1>}, {pipeline_mode = #tpu.pipeline_mode<synchronous>, transform_indices = @transform_7, window_bounds = array<i64: 128, 128>}, {pipeline_mode = #tpu.pipeline_mode<synchronous>, transform_indices = @transform_8, window_bounds = array<i64: 1, 128>}, {pipeline_mode = #tpu.pipeline_mode<synchronous>, transform_indices = @transform_9, window_bounds = array<i64: 128, 1>}, {pipeline_mode = #tpu.pipeline_mode<synchronous>, transform_indices = @transform_10, window_bounds = array<i64: 1, 1>}, {transform_indices = @transform_11, window_bounds = array<i64: 2000, 1>}, {transform_indices = @transform_12, window_bounds = array<i64: 2000, 1>}]} {
    %get3A = arith.constant 0 : index
    %get3A_0 = arith.constant 0 : index
    %get3A_1 = vector.load %arg3[%get3A, %get3A_0] : memref<2000x1xf32, #tpu.memory_space<vmem>>, vector<2000x1xf32>
    %get3A_2 = arith.constant 0 : index
    %get3A_3 = arith.constant 0 : index
    %get3A_4 = vector.load %arg1[%get3A_2, %get3A_3] : memref<2000x128xf32, #tpu.memory_space<vmem>>, vector<2000x128xf32>
    %get3A_5 = arith.constant 0 : index
    %get3A_6 = arith.constant 0 : index
    %get3A_7 = vector.load %arg2[%get3A_5, %get3A_6] : memref<2000x128xf32, #tpu.memory_space<vmem>>, vector<2000x128xf32>
    %add3A = arith.addf %get3A_4, %get3A_7 : vector<2000x128xf32>
    %mul3A = vector.broadcast %get3A_1 : vector<2000x1xf32> to vector<2000x128xf32>
    %mul3A_8 = arith.mulf %add3A, %mul3A : vector<2000x128xf32>
    %get3A_9 = arith.constant 0 : index
    %get3A_10 = arith.constant 0 : index
    %get3A_11 = vector.load %arg4[%get3A_9, %get3A_10] : memref<128x128xf32, #tpu.memory_space<vmem>>, vector<128x128xf32>
    %dot_general3A = arith.constant dense<0.000000e+00> : vector<2000x128xf32>
    %dot_general3A_12 = tpu.matmul %mul3A_8, %get3A_11, %dot_general3A {dimension_numbers = #tpu.dot_dimension_numbers<[1], [0], [0], [1], [0, 0, 1, 1], [], []>, transpose_lhs_hint = false} : vector<2000x128xf32>, vector<128x128xf32>, vector<2000x128xf32> -> vector<2000x128xf32>
    %get3A_13 = arith.constant 0 : index
    %get3A_14 = arith.constant 0 : index
    %get3A_15 = vector.load %arg5[%get3A_13, %get3A_14] : memref<1x128xf32, #tpu.memory_space<vmem>>, vector<1x128xf32>
    %add3A_16 = vector.broadcast %get3A_15 : vector<1x128xf32> to vector<2000x128xf32>
    %add3A_17 = arith.addf %dot_general3A_12, %add3A_16 : vector<2000x128xf32>
    %max3A = arith.constant 0.000000e+00 : f32
    %max3A_18 = vector.broadcast %max3A : f32 to vector<2000x128xf32>
    %max3A_19 = arith.maximumf %add3A_17, %max3A_18 : vector<2000x128xf32>
    %get3A_20 = arith.constant 0 : index
    %get3A_21 = arith.constant 0 : index
    %get3A_22 = vector.load %arg6[%get3A_20, %get3A_21] : memref<128x1xf32, #tpu.memory_space<vmem>>, vector<128x1xf32>
    %dot_general3A_23 = arith.constant dense<0.000000e+00> : vector<2000x1xf32>
    %dot_general3A_24 = tpu.matmul %max3A_19, %get3A_22, %dot_general3A_23 {dimension_numbers = #tpu.dot_dimension_numbers<[1], [0], [0], [1], [0, 0, 1, 1], [], []>, transpose_lhs_hint = false} : vector<2000x128xf32>, vector<128x1xf32>, vector<2000x1xf32> -> vector<2000x1xf32>
    %get3A_25 = arith.constant 0 : index
    %get3A_26 = arith.constant 0 : index
    %get3A_27 = vector.load %arg7[%get3A_25, %get3A_26] : memref<1x1xf32, #tpu.memory_space<vmem>>, vector<1x1xf32>
    %add3A_28 = vector.broadcast %get3A_27 : vector<1x1xf32> to vector<2000x1xf32>
    %add3A_29 = arith.addf %dot_general3A_24, %add3A_28 : vector<2000x1xf32>
    %mul3A_30 = arith.mulf %add3A_29, %get3A_1 : vector<2000x1xf32>
    %swap3A = arith.constant 0 : index
    %swap3A_31 = arith.constant 0 : index
    %swap3A_32 = vector.load %arg12[%swap3A, %swap3A_31] : memref<2000x1xf32, #tpu.memory_space<vmem>>, vector<2000x1xf32>
    tpu.vector_store %arg12[%swap3A, %swap3A_31], %mul3A_30 {strides = array<i32>} : memref<2000x1xf32, #tpu.memory_space<vmem>>, vector<2000x1xf32>,
    %get3A_33 = arith.constant 0 : index
    %get3A_34 = arith.constant 0 : index
    %get3A_35 = vector.load %arg8[%get3A_33, %get3A_34] : memref<128x128xf32, #tpu.memory_space<vmem>>, vector<128x128xf32>
    %dot_general3A_36 = arith.constant dense<0.000000e+00> : vector<2000x128xf32>
    %dot_general3A_37 = tpu.matmul %mul3A_8, %get3A_35, %dot_general3A_36 {dimension_numbers = #tpu.dot_dimension_numbers<[1], [0], [0], [1], [0, 0, 1, 1], [], []>, transpose_lhs_hint = false} : vector<2000x128xf32>, vector<128x128xf32>, vector<2000x128xf32> -> vector<2000x128xf32>
    %get3A_38 = arith.constant 0 : index
    %get3A_39 = arith.constant 0 : index
    %get3A_40 = vector.load %arg9[%get3A_38, %get3A_39] : memref<1x128xf32, #tpu.memory_space<vmem>>, vector<1x128xf32>
    %add3A_41 = vector.broadcast %get3A_40 : vector<1x128xf32> to vector<2000x128xf32>
    %add3A_42 = arith.addf %dot_general3A_37, %add3A_41 : vector<2000x128xf32>
    %max3A_43 = arith.constant 0.000000e+00 : f32
    %max3A_44 = vector.broadcast %max3A_43 : f32 to vector<2000x128xf32>
    %max3A_45 = arith.maximumf %add3A_42, %max3A_44 : vector<2000x128xf32>
    %get3A_46 = arith.constant 0 : index
    %get3A_47 = arith.constant 0 : index
    %get3A_48 = vector.load %arg10[%get3A_46, %get3A_47] : memref<128x1xf32, #tpu.memory_space<vmem>>, vector<128x1xf32>
    %dot_general3A_49 = arith.constant dense<0.000000e+00> : vector<2000x1xf32>
    %dot_general3A_50 = tpu.matmul %max3A_45, %get3A_48, %dot_general3A_49 {dimension_numbers = #tpu.dot_dimension_numbers<[1], [0], [0], [1], [0, 0, 1, 1], [], []>, transpose_lhs_hint = false} : vector<2000x128xf32>, vector<128x1xf32>, vector<2000x1xf32> -> vector<2000x1xf32>
    %get3A_51 = arith.constant 0 : index
    %get3A_52 = arith.constant 0 : index
    %get3A_53 = vector.load %arg11[%get3A_51, %get3A_52] : memref<1x1xf32, #tpu.memory_space<vmem>>, vector<1x1xf32>
    %add3A_54 = vector.broadcast %get3A_53 : vector<1x1xf32> to vector<2000x1xf32>
    %add3A_55 = arith.addf %dot_general3A_50, %add3A_54 : vector<2000x1xf32>
    %mul3A_56 = arith.mulf %add3A_55, %get3A_1 : vector<2000x1xf32>
    %swap3A_57 = arith.constant 0 : index
    %swap3A_58 = arith.constant 0 : index
    %swap3A_59 = vector.load %arg13[%swap3A_57, %swap3A_58] : memref<2000x1xf32, #tpu.memory_space<vmem>>, vector<2000x1xf32>
    tpu.vector_store %arg13[%swap3A_57, %swap3A_58], %mul3A_56 {strides = array<i32>} : memref<2000x1xf32, #tpu.memory_space<vmem>>, vector<2000x1xf32>,
    return
  }
  func.func @transform_0(%arg0: i32) -> (i32, i32) {
    %c0_i32 = arith.constant 0 : i32
    %c0_i32_0 = arith.constant 0 : i32
    return %arg0, %c0_i32 : i32, i32
  }
  func.func @transform_1(%arg0: i32) -> (i32, i32) {
    %c0_i32 = arith.constant 0 : i32
    %c0_i32_0 = arith.constant 0 : i32
    return %arg0, %c0_i32 : i32, i32
  }
  func.func @transform_2(%arg0: i32) -> (i32, i32) {
    %c0_i32 = arith.constant 0 : i32
    %c0_i32_0 = arith.constant 0 : i32
    return %arg0, %c0_i32 : i32, i32
  }
  func.func @transform_3(%arg0: i32) -> (i32, i32) {
    %c0_i32 = arith.constant 0 : i32
    %c0_i32_0 = arith.constant 0 : i32
    %c0_i32_1 = arith.constant 0 : i32
    return %c0_i32, %c0_i32_0 : i32, i32
  }
  func.func @transform_4(%arg0: i32) -> (i32, i32) {
    %c0_i32 = arith.constant 0 : i32
    %c0_i32_0 = arith.constant 0 : i32
    %c0_i32_1 = arith.constant 0 : i32
    return %c0_i32, %c0_i32_0 : i32, i32
  }
  func.func @transform_5(%arg0: i32) -> (i32, i32) {
    %c0_i32 = arith.constant 0 : i32
    %c0_i32_0 = arith.constant 0 : i32
    %c0_i32_1 = arith.constant 0 : i32
    return %c0_i32, %c0_i32_0 : i32, i32
  }
  func.func @transform_6(%arg0: i32) -> (i32, i32) {
    %c0_i32 = arith.constant 0 : i32
    %c0_i32_0 = arith.constant 0 : i32
    %c0_i32_1 = arith.constant 0 : i32
    return %c0_i32, %c0_i32_0 : i32, i32
  }
  func.func @transform_7(%arg0: i32) -> (i32, i32) {
    %c0_i32 = arith.constant 0 : i32
    %c0_i32_0 = arith.constant 0 : i32
    %c0_i32_1 = arith.constant 0 : i32
    return %c0_i32, %c0_i32_0 : i32, i32
  }
  func.func @transform_8(%arg0: i32) -> (i32, i32) {
    %c0_i32 = arith.constant 0 : i32
    %c0_i32_0 = arith.constant 0 : i32
    %c0_i32_1 = arith.constant 0 : i32
    return %c0_i32, %c0_i32_0 : i32, i32
  }
  func.func @transform_9(%arg0: i32) -> (i32, i32) {
    %c0_i32 = arith.constant 0 : i32
    %c0_i32_0 = arith.constant 0 : i32
    %c0_i32_1 = arith.constant 0 : i32
    return %c0_i32, %c0_i32_0 : i32, i32
  }
  func.func @transform_10(%arg0: i32) -> (i32, i32) {
    %c0_i32 = arith.constant 0 : i32
    %c0_i32_0 = arith.constant 0 : i32
    %c0_i32_1 = arith.constant 0 : i32
    return %c0_i32, %c0_i32_0 : i32, i32
  }
  func.func @transform_11(%arg0: i32) -> (i32, i32) {
    %c0_i32 = arith.constant 0 : i32
    %c0_i32_0 = arith.constant 0 : i32
    return %arg0, %c0_i32 : i32, i32
  }
  func.func @transform_12(%arg0: i32) -> (i32, i32) {
    %c0_i32 = arith.constant 0 : i32
    %c0_i32_0 = arith.constant 0 : i32
    return %arg0, %c0_i32 : i32, i32
  }
}

</mosaic_0001>

<sc_bundles>
// kernel: kernel.10.cloned.1.call-start
scs
__scs_entry_jumppad:
0x0: {  	(pc) =	sbr.rel $0x88, $3  }
0x1: {  	(tag) =	ssettag $0x0;
	lr =	simm.s32 $0x1  }
0x2: {  	[smem:$0x3F97] =	sst lr;
	_ =	strace $0xD0000000  }
0x3: {  	_ = 	snop  }
0x4: {  	_ = 	snop  }
0x5: {  	_ = 	snop  }
0x6: {  	_ = 	snop  }
0x7: {  	_ = 	snop  }
__scs_overlays_trampoline_lowered:
0x8: {  	[smem:$0x3FA6] =	sst s0  }
0x9: {  	[smem:$0x3FA7] =	sst s1  }
0xa: {  	[smem:$0x3FA8] =	sst s2  }
0xb: {  	[smem:$0x3FA9] =	sst s3  }
0xc: {  	[smem:$0x3FAA] =	sst s4  }
0xd: {  	[smem:$0x3FAB] =	sst s5  }
0xe: {  	[smem:$0x3FAC] =	sst s6  }
0xf: {  	[smem:$0x3FAD] =	sst s7  }
0x10: {  	[smem:$0x3FAE] =	sst s8  }
0x11: {  	[smem:$0x3FAF] =	sst s9;
	s0 =	simm.s32 @!p0 $0x0  }
0x12: {  	s1 =	sld [smem:$0x3F95];
	s0 =	simm.s32 @p0 $0x1  }
0x13: {  	[smem:$0x3FB0] =	sst s0;
	s0 =	simm.s32 @!p1 $0x0  }
0x14: {  	s2 =	sld [smem:$0x3F94];
	s0 =	simm.s32 @p1 $0x1  }
0x15: {  	[smem:$0x3FB1] =	sst s0;
	s0 =	simm.s32 @!p2 $0x0  }
0x16: {  	s3 =	sld [smem:$0x3FDB];
	s0 =	simm.s32 @p2 $0x1  }
0x17: {  	s4 =	simm.s32 $0x1BF5;
	[smem:$0x3FB3] =	sst s0  }
0x18: {  	s0 =	sld [smem:$0x3F96];
	_ =	swait.ge [sflag:s4], $0x0  }
0x19: {  	s7 =	sld [smem:$0x3F97]  }
0x1a: {  	s8 =	sadd.s32 $0xFFFFE003, lr  }
0x1b: {  	s9 =	sadd.s32 $0xFFFFFEF7, lr;
	s5 =	simm.s32 $0xFFFFFFFF;
	p2 =	slt.u32 s8, $0xFFFFF086  }
0x1c: {  	p1 =	slt.u32 s9, $0xF7A;
	s5 =	simm.s32 @!p2 $0x0  }
0x1d: {  	s5 =	simm.s32 @p1 $0x1;
	p0 =	seq.s32 s7, s2  }
0x1e: {  	s7 =	smul.u32 @!p0 $0xF7A, s2;
	p2 =	seq.s32 @!p0 s5, $0x0  }
0x1f: {  	s9 =	smul.u32 $0xF7A, s1;
	s8 =	simm.s32 @!p0 $0x1BF5;
	p2 =	por !p2, p0  }
0x20: {  	[sflag:s8] =	ssyncset.s32 @!p0 $0xFFFFF086;
	s6 =	sadd.s32 @!p0 s3, s7;
	s7 =	simm.s32 @!p0 $0x108  }
0x21: {  	s3 =	sadd.s32 s3, s9;
	s6 =	sadd.s32 @!p0 $0x88, s6;
	s7 =	simm.s32 @p2 $0x1082  }
0x22: {  	[simem:s7], [sflag:s8] =	dma.local @!p0 [hbm:s6], $0xF7A  }
0x23: {  	s9 =	sor.u32 $0xD0000000, s2;
	s6 =	simm.s32 $0x108;
	_ =	swait.ge @!p0 [sflag:s8], $0x0  }
0x24: {  	s3 =	sadd.s32 $0x88, s3;
	s6 =	simm.s32 @!p1 $0x1082;
	[sflag:s4] =	ssyncset.s32 $0xFFFFF086  }
0x25: {  	[simem:s6], [sflag:s4] =	dma.local [hbm:s3], $0xF7A  }
0x26: {  	[smem:$0x3F97] =	sst s1;
	(tag) =	ssettag s2;
	_ =	strace s9  }
0x27: {  	s1 =	sld [smem:$0x3FA7]  }
0x28: {  	s2 =	sld [smem:$0x3FA8]  }
0x29: {  	s4 =	sld [smem:$0x3FAA]  }
0x2a: {  	p0 =	seq.s32 s5, $0x0;
	s5 =	sld [smem:$0x3FAB]  }
0x2b: {  	s6 =	sld [smem:$0x3FAC]  }
0x2c: {  	s7 =	sld [smem:$0x3FAD]  }
0x2d: {  	s3 =	simm.s32 $0x108;
	s8 =	sld [smem:$0x3FAE]  }
0x2e: {  	s3 =	simm.s32 @!p0 $0x1082;
	s9 =	sld [smem:$0x3FAF]  }
0x2f: {  	lr =	sadd.s32 s0, s3;
	s0 =	sld [smem:$0x3FA6]  }
0x30: {  	s3 =	sld [smem:$0x3FA9]  }
0x31: {  	[smem:$0x3FB2] =	sst s10  }
0x32: {  	s10 =	sld [smem:$0x3FB0];
	_ =	sdelay $0x3  }
0x33: {  	p0 =	seq.s32 s10, $0x1;
	s10 =	sld [smem:$0x3FB2];
	_ =	sdelay $0x3  }
0x34: {  	[smem:$0x3FB2] =	sst s10  }
0x35: {  	s10 =	sld [smem:$0x3FB1];
	_ =	sdelay $0x3  }
0x36: {  	p1 =	seq.s32 s10, $0x1;
	s10 =	sld [smem:$0x3FB2];
	_ =	sdelay $0x3  }
0x37: {  	[smem:$0x3FB2] =	sst s10  }
0x38: {  	s10 =	sld [smem:$0x3FB3]  }
0x39: {  	_ = 	snop;
	(pc) =	sbr.ind lr, $3  }
0x3a: {  	_ = 	snop  }
0x3b: {  	_ = 	snop  }
0x3c: {  	p2 =	seq.s32 s10, $0x1;
	s10 =	sld [smem:$0x3FB2]  }
0x3d: {  	_ =	shalt  }
0x3e: {  	_ =	shalt  }
0x3f: {  	_ =	shalt  }
0x40: {  	_ =	shalt  }
0x41: {  	_ =	shalt  }
0x42: {  	_ =	shalt  }
0x43: {  	_ =	shalt  }
0x44: {  	_ =	shalt  }
0x45: {  	_ =	shalt  }
0x46: {  	_ =	shalt  }
0x47: {  	_ =	shalt  }
0x48: {  	_ =	shalt  }
0x49: {  	_ =	shalt  }
0x4a: {  	_ =	shalt  }
0x4b: {  	_ =	shalt  }
0x4c: {  	_ =	shalt  }
0x4d: {  	_ =	shalt  }
0x4e: {  	_ =	shalt  }
0x4f: {  	_ =	shalt  }
0x50: {  	_ =	shalt  }
0x51: {  	_ =	shalt  }
0x52: {  	_ =	shalt  }
0x53: {  	_ =	shalt  }
0x54: {  	_ =	shalt  }
0x55: {  	_ =	shalt  }
0x56: {  	_ =	shalt  }
0x57: {  	_ =	shalt  }
0x58: {  	_ =	shalt  }
0x59: {  	_ =	shalt  }
0x5a: {  	_ =	shalt  }
0x5b: {  	_ =	shalt  }
0x5c: {  	_ =	shalt  }
0x5d: {  	_ =	shalt  }
0x5e: {  	_ =	shalt  }
0x5f: {  	_ =	shalt  }
0x60: {  	_ =	shalt  }
0x61: {  	_ =	shalt  }
0x62: {  	_ =	shalt  }
0x63: {  	_ =	shalt  }
0x64: {  	_ =	shalt  }
0x65: {  	_ =	shalt  }
0x66: {  	_ =	shalt  }
0x67: {  	_ =	shalt  }
0x68: {  	_ =	shalt  }
0x69: {  	_ =	shalt  }
0x6a: {  	_ =	shalt  }
0x6b: {  	_ =	shalt  }
0x6c: {  	_ =	shalt  }
0x6d: {  	_ =	shalt  }
0x6e: {  	_ =	shalt  }
0x6f: {  	_ =	shalt  }
0x70: {  	_ =	shalt  }
0x71: {  	_ =	shalt  }
0x72: {  	_ =	shalt  }
0x73: {  	_ =	shalt  }
0x74: {  	_ =	shalt  }
0x75: {  	_ =	shalt  }
0x76: {  	_ =	shalt  }
0x77: {  	_ =	shalt  }
0x78: {  	_ =	shalt  }
0x79: {  	_ =	shalt  }
0x7a: {  	_ =	shalt  }
0x7b: {  	_ =	shalt  }
0x7c: {  	_ =	shalt  }
0x7d: {  	_ =	shalt  }
0x7e: {  	_ =	shalt  }
0x7f: {  	_ =	shalt  }
0x80: {  	_ =	shalt  }
0x81: {  	_ =	shalt  }
0x82: {  	_ =	shalt  }
0x83: {  	_ =	shalt  }
0x84: {  	_ =	shalt  }
0x85: {  	_ =	shalt  }
0x86: {  	_ =	shalt  }
0x87: {  	_ =	shalt  }
.Lfunc_end0:
.L_simem_size_0:
called_computation.1_lowered:
.L_overlay_start_0:
0x88: {  	s2 =	sld [smem:$0x3FD9]  }
0x89: {  	s3 =	sld [smem:$0x3FFE];
	_ =	sdelay $0x1  }
0x8a: {  	s1 =	srdreg.scid  }
0x8b: {  	s0 =	sand.u32 $0x1, s1  }
0x8c: {  	s16 =	sshll.u32 s0, $0xA;
	s2 =	sadd.s32 s3, s2  }
0x8d: {  	s2 =	sadd.s32 s2, s16  }
0x8e: {  	[smem:$0x3FBE] =	sst s2  }
0x8f: {  	_ = 	snop  }
0x90: {  	(tm) =	ssettm $0x1  }
0x91: {  	s17 =	sld [smem:$0x3FFB];
	_ =	sdelay $0x3  }
0x92: {  	_ =	strace s17  }
0x93: {  	s2 =	sld [smem:$0x3FFC];
	_ =	sdelay $0x3  }
0x94: {  	_ =	strace s2  }
0x95: {  	s2 =	sld [smem:$0x3FFD];
	_ =	sdelay $0x3  }
0x96: {  	_ =	strace s2  }
0x97: {  	_ =	strace $0x8FFFFFFF  }
0x98: {  	s18 =	sld [smem:$0x3FDB];
	_ =	sdelay $0x1  }
0x99: {  	s19 =	simm.s32 $_scs_section_size  }
0x9a: {  	s4 =	simm.s32 $_size__tile_overlayer_lowered;
	s5 =	simm.s32 $_tile_overlayer_lowered  }
0x9b: {  	s22 =	simm.s32 $0x1BFF;
	s21 =	sshll.u32 s5, $0x1;
	s2 =	sadd.s32 s19, s18  }
0x9c: {  	s6 =	simm.s32 $0x0;
	s20 =	sshll.u32 s4, $0x1;
	s4 =	sadd.s32 s21, s2  }
0x9d: {  	[timem:s6], [sflag:s22] =	dma.local [hbm:s4], s20  }
0x9e: {  	_ =	swait.ge [sflag:s22], s20  }
0x9f: {  	s3 =	ssub.s32 $0x0, s20;
	[sflag:s22] =	ssyncset.done $0x0  }
0xa0: {  	[sflag:s22] =	ssyncadd.s32 s3;
	_ =	sdelay $0x1  }
0xa1: {  	s23 =	simm.s32 $0x1B8B  }
0xa2: {  	_ =	swait.ge [sflag:s23], $0x1  }
0xa3: {  	[sflag:s23] =	ssyncset.done $0x0  }
0xa4: {  	s25 =	simm.s32 $0x1B8E;
	s24 =	sld [smem:$0x3FFE];
	[sflag:s23] =	ssyncadd.s32 $0xFFFFFFFF  }
0xa5: {  	s26 =	simm.s32 $execute0_lowered;
	[smem:$0x3FD2] =	sst s25  }
0xa6: {  	s4 =	sshll.u32 s26, $0x1;
	_ =	strace $0x80000049;
	[dreg:$0x1] =	wrdreg $0xFFFFFFFF  }
0xa7: {  	s28 =	simm.s32 $_size_execute0_lowered;
	s2 =	sadd.s32 s2, s4;
	[dreg:$0x0] =	wrdreg $0x0  }
0xa8: {  	s4 =	sshll.u32 s28, $0x1;
	[dreg:$0x2] =	wrdreg s2  }
0xa9: {  	[dreg:$0x3] =	wrdreg s4  }
0xaa: {  	[dreg:$0x4] =	wrdreg $0xC0  }
0xab: {  	_ =	task [dreg:s6], $0x5FFFF  }
0xac: {  	[dreg:$0x1] =	wrdreg $0xFFFFFFFF  }
0xad: {  	[dreg:$0x0] =	wrdreg $0x60  }
0xae: {  	[dreg:$0x2] =	wrdreg s24  }
0xaf: {  	[dreg:$0x3] =	wrdreg $0x0  }
0xb0: {  	[dreg:$0x4] =	wrdreg $0x9  }
0xb1: {  	_ =	task.clear_ibuf [dreg:s6], $0x5FFFF;
	_ =	strace $0x90000049  }
0xb2: {  	s29 =	simm.s32 $0x9;
	_ =	strace $0x8000004B  }
0xb3: {  	_ =	swait.ge [sflag:s29], $0x1  }
0xb4: {  	[sflag:s29] =	ssyncadd.s32 $0xFFFFFFFF  }
0xb5: {  	_ =	strace $0x9000004B  }
0xb6: {  	_ =	sfence  }
0xb7: {  	s30 =	sld [smem:$0x0];
	_ =	sdelay $0x2  }
0xb8: {  	s31 =	sshll.u32 s1, $0xD;
	s1 =	sshrl.u32 s1, $0x2  }
0xb9: {  	s3 =	sand.u32 $0x4000, s31;
	s1 =	sadd.s32 s1, s30  }
0xba: {  	s0 =	sor.u32 s3, s0;
	s1 =	sshll.u32 s1, $0x11  }
0xbb: {  	s0 =	sor.u32 s1, s0  }
0xbc: {  	s0 =	sadd.s32 $0x8F2B, s0  }
0xbd: {  	[sflag:s0] =	ssyncadd.remote.s32 $0x1  }
0xbe: {  	_ =	sfence.sel $0xFFFF  }
0xbf: {  	[dreg:$0x0] =	wrdreg $0xFFFFFFFF;
	(pc) =	sbr.abs _section_cstart, $3  }
0xc0: {  	[dreg:$0x1] =	wrdreg $0xFFFFFFFF  }
0xc1: {  	_ =	task.clear_ibuf [dreg:s6], $0x2FFFF;
	_ =	strace $0x9FFFFFFF  }
0xc2: {  	(tm) =	ssettm $0x7FFFFFFF  }
0xc3: {  	_ =	shalt  }
tec
execute0_lowered:
.L_overlay_start_1:
0x0: {  	(tag) =	ssettag $0x1  }
0x1: {  	s0 =	srdreg.scid;
	s15 =	stileid.u32  }
0x2: {  	s3 =	simm.s32 $0x0;
	s19 =	rddreg [dreg:$0x1];
	s28 =	simm.s32 $0x2  }
0x3: {  	s29 =	simm.s32 $0x15480;
	s30 =	simm.s32 $0x5;
	s1 =	sand.u32 $0x1, s0  }
0x4: {  	[smem:$0x7FF] =	sst s3;
	s9 =	smul.u32 $0x14000, s15;
	s0 =	sshll.u32 s1, $0x4  }
0x5: {  	s4 =	ssub.s32 $0x2, s1;
	s1 =	smul.u32 $0x140000, s1;
	s2 =	sor.u32 s15, s0  }
0x6: {  	s31 =	simm.s32 $0x14200;
	s0 =	rddreg [dreg:$0x0];
	s2 =	smul.u32 $0x5000, s2  }
0x7: {  	s6 =	sshrl.u32 s4, $0x1;
	s18 =	sadd.s32 $0x8000, s9;
	s21 =	sadd.s32 $0xC400, s0  }
0x8: {  	s5 =	sadd.s32 $0x20400, s0;
	s7 =	sadd.s32 $0x83600, s0;
	s2 =	sshrl.u32 s2, $0x3  }
0x9: {  	s4 =	ssub.s32 s4, s6;
	s10 =	sadd.s32 s1, s9;
	s22 =	sadd.s32 s21, s2  }
0xa: {  	s23 =	sadd.s32 s5, s2;
	s24 =	sadd.s32 $0x280, s2;
	[dreg:$0x3] =	wrdreg s22  }
0xb: {  	s20 =	sadd.s32 s1, s18;
	[dreg:$0x4] =	wrdreg s23;
	s8 =	sadd.s32 s21, s24  }
0xc: {  	s25 =	sadd.s32 $0x500, s2;
	s6 =	sadd.s32 s5, s24;
	[dreg:$0x5] =	wrdreg s8  }
0xd: {  	s2 =	sadd.s32 $0x780, s2;
	s26 =	sadd.s32 s21, s25;
	[dreg:$0x6] =	wrdreg s6  }
0xe: {  	s18 =	sadd.s32 s18, s19;
	s3 =	sadd.s32 s21, s2;
	[dreg:$0x7] =	wrdreg s26  }
0xf: {  	s11 =	sshrl.u32 s10, $0x3;
	s2 =	sadd.s32 s5, s2;
	[dreg:$0x9] =	wrdreg s3  }
0x10: {  	s10 =	sadd.s32 $0xA000, s9;
	s8 =	sadd.s32 s5, s25;
	[dreg:$0xa] =	wrdreg s2  }
0x11: {  	s3 =	sor.u32 $0x2000, s9;
	s2 =	sadd.s32 s7, s11;
	s5 =	sadd.s32 $0x4000, s9  }
0x12: {  	s11 =	sadd.s32 s1, s10;
	s26 =	smul.u32 $0x50000, s15;
	[dreg:$0x8] =	wrdreg s8  }
0x13: {  	[dreg:$0xb] =	wrdreg s2;
	s12 =	sadd.s32 s1, s3;
	s13 =	sadd.s32 s1, s5  }
0x14: {  	s8 =	sadd.s32 $0x6000, s9;
	s21 =	sshrl.u32 s11, $0x3;
	s11 =	sadd.s32 $0xE000, s9  }
0x15: {  	s15 =	sadd.s32 s3, s19;
	s2 =	sshrl.u32 s12, $0x3;
	s14 =	sshrl.u32 s13, $0x3  }
0x16: {  	s16 =	sadd.s32 s1, s8;
	s12 =	sadd.s32 $0xC000, s9;
	s24 =	sadd.s32 s1, s11  }
0x17: {  	s13 =	sadd.s32 $0x10000, s9;
	s9 =	sadd.s32 $0x12000, s9;
	s2 =	sadd.s32 s7, s2  }
0x18: {  	s17 =	sshrl.u32 s16, $0x3;
	[dreg:$0xc] =	wrdreg s2;
	s2 =	sadd.s32 s7, s14  }
0x19: {  	s22 =	sadd.s32 s1, s12;
	[dreg:$0xd] =	wrdreg s2;
	s2 =	sadd.s32 s7, s17  }
0x1a: {  	s16 =	sadd.s32 s5, s19;
	[dreg:$0xe] =	wrdreg s2;
	s2 =	sshrl.u32 s20, $0x3  }
0x1b: {  	s23 =	sshrl.u32 s22, $0x3;
	s14 =	sadd.s32 s1, s13;
	s2 =	sadd.s32 s7, s2  }
0x1c: {  	s1 =	sadd.s32 s1, s9;
	[dreg:$0xf] =	wrdreg s2;
	s2 =	sadd.s32 s7, s21  }
0x1d: {  	s1 =	sshrl.u32 s1, $0x3;
	[dreg:$0x10] =	wrdreg s2;
	s2 =	sadd.s32 s7, s23  }
0x1e: {  	s1 =	sadd.s32 s7, s1;
	[dreg:$0x11] =	wrdreg s2;
	s2 =	sshrl.u32 s24, $0x3  }
0x1f: {  	s25 =	sshrl.u32 s14, $0x3;
	[dreg:$0x14] =	wrdreg s1;
	s2 =	sadd.s32 s7, s2  }
0x20: {  	s22 =	sadd.s32 $0x34400, s0;
	[dreg:$0x12] =	wrdreg s2;
	s2 =	sadd.s32 s7, s25  }
0x21: {  	s0 =	sshrl.u32 s15, $0x3;
	s14 =	smax.u32 s4, $0x1;
	[dreg:$0x13] =	wrdreg s2  }
0x22: {  	s17 =	sadd.s32 s8, s19;
	_ =	strace $0x8000004A;
	[dreg:$0x15] =	wrdreg s14  }
0x23: {  	s20 =	sadd.s32 s10, s19;
	s1 =	sshrl.u32 s16, $0x3;
	[dreg:$0x16] =	wrdreg s0  }
0x24: {  	s7 =	sshrl.u32 s26, $0x2;
	s2 =	sshrl.u32 s17, $0x3;
	[dreg:$0x17] =	wrdreg s1  }
0x25: {  	s26 =	sadd.s32 s9, s19;
	s9 =	sshrl.u32 s18, $0x3;
	[dreg:$0x18] =	wrdreg s2  }
0x26: {  	s10 =	sshrl.u32 s20, $0x3;
	s21 =	sadd.s32 s12, s19;
	[dreg:$0x19] =	wrdreg s9  }
0x27: {  	s24 =	sadd.s32 s11, s19;
	s11 =	sshrl.u32 s21, $0x3;
	[dreg:$0x1a] =	wrdreg s10  }
0x28: {  	s12 =	sshrl.u32 s24, $0x3;
	s25 =	sadd.s32 s13, s19;
	[dreg:$0x1b] =	wrdreg s11  }
0x29: {  	s6 =	simm.s32 $0x8;
	s13 =	sshrl.u32 s25, $0x3;
	[dreg:$0x1c] =	wrdreg s12  }
0x2a: {  	s23 =	sadd.s32 s7, s19;
	[dreg:$0x1d] =	wrdreg s13;
	s14 =	sshrl.u32 s26, $0x3  }
0x2b: {  	s3 =	simm.s32 $0x4;
	s15 =	sadd.s32 $0x2000, s23;
	[dreg:$0x1e] =	wrdreg s14  }
0x2c: {  	s5 =	simm.s32 $0x7;
	s16 =	sadd.s32 $0x4000, s23;
	[dreg:$0x1f] =	wrdreg s15  }
0x2d: {  	s4 =	simm.s32 $0x15580;
	s17 =	sadd.s32 $0x6000, s23;
	[smem:$0x7F6] =	sst s16  }
0x2e: {  	s7 =	simm.s32 $0x0;
	s18 =	sadd.s32 $0x8000, s23;
	[smem:$0x7F7] =	sst s17  }
0x2f: {  	s20 =	sadd.s32 $0xA000, s23;
	s21 =	sadd.s32 $0xC000, s23;
	[smem:$0x7F8] =	sst s18  }
0x30: {  	s24 =	sadd.s32 $0xE000, s23;
	s25 =	sadd.s32 $0x10000, s23;
	[smem:$0x7F9] =	sst s20  }
0x31: {  	s26 =	sadd.s32 $0x12000, s23;
	s11 =	simm.s32 $0x16800;
	[smem:$0x7FA] =	sst s21  }
0x32: {  	s12 =	simm.s32 $0x9;
	s13 =	simm.s32 $0x14000;
	[smem:$0x7FB] =	sst s24  }
.Ltmp0:
0x33: {  	s0 =	simm.s32 $0x14280;
	[smem:$0x7FC] =	sst s25;
	(pc) =	sbr.rel .LBB2_1-.Ltmp0, $4  }
0x34: {  	s1 =	simm.s32 $0x3;
	s2 =	simm.s32 $0x15500;
	[smem:$0x7FD] =	sst s26  }
0x35: {  	s14 =	simm.s32 $0x15400;
	s15 =	simm.s32 $0x40;
	s17 =	simm.s32 $0x18800  }
0x36: {  	s20 =	simm.s32 $0x14100;
	s21 =	simm.s32 $0x1A800;
	s24 =	simm.s32 $0x14180  }
0x37: {  	v0 =	vimm.f32 $0.0e+00;
	s25 =	simm.s32 $0x1C800;
	s26 =	simm.s32 $0x1;
	s18 =	simm.s32 $0x6  }
.LBB2_17:
0x38: {  	_ =	swait.ge [sflag:s30], $0x2000  }
0x39: {  	[sflag:s30] =	ssyncset.done $0x0  }
0x3a: {  	[sflag:s30] =	ssyncadd.s32 $0xFFFFE000  }
0x3b: {  	_ =	swait.ge [sflag:s18], $0x2000  }
0x3c: {  	[sflag:s18] =	ssyncset.done $0x0  }
0x3d: {  	[sflag:s18] =	ssyncadd.s32 $0xFFFFE000  }
0x3e: {  	_ =	swait.ge [sflag:s1], $0x2000  }
0x3f: {  	[sflag:s1] =	ssyncset.done $0x0  }
0x40: {  	s8 =	sadd.s32 $0x15700, s9;
	[sflag:s1] =	ssyncadd.s32 $0xFFFFE000  }
0x41: {  	[spmem:s19] =	stream.indirect.scatter.add.f32 [tilespmem:s21], [sflag:$0x7], $0x80, s8, s15, $0xb8;
	[tilespmem:$0x1E800] =	vst v63  }
0x42: {  	_ =	swait.ge [sflag:s3], $0x2000  }
0x43: {  	[sflag:s3] =	ssyncset.done $0x0  }
0x44: {  	s16 =	sadd.s32 $0x15780, s9;
	[sflag:s3] =	ssyncadd.s32 $0xFFFFE000  }
0x45: {  	[spmem:s19] =	stream.indirect.scatter.add.f32 [tilespmem:s25], [sflag:$0x8], $0x80, s16, s15, $0xb8;
	[tilespmem:$0x1E800] =	vst v63  }
0x46: {  	_ =	swait.ge [sflag:s5], $0x2000  }
0x47: {  	[sflag:s5] =	ssyncset.done $0x0  }
0x48: {  	[sflag:s5] =	ssyncadd.s32 $0xFFFFE000  }
0x49: {  	_ =	swait.ge [sflag:s6], $0x2000  }
0x4a: {  	[sflag:s6] =	ssyncset.done $0x0  }
0x4b: {  	[sflag:s6] =	ssyncadd.s32 $0xFFFFE000  }
.LBB2_19:
0x4c: {  	s8 =	stileid.u32  }
0x4d: {  	[bflag:$0x0] =	sbarrier.arrive $0xFFFF;
	s8 =	sshll.u32 s8, $0x6  }
0x4e: {  	s10 =	sshrl.u32 s23, $0x3;
	s16 =	rddreg [dreg:$0xb];
	s9 =	sor.u32 $0x1C01, s8  }
0x4f: {  	[hbm:s16], [sflag:s9] =	dma.local [spmem:s10], $0x400  }
0x50: {  	s10 =	rddreg [dreg:$0xc]  }
0x51: {  	s8 =	sor.u32 $0x1C02, s8;
	s16 =	rddreg [dreg:$0x16]  }
0x52: {  	[hbm:s10], [sflag:s8] =	dma.local [spmem:s16], $0x400  }
0x53: {  	_ =	swait.ge [sflag:s26], $0x400  }
0x54: {  	[sflag:s26] =	ssyncset.done $0x0  }
0x55: {  	[sflag:s26] =	ssyncadd.s32 $0xFFFFFC00  }
0x56: {  	_ =	swait.ge [sflag:s28], $0x400  }
0x57: {  	[sflag:s28] =	ssyncset.done $0x0;
	s10 =	rddreg [dreg:$0xd]  }
0x58: {  	s16 =	rddreg [dreg:$0x17];
	[sflag:s28] =	ssyncadd.s32 $0xFFFFFC00  }
0x59: {  	[hbm:s10], [sflag:s9] =	dma.local [spmem:s16], $0x400  }
0x5a: {  	s10 =	rddreg [dreg:$0xe]  }
0x5b: {  	s16 =	rddreg [dreg:$0x18]  }
0x5c: {  	[hbm:s10], [sflag:s8] =	dma.local [spmem:s16], $0x400  }
0x5d: {  	_ =	swait.ge [sflag:s26], $0x400  }
0x5e: {  	[sflag:s26] =	ssyncset.done $0x0  }
0x5f: {  	[sflag:s26] =	ssyncadd.s32 $0xFFFFFC00  }
0x60: {  	_ =	swait.ge [sflag:s28], $0x400  }
0x61: {  	[sflag:s28] =	ssyncset.done $0x0;
	s10 =	rddreg [dreg:$0xf]  }
0x62: {  	s16 =	rddreg [dreg:$0x19];
	[sflag:s28] =	ssyncadd.s32 $0xFFFFFC00  }
0x63: {  	[hbm:s10], [sflag:s9] =	dma.local [spmem:s16], $0x400  }
0x64: {  	s10 =	rddreg [dreg:$0x10]  }
0x65: {  	s16 =	rddreg [dreg:$0x1a]  }
0x66: {  	[hbm:s10], [sflag:s8] =	dma.local [spmem:s16], $0x400  }
0x67: {  	_ =	swait.ge [sflag:s26], $0x400  }
0x68: {  	[sflag:s26] =	ssyncset.done $0x0  }
0x69: {  	[sflag:s26] =	ssyncadd.s32 $0xFFFFFC00  }
0x6a: {  	_ =	swait.ge [sflag:s28], $0x400  }
0x6b: {  	[sflag:s28] =	ssyncset.done $0x0;
	s10 =	rddreg [dreg:$0x11]  }
0x6c: {  	s16 =	rddreg [dreg:$0x1b];
	[sflag:s28] =	ssyncadd.s32 $0xFFFFFC00  }
0x6d: {  	[hbm:s10], [sflag:s9] =	dma.local [spmem:s16], $0x400  }
0x6e: {  	s10 =	rddreg [dreg:$0x12]  }
0x6f: {  	s16 =	rddreg [dreg:$0x1c]  }
0x70: {  	[hbm:s10], [sflag:s8] =	dma.local [spmem:s16], $0x400  }
0x71: {  	_ =	swait.ge [sflag:s26], $0x400  }
0x72: {  	[sflag:s26] =	ssyncset.done $0x0  }
0x73: {  	[sflag:s26] =	ssyncadd.s32 $0xFFFFFC00  }
0x74: {  	_ =	swait.ge [sflag:s28], $0x400  }
0x75: {  	[sflag:s28] =	ssyncset.done $0x0;
	s10 =	rddreg [dreg:$0x13]  }
0x76: {  	s16 =	rddreg [dreg:$0x1d];
	[sflag:s28] =	ssyncadd.s32 $0xFFFFFC00  }
0x77: {  	[hbm:s10], [sflag:s9] =	dma.local [spmem:s16], $0x400  }
0x78: {  	s9 =	rddreg [dreg:$0x14]  }
0x79: {  	s10 =	rddreg [dreg:$0x1e]  }
0x7a: {  	[hbm:s9], [sflag:s8] =	dma.local [spmem:s10], $0x400  }
0x7b: {  	_ =	swait.ge [sflag:s26], $0x400  }
0x7c: {  	[sflag:s26] =	ssyncset.done $0x0  }
0x7d: {  	[sflag:s26] =	ssyncadd.s32 $0xFFFFFC00  }
0x7e: {  	_ =	swait.ge [sflag:s28], $0x400  }
0x7f: {  	s7 =	sadd.s32 $0x1, s7;
	s16 =	rddreg [dreg:$0x15]  }
0x80: {  	p0 =	sne.s32 s7, s16  }
.Ltmp1:
0x81: {  	_ = 	snop;
	(pc) =	sbr.rel @!p0 .LBB2_20-.Ltmp1, $3  }
0x82: {  	_ =	sdelay $0x1  }
0x83: {  	[sflag:s28] =	ssyncset.done $0x0  }
0x84: {  	[sflag:s28] =	ssyncadd.s32 $0xFFFFFC00  }
.LBB2_1:
0x85: {  	s9 =	simm.s32 $0x0  }
0x86: {  	s8 =	sand.u32 $0x7E00, s9  }
0x87: {  	s9 =	sand.u32 $0x70, s9;
	s10 =	sshrl.u32 s8, $0x2  }
0x88: {  	s8 =	simm.s32 $0x40;
	s10 =	sor.u32 s9, s10;
	s9 =	simm.s32 $0x0  }
.LBB2_2:
0x89: {  	p0 =	sne.s32 s8, $0x7FC0  }
0x8a: {  	[tilespmem:s10+$0x16800] =	vst v0;
	s9 =	sadd.s32 $0x10, s9;
	s10 =	smov.u32 s8;
	s8 =	sadd.s32 $0x40, s8  }
.Ltmp2:
0x8b: {  	(pc) =	sbr.rel @p0 .LBB2_2-.Ltmp2, $4  }
0x8c: {  	_ = 	snop  }
0x8d: {  	s10 =	sand.u32 $0x7E00, s10  }
0x8e: {  	s16 =	sand.u32 $0x70, s9;
	s10 =	sshrl.u32 s10, $0x2  }
0x8f: {  	s10 =	sor.u32 s16, s10  }
0x90: {  	[tilespmem:s10+$0x16800] =	vst v0  }
0x91: {  	[spmem:s23] =	stream.linear.scatter [tilespmem:s11], [sflag:$0x9], $0x2000, $0x38;
	[tilespmem:$0x1E800] =	vst v63  }
0x92: {  	_ =	swait.ge [sflag:s12], $0x2000  }
0x93: {  	[sflag:s12] =	ssyncset.done $0x0  }
0x94: {  	s8 =	rddreg [dreg:$0x1f];
	[sflag:s12] =	ssyncadd.s32 $0xFFFFE000  }
0x95: {  	[spmem:s8] =	stream.linear.scatter [tilespmem:s11], [sflag:$0x9], $0x2000, $0x38;
	[tilespmem:$0x1E800] =	vst v63  }
0x96: {  	_ =	swait.ge [sflag:s12], $0x2000  }
0x97: {  	s9 =	sld [smem:$0x7F6]  }
0x98: {  	[sflag:s12] =	ssyncset.done $0x0  }
0x99: {  	[sflag:s12] =	ssyncadd.s32 $0xFFFFE000  }
0x9a: {  	[spmem:s9] =	stream.linear.scatter [tilespmem:s11], [sflag:$0x9], $0x2000, $0x38;
	[tilespmem:$0x1E800] =	vst v63  }
0x9b: {  	_ =	swait.ge [sflag:s12], $0x2000  }
0x9c: {  	s10 =	sld [smem:$0x7F7]  }
0x9d: {  	[sflag:s12] =	ssyncset.done $0x0  }
0x9e: {  	[sflag:s12] =	ssyncadd.s32 $0xFFFFE000  }
0x9f: {  	[spmem:s10] =	stream.linear.scatter [tilespmem:s11], [sflag:$0x9], $0x2000, $0x38;
	[tilespmem:$0x1E800] =	vst v63  }
0xa0: {  	_ =	swait.ge [sflag:s12], $0x2000  }
0xa1: {  	s16 =	sld [smem:$0x7F8]  }
0xa2: {  	[sflag:s12] =	ssyncset.done $0x0  }
0xa3: {  	[sflag:s12] =	ssyncadd.s32 $0xFFFFE000  }
0xa4: {  	[spmem:s16] =	stream.linear.scatter [tilespmem:s11], [sflag:$0x9], $0x2000, $0x38;
	[tilespmem:$0x1E800] =	vst v63  }
0xa5: {  	_ =	swait.ge [sflag:s12], $0x2000  }
0xa6: {  	s9 =	sld [smem:$0x7F9]  }
0xa7: {  	[sflag:s12] =	ssyncset.done $0x0  }
0xa8: {  	[sflag:s12] =	ssyncadd.s32 $0xFFFFE000  }
0xa9: {  	[spmem:s9] =	stream.linear.scatter [tilespmem:s11], [sflag:$0x9], $0x2000, $0x38;
	[tilespmem:$0x1E800] =	vst v63  }
0xaa: {  	_ =	swait.ge [sflag:s12], $0x2000  }
0xab: {  	s10 =	sld [smem:$0x7FA]  }
0xac: {  	[sflag:s12] =	ssyncset.done $0x0  }
0xad: {  	[sflag:s12] =	ssyncadd.s32 $0xFFFFE000  }
0xae: {  	[spmem:s10] =	stream.linear.scatter [tilespmem:s11], [sflag:$0x9], $0x2000, $0x38;
	[tilespmem:$0x1E800] =	vst v63  }
0xaf: {  	_ =	swait.ge [sflag:s12], $0x2000  }
0xb0: {  	s16 =	sld [smem:$0x7FB]  }
0xb1: {  	[sflag:s12] =	ssyncset.done $0x0  }
0xb2: {  	[sflag:s12] =	ssyncadd.s32 $0xFFFFE000  }
0xb3: {  	[spmem:s16] =	stream.linear.scatter [tilespmem:s11], [sflag:$0x9], $0x2000, $0x38;
	[tilespmem:$0x1E800] =	vst v63  }
0xb4: {  	_ =	swait.ge [sflag:s12], $0x2000  }
0xb5: {  	s9 =	sld [smem:$0x7FC]  }
0xb6: {  	[sflag:s12] =	ssyncset.done $0x0  }
0xb7: {  	[sflag:s12] =	ssyncadd.s32 $0xFFFFE000  }
0xb8: {  	[spmem:s9] =	stream.linear.scatter [tilespmem:s11], [sflag:$0x9], $0x2000, $0x38;
	[tilespmem:$0x1E800] =	vst v63  }
0xb9: {  	_ =	swait.ge [sflag:s12], $0x2000  }
0xba: {  	s10 =	sld [smem:$0x7FD]  }
0xbb: {  	[sflag:s12] =	ssyncset.done $0x0  }
0xbc: {  	[sflag:s12] =	ssyncadd.s32 $0xFFFFE000  }
0xbd: {  	[spmem:s10] =	stream.linear.scatter [tilespmem:s11], [sflag:$0x9], $0x2000, $0x38;
	[tilespmem:$0x1E800] =	vst v63  }
0xbe: {  	_ =	swait.ge [sflag:s12], $0x2000  }
0xbf: {  	[sflag:s12] =	ssyncset.done $0x0  }
0xc0: {  	[sflag:s12] =	ssyncadd.s32 $0xFFFFE000  }
0xc1: {  	[bflag:$0x0] =	sbarrier.arrive $0xFFFF  }
0xc2: {  	s8 =	simm.s32 $0x0;
	s9 =	rddreg [dreg:$0x3]  }
0xc3: {  	[tilespmem:s13], [sflag:$0x9] =	stream.linear.gather [hbm4b:s9+s8], $0x1400, $0x38;
	[tilespmem:$0x1E800] =	vst v63  }
0xc4: {  	_ =	swait.ge [sflag:s12], $0x1400  }
0xc5: {  	[sflag:s12] =	ssyncset.done $0x0  }
0xc6: {  	s16 =	rddreg [dreg:$0x4];
	[sflag:s12] =	ssyncadd.s32 $0xFFFFEC00  }
0xc7: {  	[tilespmem:s14], [sflag:$0x9] =	stream.linear.gather [hbm4b:s16+s8], $0x1400, $0x38;
	[tilespmem:$0x1E800] =	vst v63  }
0xc8: {  	_ =	swait.ge [sflag:s12], $0x1400  }
0xc9: {  	[sflag:s12] =	ssyncset.done $0x0  }
0xca: {  	[sflag:s12] =	ssyncadd.s32 $0xFFFFEC00  }
0xcb: {  	[tilespmem:s11], [sflag:$0x1] =	stream.indirect.gather [hbm4b:s22+s15], $0x80, s13, s15, $0xb8;
	[tilespmem:$0x1E800] =	vst v63  }
0xcc: {  	s16 =	simm.s32 $0x14080  }
0xcd: {  	[tilespmem:s17], [sflag:$0x2] =	stream.indirect.gather [hbm4b:s22+s15], $0x80, s16, s15, $0xb8;
	[tilespmem:$0x1E800] =	vst v63  }
0xce: {  	_ = 	snop  }
0xcf: {  	[tilespmem:s21], [sflag:$0x3] =	stream.indirect.gather [hbm4b:s22+s15], $0x80, s20, s15, $0xb8;
	[tilespmem:$0x1E800] =	vst v63  }
0xd0: {  	_ = 	snop  }
0xd1: {  	[tilespmem:s25], [sflag:$0x4] =	stream.indirect.gather [hbm4b:s22+s15], $0x80, s24, s15, $0xb8;
	[tilespmem:$0x1E800] =	vst v63  }
0xd2: {  	_ =	swait.ge [sflag:s26], $0x2000  }
0xd3: {  	[sflag:s26] =	ssyncset.done $0x0  }
0xd4: {  	[sflag:s26] =	ssyncadd.s32 $0xFFFFE000  }
0xd5: {  	[spmem:s19] =	stream.indirect.scatter.add.f32 [tilespmem:s11], [sflag:$0x5], $0x80, s14, s15, $0xb8;
	[tilespmem:$0x1E800] =	vst v63  }
0xd6: {  	_ =	swait.ge [sflag:s28], $0x2000  }
0xd7: {  	[sflag:s28] =	ssyncset.done $0x0  }
0xd8: {  	[sflag:s28] =	ssyncadd.s32 $0xFFFFE000  }
0xd9: {  	[spmem:s19] =	stream.indirect.scatter.add.f32 [tilespmem:s17], [sflag:$0x6], $0x80, s29, s15, $0xb8;
	[tilespmem:$0x1E800] =	vst v63  }
0xda: {  	_ =	swait.ge [sflag:s30], $0x2000  }
0xdb: {  	[sflag:s30] =	ssyncset.done $0x0  }
0xdc: {  	[sflag:s30] =	ssyncadd.s32 $0xFFFFE000  }
0xdd: {  	[tilespmem:s11], [sflag:$0x1] =	stream.indirect.gather [hbm4b:s22+s15], $0x80, s31, s15, $0xb8;
	[tilespmem:$0x1E800] =	vst v63  }
0xde: {  	_ =	swait.ge [sflag:s18], $0x2000  }
0xdf: {  	[sflag:s18] =	ssyncset.done $0x0  }
0xe0: {  	[sflag:s18] =	ssyncadd.s32 $0xFFFFE000  }
0xe1: {  	[tilespmem:s17], [sflag:$0x2] =	stream.indirect.gather [hbm4b:s22+s15], $0x80, s0, s15, $0xb8;
	[tilespmem:$0x1E800] =	vst v63  }
0xe2: {  	_ =	swait.ge [sflag:s1], $0x2000  }
0xe3: {  	[sflag:s1] =	ssyncset.done $0x0  }
0xe4: {  	[sflag:s1] =	ssyncadd.s32 $0xFFFFE000  }
0xe5: {  	[spmem:s19] =	stream.indirect.scatter.add.f32 [tilespmem:s21], [sflag:$0x7], $0x80, s2, s15, $0xb8;
	[tilespmem:$0x1E800] =	vst v63  }
0xe6: {  	_ =	swait.ge [sflag:s3], $0x2000  }
0xe7: {  	[sflag:s3] =	ssyncset.done $0x0  }
0xe8: {  	[sflag:s3] =	ssyncadd.s32 $0xFFFFE000  }
0xe9: {  	[spmem:s19] =	stream.indirect.scatter.add.f32 [tilespmem:s25], [sflag:$0x8], $0x80, s4, s15, $0xb8;
	[tilespmem:$0x1E800] =	vst v63  }
.LBB2_4:
0xea: {  	_ =	swait.ge [sflag:s5], $0x2000  }
0xeb: {  	s9 =	sshra.s32 s8, $0x2;
	[sflag:s5] =	ssyncset.done $0x0  }
0xec: {  	s10 =	sadd.s32 $0x14300, s9;
	[sflag:s5] =	ssyncadd.s32 $0xFFFFE000  }
0xed: {  	[tilespmem:s21], [sflag:$0x3] =	stream.indirect.gather [hbm4b:s22+s15], $0x80, s10, s15, $0xb8;
	[tilespmem:$0x1E800] =	vst v63  }
0xee: {  	_ =	swait.ge [sflag:s6], $0x2000  }
0xef: {  	[sflag:s6] =	ssyncset.done $0x0  }
0xf0: {  	s10 =	sadd.s32 $0x14380, s9;
	[sflag:s6] =	ssyncadd.s32 $0xFFFFE000  }
0xf1: {  	[tilespmem:s25], [sflag:$0x4] =	stream.indirect.gather [hbm4b:s22+s15], $0x80, s10, s15, $0xb8;
	[tilespmem:$0x1E800] =	vst v63  }
0xf2: {  	_ =	swait.ge [sflag:s26], $0x2000  }
0xf3: {  	[sflag:s26] =	ssyncset.done $0x0  }
0xf4: {  	p0 =	sne.s32 s8, $0x4000;
	s10 =	sadd.s32 $0x15600, s9;
	[sflag:s26] =	ssyncadd.s32 $0xFFFFE000  }
0xf5: {  	[spmem:s19] =	stream.indirect.scatter.add.f32 [tilespmem:s11], [sflag:$0x5], $0x80, s10, s15, $0xb8;
	[tilespmem:$0x1E800] =	vst v63  }
.Ltmp3:
0xf6: {  	_ = 	snop;
	(pc) =	sbr.rel @!p0 .LBB2_5-.Ltmp3, $4  }
0xf7: {  	_ =	swait.ge [sflag:s28], $0x2000  }
0xf8: {  	[sflag:s28] =	ssyncset.done $0x0  }
0xf9: {  	s10 =	sadd.s32 $0x15680, s9;
	[sflag:s28] =	ssyncadd.s32 $0xFFFFE000  }
0xfa: {  	[spmem:s19] =	stream.indirect.scatter.add.f32 [tilespmem:s17], [sflag:$0x6], $0x80, s10, s15, $0xb8;
	[tilespmem:$0x1E800] =	vst v63  }
0xfb: {  	_ =	swait.ge [sflag:s30], $0x2000  }
0xfc: {  	[sflag:s30] =	ssyncset.done $0x0  }
0xfd: {  	s10 =	sadd.s32 $0x14400, s9;
	[sflag:s30] =	ssyncadd.s32 $0xFFFFE000  }
0xfe: {  	[tilespmem:s11], [sflag:$0x1] =	stream.indirect.gather [hbm4b:s22+s15], $0x80, s10, s15, $0xb8;
	[tilespmem:$0x1E800] =	vst v63  }
0xff: {  	_ =	swait.ge [sflag:s18], $0x2000  }
0x100: {  	[sflag:s18] =	ssyncset.done $0x0  }
0x101: {  	s10 =	sadd.s32 $0x14480, s9;
	[sflag:s18] =	ssyncadd.s32 $0xFFFFE000  }
0x102: {  	[tilespmem:s17], [sflag:$0x2] =	stream.indirect.gather [hbm4b:s22+s15], $0x80, s10, s15, $0xb8;
	[tilespmem:$0x1E800] =	vst v63  }
0x103: {  	_ =	swait.ge [sflag:s1], $0x2000  }
0x104: {  	s8 =	sadd.s32 $0x800, s8;
	[sflag:s1] =	ssyncset.done $0x0  }
0x105: {  	p0 =	sne.s32 s8, $0x4800;
	s10 =	sadd.s32 $0x15700, s9;
	[sflag:s1] =	ssyncadd.s32 $0xFFFFE000  }
0x106: {  	[spmem:s19] =	stream.indirect.scatter.add.f32 [tilespmem:s21], [sflag:$0x7], $0x80, s10, s15, $0xb8;
	[tilespmem:$0x1E800] =	vst v63  }
.Ltmp4:
0x107: {  	_ = 	snop;
	(pc) =	sbr.rel @p0 .LBB2_4-.Ltmp4, $4  }
.Ltmp5:
0x108: {  	_ =	swait.ge [sflag:s3], $0x2000;
	(pc) =	sbr.rel @!p0 .LBB2_7-.Ltmp5, $4  }
0x109: {  	[sflag:s3] =	ssyncset.done $0x0  }
0x10a: {  	s10 =	sadd.s32 $0x15780, s9;
	[sflag:s3] =	ssyncadd.s32 $0xFFFFE000  }
0x10b: {  	[spmem:s19] =	stream.indirect.scatter.add.f32 [tilespmem:s25], [sflag:$0x8], $0x80, s10, s15, $0xb8;
	[tilespmem:$0x1E800] =	vst v63  }
0x10c: {  	_ = 	snop  }
.LBB2_5:
0x10d: {  	_ =	swait.ge [sflag:s30], $0x2000  }
0x10e: {  	[sflag:s30] =	ssyncset.done $0x0  }
0x10f: {  	[sflag:s30] =	ssyncadd.s32 $0xFFFFE000  }
0x110: {  	_ =	swait.ge [sflag:s18], $0x2000  }
0x111: {  	[sflag:s18] =	ssyncset.done $0x0  }
0x112: {  	[sflag:s18] =	ssyncadd.s32 $0xFFFFE000  }
0x113: {  	_ =	swait.ge [sflag:s1], $0x2000  }
0x114: {  	[sflag:s1] =	ssyncset.done $0x0  }
0x115: {  	s8 =	sadd.s32 $0x15700, s9;
	[sflag:s1] =	ssyncadd.s32 $0xFFFFE000  }
0x116: {  	[spmem:s19] =	stream.indirect.scatter.add.f32 [tilespmem:s21], [sflag:$0x7], $0x80, s8, s15, $0xb8;
	[tilespmem:$0x1E800] =	vst v63  }
0x117: {  	_ =	swait.ge [sflag:s3], $0x2000  }
0x118: {  	[sflag:s3] =	ssyncset.done $0x0  }
0x119: {  	s10 =	sadd.s32 $0x15780, s9;
	[sflag:s3] =	ssyncadd.s32 $0xFFFFE000  }
0x11a: {  	[spmem:s19] =	stream.indirect.scatter.add.f32 [tilespmem:s25], [sflag:$0x8], $0x80, s10, s15, $0xb8;
	[tilespmem:$0x1E800] =	vst v63  }
0x11b: {  	_ =	swait.ge [sflag:s5], $0x2000  }
0x11c: {  	[sflag:s5] =	ssyncset.done $0x0  }
0x11d: {  	[sflag:s5] =	ssyncadd.s32 $0xFFFFE000  }
0x11e: {  	_ =	swait.ge [sflag:s6], $0x2000  }
0x11f: {  	[sflag:s6] =	ssyncset.done $0x0  }
0x120: {  	[sflag:s6] =	ssyncadd.s32 $0xFFFFE000  }
.LBB2_7:
0x121: {  	s8 =	simm.s32 $0x0;
	s9 =	rddreg [dreg:$0x5]  }
0x122: {  	[tilespmem:s13], [sflag:$0x9] =	stream.linear.gather [hbm4b:s9+s8], $0x1400, $0x38;
	[tilespmem:$0x1E800] =	vst v63  }
0x123: {  	_ =	swait.ge [sflag:s12], $0x1400  }
0x124: {  	[sflag:s12] =	ssyncset.done $0x0  }
0x125: {  	s10 =	rddreg [dreg:$0x6];
	[sflag:s12] =	ssyncadd.s32 $0xFFFFEC00  }
0x126: {  	[tilespmem:s14], [sflag:$0x9] =	stream.linear.gather [hbm4b:s10+s8], $0x1400, $0x38;
	[tilespmem:$0x1E800] =	vst v63  }
0x127: {  	_ =	swait.ge [sflag:s12], $0x1400  }
0x128: {  	[sflag:s12] =	ssyncset.done $0x0  }
0x129: {  	[sflag:s12] =	ssyncadd.s32 $0xFFFFEC00  }
0x12a: {  	[tilespmem:s11], [sflag:$0x1] =	stream.indirect.gather [hbm4b:s22+s15], $0x80, s13, s15, $0xb8;
	[tilespmem:$0x1E800] =	vst v63  }
0x12b: {  	_ = 	snop  }
0x12c: {  	[tilespmem:s17], [sflag:$0x2] =	stream.indirect.gather [hbm4b:s22+s15], $0x80, s16, s15, $0xb8;
	[tilespmem:$0x1E800] =	vst v63  }
0x12d: {  	_ = 	snop  }
0x12e: {  	[tilespmem:s21], [sflag:$0x3] =	stream.indirect.gather [hbm4b:s22+s15], $0x80, s20, s15, $0xb8;
	[tilespmem:$0x1E800] =	vst v63  }
0x12f: {  	_ = 	snop  }
0x130: {  	[tilespmem:s25], [sflag:$0x4] =	stream.indirect.gather [hbm4b:s22+s15], $0x80, s24, s15, $0xb8;
	[tilespmem:$0x1E800] =	vst v63  }
0x131: {  	_ =	swait.ge [sflag:s26], $0x2000  }
0x132: {  	[sflag:s26] =	ssyncset.done $0x0  }
0x133: {  	[sflag:s26] =	ssyncadd.s32 $0xFFFFE000  }
0x134: {  	[spmem:s19] =	stream.indirect.scatter.add.f32 [tilespmem:s11], [sflag:$0x5], $0x80, s14, s15, $0xb8;
	[tilespmem:$0x1E800] =	vst v63  }
0x135: {  	_ =	swait.ge [sflag:s28], $0x2000  }
0x136: {  	[sflag:s28] =	ssyncset.done $0x0  }
0x137: {  	[sflag:s28] =	ssyncadd.s32 $0xFFFFE000  }
0x138: {  	[spmem:s19] =	stream.indirect.scatter.add.f32 [tilespmem:s17], [sflag:$0x6], $0x80, s29, s15, $0xb8;
	[tilespmem:$0x1E800] =	vst v63  }
0x139: {  	_ =	swait.ge [sflag:s30], $0x2000  }
0x13a: {  	[sflag:s30] =	ssyncset.done $0x0  }
0x13b: {  	[sflag:s30] =	ssyncadd.s32 $0xFFFFE000  }
0x13c: {  	[tilespmem:s11], [sflag:$0x1] =	stream.indirect.gather [hbm4b:s22+s15], $0x80, s31, s15, $0xb8;
	[tilespmem:$0x1E800] =	vst v63  }
0x13d: {  	_ =	swait.ge [sflag:s18], $0x2000  }
0x13e: {  	[sflag:s18] =	ssyncset.done $0x0  }
0x13f: {  	[sflag:s18] =	ssyncadd.s32 $0xFFFFE000  }
0x140: {  	[tilespmem:s17], [sflag:$0x2] =	stream.indirect.gather [hbm4b:s22+s15], $0x80, s0, s15, $0xb8;
	[tilespmem:$0x1E800] =	vst v63  }
0x141: {  	_ =	swait.ge [sflag:s1], $0x2000  }
0x142: {  	[sflag:s1] =	ssyncset.done $0x0  }
0x143: {  	[sflag:s1] =	ssyncadd.s32 $0xFFFFE000  }
0x144: {  	[spmem:s19] =	stream.indirect.scatter.add.f32 [tilespmem:s21], [sflag:$0x7], $0x80, s2, s15, $0xb8;
	[tilespmem:$0x1E800] =	vst v63  }
0x145: {  	_ =	swait.ge [sflag:s3], $0x2000  }
0x146: {  	[sflag:s3] =	ssyncset.done $0x0  }
0x147: {  	[sflag:s3] =	ssyncadd.s32 $0xFFFFE000  }
0x148: {  	[spmem:s19] =	stream.indirect.scatter.add.f32 [tilespmem:s25], [sflag:$0x8], $0x80, s4, s15, $0xb8;
	[tilespmem:$0x1E800] =	vst v63  }
.LBB2_8:
0x149: {  	_ =	swait.ge [sflag:s5], $0x2000  }
0x14a: {  	s9 =	sshra.s32 s8, $0x2;
	[sflag:s5] =	ssyncset.done $0x0  }
0x14b: {  	s10 =	sadd.s32 $0x14300, s9;
	[sflag:s5] =	ssyncadd.s32 $0xFFFFE000  }
0x14c: {  	[tilespmem:s21], [sflag:$0x3] =	stream.indirect.gather [hbm4b:s22+s15], $0x80, s10, s15, $0xb8;
	[tilespmem:$0x1E800] =	vst v63  }
0x14d: {  	_ =	swait.ge [sflag:s6], $0x2000  }
0x14e: {  	[sflag:s6] =	ssyncset.done $0x0  }
0x14f: {  	s10 =	sadd.s32 $0x14380, s9;
	[sflag:s6] =	ssyncadd.s32 $0xFFFFE000  }
0x150: {  	[tilespmem:s25], [sflag:$0x4] =	stream.indirect.gather [hbm4b:s22+s15], $0x80, s10, s15, $0xb8;
	[tilespmem:$0x1E800] =	vst v63  }
0x151: {  	_ =	swait.ge [sflag:s26], $0x2000  }
0x152: {  	[sflag:s26] =	ssyncset.done $0x0  }
0x153: {  	p0 =	sne.s32 s8, $0x4000;
	s10 =	sadd.s32 $0x15600, s9;
	[sflag:s26] =	ssyncadd.s32 $0xFFFFE000  }
0x154: {  	[spmem:s19] =	stream.indirect.scatter.add.f32 [tilespmem:s11], [sflag:$0x5], $0x80, s10, s15, $0xb8;
	[tilespmem:$0x1E800] =	vst v63  }
.Ltmp6:
0x155: {  	_ = 	snop;
	(pc) =	sbr.rel @!p0 .LBB2_9-.Ltmp6, $4  }
0x156: {  	_ =	swait.ge [sflag:s28], $0x2000  }
0x157: {  	[sflag:s28] =	ssyncset.done $0x0  }
0x158: {  	s10 =	sadd.s32 $0x15680, s9;
	[sflag:s28] =	ssyncadd.s32 $0xFFFFE000  }
0x159: {  	[spmem:s19] =	stream.indirect.scatter.add.f32 [tilespmem:s17], [sflag:$0x6], $0x80, s10, s15, $0xb8;
	[tilespmem:$0x1E800] =	vst v63  }
0x15a: {  	_ =	swait.ge [sflag:s30], $0x2000  }
0x15b: {  	[sflag:s30] =	ssyncset.done $0x0  }
0x15c: {  	s10 =	sadd.s32 $0x14400, s9;
	[sflag:s30] =	ssyncadd.s32 $0xFFFFE000  }
0x15d: {  	[tilespmem:s11], [sflag:$0x1] =	stream.indirect.gather [hbm4b:s22+s15], $0x80, s10, s15, $0xb8;
	[tilespmem:$0x1E800] =	vst v63  }
0x15e: {  	_ =	swait.ge [sflag:s18], $0x2000  }
0x15f: {  	[sflag:s18] =	ssyncset.done $0x0  }
0x160: {  	s10 =	sadd.s32 $0x14480, s9;
	[sflag:s18] =	ssyncadd.s32 $0xFFFFE000  }
0x161: {  	[tilespmem:s17], [sflag:$0x2] =	stream.indirect.gather [hbm4b:s22+s15], $0x80, s10, s15, $0xb8;
	[tilespmem:$0x1E800] =	vst v63  }
0x162: {  	_ =	swait.ge [sflag:s1], $0x2000  }
0x163: {  	s8 =	sadd.s32 $0x800, s8;
	[sflag:s1] =	ssyncset.done $0x0  }
0x164: {  	p0 =	sne.s32 s8, $0x4800;
	s10 =	sadd.s32 $0x15700, s9;
	[sflag:s1] =	ssyncadd.s32 $0xFFFFE000  }
0x165: {  	[spmem:s19] =	stream.indirect.scatter.add.f32 [tilespmem:s21], [sflag:$0x7], $0x80, s10, s15, $0xb8;
	[tilespmem:$0x1E800] =	vst v63  }
.Ltmp7:
0x166: {  	_ = 	snop;
	(pc) =	sbr.rel @p0 .LBB2_8-.Ltmp7, $4  }
.Ltmp8:
0x167: {  	_ =	swait.ge [sflag:s3], $0x2000;
	(pc) =	sbr.rel @!p0 .LBB2_11-.Ltmp8, $4  }
0x168: {  	[sflag:s3] =	ssyncset.done $0x0  }
0x169: {  	s10 =	sadd.s32 $0x15780, s9;
	[sflag:s3] =	ssyncadd.s32 $0xFFFFE000  }
0x16a: {  	[spmem:s19] =	stream.indirect.scatter.add.f32 [tilespmem:s25], [sflag:$0x8], $0x80, s10, s15, $0xb8;
	[tilespmem:$0x1E800] =	vst v63  }
0x16b: {  	_ = 	snop  }
.LBB2_9:
0x16c: {  	_ =	swait.ge [sflag:s30], $0x2000  }
0x16d: {  	[sflag:s30] =	ssyncset.done $0x0  }
0x16e: {  	[sflag:s30] =	ssyncadd.s32 $0xFFFFE000  }
0x16f: {  	_ =	swait.ge [sflag:s18], $0x2000  }
0x170: {  	[sflag:s18] =	ssyncset.done $0x0  }
0x171: {  	[sflag:s18] =	ssyncadd.s32 $0xFFFFE000  }
0x172: {  	_ =	swait.ge [sflag:s1], $0x2000  }
0x173: {  	[sflag:s1] =	ssyncset.done $0x0  }
0x174: {  	s8 =	sadd.s32 $0x15700, s9;
	[sflag:s1] =	ssyncadd.s32 $0xFFFFE000  }
0x175: {  	[spmem:s19] =	stream.indirect.scatter.add.f32 [tilespmem:s21], [sflag:$0x7], $0x80, s8, s15, $0xb8;
	[tilespmem:$0x1E800] =	vst v63  }
0x176: {  	_ =	swait.ge [sflag:s3], $0x2000  }
0x177: {  	[sflag:s3] =	ssyncset.done $0x0  }
0x178: {  	s10 =	sadd.s32 $0x15780, s9;
	[sflag:s3] =	ssyncadd.s32 $0xFFFFE000  }
0x179: {  	[spmem:s19] =	stream.indirect.scatter.add.f32 [tilespmem:s25], [sflag:$0x8], $0x80, s10, s15, $0xb8;
	[tilespmem:$0x1E800] =	vst v63  }
0x17a: {  	_ =	swait.ge [sflag:s5], $0x2000  }
0x17b: {  	[sflag:s5] =	ssyncset.done $0x0  }
0x17c: {  	[sflag:s5] =	ssyncadd.s32 $0xFFFFE000  }
0x17d: {  	_ =	swait.ge [sflag:s6], $0x2000  }
0x17e: {  	[sflag:s6] =	ssyncset.done $0x0  }
0x17f: {  	[sflag:s6] =	ssyncadd.s32 $0xFFFFE000  }
.LBB2_11:
0x180: {  	s8 =	simm.s32 $0x0;
	s9 =	rddreg [dreg:$0x7]  }
0x181: {  	[tilespmem:s13], [sflag:$0x9] =	stream.linear.gather [hbm4b:s9+s8], $0x1400, $0x38;
	[tilespmem:$0x1E800] =	vst v63  }
0x182: {  	_ =	swait.ge [sflag:s12], $0x1400  }
0x183: {  	[sflag:s12] =	ssyncset.done $0x0  }
0x184: {  	s10 =	rddreg [dreg:$0x8];
	[sflag:s12] =	ssyncadd.s32 $0xFFFFEC00  }
0x185: {  	[tilespmem:s14], [sflag:$0x9] =	stream.linear.gather [hbm4b:s10+s8], $0x1400, $0x38;
	[tilespmem:$0x1E800] =	vst v63  }
0x186: {  	_ =	swait.ge [sflag:s12], $0x1400  }
0x187: {  	[sflag:s12] =	ssyncset.done $0x0  }
0x188: {  	[sflag:s12] =	ssyncadd.s32 $0xFFFFEC00  }
0x189: {  	[tilespmem:s11], [sflag:$0x1] =	stream.indirect.gather [hbm4b:s22+s15], $0x80, s13, s15, $0xb8;
	[tilespmem:$0x1E800] =	vst v63  }
0x18a: {  	_ = 	snop  }
0x18b: {  	[tilespmem:s17], [sflag:$0x2] =	stream.indirect.gather [hbm4b:s22+s15], $0x80, s16, s15, $0xb8;
	[tilespmem:$0x1E800] =	vst v63  }
0x18c: {  	_ = 	snop  }
0x18d: {  	[tilespmem:s21], [sflag:$0x3] =	stream.indirect.gather [hbm4b:s22+s15], $0x80, s20, s15, $0xb8;
	[tilespmem:$0x1E800] =	vst v63  }
0x18e: {  	_ = 	snop  }
0x18f: {  	[tilespmem:s25], [sflag:$0x4] =	stream.indirect.gather [hbm4b:s22+s15], $0x80, s24, s15, $0xb8;
	[tilespmem:$0x1E800] =	vst v63  }
0x190: {  	_ =	swait.ge [sflag:s26], $0x2000  }
0x191: {  	[sflag:s26] =	ssyncset.done $0x0  }
0x192: {  	[sflag:s26] =	ssyncadd.s32 $0xFFFFE000  }
0x193: {  	[spmem:s19] =	stream.indirect.scatter.add.f32 [tilespmem:s11], [sflag:$0x5], $0x80, s14, s15, $0xb8;
	[tilespmem:$0x1E800] =	vst v63  }
0x194: {  	_ =	swait.ge [sflag:s28], $0x2000  }
0x195: {  	[sflag:s28] =	ssyncset.done $0x0  }
0x196: {  	[sflag:s28] =	ssyncadd.s32 $0xFFFFE000  }
0x197: {  	[spmem:s19] =	stream.indirect.scatter.add.f32 [tilespmem:s17], [sflag:$0x6], $0x80, s29, s15, $0xb8;
	[tilespmem:$0x1E800] =	vst v63  }
0x198: {  	_ =	swait.ge [sflag:s30], $0x2000  }
0x199: {  	[sflag:s30] =	ssyncset.done $0x0  }
0x19a: {  	[sflag:s30] =	ssyncadd.s32 $0xFFFFE000  }
0x19b: {  	[tilespmem:s11], [sflag:$0x1] =	stream.indirect.gather [hbm4b:s22+s15], $0x80, s31, s15, $0xb8;
	[tilespmem:$0x1E800] =	vst v63  }
0x19c: {  	_ =	swait.ge [sflag:s18], $0x2000  }
0x19d: {  	[sflag:s18] =	ssyncset.done $0x0  }
0x19e: {  	[sflag:s18] =	ssyncadd.s32 $0xFFFFE000  }
0x19f: {  	[tilespmem:s17], [sflag:$0x2] =	stream.indirect.gather [hbm4b:s22+s15], $0x80, s0, s15, $0xb8;
	[tilespmem:$0x1E800] =	vst v63  }
0x1a0: {  	_ =	swait.ge [sflag:s1], $0x2000  }
0x1a1: {  	[sflag:s1] =	ssyncset.done $0x0  }
0x1a2: {  	[sflag:s1] =	ssyncadd.s32 $0xFFFFE000  }
0x1a3: {  	[spmem:s19] =	stream.indirect.scatter.add.f32 [tilespmem:s21], [sflag:$0x7], $0x80, s2, s15, $0xb8;
	[tilespmem:$0x1E800] =	vst v63  }
0x1a4: {  	_ =	swait.ge [sflag:s3], $0x2000  }
0x1a5: {  	[sflag:s3] =	ssyncset.done $0x0  }
0x1a6: {  	[sflag:s3] =	ssyncadd.s32 $0xFFFFE000  }
0x1a7: {  	[spmem:s19] =	stream.indirect.scatter.add.f32 [tilespmem:s25], [sflag:$0x8], $0x80, s4, s15, $0xb8;
	[tilespmem:$0x1E800] =	vst v63  }
.LBB2_12:
0x1a8: {  	_ =	swait.ge [sflag:s5], $0x2000  }
0x1a9: {  	s9 =	sshra.s32 s8, $0x2;
	[sflag:s5] =	ssyncset.done $0x0  }
0x1aa: {  	s10 =	sadd.s32 $0x14300, s9;
	[sflag:s5] =	ssyncadd.s32 $0xFFFFE000  }
0x1ab: {  	[tilespmem:s21], [sflag:$0x3] =	stream.indirect.gather [hbm4b:s22+s15], $0x80, s10, s15, $0xb8;
	[tilespmem:$0x1E800] =	vst v63  }
0x1ac: {  	_ =	swait.ge [sflag:s6], $0x2000  }
0x1ad: {  	[sflag:s6] =	ssyncset.done $0x0  }
0x1ae: {  	s10 =	sadd.s32 $0x14380, s9;
	[sflag:s6] =	ssyncadd.s32 $0xFFFFE000  }
0x1af: {  	[tilespmem:s25], [sflag:$0x4] =	stream.indirect.gather [hbm4b:s22+s15], $0x80, s10, s15, $0xb8;
	[tilespmem:$0x1E800] =	vst v63  }
0x1b0: {  	_ =	swait.ge [sflag:s26], $0x2000  }
0x1b1: {  	[sflag:s26] =	ssyncset.done $0x0  }
0x1b2: {  	p0 =	sne.s32 s8, $0x4000;
	s10 =	sadd.s32 $0x15600, s9;
	[sflag:s26] =	ssyncadd.s32 $0xFFFFE000  }
0x1b3: {  	[spmem:s19] =	stream.indirect.scatter.add.f32 [tilespmem:s11], [sflag:$0x5], $0x80, s10, s15, $0xb8;
	[tilespmem:$0x1E800] =	vst v63  }
.Ltmp9:
0x1b4: {  	_ = 	snop;
	(pc) =	sbr.rel @!p0 .LBB2_13-.Ltmp9, $4  }
0x1b5: {  	_ =	swait.ge [sflag:s28], $0x2000  }
0x1b6: {  	[sflag:s28] =	ssyncset.done $0x0  }
0x1b7: {  	s10 =	sadd.s32 $0x15680, s9;
	[sflag:s28] =	ssyncadd.s32 $0xFFFFE000  }
0x1b8: {  	[spmem:s19] =	stream.indirect.scatter.add.f32 [tilespmem:s17], [sflag:$0x6], $0x80, s10, s15, $0xb8;
	[tilespmem:$0x1E800] =	vst v63  }
0x1b9: {  	_ =	swait.ge [sflag:s30], $0x2000  }
0x1ba: {  	[sflag:s30] =	ssyncset.done $0x0  }
0x1bb: {  	s10 =	sadd.s32 $0x14400, s9;
	[sflag:s30] =	ssyncadd.s32 $0xFFFFE000  }
0x1bc: {  	[tilespmem:s11], [sflag:$0x1] =	stream.indirect.gather [hbm4b:s22+s15], $0x80, s10, s15, $0xb8;
	[tilespmem:$0x1E800] =	vst v63  }
0x1bd: {  	_ =	swait.ge [sflag:s18], $0x2000  }
0x1be: {  	[sflag:s18] =	ssyncset.done $0x0  }
0x1bf: {  	s10 =	sadd.s32 $0x14480, s9;
	[sflag:s18] =	ssyncadd.s32 $0xFFFFE000  }
0x1c0: {  	[tilespmem:s17], [sflag:$0x2] =	stream.indirect.gather [hbm4b:s22+s15], $0x80, s10, s15, $0xb8;
	[tilespmem:$0x1E800] =	vst v63  }
0x1c1: {  	_ =	swait.ge [sflag:s1], $0x2000  }
0x1c2: {  	s8 =	sadd.s32 $0x800, s8;
	[sflag:s1] =	ssyncset.done $0x0  }
0x1c3: {  	p0 =	sne.s32 s8, $0x4800;
	s10 =	sadd.s32 $0x15700, s9;
	[sflag:s1] =	ssyncadd.s32 $0xFFFFE000  }
0x1c4: {  	[spmem:s19] =	stream.indirect.scatter.add.f32 [tilespmem:s21], [sflag:$0x7], $0x80, s10, s15, $0xb8;
	[tilespmem:$0x1E800] =	vst v63  }
.Ltmp10:
0x1c5: {  	_ = 	snop;
	(pc) =	sbr.rel @p0 .LBB2_12-.Ltmp10, $4  }
.Ltmp11:
0x1c6: {  	_ =	swait.ge [sflag:s3], $0x2000;
	(pc) =	sbr.rel @!p0 .LBB2_15-.Ltmp11, $4  }
0x1c7: {  	[sflag:s3] =	ssyncset.done $0x0  }
0x1c8: {  	s10 =	sadd.s32 $0x15780, s9;
	[sflag:s3] =	ssyncadd.s32 $0xFFFFE000  }
0x1c9: {  	[spmem:s19] =	stream.indirect.scatter.add.f32 [tilespmem:s25], [sflag:$0x8], $0x80, s10, s15, $0xb8;
	[tilespmem:$0x1E800] =	vst v63  }
0x1ca: {  	_ = 	snop  }
.LBB2_13:
0x1cb: {  	_ =	swait.ge [sflag:s30], $0x2000  }
0x1cc: {  	[sflag:s30] =	ssyncset.done $0x0  }
0x1cd: {  	[sflag:s30] =	ssyncadd.s32 $0xFFFFE000  }
0x1ce: {  	_ =	swait.ge [sflag:s18], $0x2000  }
0x1cf: {  	[sflag:s18] =	ssyncset.done $0x0  }
0x1d0: {  	[sflag:s18] =	ssyncadd.s32 $0xFFFFE000  }
0x1d1: {  	_ =	swait.ge [sflag:s1], $0x2000  }
0x1d2: {  	[sflag:s1] =	ssyncset.done $0x0  }
0x1d3: {  	s8 =	sadd.s32 $0x15700, s9;
	[sflag:s1] =	ssyncadd.s32 $0xFFFFE000  }
0x1d4: {  	[spmem:s19] =	stream.indirect.scatter.add.f32 [tilespmem:s21], [sflag:$0x7], $0x80, s8, s15, $0xb8;
	[tilespmem:$0x1E800] =	vst v63  }
0x1d5: {  	_ =	swait.ge [sflag:s3], $0x2000  }
0x1d6: {  	[sflag:s3] =	ssyncset.done $0x0  }
0x1d7: {  	s10 =	sadd.s32 $0x15780, s9;
	[sflag:s3] =	ssyncadd.s32 $0xFFFFE000  }
0x1d8: {  	[spmem:s19] =	stream.indirect.scatter.add.f32 [tilespmem:s25], [sflag:$0x8], $0x80, s10, s15, $0xb8;
	[tilespmem:$0x1E800] =	vst v63  }
0x1d9: {  	_ =	swait.ge [sflag:s5], $0x2000  }
0x1da: {  	[sflag:s5] =	ssyncset.done $0x0  }
0x1db: {  	[sflag:s5] =	ssyncadd.s32 $0xFFFFE000  }
0x1dc: {  	_ =	swait.ge [sflag:s6], $0x2000  }
0x1dd: {  	[sflag:s6] =	ssyncset.done $0x0  }
0x1de: {  	[sflag:s6] =	ssyncadd.s32 $0xFFFFE000  }
.LBB2_15:
0x1df: {  	s8 =	simm.s32 $0x0;
	s9 =	rddreg [dreg:$0x9]  }
0x1e0: {  	[tilespmem:s13], [sflag:$0x9] =	stream.linear.gather [hbm4b:s9+s8], $0x1400, $0x38;
	[tilespmem:$0x1E800] =	vst v63  }
0x1e1: {  	_ =	swait.ge [sflag:s12], $0x1400  }
0x1e2: {  	[sflag:s12] =	ssyncset.done $0x0  }
0x1e3: {  	s10 =	rddreg [dreg:$0xa];
	[sflag:s12] =	ssyncadd.s32 $0xFFFFEC00  }
0x1e4: {  	[tilespmem:s14], [sflag:$0x9] =	stream.linear.gather [hbm4b:s10+s8], $0x1400, $0x38;
	[tilespmem:$0x1E800] =	vst v63  }
0x1e5: {  	_ =	swait.ge [sflag:s12], $0x1400  }
0x1e6: {  	[sflag:s12] =	ssyncset.done $0x0  }
0x1e7: {  	[sflag:s12] =	ssyncadd.s32 $0xFFFFEC00  }
0x1e8: {  	[tilespmem:s11], [sflag:$0x1] =	stream.indirect.gather [hbm4b:s22+s15], $0x80, s13, s15, $0xb8;
	[tilespmem:$0x1E800] =	vst v63  }
0x1e9: {  	_ = 	snop  }
0x1ea: {  	[tilespmem:s17], [sflag:$0x2] =	stream.indirect.gather [hbm4b:s22+s15], $0x80, s16, s15, $0xb8;
	[tilespmem:$0x1E800] =	vst v63  }
0x1eb: {  	_ = 	snop  }
0x1ec: {  	[tilespmem:s21], [sflag:$0x3] =	stream.indirect.gather [hbm4b:s22+s15], $0x80, s20, s15, $0xb8;
	[tilespmem:$0x1E800] =	vst v63  }
0x1ed: {  	_ = 	snop  }
0x1ee: {  	[tilespmem:s25], [sflag:$0x4] =	stream.indirect.gather [hbm4b:s22+s15], $0x80, s24, s15, $0xb8;
	[tilespmem:$0x1E800] =	vst v63  }
0x1ef: {  	_ =	swait.ge [sflag:s26], $0x2000  }
0x1f0: {  	[sflag:s26] =	ssyncset.done $0x0  }
0x1f1: {  	[sflag:s26] =	ssyncadd.s32 $0xFFFFE000  }
0x1f2: {  	[spmem:s19] =	stream.indirect.scatter.add.f32 [tilespmem:s11], [sflag:$0x5], $0x80, s14, s15, $0xb8;
	[tilespmem:$0x1E800] =	vst v63  }
0x1f3: {  	_ =	swait.ge [sflag:s28], $0x2000  }
0x1f4: {  	[sflag:s28] =	ssyncset.done $0x0  }
0x1f5: {  	[sflag:s28] =	ssyncadd.s32 $0xFFFFE000  }
0x1f6: {  	[spmem:s19] =	stream.indirect.scatter.add.f32 [tilespmem:s17], [sflag:$0x6], $0x80, s29, s15, $0xb8;
	[tilespmem:$0x1E800] =	vst v63  }
0x1f7: {  	_ =	swait.ge [sflag:s30], $0x2000  }
0x1f8: {  	[sflag:s30] =	ssyncset.done $0x0  }
0x1f9: {  	[sflag:s30] =	ssyncadd.s32 $0xFFFFE000  }
0x1fa: {  	[tilespmem:s11], [sflag:$0x1] =	stream.indirect.gather [hbm4b:s22+s15], $0x80, s31, s15, $0xb8;
	[tilespmem:$0x1E800] =	vst v63  }
0x1fb: {  	_ =	swait.ge [sflag:s18], $0x2000  }
0x1fc: {  	[sflag:s18] =	ssyncset.done $0x0  }
0x1fd: {  	[sflag:s18] =	ssyncadd.s32 $0xFFFFE000  }
0x1fe: {  	[tilespmem:s17], [sflag:$0x2] =	stream.indirect.gather [hbm4b:s22+s15], $0x80, s0, s15, $0xb8;
	[tilespmem:$0x1E800] =	vst v63  }
0x1ff: {  	_ =	swait.ge [sflag:s1], $0x2000  }
0x200: {  	[sflag:s1] =	ssyncset.done $0x0  }
0x201: {  	[sflag:s1] =	ssyncadd.s32 $0xFFFFE000  }
0x202: {  	[spmem:s19] =	stream.indirect.scatter.add.f32 [tilespmem:s21], [sflag:$0x7], $0x80, s2, s15, $0xb8;
	[tilespmem:$0x1E800] =	vst v63  }
0x203: {  	_ =	swait.ge [sflag:s3], $0x2000  }
0x204: {  	[sflag:s3] =	ssyncset.done $0x0  }
0x205: {  	[sflag:s3] =	ssyncadd.s32 $0xFFFFE000  }
0x206: {  	[spmem:s19] =	stream.indirect.scatter.add.f32 [tilespmem:s25], [sflag:$0x8], $0x80, s4, s15, $0xb8;
	[tilespmem:$0x1E800] =	vst v63  }
.LBB2_16:
0x207: {  	_ =	swait.ge [sflag:s5], $0x2000  }
0x208: {  	s9 =	sshra.s32 s8, $0x2;
	[sflag:s5] =	ssyncset.done $0x0  }
0x209: {  	s10 =	sadd.s32 $0x14300, s9;
	[sflag:s5] =	ssyncadd.s32 $0xFFFFE000  }
0x20a: {  	[tilespmem:s21], [sflag:$0x3] =	stream.indirect.gather [hbm4b:s22+s15], $0x80, s10, s15, $0xb8;
	[tilespmem:$0x1E800] =	vst v63  }
0x20b: {  	_ =	swait.ge [sflag:s6], $0x2000  }
0x20c: {  	[sflag:s6] =	ssyncset.done $0x0  }
0x20d: {  	s16 =	sadd.s32 $0x14380, s9;
	[sflag:s6] =	ssyncadd.s32 $0xFFFFE000  }
0x20e: {  	[tilespmem:s25], [sflag:$0x4] =	stream.indirect.gather [hbm4b:s22+s15], $0x80, s16, s15, $0xb8;
	[tilespmem:$0x1E800] =	vst v63  }
0x20f: {  	_ =	swait.ge [sflag:s26], $0x2000  }
0x210: {  	[sflag:s26] =	ssyncset.done $0x0  }
0x211: {  	p0 =	sne.s32 s8, $0x4000;
	s16 =	sadd.s32 $0x15600, s9;
	[sflag:s26] =	ssyncadd.s32 $0xFFFFE000  }
0x212: {  	[spmem:s19] =	stream.indirect.scatter.add.f32 [tilespmem:s11], [sflag:$0x5], $0x80, s16, s15, $0xb8;
	[tilespmem:$0x1E800] =	vst v63  }
.Ltmp12:
0x213: {  	_ = 	snop;
	(pc) =	sbr.rel @!p0 .LBB2_17-.Ltmp12, $4  }
0x214: {  	_ =	swait.ge [sflag:s28], $0x2000  }
0x215: {  	[sflag:s28] =	ssyncset.done $0x0  }
0x216: {  	s16 =	sadd.s32 $0x15680, s9;
	[sflag:s28] =	ssyncadd.s32 $0xFFFFE000  }
0x217: {  	[spmem:s19] =	stream.indirect.scatter.add.f32 [tilespmem:s17], [sflag:$0x6], $0x80, s16, s15, $0xb8;
	[tilespmem:$0x1E800] =	vst v63  }
0x218: {  	_ =	swait.ge [sflag:s30], $0x2000  }
0x219: {  	[sflag:s30] =	ssyncset.done $0x0  }
0x21a: {  	s10 =	sadd.s32 $0x14400, s9;
	[sflag:s30] =	ssyncadd.s32 $0xFFFFE000  }
0x21b: {  	[tilespmem:s11], [sflag:$0x1] =	stream.indirect.gather [hbm4b:s22+s15], $0x80, s10, s15, $0xb8;
	[tilespmem:$0x1E800] =	vst v63  }
0x21c: {  	_ =	swait.ge [sflag:s18], $0x2000  }
0x21d: {  	[sflag:s18] =	ssyncset.done $0x0  }
0x21e: {  	s16 =	sadd.s32 $0x14480, s9;
	[sflag:s18] =	ssyncadd.s32 $0xFFFFE000  }
0x21f: {  	[tilespmem:s17], [sflag:$0x2] =	stream.indirect.gather [hbm4b:s22+s15], $0x80, s16, s15, $0xb8;
	[tilespmem:$0x1E800] =	vst v63  }
0x220: {  	_ =	swait.ge [sflag:s1], $0x2000  }
0x221: {  	s8 =	sadd.s32 $0x800, s8;
	[sflag:s1] =	ssyncset.done $0x0  }
0x222: {  	p0 =	sne.s32 s8, $0x4800;
	s16 =	sadd.s32 $0x15700, s9;
	[sflag:s1] =	ssyncadd.s32 $0xFFFFE000  }
0x223: {  	[spmem:s19] =	stream.indirect.scatter.add.f32 [tilespmem:s21], [sflag:$0x7], $0x80, s16, s15, $0xb8;
	[tilespmem:$0x1E800] =	vst v63  }
.Ltmp13:
0x224: {  	_ = 	snop;
	(pc) =	sbr.rel @p0 .LBB2_16-.Ltmp13, $4  }
.Ltmp14:
0x225: {  	_ =	swait.ge [sflag:s3], $0x2000;
	(pc) =	sbr.rel @!p0 .LBB2_19-.Ltmp14, $4  }
0x226: {  	[sflag:s3] =	ssyncset.done $0x0  }
0x227: {  	s16 =	sadd.s32 $0x15780, s9;
	[sflag:s3] =	ssyncadd.s32 $0xFFFFE000  }
0x228: {  	[spmem:s19] =	stream.indirect.scatter.add.f32 [tilespmem:s25], [sflag:$0x8], $0x80, s16, s15, $0xb8;
	[tilespmem:$0x1E800] =	vst v63  }
0x229: {  	_ = 	snop  }
.LBB2_20:
0x22a: {  	_ =	sfence.sel $0x180000  }
0x22b: {  	[bflag:$0x0] =	sbarrier.arrive $0xFFFF  }
0x22c: {  	_ =	strace $0x9000004A  }
0x22d: {  	s0 =	stileid.u32;
	[bflag:$0x2] =	sbarrier.arrive $0xFFFF  }
0x22e: {  	p0 =	sne.s32 s0, $0x0;
	s0 =	rddreg [dreg:$0x2]  }
0x22f: {  	s0 =	sadd.s32 @!p0 $0x100000, s0  }
0x230: {  	[sflag:s0] =	ssyncadd.tile.s32 @!p0 $0x1;
	_ =	shalt  }
.Lfunc_end2:
_tile_overlayer_lowered:
.L_overlay_start_2:
0x231: {  	(tag) =	ssettag $0x2  }
0x232: {  	s0 =	rddreg [dreg:$0x0];
	s2 =	stileid.u32  }
0x233: {  	s1 =	rddreg [dreg:$0x1];
	p0 =	sne.s32 s2, $0x0  }
0x234: {  	s3 =	rddreg [dreg:$0x2];
	[bflag:$0x3] =	sbarrier.arrive $0xFFFF;
	s2 =	simm.s32 @!p0 $0x1C09  }
0x235: {  	[timem:s3], [sflag:s2] =	dma.local @!p0 [hbm:s0], s1  }
0x236: {  	s0 =	simm.s32 @!p0 $0x9  }
0x237: {  	_ =	swait.ge @!p0 [sflag:s0], s1  }
0x238: {  	s1 =	ssub.s32 @!p0 $0x0, s1;
	[sflag:s0] =	ssyncset.done @!p0 $0x0  }
0x239: {  	[sflag:s0] =	ssyncadd.s32 @!p0 s1  }
0x23a: {  	[bflag:$0x3] =	sbarrier.arrive $0xFFFF  }
0x23b: {  	_ =	shalt  }

// kernel: kernel.13.cloned.1.call-start
scs
__scs_entry_jumppad:
0x0: {  	(pc) =	sbr.rel $0x88, $3  }
0x1: {  	(tag) =	ssettag $0x0;
	lr =	simm.s32 $0x1  }
0x2: {  	[smem:$0x3F97] =	sst lr;
	_ =	strace $0xD0000000  }
0x3: {  	_ = 	snop  }
0x4: {  	_ = 	snop  }
0x5: {  	_ = 	snop  }
0x6: {  	_ = 	snop  }
0x7: {  	_ = 	snop  }
__scs_overlays_trampoline_lowered:
0x8: {  	[smem:$0x3FA6] =	sst s0  }
0x9: {  	[smem:$0x3FA7] =	sst s1  }
0xa: {  	[smem:$0x3FA8] =	sst s2  }
0xb: {  	[smem:$0x3FA9] =	sst s3  }
0xc: {  	[smem:$0x3FAA] =	sst s4  }
0xd: {  	[smem:$0x3FAB] =	sst s5  }
0xe: {  	[smem:$0x3FAC] =	sst s6  }
0xf: {  	[smem:$0x3FAD] =	sst s7  }
0x10: {  	[smem:$0x3FAE] =	sst s8  }
0x11: {  	[smem:$0x3FAF] =	sst s9;
	s0 =	simm.s32 @!p0 $0x0  }
0x12: {  	s1 =	sld [smem:$0x3F95];
	s0 =	simm.s32 @p0 $0x1  }
0x13: {  	[smem:$0x3FB0] =	sst s0;
	s0 =	simm.s32 @!p1 $0x0  }
0x14: {  	s2 =	sld [smem:$0x3F94];
	s0 =	simm.s32 @p1 $0x1  }
0x15: {  	[smem:$0x3FB1] =	sst s0;
	s0 =	simm.s32 @!p2 $0x0  }
0x16: {  	s3 =	sld [smem:$0x3FDB];
	s0 =	simm.s32 @p2 $0x1  }
0x17: {  	s4 =	simm.s32 $0x1BF5;
	[smem:$0x3FB3] =	sst s0  }
0x18: {  	s0 =	sld [smem:$0x3F96];
	_ =	swait.ge [sflag:s4], $0x0  }
0x19: {  	s7 =	sld [smem:$0x3F97]  }
0x1a: {  	s8 =	sadd.s32 $0xFFFFE003, lr  }
0x1b: {  	s9 =	sadd.s32 $0xFFFFFEF7, lr;
	s5 =	simm.s32 $0xFFFFFFFF;
	p2 =	slt.u32 s8, $0xFFFFF086  }
0x1c: {  	p1 =	slt.u32 s9, $0xF7A;
	s5 =	simm.s32 @!p2 $0x0  }
0x1d: {  	s5 =	simm.s32 @p1 $0x1;
	p0 =	seq.s32 s7, s2  }
0x1e: {  	s7 =	smul.u32 @!p0 $0xF7A, s2;
	p2 =	seq.s32 @!p0 s5, $0x0  }
0x1f: {  	s9 =	smul.u32 $0xF7A, s1;
	s8 =	simm.s32 @!p0 $0x1BF5;
	p2 =	por !p2, p0  }
0x20: {  	[sflag:s8] =	ssyncset.s32 @!p0 $0xFFFFF086;
	s6 =	sadd.s32 @!p0 s3, s7;
	s7 =	simm.s32 @!p0 $0x108  }
0x21: {  	s3 =	sadd.s32 s3, s9;
	s6 =	sadd.s32 @!p0 $0x88, s6;
	s7 =	simm.s32 @p2 $0x1082  }
0x22: {  	[simem:s7], [sflag:s8] =	dma.local @!p0 [hbm:s6], $0xF7A  }
0x23: {  	s9 =	sor.u32 $0xD0000000, s2;
	s6 =	simm.s32 $0x108;
	_ =	swait.ge @!p0 [sflag:s8], $0x0  }
0x24: {  	s3 =	sadd.s32 $0x88, s3;
	s6 =	simm.s32 @!p1 $0x1082;
	[sflag:s4] =	ssyncset.s32 $0xFFFFF086  }
0x25: {  	[simem:s6], [sflag:s4] =	dma.local [hbm:s3], $0xF7A  }
0x26: {  	[smem:$0x3F97] =	sst s1;
	(tag) =	ssettag s2;
	_ =	strace s9  }
0x27: {  	s1 =	sld [smem:$0x3FA7]  }
0x28: {  	s2 =	sld [smem:$0x3FA8]  }
0x29: {  	s4 =	sld [smem:$0x3FAA]  }
0x2a: {  	p0 =	seq.s32 s5, $0x0;
	s5 =	sld [smem:$0x3FAB]  }
0x2b: {  	s6 =	sld [smem:$0x3FAC]  }
0x2c: {  	s7 =	sld [smem:$0x3FAD]  }
0x2d: {  	s3 =	simm.s32 $0x108;
	s8 =	sld [smem:$0x3FAE]  }
0x2e: {  	s3 =	simm.s32 @!p0 $0x1082;
	s9 =	sld [smem:$0x3FAF]  }
0x2f: {  	lr =	sadd.s32 s0, s3;
	s0 =	sld [smem:$0x3FA6]  }
0x30: {  	s3 =	sld [smem:$0x3FA9]  }
0x31: {  	[smem:$0x3FB2] =	sst s10  }
0x32: {  	s10 =	sld [smem:$0x3FB0];
	_ =	sdelay $0x3  }
0x33: {  	p0 =	seq.s32 s10, $0x1;
	s10 =	sld [smem:$0x3FB2];
	_ =	sdelay $0x3  }
0x34: {  	[smem:$0x3FB2] =	sst s10  }
0x35: {  	s10 =	sld [smem:$0x3FB1];
	_ =	sdelay $0x3  }
0x36: {  	p1 =	seq.s32 s10, $0x1;
	s10 =	sld [smem:$0x3FB2];
	_ =	sdelay $0x3  }
0x37: {  	[smem:$0x3FB2] =	sst s10  }
0x38: {  	s10 =	sld [smem:$0x3FB3]  }
0x39: {  	_ = 	snop;
	(pc) =	sbr.ind lr, $3  }
0x3a: {  	_ = 	snop  }
0x3b: {  	_ = 	snop  }
0x3c: {  	p2 =	seq.s32 s10, $0x1;
	s10 =	sld [smem:$0x3FB2]  }
0x3d: {  	_ =	shalt  }
0x3e: {  	_ =	shalt  }
0x3f: {  	_ =	shalt  }
0x40: {  	_ =	shalt  }
0x41: {  	_ =	shalt  }
0x42: {  	_ =	shalt  }
0x43: {  	_ =	shalt  }
0x44: {  	_ =	shalt  }
0x45: {  	_ =	shalt  }
0x46: {  	_ =	shalt  }
0x47: {  	_ =	shalt  }
0x48: {  	_ =	shalt  }
0x49: {  	_ =	shalt  }
0x4a: {  	_ =	shalt  }
0x4b: {  	_ =	shalt  }
0x4c: {  	_ =	shalt  }
0x4d: {  	_ =	shalt  }
0x4e: {  	_ =	shalt  }
0x4f: {  	_ =	shalt  }
0x50: {  	_ =	shalt  }
0x51: {  	_ =	shalt  }
0x52: {  	_ =	shalt  }
0x53: {  	_ =	shalt  }
0x54: {  	_ =	shalt  }
0x55: {  	_ =	shalt  }
0x56: {  	_ =	shalt  }
0x57: {  	_ =	shalt  }
0x58: {  	_ =	shalt  }
0x59: {  	_ =	shalt  }
0x5a: {  	_ =	shalt  }
0x5b: {  	_ =	shalt  }
0x5c: {  	_ =	shalt  }
0x5d: {  	_ =	shalt  }
0x5e: {  	_ =	shalt  }
0x5f: {  	_ =	shalt  }
0x60: {  	_ =	shalt  }
0x61: {  	_ =	shalt  }
0x62: {  	_ =	shalt  }
0x63: {  	_ =	shalt  }
0x64: {  	_ =	shalt  }
0x65: {  	_ =	shalt  }
0x66: {  	_ =	shalt  }
0x67: {  	_ =	shalt  }
0x68: {  	_ =	shalt  }
0x69: {  	_ =	shalt  }
0x6a: {  	_ =	shalt  }
0x6b: {  	_ =	shalt  }
0x6c: {  	_ =	shalt  }
0x6d: {  	_ =	shalt  }
0x6e: {  	_ =	shalt  }
0x6f: {  	_ =	shalt  }
0x70: {  	_ =	shalt  }
0x71: {  	_ =	shalt  }
0x72: {  	_ =	shalt  }
0x73: {  	_ =	shalt  }
0x74: {  	_ =	shalt  }
0x75: {  	_ =	shalt  }
0x76: {  	_ =	shalt  }
0x77: {  	_ =	shalt  }
0x78: {  	_ =	shalt  }
0x79: {  	_ =	shalt  }
0x7a: {  	_ =	shalt  }
0x7b: {  	_ =	shalt  }
0x7c: {  	_ =	shalt  }
0x7d: {  	_ =	shalt  }
0x7e: {  	_ =	shalt  }
0x7f: {  	_ =	shalt  }
0x80: {  	_ =	shalt  }
0x81: {  	_ =	shalt  }
0x82: {  	_ =	shalt  }
0x83: {  	_ =	shalt  }
0x84: {  	_ =	shalt  }
0x85: {  	_ =	shalt  }
0x86: {  	_ =	shalt  }
0x87: {  	_ =	shalt  }
.Lfunc_end0:
.L_simem_size_0:
called_computation.2_lowered:
.L_overlay_start_0:
0x88: {  	s2 =	sld [smem:$0x3FD9]  }
0x89: {  	s3 =	sld [smem:$0x3FFE];
	_ =	sdelay $0x1  }
0x8a: {  	s1 =	srdreg.scid  }
0x8b: {  	s0 =	sand.u32 $0x1, s1  }
0x8c: {  	s16 =	sshll.u32 s0, $0xA;
	s2 =	sadd.s32 s3, s2  }
0x8d: {  	s2 =	sadd.s32 s2, s16  }
0x8e: {  	[smem:$0x3FBE] =	sst s2  }
0x8f: {  	_ = 	snop  }
0x90: {  	(tm) =	ssettm $0x1  }
0x91: {  	s17 =	sld [smem:$0x3FFB];
	_ =	sdelay $0x3  }
0x92: {  	_ =	strace s17  }
0x93: {  	s2 =	sld [smem:$0x3FFC];
	_ =	sdelay $0x3  }
0x94: {  	_ =	strace s2  }
0x95: {  	s2 =	sld [smem:$0x3FFD];
	_ =	sdelay $0x3  }
0x96: {  	_ =	strace s2  }
0x97: {  	_ =	strace $0x8FFFFFFF  }
0x98: {  	s18 =	sld [smem:$0x3FDB];
	_ =	sdelay $0x1  }
0x99: {  	s19 =	simm.s32 $_scs_section_size  }
0x9a: {  	s4 =	simm.s32 $_size__tile_overlayer_lowered;
	s5 =	simm.s32 $_tile_overlayer_lowered  }
0x9b: {  	s22 =	simm.s32 $0x1BFF;
	s21 =	sshll.u32 s5, $0x1;
	s2 =	sadd.s32 s19, s18  }
0x9c: {  	s6 =	simm.s32 $0x0;
	s20 =	sshll.u32 s4, $0x1;
	s4 =	sadd.s32 s21, s2  }
0x9d: {  	[timem:s6], [sflag:s22] =	dma.local [hbm:s4], s20  }
0x9e: {  	_ =	swait.ge [sflag:s22], s20  }
0x9f: {  	s3 =	ssub.s32 $0x0, s20;
	[sflag:s22] =	ssyncset.done $0x0  }
0xa0: {  	[sflag:s22] =	ssyncadd.s32 s3;
	_ =	sdelay $0x1  }
0xa1: {  	s23 =	simm.s32 $0x1B8B  }
0xa2: {  	_ =	swait.ge [sflag:s23], $0x1  }
0xa3: {  	[sflag:s23] =	ssyncset.done $0x0  }
0xa4: {  	s25 =	simm.s32 $0x1B8E;
	s24 =	sld [smem:$0x3FFE];
	[sflag:s23] =	ssyncadd.s32 $0xFFFFFFFF  }
0xa5: {  	s26 =	simm.s32 $execute0_lowered;
	[smem:$0x3FD2] =	sst s25  }
0xa6: {  	s4 =	sshll.u32 s26, $0x1;
	_ =	strace $0x8000004C;
	[dreg:$0x1] =	wrdreg $0xFFFFFFFF  }
0xa7: {  	s28 =	simm.s32 $_size_execute0_lowered;
	s2 =	sadd.s32 s2, s4;
	[dreg:$0x0] =	wrdreg $0x0  }
0xa8: {  	s4 =	sshll.u32 s28, $0x1;
	[dreg:$0x2] =	wrdreg s2  }
0xa9: {  	[dreg:$0x3] =	wrdreg s4  }
0xaa: {  	[dreg:$0x4] =	wrdreg $0xC0  }
0xab: {  	_ =	task [dreg:s6], $0x5FFFF  }
0xac: {  	[dreg:$0x1] =	wrdreg $0xFFFFFFFF  }
0xad: {  	[dreg:$0x0] =	wrdreg $0x60  }
0xae: {  	[dreg:$0x2] =	wrdreg s24  }
0xaf: {  	[dreg:$0x3] =	wrdreg $0x0  }
0xb0: {  	[dreg:$0x4] =	wrdreg $0x2800  }
0xb1: {  	[dreg:$0x5] =	wrdreg $0x9  }
0xb2: {  	_ =	task.clear_ibuf [dreg:s6], $0x6FFFF;
	_ =	strace $0x9000004C  }
0xb3: {  	s29 =	simm.s32 $0x9;
	_ =	strace $0x8000004E  }
0xb4: {  	_ =	swait.ge [sflag:s29], $0x1  }
0xb5: {  	[sflag:s29] =	ssyncadd.s32 $0xFFFFFFFF  }
0xb6: {  	_ =	strace $0x9000004E  }
0xb7: {  	_ =	sfence  }
0xb8: {  	s30 =	sld [smem:$0x0];
	_ =	sdelay $0x2  }
0xb9: {  	s31 =	sshll.u32 s1, $0xD;
	s1 =	sshrl.u32 s1, $0x2  }
0xba: {  	s3 =	sand.u32 $0x4000, s31;
	s1 =	sadd.s32 s1, s30  }
0xbb: {  	s0 =	sor.u32 s3, s0;
	s1 =	sshll.u32 s1, $0x11  }
0xbc: {  	s0 =	sor.u32 s1, s0  }
0xbd: {  	s0 =	sadd.s32 $0x8F2B, s0  }
0xbe: {  	[sflag:s0] =	ssyncadd.remote.s32 $0x1  }
0xbf: {  	_ =	sfence.sel $0xFFFF  }
0xc0: {  	[dreg:$0x0] =	wrdreg $0xFFFFFFFF;
	(pc) =	sbr.abs _section_cstart, $3  }
0xc1: {  	[dreg:$0x1] =	wrdreg $0xFFFFFFFF  }
0xc2: {  	_ =	task.clear_ibuf [dreg:s6], $0x2FFFF;
	_ =	strace $0x9FFFFFFF  }
0xc3: {  	(tm) =	ssettm $0x7FFFFFFF  }
tec
execute0_lowered:
.L_overlay_start_1:
0x0: {  	(tag) =	ssettag $0x1  }
0x1: {  	s0 =	rddreg [dreg:$0x0]  }
0x2: {  	s2 =	rddreg [dreg:$0x1]  }
0x3: {  	s3 =	rddreg [dreg:$0x2]  }
0x4: {  	s10 =	stileid.u32;
	s4 =	simm.s32 $0x0;
	s17 =	srdreg.scid  }
0x5: {  	s29 =	simm.s32 $0xA580;
	s31 =	simm.s32 $0xA600;
	s28 =	simm.s32 $0xA700  }
0x6: {  	s30 =	simm.s32 $0x6;
	s16 =	simm.s32 $0x7;
	s11 =	simm.s32 $0x8  }
0x7: {  	s1 =	smul.u32 $0x280, s10;
	[smem:$0x7FF] =	sst s4;
	s6 =	sadd.s32 $0xD3600, s0  }
0x8: {  	s4 =	sand.u32 $0x1, s17;
	s7 =	sadd.s32 $0x1A00, s0;
	s9 =	smul.u32 $0x5000, s10  }
0x9: {  	s8 =	sadd.s32 $0xCC00, s0;
	s20 =	smul.u32 $0xA00, s10;
	s10 =	simm.s32 $0xA800  }
0xa: {  	_ =	strace $0x8000004D;
	[dreg:$0x5] =	wrdreg s8;
	s18 =	ssub.s32 $0x2, s4  }
0xb: {  	p0 =	seq.s32 s4, $0x1;
	s5 =	sshrl.u32 s1, $0x3;
	s19 =	sshrl.u32 s18, $0x1  }
0xc: {  	s8 =	sadd.s32 s1, s2;
	s9 =	sshrl.u32 s9, $0x3;
	s1 =	sadd.s32 s1, s3  }
0xd: {  	s22 =	sadd.s32 s6, s20;
	s4 =	sadd.s32 s7, s20;
	[dreg:$0x4] =	wrdreg s5  }
0xe: {  	s20 =	simm.s32 $0xAB80;
	s5 =	sadd.s32 s5, s0;
	[dreg:$0x8] =	wrdreg s1  }
0xf: {  	s0 =	sadd.s32 $0xD200, s0;
	[dreg:$0x9] =	wrdreg s22;
	s23 =	sadd.s32 $0x500, s9  }
0x10: {  	[dreg:$0xa] =	wrdreg s4;
	s4 =	simm.s32 $0xA880;
	s22 =	simm.s32 $0x1  }
0x11: {  	s9 =	simm.s32 $0x5;
	[dreg:$0x6] =	wrdreg s0;
	s0 =	ssub.s32 s18, s19  }
0x12: {  	s21 =	sadd.s32 $0xC000, s5;
	s24 =	sadd.s32 s6, s23;
	s1 =	sadd.s32 s7, s23  }
0x13: {  	s25 =	sadd.s32 $0xBA00, s5;
	s26 =	sadd.s32 $0xC600, s5;
	[dreg:$0x7] =	wrdreg s21  }
0x14: {  	s18 =	simm.s32 $0xA900;
	s19 =	simm.s32 $0x11;
	[dreg:$0xb] =	wrdreg s24  }
.Ltmp0:
0x15: {  	s6 =	simm.s32 $0x2;
	[dreg:$0xc] =	wrdreg s1;
	(pc) =	sbr.rel .LBB2_1-.Ltmp0, $4  }
0x16: {  	s23 =	simm.s32 $0x3;
	s7 =	simm.s32 $0x9;
	[dreg:$0xd] =	wrdreg s25  }
0x17: {  	s5 =	simm.s32 $0x0;
	[dreg:$0xe] =	wrdreg s26;
	s0 =	smax.u32 s0, $0x1  }
0x18: {  	s25 =	simm.s32 $0x80;
	s26 =	simm.s32 $0xA500;
	s1 =	simm.s32 $0xA680  }
0x19: {  	v0 =	vimm.f32 $0.0e+00;
	s24 =	simm.s32 $0x4;
	[dreg:$0xf] =	wrdreg s0;
	s0 =	simm.s32 $0xA780  }
.LBB2_15:
0x1a: {  	v2 =	vld [tilespmem:s12+$0xA900];
	_ =	sdelay $0x4  }
0x1b: {  	v1 =	vmul.f32 v1, v2;
	_ =	sdelay $0x1  }
0x1c: {  	[tilespmem:s12+$0xA900] =	vst v1;
	s12 =	rddreg [dreg:$0x6]  }
.LBB2_16:
0x1d: {  	s13 =	rddreg [dreg:$0x4]  }
0x1e: {  	s17 =	simm.s32 $0x0;
	s12 =	sadd.s32 s12, s13  }
0x1f: {  	[hbm4b:s12+s17] =	stream.linear.scatter [tilespmem:s18], [sflag:$0x11], $0x280, $0x38;
	[tilespmem:$0xAE00] =	vst v63  }
0x20: {  	_ =	swait.ge [sflag:s19], $0x280  }
0x21: {  	s5 =	sadd.s32 $0x1, s5;
	s21 =	rddreg [dreg:$0xf]  }
0x22: {  	p1 =	sne.s32 s5, s21  }
.Ltmp1:
0x23: {  	_ = 	snop;
	(pc) =	sbr.rel @!p1 .LBB2_17-.Ltmp1, $3  }
0x24: {  	_ =	sdelay $0x1  }
0x25: {  	[sflag:s19] =	ssyncset.done $0x0  }
0x26: {  	[sflag:s19] =	ssyncadd.s32 $0xFFFFFD80  }
.LBB2_1:
.Ltmp2:
0x27: {  	(pc) =	sbr.rel @!p0 .LBB2_2-.Ltmp2, $2  }
0x28: {  	_ =	sdelay $0x2  }
0x29: {  	[tilespmem:$0xA900] =	vst v0  }
0x2a: {  	[tilespmem:$0xA910] =	vst v0  }
0x2b: {  	[tilespmem:$0xA920] =	vst v0  }
0x2c: {  	[tilespmem:$0xA930] =	vst v0  }
0x2d: {  	[tilespmem:$0xA940] =	vst v0  }
0x2e: {  	[tilespmem:$0xA950] =	vst v0  }
0x2f: {  	[tilespmem:$0xA960] =	vst v0  }
0x30: {  	[tilespmem:$0xA970] =	vst v0  }
0x31: {  	[tilespmem:$0xA980] =	vst v0  }
0x32: {  	[tilespmem:$0xA990] =	vst v0  }
0x33: {  	[tilespmem:$0xA9A0] =	vst v0  }
0x34: {  	[tilespmem:$0xA9B0] =	vst v0  }
0x35: {  	[tilespmem:$0xA9C0] =	vst v0  }
0x36: {  	[tilespmem:$0xA9D0] =	vst v0  }
0x37: {  	[tilespmem:$0xA9E0] =	vst v0  }
0x38: {  	[tilespmem:$0xA9F0] =	vst v0  }
0x39: {  	[tilespmem:$0xAA00] =	vst v0  }
0x3a: {  	[tilespmem:$0xAA10] =	vst v0  }
0x3b: {  	[tilespmem:$0xAA20] =	vst v0  }
0x3c: {  	[tilespmem:$0xAA30] =	vst v0  }
0x3d: {  	[tilespmem:$0xAA40] =	vst v0  }
0x3e: {  	[tilespmem:$0xAA50] =	vst v0  }
0x3f: {  	[tilespmem:$0xAA60] =	vst v0  }
0x40: {  	[tilespmem:$0xAA70] =	vst v0  }
0x41: {  	[tilespmem:$0xAA80] =	vst v0  }
0x42: {  	[tilespmem:$0xAA90] =	vst v0  }
0x43: {  	[tilespmem:$0xAAA0] =	vst v0  }
0x44: {  	[tilespmem:$0xAAB0] =	vst v0  }
0x45: {  	[tilespmem:$0xAAC0] =	vst v0  }
0x46: {  	[tilespmem:$0xAAD0] =	vst v0  }
0x47: {  	[tilespmem:$0xAAE0] =	vst v0  }
0x48: {  	[tilespmem:$0xAAF0] =	vst v0  }
0x49: {  	[tilespmem:$0xAB00] =	vst v0  }
0x4a: {  	[tilespmem:$0xAB10] =	vst v0  }
0x4b: {  	[tilespmem:$0xAB20] =	vst v0  }
0x4c: {  	[tilespmem:$0xAB30] =	vst v0  }
0x4d: {  	[tilespmem:$0xAB40] =	vst v0  }
0x4e: {  	[tilespmem:$0xAB50] =	vst v0  }
0x4f: {  	[tilespmem:$0xAB60] =	vst v0  }
0x50: {  	[tilespmem:$0xAB70] =	vst v0  }
0x51: {  	[spmem:s8] =	stream.linear.scatter [tilespmem:s18], [sflag:$0x11], $0x280, $0x38;
	[tilespmem:$0xAE00] =	vst v63  }
0x52: {  	_ =	swait.ge [sflag:s19], $0x280  }
0x53: {  	[sflag:s19] =	ssyncset.done $0x0  }
0x54: {  	s21 =	simm.s32 $0x0;
	s12 =	rddreg [dreg:$0xe];
	[sflag:s19] =	ssyncadd.s32 $0xFFFFFD80  }
0x55: {  	[tilespmem:s20], [sflag:$0x11] =	stream.linear.gather [hbm4b:s12+s21], $0x280, $0x38;
	[tilespmem:$0xAE00] =	vst v63  }
0x56: {  	_ =	swait.ge [sflag:s19], $0x280  }
0x57: {  	[sflag:s19] =	ssyncset.done $0x0  }
0x58: {  	s14 =	rddreg [dreg:$0x8];
	[sflag:s19] =	ssyncadd.s32 $0xFFFFFD80  }
0x59: {  	[spmem:s14] =	stream.linear.scatter [tilespmem:s20], [sflag:$0x11], $0x280, $0x38;
	[tilespmem:$0xAE00] =	vst v63  }
0x5a: {  	_ =	swait.ge [sflag:s19], $0x280  }
0x5b: {  	[sflag:s19] =	ssyncset.done $0x0  }
0x5c: {  	[sflag:s19] =	ssyncadd.s32 $0xFFFFFD80  }
0x5d: {  	[bflag:$0x0] =	sbarrier.arrive $0xFFFF  }
0x5e: {  	s13 =	simm.s32 $0x500;
	s15 =	rddreg [dreg:$0x9]  }
0x5f: {  	[tilespmem:s13], [sflag:$0x11] =	stream.linear.gather [hbm4b:s15+s21], $0x2800, $0x38;
	[tilespmem:$0xAE00] =	vst v63  }
0x60: {  	_ =	swait.ge [sflag:s19], $0x2800  }
0x61: {  	[sflag:s19] =	ssyncset.done $0x0  }
0x62: {  	s14 =	simm.s32 $0x5500;
	s17 =	rddreg [dreg:$0xa];
	[sflag:s19] =	ssyncadd.s32 $0xFFFFD800  }
0x63: {  	[tilespmem:s14], [sflag:$0x11] =	stream.linear.gather [hbm4b:s17+s21], $0x2800, $0x38;
	[tilespmem:$0xAE00] =	vst v63  }
0x64: {  	_ =	swait.ge [sflag:s19], $0x2800  }
0x65: {  	[sflag:s19] =	ssyncset.done $0x0  }
0x66: {  	s17 =	simm.s32 $0x2D00;
	s15 =	rddreg [dreg:$0xb];
	[sflag:s19] =	ssyncadd.s32 $0xFFFFD800  }
0x67: {  	[tilespmem:s17], [sflag:$0x11] =	stream.linear.gather [hbm4b:s15+s21], $0x2800, $0x38;
	[tilespmem:$0xAE00] =	vst v63  }
0x68: {  	_ =	swait.ge [sflag:s19], $0x2800  }
0x69: {  	[sflag:s19] =	ssyncset.done $0x0  }
0x6a: {  	s17 =	simm.s32 $0x7D00;
	s15 =	rddreg [dreg:$0xc];
	[sflag:s19] =	ssyncadd.s32 $0xFFFFD800  }
0x6b: {  	[tilespmem:s17], [sflag:$0x11] =	stream.linear.gather [hbm4b:s15+s21], $0x2800, $0x38;
	[tilespmem:$0xAE00] =	vst v63  }
0x6c: {  	_ =	swait.ge [sflag:s19], $0x2800  }
0x6d: {  	[sflag:s19] =	ssyncset.done $0x0  }
0x6e: {  	[sflag:s19] =	ssyncadd.s32 $0xFFFFD800  }
0x6f: {  	[tilespmem:s26], [sflag:$0x1] =	stream.indirect.gather [spmem:s3], $0x1, s13, s25, $0xb8;
	[tilespmem:$0xAE00] =	vst v63  }
0x70: {  	s14 =	simm.s32 $0x580  }
0x71: {  	[tilespmem:s29], [sflag:$0x2] =	stream.indirect.gather [spmem:s3], $0x1, s14, s25, $0xb8;
	[tilespmem:$0xAE00] =	vst v63  }
0x72: {  	s15 =	simm.s32 $0x600  }
0x73: {  	[tilespmem:s31], [sflag:$0x3] =	stream.indirect.gather [spmem:s3], $0x1, s15, s25, $0xb8;
	[tilespmem:$0xAE00] =	vst v63  }
0x74: {  	s17 =	simm.s32 $0x680  }
0x75: {  	[tilespmem:s1], [sflag:$0x4] =	stream.indirect.gather [spmem:s3], $0x1, s17, s25, $0xb8;
	[tilespmem:$0xAE00] =	vst v63  }
.LBB2_10:
0x76: {  	p1 =	seq.s32 s21, $0x0  }
0x77: {  	s12 =	simm.s32 @p1 $0x80;
	s13 =	simm.s32 @p1 $0x700;
	s14 =	simm.s32 @p1 $0xA700  }
0x78: {  	[tilespmem:s14], [sflag:$0x5] =	stream.indirect.gather @p1 [spmem:s3], $0x1, s13, s12, $0xb8;
	[tilespmem:$0xAE00] =	vst v63  }
0x79: {  	s13 =	simm.s32 @p1 $0x780;
	s14 =	simm.s32 @p1 $0xA780  }
0x7a: {  	[tilespmem:s14], [sflag:$0x6] =	stream.indirect.gather @p1 [spmem:s3], $0x1, s13, s12, $0xb8;
	[tilespmem:$0xAE00] =	vst v63  }
0x7b: {  	s13 =	simm.s32 @p1 $0x800;
	s14 =	simm.s32 @p1 $0xA800  }
0x7c: {  	[tilespmem:s14], [sflag:$0x7] =	stream.indirect.gather @p1 [spmem:s3], $0x1, s13, s12, $0xb8;
	[tilespmem:$0xAE00] =	vst v63  }
0x7d: {  	s12 =	simm.s32 @!p1 $0xD  }
0x7e: {  	_ =	swait.ge @!p1 [sflag:s12], $0x80  }
0x7f: {  	[sflag:s12] =	ssyncset.done @!p1 $0x0  }
0x80: {  	[sflag:s12] =	ssyncadd.s32 @!p1 $0xFFFFFF80;
	s12 =	sshra.s32 @!p1 s21, $0x2  }
0x81: {  	s15 =	simm.s32 @!p1 $0xA700;
	s14 =	simm.s32 @!p1 $0x80;
	s13 =	sadd.s32 @!p1 $0x700, s12  }
0x82: {  	[tilespmem:s15], [sflag:$0x5] =	stream.indirect.gather @!p1 [spmem:s3], $0x1, s13, s14, $0xb8;
	[tilespmem:$0xAE00] =	vst v63  }
0x83: {  	s13 =	simm.s32 @!p1 $0xE  }
0x84: {  	_ =	swait.ge @!p1 [sflag:s13], $0x80  }
0x85: {  	[sflag:s13] =	ssyncset.done @!p1 $0x0  }
0x86: {  	s15 =	simm.s32 @!p1 $0xA780;
	[sflag:s13] =	ssyncadd.s32 @!p1 $0xFFFFFF80;
	s13 =	sadd.s32 @!p1 $0x780, s12  }
0x87: {  	[tilespmem:s15], [sflag:$0x6] =	stream.indirect.gather @!p1 [spmem:s3], $0x1, s13, s14, $0xb8;
	[tilespmem:$0xAE00] =	vst v63  }
0x88: {  	s13 =	simm.s32 @!p1 $0xF  }
0x89: {  	_ =	swait.ge @!p1 [sflag:s13], $0x80  }
0x8a: {  	[sflag:s13] =	ssyncset.done @!p1 $0x0  }
0x8b: {  	s15 =	simm.s32 @!p1 $0xA800;
	[sflag:s13] =	ssyncadd.s32 @!p1 $0xFFFFFF80;
	s13 =	sadd.s32 @!p1 $0x800, s12  }
0x8c: {  	[tilespmem:s15], [sflag:$0x7] =	stream.indirect.gather @!p1 [spmem:s3], $0x1, s13, s14, $0xb8;
	[tilespmem:$0xAE00] =	vst v63  }
0x8d: {  	s13 =	simm.s32 @!p1 $0x10  }
0x8e: {  	_ =	swait.ge @!p1 [sflag:s13], $0x80  }
0x8f: {  	s12 =	sadd.s32 @!p1 $0x880, s12;
	[sflag:s13] =	ssyncset.done @!p1 $0x0  }
0x90: {  	s12 =	simm.s32 @p1 $0x880;
	[sflag:s13] =	ssyncadd.s32 @!p1 $0xFFFFFF80;
	s13 =	smov.u32 s21  }
0x91: {  	[tilespmem:s4], [sflag:$0x8] =	stream.indirect.gather [spmem:s3], $0x1, s12, s25, $0xb8;
	[tilespmem:$0xAE00] =	vst v63  }
0x92: {  	s13 =	simm.s32 @p1 $0x0;
	_ =	swait.ge [sflag:s22], $0x80  }
0x93: {  	s12 =	sshra.s32 s13, $0x2;
	[sflag:s22] =	ssyncset.done $0x0  }
0x94: {  	s15 =	sadd.s32 $0x5500, s12;
	[sflag:s22] =	ssyncadd.s32 $0xFFFFFF80  }
0x95: {  	[spmem:s2] =	stream.indirect.scatter.add.f32 [tilespmem:s26], [sflag:$0x9], $0x1, s15, s25, $0xb8;
	[tilespmem:$0xAE00] =	vst v63  }
0x96: {  	_ =	swait.ge [sflag:s6], $0x80  }
0x97: {  	[sflag:s6] =	ssyncset.done $0x0  }
0x98: {  	s17 =	sadd.s32 $0x5580, s12;
	[sflag:s6] =	ssyncadd.s32 $0xFFFFFF80  }
0x99: {  	[spmem:s2] =	stream.indirect.scatter.add.f32 [tilespmem:s29], [sflag:$0xA], $0x1, s17, s25, $0xb8;
	[tilespmem:$0xAE00] =	vst v63  }
0x9a: {  	_ =	swait.ge [sflag:s23], $0x80  }
0x9b: {  	[sflag:s23] =	ssyncset.done $0x0  }
0x9c: {  	s15 =	sadd.s32 $0x5600, s12;
	[sflag:s23] =	ssyncadd.s32 $0xFFFFFF80  }
0x9d: {  	[spmem:s2] =	stream.indirect.scatter.add.f32 [tilespmem:s31], [sflag:$0xB], $0x1, s15, s25, $0xb8;
	[tilespmem:$0xAE00] =	vst v63  }
0x9e: {  	_ =	swait.ge [sflag:s24], $0x80  }
0x9f: {  	[sflag:s24] =	ssyncset.done $0x0  }
0xa0: {  	s17 =	sadd.s32 $0x5680, s12;
	[sflag:s24] =	ssyncadd.s32 $0xFFFFFF80  }
0xa1: {  	[spmem:s2] =	stream.indirect.scatter.add.f32 [tilespmem:s1], [sflag:$0xC], $0x1, s17, s25, $0xb8;
	[tilespmem:$0xAE00] =	vst v63  }
0xa2: {  	_ =	swait.ge [sflag:s7], $0x80  }
0xa3: {  	p1 =	seq.s32 s21, $0x13000;
	[sflag:s7] =	ssyncset.done $0x0  }
0xa4: {  	s14 =	simm.s32 @p1 $0xA;
	[sflag:s7] =	ssyncadd.s32 $0xFFFFFF80  }
0xa5: {  	_ =	swait.ge @p1 [sflag:s14], $0x80  }
0xa6: {  	[sflag:s14] =	ssyncset.done @p1 $0x0  }
0xa7: {  	[sflag:s14] =	ssyncadd.s32 @p1 $0xFFFFFF80;
	s14 =	simm.s32 @p1 $0xB  }
0xa8: {  	_ =	swait.ge @p1 [sflag:s14], $0x80  }
0xa9: {  	[sflag:s14] =	ssyncset.done @p1 $0x0  }
0xaa: {  	[sflag:s14] =	ssyncadd.s32 @p1 $0xFFFFFF80;
	s14 =	simm.s32 @p1 $0xC  }
0xab: {  	_ =	swait.ge @p1 [sflag:s14], $0x80  }
0xac: {  	s13 =	sshra.s32 @!p1 s13, $0x2;
	s15 =	simm.s32 @!p1 $0x80;
	[sflag:s14] =	ssyncset.done @p1 $0x0  }
0xad: {  	s17 =	simm.s32 @!p1 $0xA500;
	[sflag:s14] =	ssyncadd.s32 @p1 $0xFFFFFF80;
	s14 =	sadd.s32 @!p1 $0x900, s13  }
0xae: {  	[tilespmem:s17], [sflag:$0x1] =	stream.indirect.gather @!p1 [spmem:s3], $0x1, s14, s15, $0xb8;
	[tilespmem:$0xAE00] =	vst v63  }
0xaf: {  	s14 =	simm.s32 @!p1 $0xA  }
0xb0: {  	_ =	swait.ge @!p1 [sflag:s14], $0x80  }
0xb1: {  	[sflag:s14] =	ssyncset.done @!p1 $0x0  }
0xb2: {  	s17 =	simm.s32 @!p1 $0xA580;
	[sflag:s14] =	ssyncadd.s32 @!p1 $0xFFFFFF80;
	s14 =	sadd.s32 @!p1 $0x980, s13  }
0xb3: {  	[tilespmem:s17], [sflag:$0x2] =	stream.indirect.gather @!p1 [spmem:s3], $0x1, s14, s15, $0xb8;
	[tilespmem:$0xAE00] =	vst v63  }
0xb4: {  	s14 =	simm.s32 @!p1 $0xB  }
0xb5: {  	_ =	swait.ge @!p1 [sflag:s14], $0x80  }
0xb6: {  	[sflag:s14] =	ssyncset.done @!p1 $0x0  }
0xb7: {  	s17 =	simm.s32 @!p1 $0xA600;
	[sflag:s14] =	ssyncadd.s32 @!p1 $0xFFFFFF80;
	s14 =	sadd.s32 @!p1 $0xA00, s13  }
0xb8: {  	[tilespmem:s17], [sflag:$0x3] =	stream.indirect.gather @!p1 [spmem:s3], $0x1, s14, s15, $0xb8;
	[tilespmem:$0xAE00] =	vst v63  }
0xb9: {  	s14 =	simm.s32 @!p1 $0xC  }
0xba: {  	_ =	swait.ge @!p1 [sflag:s14], $0x80  }
0xbb: {  	[sflag:s14] =	ssyncset.done @!p1 $0x0  }
0xbc: {  	s13 =	sadd.s32 @!p1 $0xA80, s13;
	[sflag:s14] =	ssyncadd.s32 @!p1 $0xFFFFFF80;
	s14 =	simm.s32 @!p1 $0xA680  }
0xbd: {  	[tilespmem:s14], [sflag:$0x4] =	stream.indirect.gather @!p1 [spmem:s3], $0x1, s13, s15, $0xb8;
	[tilespmem:$0xAE00] =	vst v63  }
0xbe: {  	_ =	swait.ge [sflag:s9], $0x80  }
0xbf: {  	[sflag:s9] =	ssyncset.done $0x0  }
0xc0: {  	s14 =	sadd.s32 $0x5700, s12;
	[sflag:s9] =	ssyncadd.s32 $0xFFFFFF80  }
0xc1: {  	[spmem:s2] =	stream.indirect.scatter.add.f32 [tilespmem:s28], [sflag:$0xD], $0x1, s14, s25, $0xb8;
	[tilespmem:$0xAE00] =	vst v63  }
0xc2: {  	_ =	swait.ge [sflag:s30], $0x80  }
0xc3: {  	[sflag:s30] =	ssyncset.done $0x0  }
0xc4: {  	s15 =	sadd.s32 $0x5780, s12;
	[sflag:s30] =	ssyncadd.s32 $0xFFFFFF80  }
0xc5: {  	[spmem:s2] =	stream.indirect.scatter.add.f32 [tilespmem:s0], [sflag:$0xE], $0x1, s15, s25, $0xb8;
	[tilespmem:$0xAE00] =	vst v63  }
0xc6: {  	_ =	swait.ge [sflag:s16], $0x80  }
0xc7: {  	[sflag:s16] =	ssyncset.done $0x0  }
0xc8: {  	s17 =	sadd.s32 $0x5800, s12;
	p1 =	sne.s32 s21, $0x13000;
	[sflag:s16] =	ssyncadd.s32 $0xFFFFFF80  }
0xc9: {  	[spmem:s2] =	stream.indirect.scatter.add.f32 [tilespmem:s10], [sflag:$0xF], $0x1, s17, s25, $0xb8;
	[tilespmem:$0xAE00] =	vst v63  }
.Ltmp3:
0xca: {  	_ = 	snop;
	(pc) =	sbr.rel @!p1 .LBB2_11-.Ltmp3, $4  }
0xcb: {  	_ =	swait.ge [sflag:s11], $0x80  }
0xcc: {  	[sflag:s11] =	ssyncset.done $0x0  }
0xcd: {  	s12 =	sadd.s32 $0x5880, s12;
	[sflag:s11] =	ssyncadd.s32 $0xFFFFFF80  }
0xce: {  	[spmem:s2] =	stream.indirect.scatter.add.f32 [tilespmem:s4], [sflag:$0x10], $0x1, s12, s25, $0xb8;
	[tilespmem:$0xAE00] =	vst v63  }
0xcf: {  	s21 =	sadd.s32 $0x1000, s21  }
0xd0: {  	p1 =	sne.s32 s21, $0x14000  }
.Ltmp4:
0xd1: {  	_ = 	snop;
	(pc) =	sbr.rel @p1 .LBB2_10-.Ltmp4, $4  }
.Ltmp5:
0xd2: {  	_ = 	snop;
	(pc) =	sbr.rel @!p1 .LBB2_13-.Ltmp5, $4  }
0xd3: {  	_ = 	snop  }
0xd4: {  	_ = 	snop  }
0xd5: {  	_ = 	snop  }
0xd6: {  	_ = 	snop  }
.LBB2_2:
0xd7: {  	[tilespmem:$0xA910] =	vst v0  }
0xd8: {  	[tilespmem:$0xA920] =	vst v0  }
0xd9: {  	[tilespmem:$0xA930] =	vst v0  }
0xda: {  	[tilespmem:$0xA940] =	vst v0  }
0xdb: {  	[tilespmem:$0xA950] =	vst v0  }
0xdc: {  	[tilespmem:$0xA960] =	vst v0  }
0xdd: {  	[tilespmem:$0xA970] =	vst v0  }
0xde: {  	[tilespmem:$0xA980] =	vst v0  }
0xdf: {  	[tilespmem:$0xA990] =	vst v0  }
0xe0: {  	[tilespmem:$0xA9A0] =	vst v0  }
0xe1: {  	[tilespmem:$0xA9B0] =	vst v0  }
0xe2: {  	[tilespmem:$0xA9C0] =	vst v0  }
0xe3: {  	[tilespmem:$0xA9D0] =	vst v0  }
0xe4: {  	[tilespmem:$0xA9E0] =	vst v0  }
0xe5: {  	[tilespmem:$0xA9F0] =	vst v0  }
0xe6: {  	[tilespmem:$0xAA00] =	vst v0  }
0xe7: {  	[tilespmem:$0xAA10] =	vst v0  }
0xe8: {  	[tilespmem:$0xAA20] =	vst v0  }
0xe9: {  	[tilespmem:$0xAA30] =	vst v0  }
0xea: {  	[tilespmem:$0xAA40] =	vst v0  }
0xeb: {  	[tilespmem:$0xAA50] =	vst v0  }
0xec: {  	[tilespmem:$0xAA60] =	vst v0  }
0xed: {  	[tilespmem:$0xAA70] =	vst v0  }
0xee: {  	[tilespmem:$0xAA80] =	vst v0  }
0xef: {  	[tilespmem:$0xAA90] =	vst v0  }
0xf0: {  	[tilespmem:$0xAAA0] =	vst v0  }
0xf1: {  	[tilespmem:$0xAAB0] =	vst v0  }
0xf2: {  	[tilespmem:$0xAAC0] =	vst v0  }
0xf3: {  	[tilespmem:$0xAAD0] =	vst v0  }
0xf4: {  	[tilespmem:$0xAAE0] =	vst v0  }
0xf5: {  	[tilespmem:$0xAAF0] =	vst v0  }
0xf6: {  	[tilespmem:$0xAB00] =	vst v0  }
0xf7: {  	[tilespmem:$0xAB10] =	vst v0  }
0xf8: {  	[tilespmem:$0xAB20] =	vst v0  }
0xf9: {  	[tilespmem:$0xAB30] =	vst v0  }
0xfa: {  	[tilespmem:$0xAB40] =	vst v0  }
0xfb: {  	[tilespmem:$0xAB50] =	vst v0  }
0xfc: {  	[tilespmem:$0xAB60] =	vst v0  }
0xfd: {  	[tilespmem:$0xAB70] =	vst v0  }
0xfe: {  	[spmem:s8] =	stream.linear.scatter [tilespmem:s18], [sflag:$0x11], $0x280, $0x38;
	[tilespmem:$0xAE00] =	vst v63  }
0xff: {  	_ =	swait.ge [sflag:s19], $0x280  }
0x100: {  	[sflag:s19] =	ssyncset.done $0x0  }
0x101: {  	s21 =	simm.s32 $0x0;
	s12 =	rddreg [dreg:$0x7];
	[sflag:s19] =	ssyncadd.s32 $0xFFFFFD80  }
0x102: {  	[tilespmem:s20], [sflag:$0x11] =	stream.linear.gather [hbm4b:s12+s21], $0x280, $0x38;
	[tilespmem:$0xAE00] =	vst v63  }
0x103: {  	_ =	swait.ge [sflag:s19], $0x280  }
0x104: {  	[sflag:s19] =	ssyncset.done $0x0  }
0x105: {  	s14 =	rddreg [dreg:$0x8];
	[sflag:s19] =	ssyncadd.s32 $0xFFFFFD80  }
0x106: {  	[spmem:s14] =	stream.linear.scatter [tilespmem:s20], [sflag:$0x11], $0x280, $0x38;
	[tilespmem:$0xAE00] =	vst v63  }
0x107: {  	_ =	swait.ge [sflag:s19], $0x280  }
0x108: {  	[sflag:s19] =	ssyncset.done $0x0  }
0x109: {  	[sflag:s19] =	ssyncadd.s32 $0xFFFFFD80  }
0x10a: {  	[bflag:$0x0] =	sbarrier.arrive $0xFFFF  }
0x10b: {  	s13 =	simm.s32 $0x500;
	s15 =	rddreg [dreg:$0x9]  }
0x10c: {  	[tilespmem:s13], [sflag:$0x11] =	stream.linear.gather [hbm4b:s15+s21], $0x2800, $0x38;
	[tilespmem:$0xAE00] =	vst v63  }
0x10d: {  	_ =	swait.ge [sflag:s19], $0x2800  }
0x10e: {  	[sflag:s19] =	ssyncset.done $0x0  }
0x10f: {  	s14 =	simm.s32 $0x5500;
	s17 =	rddreg [dreg:$0xa];
	[sflag:s19] =	ssyncadd.s32 $0xFFFFD800  }
0x110: {  	[tilespmem:s14], [sflag:$0x11] =	stream.linear.gather [hbm4b:s17+s21], $0x2800, $0x38;
	[tilespmem:$0xAE00] =	vst v63  }
0x111: {  	_ =	swait.ge [sflag:s19], $0x2800  }
0x112: {  	[sflag:s19] =	ssyncset.done $0x0  }
0x113: {  	s17 =	simm.s32 $0x2D00;
	s15 =	rddreg [dreg:$0xb];
	[sflag:s19] =	ssyncadd.s32 $0xFFFFD800  }
0x114: {  	[tilespmem:s17], [sflag:$0x11] =	stream.linear.gather [hbm4b:s15+s21], $0x2800, $0x38;
	[tilespmem:$0xAE00] =	vst v63  }
0x115: {  	_ =	swait.ge [sflag:s19], $0x2800  }
0x116: {  	[sflag:s19] =	ssyncset.done $0x0  }
0x117: {  	s17 =	simm.s32 $0x7D00;
	s15 =	rddreg [dreg:$0xc];
	[sflag:s19] =	ssyncadd.s32 $0xFFFFD800  }
0x118: {  	[tilespmem:s17], [sflag:$0x11] =	stream.linear.gather [hbm4b:s15+s21], $0x2800, $0x38;
	[tilespmem:$0xAE00] =	vst v63  }
0x119: {  	_ =	swait.ge [sflag:s19], $0x2800  }
0x11a: {  	[sflag:s19] =	ssyncset.done $0x0  }
0x11b: {  	[sflag:s19] =	ssyncadd.s32 $0xFFFFD800  }
0x11c: {  	[tilespmem:s26], [sflag:$0x1] =	stream.indirect.gather [spmem:s3], $0x1, s13, s25, $0xb8;
	[tilespmem:$0xAE00] =	vst v63  }
0x11d: {  	s14 =	simm.s32 $0x580  }
0x11e: {  	[tilespmem:s29], [sflag:$0x2] =	stream.indirect.gather [spmem:s3], $0x1, s14, s25, $0xb8;
	[tilespmem:$0xAE00] =	vst v63  }
0x11f: {  	s15 =	simm.s32 $0x600  }
0x120: {  	[tilespmem:s31], [sflag:$0x3] =	stream.indirect.gather [spmem:s3], $0x1, s15, s25, $0xb8;
	[tilespmem:$0xAE00] =	vst v63  }
0x121: {  	s17 =	simm.s32 $0x680  }
0x122: {  	[tilespmem:s1], [sflag:$0x4] =	stream.indirect.gather [spmem:s3], $0x1, s17, s25, $0xb8;
	[tilespmem:$0xAE00] =	vst v63  }
.LBB2_3:
0x123: {  	p1 =	seq.s32 s21, $0x0  }
0x124: {  	s12 =	simm.s32 @p1 $0x80;
	s13 =	simm.s32 @p1 $0x700;
	s14 =	simm.s32 @p1 $0xA700  }
0x125: {  	[tilespmem:s14], [sflag:$0x5] =	stream.indirect.gather @p1 [spmem:s3], $0x1, s13, s12, $0xb8;
	[tilespmem:$0xAE00] =	vst v63  }
0x126: {  	s13 =	simm.s32 @p1 $0x780;
	s14 =	simm.s32 @p1 $0xA780  }
0x127: {  	[tilespmem:s14], [sflag:$0x6] =	stream.indirect.gather @p1 [spmem:s3], $0x1, s13, s12, $0xb8;
	[tilespmem:$0xAE00] =	vst v63  }
0x128: {  	s13 =	simm.s32 @p1 $0x800;
	s14 =	simm.s32 @p1 $0xA800  }
0x129: {  	[tilespmem:s14], [sflag:$0x7] =	stream.indirect.gather @p1 [spmem:s3], $0x1, s13, s12, $0xb8;
	[tilespmem:$0xAE00] =	vst v63  }
0x12a: {  	s12 =	simm.s32 @!p1 $0xD  }
0x12b: {  	_ =	swait.ge @!p1 [sflag:s12], $0x80  }
0x12c: {  	[sflag:s12] =	ssyncset.done @!p1 $0x0  }
0x12d: {  	[sflag:s12] =	ssyncadd.s32 @!p1 $0xFFFFFF80;
	s12 =	sshra.s32 @!p1 s21, $0x2  }
0x12e: {  	s15 =	simm.s32 @!p1 $0xA700;
	s14 =	simm.s32 @!p1 $0x80;
	s13 =	sadd.s32 @!p1 $0x700, s12  }
0x12f: {  	[tilespmem:s15], [sflag:$0x5] =	stream.indirect.gather @!p1 [spmem:s3], $0x1, s13, s14, $0xb8;
	[tilespmem:$0xAE00] =	vst v63  }
0x130: {  	s13 =	simm.s32 @!p1 $0xE  }
0x131: {  	_ =	swait.ge @!p1 [sflag:s13], $0x80  }
0x132: {  	[sflag:s13] =	ssyncset.done @!p1 $0x0  }
0x133: {  	s15 =	simm.s32 @!p1 $0xA780;
	[sflag:s13] =	ssyncadd.s32 @!p1 $0xFFFFFF80;
	s13 =	sadd.s32 @!p1 $0x780, s12  }
0x134: {  	[tilespmem:s15], [sflag:$0x6] =	stream.indirect.gather @!p1 [spmem:s3], $0x1, s13, s14, $0xb8;
	[tilespmem:$0xAE00] =	vst v63  }
0x135: {  	s13 =	simm.s32 @!p1 $0xF  }
0x136: {  	_ =	swait.ge @!p1 [sflag:s13], $0x80  }
0x137: {  	[sflag:s13] =	ssyncset.done @!p1 $0x0  }
0x138: {  	s15 =	simm.s32 @!p1 $0xA800;
	[sflag:s13] =	ssyncadd.s32 @!p1 $0xFFFFFF80;
	s13 =	sadd.s32 @!p1 $0x800, s12  }
0x139: {  	[tilespmem:s15], [sflag:$0x7] =	stream.indirect.gather @!p1 [spmem:s3], $0x1, s13, s14, $0xb8;
	[tilespmem:$0xAE00] =	vst v63  }
0x13a: {  	s13 =	simm.s32 @!p1 $0x10  }
0x13b: {  	_ =	swait.ge @!p1 [sflag:s13], $0x80  }
0x13c: {  	s12 =	sadd.s32 @!p1 $0x880, s12;
	[sflag:s13] =	ssyncset.done @!p1 $0x0  }
0x13d: {  	s12 =	simm.s32 @p1 $0x880;
	[sflag:s13] =	ssyncadd.s32 @!p1 $0xFFFFFF80;
	s13 =	smov.u32 s21  }
0x13e: {  	[tilespmem:s4], [sflag:$0x8] =	stream.indirect.gather [spmem:s3], $0x1, s12, s25, $0xb8;
	[tilespmem:$0xAE00] =	vst v63  }
0x13f: {  	s13 =	simm.s32 @p1 $0x0;
	_ =	swait.ge [sflag:s22], $0x80  }
0x140: {  	s12 =	sshra.s32 s13, $0x2;
	[sflag:s22] =	ssyncset.done $0x0  }
0x141: {  	s15 =	sadd.s32 $0x5500, s12;
	[sflag:s22] =	ssyncadd.s32 $0xFFFFFF80  }
0x142: {  	[spmem:s2] =	stream.indirect.scatter.add.f32 [tilespmem:s26], [sflag:$0x9], $0x1, s15, s25, $0xb8;
	[tilespmem:$0xAE00] =	vst v63  }
0x143: {  	_ =	swait.ge [sflag:s6], $0x80  }
0x144: {  	[sflag:s6] =	ssyncset.done $0x0  }
0x145: {  	s17 =	sadd.s32 $0x5580, s12;
	[sflag:s6] =	ssyncadd.s32 $0xFFFFFF80  }
0x146: {  	[spmem:s2] =	stream.indirect.scatter.add.f32 [tilespmem:s29], [sflag:$0xA], $0x1, s17, s25, $0xb8;
	[tilespmem:$0xAE00] =	vst v63  }
0x147: {  	_ =	swait.ge [sflag:s23], $0x80  }
0x148: {  	[sflag:s23] =	ssyncset.done $0x0  }
0x149: {  	s15 =	sadd.s32 $0x5600, s12;
	[sflag:s23] =	ssyncadd.s32 $0xFFFFFF80  }
0x14a: {  	[spmem:s2] =	stream.indirect.scatter.add.f32 [tilespmem:s31], [sflag:$0xB], $0x1, s15, s25, $0xb8;
	[tilespmem:$0xAE00] =	vst v63  }
0x14b: {  	_ =	swait.ge [sflag:s24], $0x80  }
0x14c: {  	[sflag:s24] =	ssyncset.done $0x0  }
0x14d: {  	s17 =	sadd.s32 $0x5680, s12;
	[sflag:s24] =	ssyncadd.s32 $0xFFFFFF80  }
0x14e: {  	[spmem:s2] =	stream.indirect.scatter.add.f32 [tilespmem:s1], [sflag:$0xC], $0x1, s17, s25, $0xb8;
	[tilespmem:$0xAE00] =	vst v63  }
0x14f: {  	_ =	swait.ge [sflag:s7], $0x80  }
0x150: {  	p1 =	seq.s32 s21, $0x13000;
	[sflag:s7] =	ssyncset.done $0x0  }
0x151: {  	s14 =	simm.s32 @p1 $0xA;
	[sflag:s7] =	ssyncadd.s32 $0xFFFFFF80  }
0x152: {  	_ =	swait.ge @p1 [sflag:s14], $0x80  }
0x153: {  	[sflag:s14] =	ssyncset.done @p1 $0x0  }
0x154: {  	[sflag:s14] =	ssyncadd.s32 @p1 $0xFFFFFF80;
	s14 =	simm.s32 @p1 $0xB  }
0x155: {  	_ =	swait.ge @p1 [sflag:s14], $0x80  }
0x156: {  	[sflag:s14] =	ssyncset.done @p1 $0x0  }
0x157: {  	[sflag:s14] =	ssyncadd.s32 @p1 $0xFFFFFF80;
	s14 =	simm.s32 @p1 $0xC  }
0x158: {  	_ =	swait.ge @p1 [sflag:s14], $0x80  }
0x159: {  	s13 =	sshra.s32 @!p1 s13, $0x2;
	s15 =	simm.s32 @!p1 $0x80;
	[sflag:s14] =	ssyncset.done @p1 $0x0  }
0x15a: {  	s17 =	simm.s32 @!p1 $0xA500;
	[sflag:s14] =	ssyncadd.s32 @p1 $0xFFFFFF80;
	s14 =	sadd.s32 @!p1 $0x900, s13  }
0x15b: {  	[tilespmem:s17], [sflag:$0x1] =	stream.indirect.gather @!p1 [spmem:s3], $0x1, s14, s15, $0xb8;
	[tilespmem:$0xAE00] =	vst v63  }
0x15c: {  	s14 =	simm.s32 @!p1 $0xA  }
0x15d: {  	_ =	swait.ge @!p1 [sflag:s14], $0x80  }
0x15e: {  	[sflag:s14] =	ssyncset.done @!p1 $0x0  }
0x15f: {  	s17 =	simm.s32 @!p1 $0xA580;
	[sflag:s14] =	ssyncadd.s32 @!p1 $0xFFFFFF80;
	s14 =	sadd.s32 @!p1 $0x980, s13  }
0x160: {  	[tilespmem:s17], [sflag:$0x2] =	stream.indirect.gather @!p1 [spmem:s3], $0x1, s14, s15, $0xb8;
	[tilespmem:$0xAE00] =	vst v63  }
0x161: {  	s14 =	simm.s32 @!p1 $0xB  }
0x162: {  	_ =	swait.ge @!p1 [sflag:s14], $0x80  }
0x163: {  	[sflag:s14] =	ssyncset.done @!p1 $0x0  }
0x164: {  	s17 =	simm.s32 @!p1 $0xA600;
	[sflag:s14] =	ssyncadd.s32 @!p1 $0xFFFFFF80;
	s14 =	sadd.s32 @!p1 $0xA00, s13  }
0x165: {  	[tilespmem:s17], [sflag:$0x3] =	stream.indirect.gather @!p1 [spmem:s3], $0x1, s14, s15, $0xb8;
	[tilespmem:$0xAE00] =	vst v63  }
0x166: {  	s14 =	simm.s32 @!p1 $0xC  }
0x167: {  	_ =	swait.ge @!p1 [sflag:s14], $0x80  }
0x168: {  	[sflag:s14] =	ssyncset.done @!p1 $0x0  }
0x169: {  	s13 =	sadd.s32 @!p1 $0xA80, s13;
	[sflag:s14] =	ssyncadd.s32 @!p1 $0xFFFFFF80;
	s14 =	simm.s32 @!p1 $0xA680  }
0x16a: {  	[tilespmem:s14], [sflag:$0x4] =	stream.indirect.gather @!p1 [spmem:s3], $0x1, s13, s15, $0xb8;
	[tilespmem:$0xAE00] =	vst v63  }
0x16b: {  	_ =	swait.ge [sflag:s9], $0x80  }
0x16c: {  	[sflag:s9] =	ssyncset.done $0x0  }
0x16d: {  	s14 =	sadd.s32 $0x5700, s12;
	[sflag:s9] =	ssyncadd.s32 $0xFFFFFF80  }
0x16e: {  	[spmem:s2] =	stream.indirect.scatter.add.f32 [tilespmem:s28], [sflag:$0xD], $0x1, s14, s25, $0xb8;
	[tilespmem:$0xAE00] =	vst v63  }
0x16f: {  	_ =	swait.ge [sflag:s30], $0x80  }
0x170: {  	[sflag:s30] =	ssyncset.done $0x0  }
0x171: {  	s15 =	sadd.s32 $0x5780, s12;
	[sflag:s30] =	ssyncadd.s32 $0xFFFFFF80  }
0x172: {  	[spmem:s2] =	stream.indirect.scatter.add.f32 [tilespmem:s0], [sflag:$0xE], $0x1, s15, s25, $0xb8;
	[tilespmem:$0xAE00] =	vst v63  }
0x173: {  	_ =	swait.ge [sflag:s16], $0x80  }
0x174: {  	[sflag:s16] =	ssyncset.done $0x0  }
0x175: {  	s17 =	sadd.s32 $0x5800, s12;
	p1 =	sne.s32 s21, $0x13000;
	[sflag:s16] =	ssyncadd.s32 $0xFFFFFF80  }
0x176: {  	[spmem:s2] =	stream.indirect.scatter.add.f32 [tilespmem:s10], [sflag:$0xF], $0x1, s17, s25, $0xb8;
	[tilespmem:$0xAE00] =	vst v63  }
.Ltmp6:
0x177: {  	_ = 	snop;
	(pc) =	sbr.rel @!p1 .LBB2_4-.Ltmp6, $4  }
0x178: {  	_ =	swait.ge [sflag:s11], $0x80  }
0x179: {  	[sflag:s11] =	ssyncset.done $0x0  }
0x17a: {  	s12 =	sadd.s32 $0x5880, s12;
	[sflag:s11] =	ssyncadd.s32 $0xFFFFFF80  }
0x17b: {  	[spmem:s2] =	stream.indirect.scatter.add.f32 [tilespmem:s4], [sflag:$0x10], $0x1, s12, s25, $0xb8;
	[tilespmem:$0xAE00] =	vst v63  }
0x17c: {  	s21 =	sadd.s32 $0x1000, s21  }
0x17d: {  	p1 =	sne.s32 s21, $0x14000  }
.Ltmp7:
0x17e: {  	_ = 	snop;
	(pc) =	sbr.rel @p1 .LBB2_3-.Ltmp7, $4  }
.Ltmp8:
0x17f: {  	_ = 	snop;
	(pc) =	sbr.rel @!p1 .LBB2_6-.Ltmp8, $4  }
0x180: {  	_ = 	snop  }
0x181: {  	_ = 	snop  }
0x182: {  	_ = 	snop  }
0x183: {  	_ = 	snop  }
.LBB2_11:
0x184: {  	s12 =	simm.s32 $0xD  }
0x185: {  	_ =	swait.ge [sflag:s12], $0x80  }
0x186: {  	[sflag:s12] =	ssyncset.done $0x0  }
0x187: {  	s15 =	simm.s32 $0xE;
	[sflag:s12] =	ssyncadd.s32 $0xFFFFFF80  }
0x188: {  	_ =	swait.ge [sflag:s15], $0x80  }
0x189: {  	[sflag:s15] =	ssyncset.done $0x0  }
0x18a: {  	s17 =	simm.s32 $0xF;
	[sflag:s15] =	ssyncadd.s32 $0xFFFFFF80  }
0x18b: {  	_ =	swait.ge [sflag:s17], $0x80  }
0x18c: {  	[sflag:s17] =	ssyncset.done $0x0  }
0x18d: {  	s21 =	simm.s32 $0x10;
	[sflag:s17] =	ssyncadd.s32 $0xFFFFFF80  }
0x18e: {  	_ =	swait.ge [sflag:s21], $0x80  }
0x18f: {  	[sflag:s21] =	ssyncset.done $0x0  }
0x190: {  	[sflag:s21] =	ssyncadd.s32 $0xFFFFFF80  }
.LBB2_13:
0x191: {  	[bflag:$0x0] =	sbarrier.arrive $0xFFFF  }
0x192: {  	s12 =	simm.s32 $0x0;
	s13 =	rddreg [dreg:$0xd]  }
0x193: {  	[tilespmem:s20], [sflag:$0x11] =	stream.linear.gather [hbm4b:s13+s12], $0x280, $0x38;
	[tilespmem:$0xAE00] =	vst v63  }
0x194: {  	_ =	swait.ge [sflag:s19], $0x280  }
0x195: {  	[sflag:s19] =	ssyncset.done $0x0  }
0x196: {  	[sflag:s19] =	ssyncadd.s32 $0xFFFFFD80  }
0x197: {  	[tilespmem:s18], [sflag:$0x11] =	stream.linear.gather [spmem:s8], $0x280, $0x38;
	[tilespmem:$0xAE00] =	vst v63  }
0x198: {  	_ =	swait.ge [sflag:s19], $0x280  }
0x199: {  	[sflag:s19] =	ssyncset.done $0x0  }
0x19a: {  	s12 =	simm.s32 $0x0;
	[sflag:s19] =	ssyncadd.s32 $0xFFFFFD80  }
0x19b: {  	s21 =	simm.s32 $0x40;
	v1 =	vld [tilespmem:s12+$0xAB80]  }
.LBB2_14:
0x19c: {  	p1 =	sne.s32 s21, $0x9C0;
	v2 =	vld [tilespmem:s12+$0xA900];
	_ =	sdelay $0x2  }
.Ltmp9:
0x19d: {  	(pc) =	sbr.rel @p1 .LBB2_14-.Ltmp9, $4  }
0x19e: {  	_ = 	snop  }
0x19f: {  	v2 =	vmul.f32 v1, v2  }
0x1a0: {  	s13 =	sshra.s32 s21, $0x2  }
0x1a1: {  	s21 =	sadd.s32 $0x40, s21;
	v1 =	vld [tilespmem:s13+$0xAB80];
	[tilespmem:s12+$0xA900] =	vst v2;
	s12 =	smov.u32 s13  }
.Ltmp10:
0x1a2: {  	_ = 	snop;
	(pc) =	sbr.rel .LBB2_15-.Ltmp10, $1  }
0x1a3: {  	_ =	sdelay $0x3  }
.LBB2_4:
0x1a4: {  	s12 =	simm.s32 $0xD  }
0x1a5: {  	_ =	swait.ge [sflag:s12], $0x80  }
0x1a6: {  	[sflag:s12] =	ssyncset.done $0x0  }
0x1a7: {  	s15 =	simm.s32 $0xE;
	[sflag:s12] =	ssyncadd.s32 $0xFFFFFF80  }
0x1a8: {  	_ =	swait.ge [sflag:s15], $0x80  }
0x1a9: {  	[sflag:s15] =	ssyncset.done $0x0  }
0x1aa: {  	s17 =	simm.s32 $0xF;
	[sflag:s15] =	ssyncadd.s32 $0xFFFFFF80  }
0x1ab: {  	_ =	swait.ge [sflag:s17], $0x80  }
0x1ac: {  	[sflag:s17] =	ssyncset.done $0x0  }
0x1ad: {  	s21 =	simm.s32 $0x10;
	[sflag:s17] =	ssyncadd.s32 $0xFFFFFF80  }
0x1ae: {  	_ =	swait.ge [sflag:s21], $0x80  }
0x1af: {  	[sflag:s21] =	ssyncset.done $0x0  }
0x1b0: {  	[sflag:s21] =	ssyncadd.s32 $0xFFFFFF80  }
.LBB2_6:
0x1b1: {  	[bflag:$0x0] =	sbarrier.arrive $0xFFFF  }
0x1b2: {  	s12 =	simm.s32 $0x0;
	s13 =	rddreg [dreg:$0xd]  }
0x1b3: {  	[tilespmem:s20], [sflag:$0x11] =	stream.linear.gather [hbm4b:s13+s12], $0x280, $0x38;
	[tilespmem:$0xAE00] =	vst v63  }
0x1b4: {  	_ =	swait.ge [sflag:s19], $0x280  }
0x1b5: {  	[sflag:s19] =	ssyncset.done $0x0  }
0x1b6: {  	[sflag:s19] =	ssyncadd.s32 $0xFFFFFD80  }
0x1b7: {  	[tilespmem:s18], [sflag:$0x11] =	stream.linear.gather [spmem:s8], $0x280, $0x38;
	[tilespmem:$0xAE00] =	vst v63  }
0x1b8: {  	_ =	swait.ge [sflag:s19], $0x280  }
0x1b9: {  	[sflag:s19] =	ssyncset.done $0x0  }
0x1ba: {  	s12 =	simm.s32 $0x0;
	[sflag:s19] =	ssyncadd.s32 $0xFFFFFD80  }
0x1bb: {  	s21 =	simm.s32 $0x40;
	v1 =	vld [tilespmem:s12+$0xAB80]  }
.LBB2_7:
0x1bc: {  	p1 =	seq.s32 s21, $0x9C0;
	v2 =	vld [tilespmem:s12+$0xA900];
	_ =	sdelay $0x2  }
.Ltmp11:
0x1bd: {  	(pc) =	sbr.rel @!p1 .LBB2_7-.Ltmp11, $4  }
0x1be: {  	_ = 	snop  }
0x1bf: {  	v2 =	vmul.f32 v1, v2  }
0x1c0: {  	s13 =	sshra.s32 s21, $0x2  }
0x1c1: {  	s21 =	sadd.s32 $0x40, s21;
	v1 =	vld [tilespmem:s13+$0xAB80];
	[tilespmem:s12+$0xA900] =	vst v2;
	s12 =	smov.u32 s13  }
0x1c2: {  	v2 =	vld [tilespmem:s12+$0xA900];
	_ =	sdelay $0x2  }
.Ltmp12:
0x1c3: {  	_ = 	snop;
	(pc) =	sbr.rel .LBB2_16-.Ltmp12, $3  }
0x1c4: {  	_ = 	snop  }
0x1c5: {  	v1 =	vmul.f32 v1, v2;
	_ =	sdelay $0x1  }
0x1c6: {  	[tilespmem:s12+$0xA900] =	vst v1;
	s12 =	rddreg [dreg:$0x5]  }
.LBB2_17:
0x1c7: {  	_ =	sfence.sel $0x180000  }
0x1c8: {  	[bflag:$0x0] =	sbarrier.arrive $0xFFFF  }
0x1c9: {  	_ =	strace $0x9000004D  }
0x1ca: {  	s0 =	stileid.u32;
	[bflag:$0x2] =	sbarrier.arrive $0xFFFF  }
0x1cb: {  	p0 =	sne.s32 s0, $0x0;
	s0 =	rddreg [dreg:$0x3]  }
0x1cc: {  	s0 =	sadd.s32 @!p0 $0x100000, s0  }
0x1cd: {  	[sflag:s0] =	ssyncadd.tile.s32 @!p0 $0x1;
	_ =	shalt  }
.Lfunc_end2:
_tile_overlayer_lowered:
.L_overlay_start_2:
0x1ce: {  	(tag) =	ssettag $0x2  }
0x1cf: {  	s0 =	rddreg [dreg:$0x0];
	s2 =	stileid.u32  }
0x1d0: {  	s1 =	rddreg [dreg:$0x1];
	p0 =	sne.s32 s2, $0x0  }
0x1d1: {  	s3 =	rddreg [dreg:$0x2];
	[bflag:$0x3] =	sbarrier.arrive $0xFFFF;
	s2 =	simm.s32 @!p0 $0x1C11  }
0x1d2: {  	[timem:s3], [sflag:s2] =	dma.local @!p0 [hbm:s0], s1  }
0x1d3: {  	s0 =	simm.s32 @!p0 $0x11  }
0x1d4: {  	_ =	swait.ge @!p0 [sflag:s0], s1  }
0x1d5: {  	s1 =	ssub.s32 @!p0 $0x0, s1;
	[sflag:s0] =	ssyncset.done @!p0 $0x0  }
0x1d6: {  	[sflag:s0] =	ssyncadd.s32 @!p0 s1  }
0x1d7: {  	[bflag:$0x3] =	sbarrier.arrive $0xFFFF  }
0x1d8: {  	_ =	shalt  }

// kernel: kernel.7.cloned.1.call-start
scs
__scs_entry_jumppad:
0x0: {  	(pc) =	sbr.rel $0x88, $3  }
0x1: {  	(tag) =	ssettag $0x0;
	lr =	simm.s32 $0x1  }
0x2: {  	[smem:$0x3F97] =	sst lr;
	_ =	strace $0xD0000000  }
0x3: {  	_ = 	snop  }
0x4: {  	_ = 	snop  }
0x5: {  	_ = 	snop  }
0x6: {  	_ = 	snop  }
0x7: {  	_ = 	snop  }
__scs_overlays_trampoline_lowered:
0x8: {  	[smem:$0x3FA6] =	sst s0  }
0x9: {  	[smem:$0x3FA7] =	sst s1  }
0xa: {  	[smem:$0x3FA8] =	sst s2  }
0xb: {  	[smem:$0x3FA9] =	sst s3  }
0xc: {  	[smem:$0x3FAA] =	sst s4  }
0xd: {  	[smem:$0x3FAB] =	sst s5  }
0xe: {  	[smem:$0x3FAC] =	sst s6  }
0xf: {  	[smem:$0x3FAD] =	sst s7  }
0x10: {  	[smem:$0x3FAE] =	sst s8  }
0x11: {  	[smem:$0x3FAF] =	sst s9;
	s0 =	simm.s32 @!p0 $0x0  }
0x12: {  	s1 =	sld [smem:$0x3F95];
	s0 =	simm.s32 @p0 $0x1  }
0x13: {  	[smem:$0x3FB0] =	sst s0;
	s0 =	simm.s32 @!p1 $0x0  }
0x14: {  	s2 =	sld [smem:$0x3F94];
	s0 =	simm.s32 @p1 $0x1  }
0x15: {  	[smem:$0x3FB1] =	sst s0;
	s0 =	simm.s32 @!p2 $0x0  }
0x16: {  	s3 =	sld [smem:$0x3FDB];
	s0 =	simm.s32 @p2 $0x1  }
0x17: {  	s4 =	simm.s32 $0x1BF5;
	[smem:$0x3FB3] =	sst s0  }
0x18: {  	s0 =	sld [smem:$0x3F96];
	_ =	swait.ge [sflag:s4], $0x0  }
0x19: {  	s7 =	sld [smem:$0x3F97]  }
0x1a: {  	s8 =	sadd.s32 $0xFFFFE003, lr  }
0x1b: {  	s9 =	sadd.s32 $0xFFFFFEF7, lr;
	s5 =	simm.s32 $0xFFFFFFFF;
	p2 =	slt.u32 s8, $0xFFFFF086  }
0x1c: {  	p1 =	slt.u32 s9, $0xF7A;
	s5 =	simm.s32 @!p2 $0x0  }
0x1d: {  	s5 =	simm.s32 @p1 $0x1;
	p0 =	seq.s32 s7, s2  }
0x1e: {  	s7 =	smul.u32 @!p0 $0xF7A, s2;
	p2 =	seq.s32 @!p0 s5, $0x0  }
0x1f: {  	s9 =	smul.u32 $0xF7A, s1;
	s8 =	simm.s32 @!p0 $0x1BF5;
	p2 =	por !p2, p0  }
0x20: {  	[sflag:s8] =	ssyncset.s32 @!p0 $0xFFFFF086;
	s6 =	sadd.s32 @!p0 s3, s7;
	s7 =	simm.s32 @!p0 $0x108  }
0x21: {  	s3 =	sadd.s32 s3, s9;
	s6 =	sadd.s32 @!p0 $0x88, s6;
	s7 =	simm.s32 @p2 $0x1082  }
0x22: {  	[simem:s7], [sflag:s8] =	dma.local @!p0 [hbm:s6], $0xF7A  }
0x23: {  	s9 =	sor.u32 $0xD0000000, s2;
	s6 =	simm.s32 $0x108;
	_ =	swait.ge @!p0 [sflag:s8], $0x0  }
0x24: {  	s3 =	sadd.s32 $0x88, s3;
	s6 =	simm.s32 @!p1 $0x1082;
	[sflag:s4] =	ssyncset.s32 $0xFFFFF086  }
0x25: {  	[simem:s6], [sflag:s4] =	dma.local [hbm:s3], $0xF7A  }
0x26: {  	[smem:$0x3F97] =	sst s1;
	(tag) =	ssettag s2;
	_ =	strace s9  }
0x27: {  	s1 =	sld [smem:$0x3FA7]  }
0x28: {  	s2 =	sld [smem:$0x3FA8]  }
0x29: {  	s4 =	sld [smem:$0x3FAA]  }
0x2a: {  	p0 =	seq.s32 s5, $0x0;
	s5 =	sld [smem:$0x3FAB]  }
0x2b: {  	s6 =	sld [smem:$0x3FAC]  }
0x2c: {  	s7 =	sld [smem:$0x3FAD]  }
0x2d: {  	s3 =	simm.s32 $0x108;
	s8 =	sld [smem:$0x3FAE]  }
0x2e: {  	s3 =	simm.s32 @!p0 $0x1082;
	s9 =	sld [smem:$0x3FAF]  }
0x2f: {  	lr =	sadd.s32 s0, s3;
	s0 =	sld [smem:$0x3FA6]  }
0x30: {  	s3 =	sld [smem:$0x3FA9]  }
0x31: {  	[smem:$0x3FB2] =	sst s10  }
0x32: {  	s10 =	sld [smem:$0x3FB0];
	_ =	sdelay $0x3  }
0x33: {  	p0 =	seq.s32 s10, $0x1;
	s10 =	sld [smem:$0x3FB2];
	_ =	sdelay $0x3  }
0x34: {  	[smem:$0x3FB2] =	sst s10  }
0x35: {  	s10 =	sld [smem:$0x3FB1];
	_ =	sdelay $0x3  }
0x36: {  	p1 =	seq.s32 s10, $0x1;
	s10 =	sld [smem:$0x3FB2];
	_ =	sdelay $0x3  }
0x37: {  	[smem:$0x3FB2] =	sst s10  }
0x38: {  	s10 =	sld [smem:$0x3FB3]  }
0x39: {  	_ = 	snop;
	(pc) =	sbr.ind lr, $3  }
0x3a: {  	_ = 	snop  }
0x3b: {  	_ = 	snop  }
0x3c: {  	p2 =	seq.s32 s10, $0x1;
	s10 =	sld [smem:$0x3FB2]  }
0x3d: {  	_ =	shalt  }
0x3e: {  	_ =	shalt  }
0x3f: {  	_ =	shalt  }
0x40: {  	_ =	shalt  }
0x41: {  	_ =	shalt  }
0x42: {  	_ =	shalt  }
0x43: {  	_ =	shalt  }
0x44: {  	_ =	shalt  }
0x45: {  	_ =	shalt  }
0x46: {  	_ =	shalt  }
0x47: {  	_ =	shalt  }
0x48: {  	_ =	shalt  }
0x49: {  	_ =	shalt  }
0x4a: {  	_ =	shalt  }
0x4b: {  	_ =	shalt  }
0x4c: {  	_ =	shalt  }
0x4d: {  	_ =	shalt  }
0x4e: {  	_ =	shalt  }
0x4f: {  	_ =	shalt  }
0x50: {  	_ =	shalt  }
0x51: {  	_ =	shalt  }
0x52: {  	_ =	shalt  }
0x53: {  	_ =	shalt  }
0x54: {  	_ =	shalt  }
0x55: {  	_ =	shalt  }
0x56: {  	_ =	shalt  }
0x57: {  	_ =	shalt  }
0x58: {  	_ =	shalt  }
0x59: {  	_ =	shalt  }
0x5a: {  	_ =	shalt  }
0x5b: {  	_ =	shalt  }
0x5c: {  	_ =	shalt  }
0x5d: {  	_ =	shalt  }
0x5e: {  	_ =	shalt  }
0x5f: {  	_ =	shalt  }
0x60: {  	_ =	shalt  }
0x61: {  	_ =	shalt  }
0x62: {  	_ =	shalt  }
0x63: {  	_ =	shalt  }
0x64: {  	_ =	shalt  }
0x65: {  	_ =	shalt  }
0x66: {  	_ =	shalt  }
0x67: {  	_ =	shalt  }
0x68: {  	_ =	shalt  }
0x69: {  	_ =	shalt  }
0x6a: {  	_ =	shalt  }
0x6b: {  	_ =	shalt  }
0x6c: {  	_ =	shalt  }
0x6d: {  	_ =	shalt  }
0x6e: {  	_ =	shalt  }
0x6f: {  	_ =	shalt  }
0x70: {  	_ =	shalt  }
0x71: {  	_ =	shalt  }
0x72: {  	_ =	shalt  }
0x73: {  	_ =	shalt  }
0x74: {  	_ =	shalt  }
0x75: {  	_ =	shalt  }
0x76: {  	_ =	shalt  }
0x77: {  	_ =	shalt  }
0x78: {  	_ =	shalt  }
0x79: {  	_ =	shalt  }
0x7a: {  	_ =	shalt  }
0x7b: {  	_ =	shalt  }
0x7c: {  	_ =	shalt  }
0x7d: {  	_ =	shalt  }
0x7e: {  	_ =	shalt  }
0x7f: {  	_ =	shalt  }
0x80: {  	_ =	shalt  }
0x81: {  	_ =	shalt  }
0x82: {  	_ =	shalt  }
0x83: {  	_ =	shalt  }
0x84: {  	_ =	shalt  }
0x85: {  	_ =	shalt  }
0x86: {  	_ =	shalt  }
0x87: {  	_ =	shalt  }
.Lfunc_end0:
.L_simem_size_0:
called_computation_lowered:
.L_overlay_start_0:
0x88: {  	s2 =	sld [smem:$0x3FD9]  }
0x89: {  	s3 =	sld [smem:$0x3FFE];
	_ =	sdelay $0x1  }
0x8a: {  	s1 =	srdreg.scid  }
0x8b: {  	s0 =	sand.u32 $0x1, s1  }
0x8c: {  	s16 =	sshll.u32 s0, $0xA;
	s2 =	sadd.s32 s3, s2  }
0x8d: {  	s2 =	sadd.s32 s2, s16  }
0x8e: {  	[smem:$0x3FBE] =	sst s2  }
0x8f: {  	_ = 	snop  }
0x90: {  	(tm) =	ssettm $0x1  }
0x91: {  	s17 =	sld [smem:$0x3FFB];
	_ =	sdelay $0x3  }
0x92: {  	_ =	strace s17  }
0x93: {  	s2 =	sld [smem:$0x3FFC];
	_ =	sdelay $0x3  }
0x94: {  	_ =	strace s2  }
0x95: {  	s2 =	sld [smem:$0x3FFD];
	_ =	sdelay $0x3  }
0x96: {  	_ =	strace s2  }
0x97: {  	_ =	strace $0x8FFFFFFF  }
0x98: {  	s18 =	sld [smem:$0x3FDB];
	_ =	sdelay $0x1  }
0x99: {  	s19 =	simm.s32 $_scs_section_size  }
0x9a: {  	s4 =	simm.s32 $_size__tile_overlayer_lowered;
	s5 =	simm.s32 $_tile_overlayer_lowered  }
0x9b: {  	s22 =	simm.s32 $0x1BFF;
	s21 =	sshll.u32 s5, $0x1;
	s2 =	sadd.s32 s19, s18  }
0x9c: {  	s6 =	simm.s32 $0x0;
	s20 =	sshll.u32 s4, $0x1;
	s4 =	sadd.s32 s21, s2  }
0x9d: {  	[timem:s6], [sflag:s22] =	dma.local [hbm:s4], s20  }
0x9e: {  	_ =	swait.ge [sflag:s22], s20  }
0x9f: {  	s3 =	ssub.s32 $0x0, s20;
	[sflag:s22] =	ssyncset.done $0x0  }
0xa0: {  	[sflag:s22] =	ssyncadd.s32 s3;
	_ =	sdelay $0x1  }
0xa1: {  	s23 =	simm.s32 $0x1B8B  }
0xa2: {  	_ =	swait.ge [sflag:s23], $0x1  }
0xa3: {  	[sflag:s23] =	ssyncset.done $0x0  }
0xa4: {  	s25 =	simm.s32 $0x1B8E;
	s24 =	sld [smem:$0x3FFE];
	[sflag:s23] =	ssyncadd.s32 $0xFFFFFFFF  }
0xa5: {  	s26 =	simm.s32 $execute0_lowered;
	[smem:$0x3FD2] =	sst s25  }
0xa6: {  	s4 =	sshll.u32 s26, $0x1;
	_ =	strace $0x80000046;
	[dreg:$0x1] =	wrdreg $0xFFFFFFFF  }
0xa7: {  	s28 =	simm.s32 $_size_execute0_lowered;
	s2 =	sadd.s32 s2, s4;
	[dreg:$0x0] =	wrdreg $0x0  }
0xa8: {  	s4 =	sshll.u32 s28, $0x1;
	[dreg:$0x2] =	wrdreg s2  }
0xa9: {  	[dreg:$0x3] =	wrdreg s4  }
0xaa: {  	[dreg:$0x4] =	wrdreg $0xC0  }
0xab: {  	_ =	task [dreg:s6], $0x5FFFF  }
0xac: {  	[dreg:$0x1] =	wrdreg $0xFFFFFFFF  }
0xad: {  	[dreg:$0x0] =	wrdreg $0x60  }
0xae: {  	[dreg:$0x2] =	wrdreg s24  }
0xaf: {  	[dreg:$0x3] =	wrdreg $0x0  }
0xb0: {  	[dreg:$0x4] =	wrdreg $0x9  }
0xb1: {  	_ =	task.clear_ibuf [dreg:s6], $0x5FFFF;
	_ =	strace $0x90000046  }
0xb2: {  	s29 =	simm.s32 $0x9;
	_ =	strace $0x80000048  }
0xb3: {  	_ =	swait.ge [sflag:s29], $0x1  }
0xb4: {  	[sflag:s29] =	ssyncadd.s32 $0xFFFFFFFF  }
0xb5: {  	_ =	strace $0x90000048  }
0xb6: {  	_ =	sfence  }
0xb7: {  	s30 =	sld [smem:$0x0];
	_ =	sdelay $0x2  }
0xb8: {  	s31 =	sshll.u32 s1, $0xD;
	s1 =	sshrl.u32 s1, $0x2  }
0xb9: {  	s3 =	sand.u32 $0x4000, s31;
	s1 =	sadd.s32 s1, s30  }
0xba: {  	s0 =	sor.u32 s3, s0;
	s1 =	sshll.u32 s1, $0x11  }
0xbb: {  	s0 =	sor.u32 s1, s0  }
0xbc: {  	s0 =	sadd.s32 $0x8F2B, s0  }
0xbd: {  	[sflag:s0] =	ssyncadd.remote.s32 $0x1  }
0xbe: {  	_ =	sfence.sel $0xFFFF  }
0xbf: {  	[dreg:$0x0] =	wrdreg $0xFFFFFFFF;
	(pc) =	sbr.abs _section_cstart, $3  }
0xc0: {  	[dreg:$0x1] =	wrdreg $0xFFFFFFFF  }
0xc1: {  	_ =	task.clear_ibuf [dreg:s6], $0x2FFFF;
	_ =	strace $0x9FFFFFFF  }
0xc2: {  	(tm) =	ssettm $0x7FFFFFFF  }
0xc3: {  	_ =	shalt  }
tec
execute0_lowered:
.L_overlay_start_1:
0x0: {  	(tag) =	ssettag $0x1  }
0x1: {  	s4 =	rddreg [dreg:$0x0]  }
0x2: {  	s1 =	rddreg [dreg:$0x1]  }
0x3: {  	s2 =	srdreg.scid;
	s0 =	rddreg [dreg:$0x2];
	s3 =	simm.s32 $0x0  }
0x4: {  	s10 =	simm.s32 $0x280;
	s11 =	simm.s32 $0x80;
	s12 =	simm.s32 $0x2A80  }
0x5: {  	s13 =	simm.s32 $0x300;
	s14 =	simm.s32 $0x380;
	s15 =	simm.s32 $0x400  }
0x6: {  	s16 =	simm.s32 $0x1;
	s17 =	simm.s32 $0x2;
	s18 =	simm.s32 $0x3  }
0x7: {  	s19 =	simm.s32 $0x4;
	s20 =	simm.s32 $0x100;
	s21 =	simm.s32 $0x0  }
0x8: {  	s5 =	sand.u32 $0x1, s2;
	s2 =	stileid.u32;
	[smem:$0x7FF] =	sst s3  }
0x9: {  	s6 =	sshll.u32 s5, $0x4;
	s7 =	smul.u32 $0x500, s2;
	s8 =	sshll.u32 s5, $0x7  }
0xa: {  	s5 =	ssub.s32 $0x2, s5;
	s30 =	smul.u32 $0xA00, s2;
	s6 =	sor.u32 s2, s6  }
0xb: {  	_ =	strace $0x80000047;
	s9 =	sshrl.u32 s5, $0x1;
	s6 =	smul.u32 $0x500, s6  }
0xc: {  	s7 =	sor.u32 s8, s7;
	s9 =	ssub.s32 s5, s9;
	s31 =	sshrl.u32 s30, $0x2  }
0xd: {  	s8 =	simm.s32 $0x2B00;
	s7 =	sshrl.u32 s7, $0x3;
	s6 =	sadd.s32 s6, s4  }
0xe: {  	s7 =	sadd.s32 s7, s4;
	s4 =	sadd.s32 s31, s1;
	s5 =	sadd.s32 $0x1A00, s6  }
0xf: {  	v0 =	vimm.f32 $0.0e+00;
	v1 =	vimm.f32 $1.000000000e+00;
	s6 =	sadd.s32 $0xBA00, s7;
	s7 =	smax.u32 s9, $0x1;
	s9 =	simm.s32 $0x5  }
.LBB2_1:
0x10: {  	[tilespmem:$0x2B00] =	vst v0  }
0x11: {  	[tilespmem:$0x2B10] =	vst v0  }
0x12: {  	[tilespmem:$0x2B20] =	vst v0  }
0x13: {  	[tilespmem:$0x2B30] =	vst v0  }
0x14: {  	[tilespmem:$0x2B40] =	vst v0  }
0x15: {  	[tilespmem:$0x2B50] =	vst v0  }
0x16: {  	[tilespmem:$0x2B60] =	vst v0  }
0x17: {  	[tilespmem:$0x2B70] =	vst v0  }
0x18: {  	[tilespmem:$0x2B80] =	vst v0  }
0x19: {  	[tilespmem:$0x2B90] =	vst v0  }
0x1a: {  	[tilespmem:$0x2BA0] =	vst v0  }
0x1b: {  	[tilespmem:$0x2BB0] =	vst v0  }
0x1c: {  	[tilespmem:$0x2BC0] =	vst v0  }
0x1d: {  	[tilespmem:$0x2BD0] =	vst v0  }
0x1e: {  	[tilespmem:$0x2BE0] =	vst v0  }
0x1f: {  	[tilespmem:$0x2BF0] =	vst v0  }
0x20: {  	[tilespmem:$0x2C00] =	vst v0  }
0x21: {  	[tilespmem:$0x2C10] =	vst v0  }
0x22: {  	[tilespmem:$0x2C20] =	vst v0  }
0x23: {  	[tilespmem:$0x2C30] =	vst v0  }
0x24: {  	[tilespmem:$0x2C40] =	vst v0  }
0x25: {  	[tilespmem:$0x2C50] =	vst v0  }
0x26: {  	[tilespmem:$0x2C60] =	vst v0  }
0x27: {  	[tilespmem:$0x2C70] =	vst v0  }
0x28: {  	[tilespmem:$0x2C80] =	vst v0  }
0x29: {  	[tilespmem:$0x2C90] =	vst v0  }
0x2a: {  	[tilespmem:$0x2CA0] =	vst v0  }
0x2b: {  	[tilespmem:$0x2CB0] =	vst v0  }
0x2c: {  	[tilespmem:$0x2CC0] =	vst v0  }
0x2d: {  	[tilespmem:$0x2CD0] =	vst v0  }
0x2e: {  	[tilespmem:$0x2CE0] =	vst v0  }
0x2f: {  	[tilespmem:$0x2CF0] =	vst v0  }
0x30: {  	[tilespmem:$0x2D00] =	vst v0  }
0x31: {  	[tilespmem:$0x2D10] =	vst v0  }
0x32: {  	[tilespmem:$0x2D20] =	vst v0  }
0x33: {  	[tilespmem:$0x2D30] =	vst v0  }
0x34: {  	[tilespmem:$0x2D40] =	vst v0  }
0x35: {  	[tilespmem:$0x2D50] =	vst v0  }
0x36: {  	[tilespmem:$0x2D60] =	vst v0  }
0x37: {  	[tilespmem:$0x2D70] =	vst v0  }
0x38: {  	[spmem:s4] =	stream.linear.scatter [tilespmem:s8], [sflag:$0x5], $0x280, $0x38;
	[tilespmem:$0x2D80] =	vst v63  }
0x39: {  	_ =	swait.ge [sflag:s9], $0x280  }
0x3a: {  	[sflag:s9] =	ssyncset.done $0x0  }
0x3b: {  	[sflag:s9] =	ssyncadd.s32 $0xFFFFFD80  }
0x3c: {  	[tilespmem:$0x2A80] =	vst v1  }
0x3d: {  	[tilespmem:$0x2A90] =	vst v1  }
0x3e: {  	[tilespmem:$0x2AA0] =	vst v1  }
0x3f: {  	[tilespmem:$0x2AB0] =	vst v1  }
0x40: {  	[tilespmem:$0x2AC0] =	vst v1  }
0x41: {  	[tilespmem:$0x2AD0] =	vst v1  }
0x42: {  	[tilespmem:$0x2AE0] =	vst v1  }
0x43: {  	[tilespmem:$0x2AF0] =	vst v1  }
0x44: {  	[bflag:$0x0] =	sbarrier.arrive $0xFFFF  }
0x45: {  	[tilespmem:s10], [sflag:$0x5] =	stream.linear.gather [hbm4b:s5+s3], $0x2800, $0x38;
	[tilespmem:$0x2D80] =	vst v63  }
0x46: {  	_ =	swait.ge [sflag:s9], $0x2800  }
0x47: {  	[sflag:s9] =	ssyncset.done $0x0  }
0x48: {  	[sflag:s9] =	ssyncadd.s32 $0xFFFFD800  }
0x49: {  	[spmem:s1] =	stream.indirect.scatter.add.f32 [tilespmem:s12], [sflag:$0x1], $0x1, s10, s11, $0xb8;
	[tilespmem:$0x2D80] =	vst v63  }
0x4a: {  	_ = 	snop  }
0x4b: {  	[spmem:s1] =	stream.indirect.scatter.add.f32 [tilespmem:s12], [sflag:$0x2], $0x1, s13, s11, $0xb8;
	[tilespmem:$0x2D80] =	vst v63  }
0x4c: {  	_ = 	snop  }
0x4d: {  	[spmem:s1] =	stream.indirect.scatter.add.f32 [tilespmem:s12], [sflag:$0x3], $0x1, s14, s11, $0xb8;
	[tilespmem:$0x2D80] =	vst v63  }
0x4e: {  	_ = 	snop  }
0x4f: {  	[spmem:s1] =	stream.indirect.scatter.add.f32 [tilespmem:s12], [sflag:$0x4], $0x1, s15, s11, $0xb8;
	[tilespmem:$0x2D80] =	vst v63  }
0x50: {  	_ =	swait.ge [sflag:s16], $0x80  }
0x51: {  	[sflag:s16] =	ssyncset.done $0x0  }
0x52: {  	s22 =	simm.s32 $0x480;
	[sflag:s16] =	ssyncadd.s32 $0xFFFFFF80  }
0x53: {  	[spmem:s1] =	stream.indirect.scatter.add.f32 [tilespmem:s12], [sflag:$0x1], $0x1, s22, s11, $0xb8;
	[tilespmem:$0x2D80] =	vst v63  }
0x54: {  	_ =	swait.ge [sflag:s17], $0x80  }
0x55: {  	[sflag:s17] =	ssyncset.done $0x0  }
0x56: {  	s30 =	simm.s32 $0x500;
	[sflag:s17] =	ssyncadd.s32 $0xFFFFFF80  }
0x57: {  	[spmem:s1] =	stream.indirect.scatter.add.f32 [tilespmem:s12], [sflag:$0x2], $0x1, s30, s11, $0xb8;
	[tilespmem:$0x2D80] =	vst v63  }
0x58: {  	_ =	swait.ge [sflag:s18], $0x80  }
0x59: {  	[sflag:s18] =	ssyncset.done $0x0  }
0x5a: {  	s31 =	simm.s32 $0x580;
	[sflag:s18] =	ssyncadd.s32 $0xFFFFFF80  }
0x5b: {  	[spmem:s1] =	stream.indirect.scatter.add.f32 [tilespmem:s12], [sflag:$0x3], $0x1, s31, s11, $0xb8;
	[tilespmem:$0x2D80] =	vst v63  }
0x5c: {  	_ =	swait.ge [sflag:s19], $0x80  }
0x5d: {  	[sflag:s19] =	ssyncset.done $0x0  }
0x5e: {  	s23 =	simm.s32 $0x600;
	s22 =	simm.s32 $0xFFFF7000;
	[sflag:s19] =	ssyncadd.s32 $0xFFFFFF80  }
.LBB2_2:
0x5f: {  	[spmem:s1] =	stream.indirect.scatter.add.f32 [tilespmem:s12], [sflag:$0x4], $0x1, s23, s11, $0xb8;
	[tilespmem:$0x2D80] =	vst v63  }
0x60: {  	s23 =	smov.u32 s22  }
0x61: {  	p0 =	sne.s32 s22, $0xFFFFF800;
	s22 =	sadd.s32 $0x800, s22;
	_ =	swait.ge [sflag:s16], $0x80  }
0x62: {  	s23 =	sshra.s32 s23, $0x2;
	[sflag:s16] =	ssyncset.done $0x0  }
0x63: {  	s24 =	sadd.s32 $0x2A80, s23;
	[sflag:s16] =	ssyncadd.s32 $0xFFFFFF80  }
0x64: {  	[spmem:s1] =	stream.indirect.scatter.add.f32 [tilespmem:s12], [sflag:$0x1], $0x1, s24, s11, $0xb8;
	[tilespmem:$0x2D80] =	vst v63  }
0x65: {  	_ =	swait.ge [sflag:s17], $0x80  }
0x66: {  	[sflag:s17] =	ssyncset.done $0x0  }
0x67: {  	s24 =	sadd.s32 $0x2B00, s23;
	[sflag:s17] =	ssyncadd.s32 $0xFFFFFF80  }
0x68: {  	[spmem:s1] =	stream.indirect.scatter.add.f32 [tilespmem:s12], [sflag:$0x2], $0x1, s24, s11, $0xb8;
	[tilespmem:$0x2D80] =	vst v63  }
0x69: {  	_ =	swait.ge [sflag:s18], $0x80  }
0x6a: {  	[sflag:s18] =	ssyncset.done $0x0  }
.Ltmp0:
0x6b: {  	s24 =	sadd.s32 $0x2B80, s23;
	[sflag:s18] =	ssyncadd.s32 $0xFFFFFF80;
	(pc) =	sbr.rel @p0 .LBB2_2-.Ltmp0, $4  }
0x6c: {  	[spmem:s1] =	stream.indirect.scatter.add.f32 [tilespmem:s12], [sflag:$0x3], $0x1, s24, s11, $0xb8;
	[tilespmem:$0x2D80] =	vst v63  }
0x6d: {  	_ =	swait.ge [sflag:s19], $0x80  }
0x6e: {  	[sflag:s19] =	ssyncset.done $0x0  }
0x6f: {  	s23 =	sadd.s32 $0x2C00, s23;
	[sflag:s19] =	ssyncadd.s32 $0xFFFFFF80  }
0x70: {  	[spmem:s1] =	stream.indirect.scatter.add.f32 [tilespmem:s12], [sflag:$0x4], $0x1, s23, s11, $0xb8;
	[tilespmem:$0x2D80] =	vst v63  }
0x71: {  	_ =	swait.ge [sflag:s16], $0x80  }
0x72: {  	[sflag:s16] =	ssyncset.done $0x0  }
0x73: {  	[sflag:s16] =	ssyncadd.s32 $0xFFFFFF80  }
0x74: {  	_ =	swait.ge [sflag:s17], $0x80  }
0x75: {  	[sflag:s17] =	ssyncset.done $0x0  }
0x76: {  	[sflag:s17] =	ssyncadd.s32 $0xFFFFFF80  }
0x77: {  	_ =	swait.ge [sflag:s18], $0x80  }
0x78: {  	[sflag:s18] =	ssyncset.done $0x0  }
0x79: {  	[sflag:s18] =	ssyncadd.s32 $0xFFFFFF80  }
0x7a: {  	_ =	swait.ge [sflag:s19], $0x80  }
0x7b: {  	[sflag:s19] =	ssyncset.done $0x0  }
0x7c: {  	[sflag:s19] =	ssyncadd.s32 $0xFFFFFF80  }
0x7d: {  	[bflag:$0x0] =	sbarrier.arrive $0xFFFF  }
0x7e: {  	[tilespmem:s8], [sflag:$0x5] =	stream.linear.gather [spmem:s4], $0x280, $0x38;
	[tilespmem:$0x2D80] =	vst v63  }
0x7f: {  	s21 =	sadd.s32 $0x1, s21;
	_ =	swait.ge [sflag:s9], $0x280  }
0x80: {  	p0 =	sne.s32 s21, s7;
	[sflag:s9] =	ssyncset.done $0x0  }
.Ltmp1:
0x81: {  	[sflag:s9] =	ssyncadd.s32 $0xFFFFFD80;
	(pc) =	sbr.rel @p0 .LBB2_1-.Ltmp1, $4  }
0x82: {  	[hbm4b:s6+s11] =	stream.strided.scatter [tilespmem:s8], [sflag:$0x5], $0x280, s20, s11, $0x38;
	[tilespmem:$0x2D80] =	vst v63  }
0x83: {  	_ =	swait.ge [sflag:s9], $0x280  }
0x84: {  	[sflag:s9] =	ssyncset.done $0x0  }
0x85: {  	[sflag:s9] =	ssyncadd.s32 $0xFFFFFD80  }
0x86: {  	_ =	sfence.sel $0x180000  }
0x87: {  	[bflag:$0x0] =	sbarrier.arrive $0xFFFF  }
0x88: {  	p0 =	sne.s32 s2, $0x0;
	_ =	strace $0x90000047  }
0x89: {  	s0 =	sadd.s32 @!p0 $0x100000, s0;
	[bflag:$0x2] =	sbarrier.arrive $0xFFFF  }
0x8a: {  	[sflag:s0] =	ssyncadd.tile.s32 @!p0 $0x1;
	_ =	shalt  }
.Lfunc_end2:
_tile_overlayer_lowered:
.L_overlay_start_2:
0x8b: {  	(tag) =	ssettag $0x2  }
0x8c: {  	s0 =	rddreg [dreg:$0x0];
	s2 =	stileid.u32  }
0x8d: {  	s1 =	rddreg [dreg:$0x1];
	p0 =	sne.s32 s2, $0x0  }
0x8e: {  	s3 =	rddreg [dreg:$0x2];
	[bflag:$0x3] =	sbarrier.arrive $0xFFFF;
	s2 =	simm.s32 @!p0 $0x1C05  }
0x8f: {  	[timem:s3], [sflag:s2] =	dma.local @!p0 [hbm:s0], s1  }
0x90: {  	s0 =	simm.s32 @!p0 $0x5  }
0x91: {  	_ =	swait.ge @!p0 [sflag:s0], s1  }
0x92: {  	s1 =	ssub.s32 @!p0 $0x0, s1;
	[sflag:s0] =	ssyncset.done @!p0 $0x0  }
0x93: {  	[sflag:s0] =	ssyncadd.s32 @!p0 s1  }
0x94: {  	[bflag:$0x3] =	sbarrier.arrive $0xFFFF  }
0x95: {  	_ =	shalt  }

</sc_bundles>
